<compile_context>
chip_gen: v7x
topology: tpu7x:2x2x1
jax: 0.10.2.dev20260603
libtpu: 0.0.44.dev20260713+nightly
codegen_flags: <defaults>
</compile_context>

<pallas_src>
import functools

import jax
import jax.numpy as jnp
from jax import lax
from jax.experimental import pallas as pl
from jax.experimental.pallas import tpu as pltpu
from jax.experimental.pallas import tpu_sc as plsc

N_ENT = 10000
N_REL = 8
D = 128
N_BASES = 4
N_EDGES = 160000
BATCH = 1024
N_NEG = 64
EPS = 1e-5

NC = 2
NS = 16
NW = NC * NS

CH = 128
EPW = 5120
E_PAD = NW * EPW
NCHUNK = EPW // CH
ACH = 128
AHALF = ACH // 2
ANCHUNK = EPW // ACH
DUMMY = N_ENT
ROWS_PAD = 10112
RPS = ROWS_PAD // NS
DEGW = 128

BN = 1000
NB = N_ENT // BN


def _acc_body(comb_hbm, h_hbm, acc_out, idx_v, dst_v, rows_v,
              acc_sh, gsem0, gsem1, gsem2, gsem3):
    c = lax.axis_index("c")
    s = lax.axis_index("s")
    wid = c * NS + s

    def fill_zero(i, carry):
        for t in range(2):
            for j in range(D // 16):
                rows_v[t, i, pl.ds(j * 16, 16)] = jnp.zeros((16,), jnp.float32)
        return carry
    lax.fori_loop(0, ACH, fill_zero, 0)

    base_r = s * RPS
    for k in range(RPS // ACH):
        pltpu.sync_copy(rows_v.at[0], acc_sh.at[pl.ds(base_r + k * ACH, ACH)])
    rem = RPS % ACH
    if rem:
        off = base_r + (RPS // ACH) * ACH
        pltpu.sync_copy(rows_v.at[0, pl.ds(0, rem)], acc_sh.at[pl.ds(off, rem)])
    plsc.subcore_barrier()

    row0 = wid * ANCHUNK
    pltpu.sync_copy(comb_hbm.at[pl.ds(row0, ANCHUNK)], idx_v)

    def unpack(g, carry):
        for j in range(ACH // 16):
            sl = pl.ds(j * 16, 16)
            v = idx_v[g, sl]
            dst_v[g, sl] = lax.shift_right_logical(v, 17)
            idx_v[g, sl] = lax.bitwise_and(v, (1 << 17) - 1)
        return carry
    lax.fori_loop(0, ANCHUNK, unpack, 0)

    sems = ((gsem0, gsem1), (gsem2, gsem3))

    def fire_gather(g, b):
        for p in range(2):
            pltpu.async_copy(
                h_hbm.at[idx_v.at[g, pl.ds(p * AHALF, AHALF)]],
                rows_v.at[b, pl.ds(p * AHALF, AHALF)], sems[b][p])

    def wait_gather(g, b):
        for p in range(2):
            pltpu.make_async_copy(
                h_hbm.at[idx_v.at[g, pl.ds(p * AHALF, AHALF)]],
                rows_v.at[b, pl.ds(p * AHALF, AHALF)], sems[b][p]).wait()

    fire_gather(0, 0)

    def edge_pair(i, carry):
        g0 = 2 * i
        g1 = g0 + 1
        fire_gather(g1, 1)
        wait_gather(g0, 0)
        pltpu.sync_copy(rows_v.at[0], acc_sh.at[dst_v.at[g0]], add=True)

        @pl.when(g0 + 2 < ANCHUNK)
        def _():
            fire_gather(g0 + 2, 0)
        wait_gather(g1, 1)
        pltpu.sync_copy(rows_v.at[1], acc_sh.at[dst_v.at[g1]], add=True)
        return carry
    lax.fori_loop(0, ANCHUNK // 2, edge_pair, 0)
    plsc.subcore_barrier()

    pltpu.sync_copy(acc_sh.at[pl.ds(base_r, RPS)],
                    acc_out.at[c, pl.ds(base_r, RPS)])


_acc_pass = pl.kernel(
    _acc_body,
    out_type=jax.ShapeDtypeStruct((NC, ROWS_PAD, D), jnp.float32),
    mesh=plsc.VectorSubcoreMesh(core_axis_name="c", subcore_axis_name="s",
                                num_cores=NC, num_subcores=NS),
    scratch_types=[
        pltpu.VMEM((ANCHUNK, ACH), jnp.int32),
        pltpu.VMEM((ANCHUNK, ACH), jnp.int32),
        pltpu.VMEM((2, ACH, D), jnp.float32),
        pltpu.VMEM_SHARED((ROWS_PAD, D), jnp.float32),
        pltpu.SemaphoreType.DMA,
        pltpu.SemaphoreType.DMA,
        pltpu.SemaphoreType.DMA,
        pltpu.SemaphoreType.DMA,
    ],
    name="rgcn_acc_pass",
)


def _deg_body(dst_hbm, deg_out, dst_v, ones_v, deg_sh):
    c = lax.axis_index("c")
    s = lax.axis_index("s")
    wid = c * NS + s

    def fill(val):
        def body(i, carry):
            for j in range(DEGW // 16):
                ones_v[i, pl.ds(j * 16, 16)] = jnp.full((16,), val, jnp.float32)
            return carry
        lax.fori_loop(0, CH, body, 0)

    fill(0.0)
    base_r = s * RPS
    for k in range(RPS // 128):
        pltpu.sync_copy(ones_v, deg_sh.at[pl.ds(base_r + k * 128, 128)])
    rem = RPS % 128
    if rem:
        off = base_r + (RPS // 128) * 128
        pltpu.sync_copy(ones_v.at[pl.ds(0, rem)], deg_sh.at[pl.ds(off, rem)])
    plsc.subcore_barrier()

    fill(1.0)
    row0 = wid * NCHUNK
    pltpu.sync_copy(dst_hbm.at[pl.ds(row0, NCHUNK)], dst_v)

    def edge_chunk(g, carry):
        pltpu.sync_copy(ones_v, deg_sh.at[dst_v.at[g]], add=True)
        return carry
    lax.fori_loop(0, NCHUNK, edge_chunk, 0)
    plsc.subcore_barrier()

    pltpu.sync_copy(deg_sh.at[pl.ds(base_r, RPS)],
                    deg_out.at[c, pl.ds(base_r, RPS)])


_deg_pass = pl.kernel(
    _deg_body,
    out_type=jax.ShapeDtypeStruct((NC, ROWS_PAD, DEGW), jnp.float32),
    mesh=plsc.VectorSubcoreMesh(core_axis_name="c", subcore_axis_name="s",
                                num_cores=NC, num_subcores=NS),
    scratch_types=[
        pltpu.VMEM((NCHUNK, CH), jnp.int32),
        pltpu.VMEM((CH, DEGW), jnp.float32),
        pltpu.VMEM_SHARED((ROWS_PAD, DEGW), jnp.float32),
    ],
    name="rgcn_deg_pass",
)


HPW = BATCH // NW
NPW_CH = BATCH * N_NEG // (NW * CH)


def _gather_body(emb_hbm, rel_hbm, hidx_hbm, tidx_hbm, ridx_hbm, nidx_hbm,
                 head_out, tail_out, relv_out, neg_out,
                 idx_v, rows_v, nidx_v, nrows_v, gsem):
    c = lax.axis_index("c")
    s = lax.axis_index("s")
    wid = c * NS + s
    base = wid * HPW

    def small_gather(src_idx_hbm, table_hbm, out_hbm):
        pltpu.sync_copy(src_idx_hbm.at[pl.ds(base, HPW)], idx_v)
        pltpu.async_copy(table_hbm.at[idx_v], rows_v, gsem).wait()
        pltpu.sync_copy(rows_v, out_hbm.at[pl.ds(base, HPW)])

    small_gather(hidx_hbm, emb_hbm, head_out)
    small_gather(tidx_hbm, emb_hbm, tail_out)
    small_gather(ridx_hbm, rel_hbm, relv_out)

    nrow0 = wid * NPW_CH
    pltpu.sync_copy(nidx_hbm.at[pl.ds(nrow0, NPW_CH)], nidx_v)

    def neg_chunk(k, carry):
        pltpu.async_copy(emb_hbm.at[nidx_v.at[k]], nrows_v, gsem).wait()
        pltpu.sync_copy(nrows_v, neg_out.at[pl.ds((nrow0 + k) * CH, CH)])
        return carry
    lax.fori_loop(0, NPW_CH, neg_chunk, 0)


_gather_pass = pl.kernel(
    _gather_body,
    out_type=[
        jax.ShapeDtypeStruct((BATCH, D), jnp.float32),
        jax.ShapeDtypeStruct((BATCH, D), jnp.float32),
        jax.ShapeDtypeStruct((BATCH, D), jnp.float32),
        jax.ShapeDtypeStruct((BATCH * N_NEG, D), jnp.float32),
    ],
    mesh=plsc.VectorSubcoreMesh(core_axis_name="c", subcore_axis_name="s",
                                num_cores=NC, num_subcores=NS),
    scratch_types=[
        pltpu.VMEM((HPW,), jnp.int32),
        pltpu.VMEM((HPW, D), jnp.float32),
        pltpu.VMEM((NPW_CH, CH), jnp.int32),
        pltpu.VMEM((CH, D), jnp.float32),
        pltpu.SemaphoreType.DMA,
    ],
    name="rgcn_score_gather",
)


def _compose_w(bases, coeffs_ref, r):
    w = coeffs_ref[r, 0] * bases[0]
    for b in range(1, N_BASES):
        w = w + coeffs_ref[r, b] * bases[b]
    return w


def _bn_apply(pre, stats, g, b):
    mean = stats[0:1, :] * (1.0 / N_ENT)
    ex2 = stats[1:2, :] * (1.0 / N_ENT)
    var = ex2 - mean * mean
    inv = lax.rsqrt(var + EPS)
    return jnp.maximum((pre - mean) * inv * g[0:1, :] + b[0:1, :], 0.0)


def _rel_mm_body(emb_ref, bases_ref, coeffs_ref, h_ref):
    emb = emb_ref[...]
    for r in range(N_REL):
        w = _compose_w(bases_ref[...], coeffs_ref, r)
        h_ref[r] = jnp.dot(emb, w, preferred_element_type=jnp.float32)


def _rel_mm_bn_body(pre_ref, stats_ref, g_ref, b_ref, bases_ref, coeffs_ref, h_ref):
    emb = _bn_apply(pre_ref[...], stats_ref[...], g_ref[...], b_ref[...])
    for r in range(N_REL):
        w = _compose_w(bases_ref[...], coeffs_ref, r)
        h_ref[r] = jnp.dot(emb, w, preferred_element_type=jnp.float32)


def _rel_mm(emb, bases, coeffs):
    out = pl.pallas_call(
        _rel_mm_body,
        grid=(NB,),
        in_specs=[
            pl.BlockSpec((BN, D), lambda nb: (nb, 0)),
            pl.BlockSpec((N_BASES, D, D), lambda nb: (0, 0, 0)),
            pl.BlockSpec(memory_space=pltpu.SMEM),
        ],
        out_specs=pl.BlockSpec((N_REL, BN, D), lambda nb: (0, nb, 0)),
        out_shape=jax.ShapeDtypeStruct((N_REL, N_ENT, D), jnp.float32),
    )(emb, bases, coeffs)
    return out.reshape(N_REL * N_ENT, D)


def _rel_mm_bn(pre, stats, g, b, bases, coeffs):
    out = pl.pallas_call(
        _rel_mm_bn_body,
        grid=(NB,),
        in_specs=[
            pl.BlockSpec((BN, D), lambda nb: (nb, 0)),
            pl.BlockSpec((8, D), lambda nb: (0, 0)),
            pl.BlockSpec((1, D), lambda nb: (0, 0)),
            pl.BlockSpec((1, D), lambda nb: (0, 0)),
            pl.BlockSpec((N_BASES, D, D), lambda nb: (0, 0, 0)),
            pl.BlockSpec(memory_space=pltpu.SMEM),
        ],
        out_specs=pl.BlockSpec((N_REL, BN, D), lambda nb: (0, nb, 0)),
        out_shape=jax.ShapeDtypeStruct((N_REL, N_ENT, D), jnp.float32),
    )(pre, stats, g, b, bases, coeffs)
    return out.reshape(N_REL * N_ENT, D)


def _make_combine(with_bn):
    def body(*refs):
        if with_bn:
            (emb_ref, stats_in_ref, g_ref, b_ref, slw_ref, slb_ref,
             acc_ref, deg_ref, pre_ref, stats_ref) = refs
            emb = _bn_apply(emb_ref[...], stats_in_ref[...], g_ref[...], b_ref[...])
        else:
            (emb_ref, slw_ref, slb_ref, acc_ref, deg_ref,
             pre_ref, stats_ref) = refs
            emb = emb_ref[...]
        pre = jnp.dot(emb, slw_ref[...], preferred_element_type=jnp.float32)
        pre = (pre + slb_ref[0:1, :]
               + acc_ref[0].astype(jnp.float32)
               + acc_ref[1].astype(jnp.float32))
        deg = deg_ref[0, :, 0:1] + deg_ref[1, :, 0:1]
        pre = pre / jnp.maximum(deg, 1.0)
        pre_ref[...] = pre
        ssum = jnp.sum(pre, axis=0, keepdims=True)
        ssq = jnp.sum(pre * pre, axis=0, keepdims=True)
        blk = jnp.concatenate(
            [ssum, ssq, jnp.zeros((6, D), jnp.float32)], axis=0)
        nb = pl.program_id(0)

        @pl.when(nb == 0)
        def _():
            stats_ref[...] = blk

        @pl.when(nb != 0)
        def _():
            stats_ref[...] = stats_ref[...] + blk

    full = pl.BlockSpec((BN, D), lambda nb: (nb, 0))
    row = pl.BlockSpec((1, D), lambda nb: (0, 0))
    in_specs = [full]
    if with_bn:
        in_specs += [pl.BlockSpec((8, D), lambda nb: (0, 0)), row, row]
    in_specs += [
        pl.BlockSpec((D, D), lambda nb: (0, 0)),
        row,
        pl.BlockSpec((NC, BN, D), lambda nb: (0, nb, 0)),
        pl.BlockSpec((NC, BN, DEGW), lambda nb: (0, nb, 0)),
    ]

    def run(*args):
        return pl.pallas_call(
            body,
            grid=(NB,),
            in_specs=in_specs,
            out_specs=[
                pl.BlockSpec((BN, D), lambda nb: (nb, 0)),
                pl.BlockSpec((8, D), lambda nb: (0, 0)),
            ],
            out_shape=[
                jax.ShapeDtypeStruct((N_ENT, D), jnp.float32),
                jax.ShapeDtypeStruct((8, D), jnp.float32),
            ],
        )(*args)
    return run


_combine_plain = _make_combine(False)
_combine_bn = _make_combine(True)


def _bn_final_body(pre_ref, stats_ref, g_ref, b_ref, emb_ref):
    emb_ref[...] = _bn_apply(pre_ref[...], stats_ref[...], g_ref[...], b_ref[...])


def _bn_final(pre, stats, g, b):
    row = pl.BlockSpec((1, D), lambda nb: (0, 0))
    return pl.pallas_call(
        _bn_final_body,
        grid=(NB,),
        in_specs=[
            pl.BlockSpec((BN, D), lambda nb: (nb, 0)),
            pl.BlockSpec((8, D), lambda nb: (0, 0)),
            row, row,
        ],
        out_specs=pl.BlockSpec((BN, D), lambda nb: (nb, 0)),
        out_shape=jax.ShapeDtypeStruct((N_ENT, D), jnp.float32),
    )(pre, stats, g, b)


SB = 128


def _score_body(h_ref, r_ref, t_ref, n_ref, pos_ref, neg_ref):
    h = h_ref[...]
    r = r_ref[...]
    t = t_ref[...]
    d = h + r - t
    pos_ref[pl.program_id(0), :] = -jnp.sqrt(jnp.sum(d * d, axis=1))
    hr = (h + r)[:, None, :]
    nd = hr - n_ref[...]
    neg_ref[...] = -jnp.sqrt(jnp.sum(nd * nd, axis=2))


def _scores(head_e, rel_e, tail_e, neg_e3):
    blk = pl.BlockSpec((SB, D), lambda i: (i, 0))
    pos, neg = pl.pallas_call(
        _score_body,
        grid=(BATCH // SB,),
        in_specs=[
            blk, blk, blk,
            pl.BlockSpec((SB, N_NEG, D), lambda i: (i, 0, 0)),
        ],
        out_specs=[
            pl.BlockSpec((BATCH // SB, SB), lambda i: (0, 0)),
            pl.BlockSpec((SB, N_NEG), lambda i: (i, 0)),
        ],
        out_shape=[
            jax.ShapeDtypeStruct((BATCH // SB, SB), jnp.float32),
            jax.ShapeDtypeStruct((BATCH, N_NEG), jnp.float32),
        ],
    )(head_e, rel_e, tail_e, neg_e3)
    return pos.reshape(BATCH), neg


def kernel(head_idx, relation_idx, tail_idx, negative_idx, edge_index,
           edge_type, entity_table, relation_table, bases0, coeffs0, slw0,
           slb0, bn_g0, bn_b0, bases1, coeffs1, slw1, slb1, bn_g1, bn_b1):
    i32 = jnp.int32
    pad = E_PAD - N_EDGES
    flat_idx = (edge_type.astype(i32) * N_ENT + edge_index[0].astype(i32))
    idx_flat = jnp.concatenate([flat_idx, jnp.zeros((pad,), i32)])
    dummy_dst = DUMMY + jnp.arange(pad, dtype=i32) % (ROWS_PAD - N_ENT)
    dst_flat = jnp.concatenate([edge_index[1].astype(i32), dummy_dst])
    comb_a = (idx_flat + dst_flat * (1 << 17)).reshape(-1, ACH)
    dst_p = dst_flat.reshape(E_PAD // CH, CH)

    slb0r = slb0.reshape(1, D)
    slb1r = slb1.reshape(1, D)
    g0 = bn_g0.reshape(1, D)
    b0 = bn_b0.reshape(1, D)
    g1 = bn_g1.reshape(1, D)
    b1 = bn_b1.reshape(1, D)

    deg_raw = _deg_pass(dst_p)

    h0 = _rel_mm(entity_table, bases0, coeffs0)
    h0, deg_raw = lax.optimization_barrier((h0, deg_raw))
    deg = deg_raw[:, :N_ENT]
    acc0 = _acc_pass(comb_a, h0)
    pre0, stats0 = _combine_plain(entity_table, slw0, slb0r,
                                  acc0[:, :N_ENT], deg)

    h1 = _rel_mm_bn(pre0, stats0, g0, b0, bases1, coeffs1)
    acc1 = _acc_pass(comb_a, h1)
    pre1, stats1 = _combine_bn(pre0, stats0, g0, b0, slw1, slb1r,
                               acc1[:, :N_ENT], deg)

    emb2 = _bn_final(pre1, stats1, g1, b1)
    head_e, tail_e, rel_e, neg_e = _gather_pass(
        emb2, relation_table,
        head_idx.astype(i32), tail_idx.astype(i32), relation_idx.astype(i32),
        negative_idx.astype(i32).reshape(BATCH * N_NEG // CH, CH))
    return _scores(head_e, rel_e, tail_e,
                   neg_e.reshape(BATCH, N_NEG, D))

# --- scband reference (transcript-rebuilt; emitter-appended) ---
"""Pipeline reference for scband-rgcn-84439057039591 (READ-ONLY COPY).

The authoritative reference and input builder live on the scoring server;
editing this copy changes nothing except your own understanding.
"""

import jax, jax.numpy as jnp
import numpy as np

N_ENT = 10000
N_REL = 8
D = 128
N_BASES = 4
N_EDGES = 160000
B = 1024
N_NEG = 64
EPS = 1e-5


def setup_inputs(seed: int = 0):
    key = jax.random.key(seed)
    ks = jax.random.split(key, 32)
    inp = {}
    inp["head_idx"] = jax.random.randint(ks[0], (B,), 0, N_ENT)
    inp["relation_idx"] = jax.random.randint(ks[1], (B,), 0, N_REL)
    inp["tail_idx"] = jax.random.randint(ks[2], (B,), 0, N_ENT)
    inp["negative_idx"] = jax.random.randint(ks[3], (B, N_NEG), 0, N_ENT)
    inp["edge_index"] = jax.random.randint(ks[4], (2, N_EDGES), 0, N_ENT)
    inp["edge_type"] = jax.random.randint(ks[5], (N_EDGES,), 0, N_REL)
    inp["entity_table"] = jax.random.normal(ks[6], (N_ENT, D), dtype=jnp.float32) * 0.05
    inp["relation_table"] = jax.random.normal(ks[7], (N_REL, D), dtype=jnp.float32) * 0.05
    for i in range(2):
        o = 8 + i * 4
        inp["bases%d" % i] = jax.random.normal(ks[o], (N_BASES, D, D), dtype=jnp.float32) * (1.0 / np.sqrt(D))
        inp["coeffs%d" % i] = jax.random.normal(ks[o + 1], (N_REL, N_BASES), dtype=jnp.float32) * 0.3
        inp["slw%d" % i] = jax.random.normal(ks[o + 2], (D, D), dtype=jnp.float32) * (1.0 / np.sqrt(D))
        inp["slb%d" % i] = jnp.zeros((D,), dtype=jnp.float32)
        inp["bn_g%d" % i] = jnp.ones((D,), dtype=jnp.float32)
        inp["bn_b%d" % i] = jnp.zeros((D,), dtype=jnp.float32)
    return inp


def rgcn_layer(emb, edge_index, edge_type, bases, coeffs, slw, slb, gamma, beta):
    n = emb.shape[0]
    # self-loop linear
    out = emb @ slw + slb
    # basis decomposition: W[r] = sum_b coeffs[r,b] * bases[b]
    W = jnp.einsum('rb,bij->rij', coeffs, bases)
    src = edge_index[0]
    dst = edge_index[1]
    for r in range(N_REL):
        mask = (edge_type == r).astype(emb.dtype)[:, None]
        msg = (emb[src] @ W[r]) * mask
        out = out.at[dst].add(msg)
    deg = jnp.zeros((n,), dtype=emb.dtype).at[dst].add(jnp.ones((dst.shape[0],), dtype=emb.dtype))
    deg = jnp.clip(deg, 1.0, None)[:, None]
    out = out / deg
    # BatchNorm1d in training mode (biased variance), gamma/beta affine
    mean = out.mean(axis=0)
    var = out.var(axis=0)
    out = (out - mean) / jnp.sqrt(var + EPS) * gamma + beta
    return jax.nn.relu(out)


def reference(head_idx, relation_idx, tail_idx, negative_idx, edge_index, edge_type, entity_table, relation_table, bases0, coeffs0, slw0, slb0, bn_g0, bn_b0, bases1, coeffs1, slw1, slb1, bn_g1, bn_b1):
    emb = entity_table
    emb = rgcn_layer(emb, edge_index, edge_type, bases0, coeffs0, slw0, slb0, bn_g0, bn_b0)
    emb = rgcn_layer(emb, edge_index, edge_type, bases1, coeffs1, slw1, slb1, bn_g1, bn_b1)
    head = emb[head_idx]
    rel = relation_table[relation_idx]
    tail = emb[tail_idx]
    neg = emb[negative_idx]
    pos_score = -jnp.linalg.norm(head + rel - tail, axis=-1)
    neg_score = -jnp.linalg.norm(head[:, None, :] + rel[:, None, :] - neg, axis=-1)
    return (pos_score, neg_score)

if __name__ == "__main__":
    import jax
    _d = setup_inputs()
    print(jax.jit(kernel)(*tuple(_d.values())))

</pallas_src>

<mosaic_0001>
#map = affine_map<(d0, d1) -> (0, 0)>
#map1 = affine_map<(d0, d1) -> (0, 0, 0)>
module attributes {stable_mosaic.version = 14 : i64} {
  func.func @rgcn_acc_pass(%arg0: i32, %arg1: i32, %arg2: memref<1280x128xi32, #tpu.memory_space<hbm>>, %arg3: memref<80000x128xf32, #tpu.memory_space<hbm>>, %arg4: memref<2x10112x128xf32, #tpu.memory_space<hbm>>, %arg5: memref<40x128xi32, #tpu.memory_space<vmem>>, %arg6: memref<40x128xi32, #tpu.memory_space<vmem>>, %arg7: memref<2x128x128xf32, #tpu.memory_space<vmem>>, %arg8: memref<10112x128xf32, #tpu.memory_space<vmem_shared>>, %arg9: memref<!tpu.dma_semaphore, #tpu.memory_space<semaphore_mem>>, %arg10: memref<!tpu.dma_semaphore, #tpu.memory_space<semaphore_mem>>, %arg11: memref<!tpu.dma_semaphore, #tpu.memory_space<semaphore_mem>>, %arg12: memref<!tpu.dma_semaphore, #tpu.memory_space<semaphore_mem>>) attributes {dimension_semantics = [#tpu.dimension_semantics<core_parallel>, #tpu.dimension_semantics<subcore_parallel>], iteration_bounds = array<i64: 2, 16>, scalar_prefetch = 0 : i64, scratch_operands = 8 : i64, tpu.core_type = #tpu.core_type<sc_vector_subcore>, window_params = [{transform_indices = #map}, {transform_indices = #map}, {transform_indices = #map1}]} {
    %mul3A = arith.constant 16 : i32
    %mul3A_0 = arith.muli %arg0, %mul3A : i32
    %add3A = arith.addi %mul3A_0, %arg1 : i32
    %scan3A = arith.constant 0 : i32
    %scan3A_1 = arith.constant 0 : i32
    %scan3A_2 = arith.constant 128 : i32
    %scan3A_3 = arith.addi %scan3A_1, %scan3A_2 : i32
    %scan3A_4 = arith.constant 1 : i32
    scf.for %scan3A_60 = %scan3A_1 to %scan3A_3 step %scan3A_4  : i32 {
      %broadcast_in_dim3A = arith.constant 0.000000e+00 : f32
      %broadcast_in_dim3A_61 = vector.broadcast %broadcast_in_dim3A : f32 to vector<16xf32>
      %swap3A = arith.constant 0 : i32
      %swap3A_62 = arith.index_cast %swap3A : i32 to index
      %swap3A_63 = arith.index_cast %scan3A_60 : i32 to index
      %swap3A_64 = arith.constant 0 : index
      %swap3A_65 = tpu.vector_load %arg7[%swap3A_62, %swap3A_63, %swap3A_64] {strides = array<i32>} : memref<2x128x128xf32, #tpu.memory_space<vmem>>, vector<1x1x16xf32>,
      %swap3A_66 = vector.shape_cast %swap3A_65 : vector<1x1x16xf32> to vector<16xf32>
      %swap3A_67 = vector.shape_cast %broadcast_in_dim3A_61 : vector<16xf32> to vector<1x1x16xf32>
      tpu.vector_store %arg7[%swap3A_62, %swap3A_63, %swap3A_64], %swap3A_67 {strides = array<i32>} : memref<2x128x128xf32, #tpu.memory_space<vmem>>, vector<1x1x16xf32>,
      %broadcast_in_dim3A_68 = arith.constant 0.000000e+00 : f32
      %broadcast_in_dim3A_69 = vector.broadcast %broadcast_in_dim3A_68 : f32 to vector<16xf32>
      %swap3A_70 = arith.constant 0 : i32
      %swap3A_71 = arith.index_cast %swap3A_70 : i32 to index
      %swap3A_72 = arith.index_cast %scan3A_60 : i32 to index
      %swap3A_73 = arith.constant 16 : index
      %swap3A_74 = tpu.vector_load %arg7[%swap3A_71, %swap3A_72, %swap3A_73] {strides = array<i32>} : memref<2x128x128xf32, #tpu.memory_space<vmem>>, vector<1x1x16xf32>,
      %swap3A_75 = vector.shape_cast %swap3A_74 : vector<1x1x16xf32> to vector<16xf32>
      %swap3A_76 = vector.shape_cast %broadcast_in_dim3A_69 : vector<16xf32> to vector<1x1x16xf32>
      tpu.vector_store %arg7[%swap3A_71, %swap3A_72, %swap3A_73], %swap3A_76 {strides = array<i32>} : memref<2x128x128xf32, #tpu.memory_space<vmem>>, vector<1x1x16xf32>,
      %broadcast_in_dim3A_77 = arith.constant 0.000000e+00 : f32
      %broadcast_in_dim3A_78 = vector.broadcast %broadcast_in_dim3A_77 : f32 to vector<16xf32>
      %swap3A_79 = arith.constant 0 : i32
      %swap3A_80 = arith.index_cast %swap3A_79 : i32 to index
      %swap3A_81 = arith.index_cast %scan3A_60 : i32 to index
      %swap3A_82 = arith.constant 32 : index
      %swap3A_83 = tpu.vector_load %arg7[%swap3A_80, %swap3A_81, %swap3A_82] {strides = array<i32>} : memref<2x128x128xf32, #tpu.memory_space<vmem>>, vector<1x1x16xf32>,
      %swap3A_84 = vector.shape_cast %swap3A_83 : vector<1x1x16xf32> to vector<16xf32>
      %swap3A_85 = vector.shape_cast %broadcast_in_dim3A_78 : vector<16xf32> to vector<1x1x16xf32>
      tpu.vector_store %arg7[%swap3A_80, %swap3A_81, %swap3A_82], %swap3A_85 {strides = array<i32>} : memref<2x128x128xf32, #tpu.memory_space<vmem>>, vector<1x1x16xf32>,
      %broadcast_in_dim3A_86 = arith.constant 0.000000e+00 : f32
      %broadcast_in_dim3A_87 = vector.broadcast %broadcast_in_dim3A_86 : f32 to vector<16xf32>
      %swap3A_88 = arith.constant 0 : i32
      %swap3A_89 = arith.index_cast %swap3A_88 : i32 to index
      %swap3A_90 = arith.index_cast %scan3A_60 : i32 to index
      %swap3A_91 = arith.constant 48 : index
      %swap3A_92 = tpu.vector_load %arg7[%swap3A_89, %swap3A_90, %swap3A_91] {strides = array<i32>} : memref<2x128x128xf32, #tpu.memory_space<vmem>>, vector<1x1x16xf32>,
      %swap3A_93 = vector.shape_cast %swap3A_92 : vector<1x1x16xf32> to vector<16xf32>
      %swap3A_94 = vector.shape_cast %broadcast_in_dim3A_87 : vector<16xf32> to vector<1x1x16xf32>
      tpu.vector_store %arg7[%swap3A_89, %swap3A_90, %swap3A_91], %swap3A_94 {strides = array<i32>} : memref<2x128x128xf32, #tpu.memory_space<vmem>>, vector<1x1x16xf32>,
      %broadcast_in_dim3A_95 = arith.constant 0.000000e+00 : f32
      %broadcast_in_dim3A_96 = vector.broadcast %broadcast_in_dim3A_95 : f32 to vector<16xf32>
      %swap3A_97 = arith.constant 0 : i32
      %swap3A_98 = arith.index_cast %swap3A_97 : i32 to index
      %swap3A_99 = arith.index_cast %scan3A_60 : i32 to index
      %swap3A_100 = arith.constant 64 : index
      %swap3A_101 = tpu.vector_load %arg7[%swap3A_98, %swap3A_99, %swap3A_100] {strides = array<i32>} : memref<2x128x128xf32, #tpu.memory_space<vmem>>, vector<1x1x16xf32>,
      %swap3A_102 = vector.shape_cast %swap3A_101 : vector<1x1x16xf32> to vector<16xf32>
      %swap3A_103 = vector.shape_cast %broadcast_in_dim3A_96 : vector<16xf32> to vector<1x1x16xf32>
      tpu.vector_store %arg7[%swap3A_98, %swap3A_99, %swap3A_100], %swap3A_103 {strides = array<i32>} : memref<2x128x128xf32, #tpu.memory_space<vmem>>, vector<1x1x16xf32>,
      %broadcast_in_dim3A_104 = arith.constant 0.000000e+00 : f32
      %broadcast_in_dim3A_105 = vector.broadcast %broadcast_in_dim3A_104 : f32 to vector<16xf32>
      %swap3A_106 = arith.constant 0 : i32
      %swap3A_107 = arith.index_cast %swap3A_106 : i32 to index
      %swap3A_108 = arith.index_cast %scan3A_60 : i32 to index
      %swap3A_109 = arith.constant 80 : index
      %swap3A_110 = tpu.vector_load %arg7[%swap3A_107, %swap3A_108, %swap3A_109] {strides = array<i32>} : memref<2x128x128xf32, #tpu.memory_space<vmem>>, vector<1x1x16xf32>,
      %swap3A_111 = vector.shape_cast %swap3A_110 : vector<1x1x16xf32> to vector<16xf32>
      %swap3A_112 = vector.shape_cast %broadcast_in_dim3A_105 : vector<16xf32> to vector<1x1x16xf32>
      tpu.vector_store %arg7[%swap3A_107, %swap3A_108, %swap3A_109], %swap3A_112 {strides = array<i32>} : memref<2x128x128xf32, #tpu.memory_space<vmem>>, vector<1x1x16xf32>,
      %broadcast_in_dim3A_113 = arith.constant 0.000000e+00 : f32
      %broadcast_in_dim3A_114 = vector.broadcast %broadcast_in_dim3A_113 : f32 to vector<16xf32>
      %swap3A_115 = arith.constant 0 : i32
      %swap3A_116 = arith.index_cast %swap3A_115 : i32 to index
      %swap3A_117 = arith.index_cast %scan3A_60 : i32 to index
      %swap3A_118 = arith.constant 96 : index
      %swap3A_119 = tpu.vector_load %arg7[%swap3A_116, %swap3A_117, %swap3A_118] {strides = array<i32>} : memref<2x128x128xf32, #tpu.memory_space<vmem>>, vector<1x1x16xf32>,
      %swap3A_120 = vector.shape_cast %swap3A_119 : vector<1x1x16xf32> to vector<16xf32>
      %swap3A_121 = vector.shape_cast %broadcast_in_dim3A_114 : vector<16xf32> to vector<1x1x16xf32>
      tpu.vector_store %arg7[%swap3A_116, %swap3A_117, %swap3A_118], %swap3A_121 {strides = array<i32>} : memref<2x128x128xf32, #tpu.memory_space<vmem>>, vector<1x1x16xf32>,
      %broadcast_in_dim3A_122 = arith.constant 0.000000e+00 : f32
      %broadcast_in_dim3A_123 = vector.broadcast %broadcast_in_dim3A_122 : f32 to vector<16xf32>
      %swap3A_124 = arith.constant 0 : i32
      %swap3A_125 = arith.index_cast %swap3A_124 : i32 to index
      %swap3A_126 = arith.index_cast %scan3A_60 : i32 to index
      %swap3A_127 = arith.constant 112 : index
      %swap3A_128 = tpu.vector_load %arg7[%swap3A_125, %swap3A_126, %swap3A_127] {strides = array<i32>} : memref<2x128x128xf32, #tpu.memory_space<vmem>>, vector<1x1x16xf32>,
      %swap3A_129 = vector.shape_cast %swap3A_128 : vector<1x1x16xf32> to vector<16xf32>
      %swap3A_130 = vector.shape_cast %broadcast_in_dim3A_123 : vector<16xf32> to vector<1x1x16xf32>
      tpu.vector_store %arg7[%swap3A_125, %swap3A_126, %swap3A_127], %swap3A_130 {strides = array<i32>} : memref<2x128x128xf32, #tpu.memory_space<vmem>>, vector<1x1x16xf32>,
      %broadcast_in_dim3A_131 = arith.constant 0.000000e+00 : f32
      %broadcast_in_dim3A_132 = vector.broadcast %broadcast_in_dim3A_131 : f32 to vector<16xf32>
      %swap3A_133 = arith.constant 1 : i32
      %swap3A_134 = arith.index_cast %swap3A_133 : i32 to index
      %swap3A_135 = arith.index_cast %scan3A_60 : i32 to index
      %swap3A_136 = arith.constant 0 : index
      %swap3A_137 = tpu.vector_load %arg7[%swap3A_134, %swap3A_135, %swap3A_136] {strides = array<i32>} : memref<2x128x128xf32, #tpu.memory_space<vmem>>, vector<1x1x16xf32>,
      %swap3A_138 = vector.shape_cast %swap3A_137 : vector<1x1x16xf32> to vector<16xf32>
      %swap3A_139 = vector.shape_cast %broadcast_in_dim3A_132 : vector<16xf32> to vector<1x1x16xf32>
      tpu.vector_store %arg7[%swap3A_134, %swap3A_135, %swap3A_136], %swap3A_139 {strides = array<i32>} : memref<2x128x128xf32, #tpu.memory_space<vmem>>, vector<1x1x16xf32>,
      %broadcast_in_dim3A_140 = arith.constant 0.000000e+00 : f32
      %broadcast_in_dim3A_141 = vector.broadcast %broadcast_in_dim3A_140 : f32 to vector<16xf32>
      %swap3A_142 = arith.constant 1 : i32
      %swap3A_143 = arith.index_cast %swap3A_142 : i32 to index
      %swap3A_144 = arith.index_cast %scan3A_60 : i32 to index
      %swap3A_145 = arith.constant 16 : index
      %swap3A_146 = tpu.vector_load %arg7[%swap3A_143, %swap3A_144, %swap3A_145] {strides = array<i32>} : memref<2x128x128xf32, #tpu.memory_space<vmem>>, vector<1x1x16xf32>,
      %swap3A_147 = vector.shape_cast %swap3A_146 : vector<1x1x16xf32> to vector<16xf32>
      %swap3A_148 = vector.shape_cast %broadcast_in_dim3A_141 : vector<16xf32> to vector<1x1x16xf32>
      tpu.vector_store %arg7[%swap3A_143, %swap3A_144, %swap3A_145], %swap3A_148 {strides = array<i32>} : memref<2x128x128xf32, #tpu.memory_space<vmem>>, vector<1x1x16xf32>,
      %broadcast_in_dim3A_149 = arith.constant 0.000000e+00 : f32
      %broadcast_in_dim3A_150 = vector.broadcast %broadcast_in_dim3A_149 : f32 to vector<16xf32>
      %swap3A_151 = arith.constant 1 : i32
      %swap3A_152 = arith.index_cast %swap3A_151 : i32 to index
      %swap3A_153 = arith.index_cast %scan3A_60 : i32 to index
      %swap3A_154 = arith.constant 32 : index
      %swap3A_155 = tpu.vector_load %arg7[%swap3A_152, %swap3A_153, %swap3A_154] {strides = array<i32>} : memref<2x128x128xf32, #tpu.memory_space<vmem>>, vector<1x1x16xf32>,
      %swap3A_156 = vector.shape_cast %swap3A_155 : vector<1x1x16xf32> to vector<16xf32>
      %swap3A_157 = vector.shape_cast %broadcast_in_dim3A_150 : vector<16xf32> to vector<1x1x16xf32>
      tpu.vector_store %arg7[%swap3A_152, %swap3A_153, %swap3A_154], %swap3A_157 {strides = array<i32>} : memref<2x128x128xf32, #tpu.memory_space<vmem>>, vector<1x1x16xf32>,
      %broadcast_in_dim3A_158 = arith.constant 0.000000e+00 : f32
      %broadcast_in_dim3A_159 = vector.broadcast %broadcast_in_dim3A_158 : f32 to vector<16xf32>
      %swap3A_160 = arith.constant 1 : i32
      %swap3A_161 = arith.index_cast %swap3A_160 : i32 to index
      %swap3A_162 = arith.index_cast %scan3A_60 : i32 to index
      %swap3A_163 = arith.constant 48 : index
      %swap3A_164 = tpu.vector_load %arg7[%swap3A_161, %swap3A_162, %swap3A_163] {strides = array<i32>} : memref<2x128x128xf32, #tpu.memory_space<vmem>>, vector<1x1x16xf32>,
      %swap3A_165 = vector.shape_cast %swap3A_164 : vector<1x1x16xf32> to vector<16xf32>
      %swap3A_166 = vector.shape_cast %broadcast_in_dim3A_159 : vector<16xf32> to vector<1x1x16xf32>
      tpu.vector_store %arg7[%swap3A_161, %swap3A_162, %swap3A_163], %swap3A_166 {strides = array<i32>} : memref<2x128x128xf32, #tpu.memory_space<vmem>>, vector<1x1x16xf32>,
      %broadcast_in_dim3A_167 = arith.constant 0.000000e+00 : f32
      %broadcast_in_dim3A_168 = vector.broadcast %broadcast_in_dim3A_167 : f32 to vector<16xf32>
      %swap3A_169 = arith.constant 1 : i32
      %swap3A_170 = arith.index_cast %swap3A_169 : i32 to index
      %swap3A_171 = arith.index_cast %scan3A_60 : i32 to index
      %swap3A_172 = arith.constant 64 : index
      %swap3A_173 = tpu.vector_load %arg7[%swap3A_170, %swap3A_171, %swap3A_172] {strides = array<i32>} : memref<2x128x128xf32, #tpu.memory_space<vmem>>, vector<1x1x16xf32>,
      %swap3A_174 = vector.shape_cast %swap3A_173 : vector<1x1x16xf32> to vector<16xf32>
      %swap3A_175 = vector.shape_cast %broadcast_in_dim3A_168 : vector<16xf32> to vector<1x1x16xf32>
      tpu.vector_store %arg7[%swap3A_170, %swap3A_171, %swap3A_172], %swap3A_175 {strides = array<i32>} : memref<2x128x128xf32, #tpu.memory_space<vmem>>, vector<1x1x16xf32>,
      %broadcast_in_dim3A_176 = arith.constant 0.000000e+00 : f32
      %broadcast_in_dim3A_177 = vector.broadcast %broadcast_in_dim3A_176 : f32 to vector<16xf32>
      %swap3A_178 = arith.constant 1 : i32
      %swap3A_179 = arith.index_cast %swap3A_178 : i32 to index
      %swap3A_180 = arith.index_cast %scan3A_60 : i32 to index
      %swap3A_181 = arith.constant 80 : index
      %swap3A_182 = tpu.vector_load %arg7[%swap3A_179, %swap3A_180, %swap3A_181] {strides = array<i32>} : memref<2x128x128xf32, #tpu.memory_space<vmem>>, vector<1x1x16xf32>,
      %swap3A_183 = vector.shape_cast %swap3A_182 : vector<1x1x16xf32> to vector<16xf32>
      %swap3A_184 = vector.shape_cast %broadcast_in_dim3A_177 : vector<16xf32> to vector<1x1x16xf32>
      tpu.vector_store %arg7[%swap3A_179, %swap3A_180, %swap3A_181], %swap3A_184 {strides = array<i32>} : memref<2x128x128xf32, #tpu.memory_space<vmem>>, vector<1x1x16xf32>,
      %broadcast_in_dim3A_185 = arith.constant 0.000000e+00 : f32
      %broadcast_in_dim3A_186 = vector.broadcast %broadcast_in_dim3A_185 : f32 to vector<16xf32>
      %swap3A_187 = arith.constant 1 : i32
      %swap3A_188 = arith.index_cast %swap3A_187 : i32 to index
      %swap3A_189 = arith.index_cast %scan3A_60 : i32 to index
      %swap3A_190 = arith.constant 96 : index
      %swap3A_191 = tpu.vector_load %arg7[%swap3A_188, %swap3A_189, %swap3A_190] {strides = array<i32>} : memref<2x128x128xf32, #tpu.memory_space<vmem>>, vector<1x1x16xf32>,
      %swap3A_192 = vector.shape_cast %swap3A_191 : vector<1x1x16xf32> to vector<16xf32>
      %swap3A_193 = vector.shape_cast %broadcast_in_dim3A_186 : vector<16xf32> to vector<1x1x16xf32>
      tpu.vector_store %arg7[%swap3A_188, %swap3A_189, %swap3A_190], %swap3A_193 {strides = array<i32>} : memref<2x128x128xf32, #tpu.memory_space<vmem>>, vector<1x1x16xf32>,
      %broadcast_in_dim3A_194 = arith.constant 0.000000e+00 : f32
      %broadcast_in_dim3A_195 = vector.broadcast %broadcast_in_dim3A_194 : f32 to vector<16xf32>
      %swap3A_196 = arith.constant 1 : i32
      %swap3A_197 = arith.index_cast %swap3A_196 : i32 to index
      %swap3A_198 = arith.index_cast %scan3A_60 : i32 to index
      %swap3A_199 = arith.constant 112 : index
      %swap3A_200 = tpu.vector_load %arg7[%swap3A_197, %swap3A_198, %swap3A_199] {strides = array<i32>} : memref<2x128x128xf32, #tpu.memory_space<vmem>>, vector<1x1x16xf32>,
      %swap3A_201 = vector.shape_cast %swap3A_200 : vector<1x1x16xf32> to vector<16xf32>
      %swap3A_202 = vector.shape_cast %broadcast_in_dim3A_195 : vector<16xf32> to vector<1x1x16xf32>
      tpu.vector_store %arg7[%swap3A_197, %swap3A_198, %swap3A_199], %swap3A_202 {strides = array<i32>} : memref<2x128x128xf32, #tpu.memory_space<vmem>>, vector<1x1x16xf32>,
    }
    %scan3A_5 = arith.constant 128 : i32
    %mul3A_6 = arith.constant 632 : i32
    %mul3A_7 = arith.muli %arg1, %mul3A_6 : i32
    %add3A_8 = arith.constant 0 : i32
    %add3A_9 = arith.addi %mul3A_7, %add3A_8 : i32
    %run_scoped3A = arith.constant 0 : i32
    "tpu.region"() ({
      %run_scoped3A_60 = tpu.sem_alloc : memref<!tpu.dma_semaphore, #tpu.memory_space<semaphore_mem>>
      %dma_start3A_61 = arith.constant 0 : i32
      %dma_start3A_62 = arith.constant 0 : i32
      %dma_start3A_63 = tpu.memref_slice %arg7[%run_scoped3A, %dma_start3A_61, %dma_start3A_62] : memref<2x128x128xf32, #tpu.memory_space<vmem>> -> memref<1x128x128xf32, #tpu.memory_space<vmem>>
      %dma_start3A_64 = tpu.memref_squeeze %dma_start3A_63 : memref<1x128x128xf32, #tpu.memory_space<vmem>> -> memref<128x128xf32, #tpu.memory_space<vmem>>
      %dma_start3A_65 = arith.constant 0 : i32
      %dma_start3A_66 = tpu.memref_slice %arg8[%add3A_9, %dma_start3A_65] : memref<10112x128xf32, #tpu.memory_space<vmem_shared>> -> memref<128x128xf32, #tpu.memory_space<vmem_shared>>
      %dma_start3A_67 = arith.constant 0 : i32
      %dma_start3A_68 = tpu.memref_slice %arg8[%add3A_9, %dma_start3A_67] : memref<10112x128xf32, #tpu.memory_space<vmem_shared>> -> memref<128x128xf32, #tpu.memory_space<vmem_shared>>
      %dma_start3A_69 = arith.constant 0 : i32
      %dma_start3A_70 = arith.constant 0 : i32
      %dma_start3A_71 = tpu.memref_slice %arg7[%run_scoped3A, %dma_start3A_69, %dma_start3A_70] : memref<2x128x128xf32, #tpu.memory_space<vmem>> -> memref<1x128x128xf32, #tpu.memory_space<vmem>>
      %dma_start3A_72 = tpu.memref_squeeze %dma_start3A_71 : memref<1x128x128xf32, #tpu.memory_space<vmem>> -> memref<128x128xf32, #tpu.memory_space<vmem>>
      tpu.enqueue_dma source(%dma_start3A_72 : memref<128x128xf32, #tpu.memory_space<vmem>>) target(%dma_start3A_68 : memref<128x128xf32, #tpu.memory_space<vmem_shared>>) target_semaphore(%run_scoped3A_60 : memref<!tpu.dma_semaphore, #tpu.memory_space<semaphore_mem>>)
      %dma_wait3A = arith.constant 0 : i32
      %dma_wait3A_73 = arith.constant 0 : i32
      %dma_wait3A_74 = tpu.memref_slice %arg7[%run_scoped3A, %dma_wait3A, %dma_wait3A_73] : memref<2x128x128xf32, #tpu.memory_space<vmem>> -> memref<1x128x128xf32, #tpu.memory_space<vmem>>
      %dma_wait3A_75 = tpu.memref_squeeze %dma_wait3A_74 : memref<1x128x128xf32, #tpu.memory_space<vmem>> -> memref<128x128xf32, #tpu.memory_space<vmem>>
      %dma_wait3A_76 = arith.constant 0 : i32
      %dma_wait3A_77 = tpu.memref_slice %arg8[%add3A_9, %dma_wait3A_76] : memref<10112x128xf32, #tpu.memory_space<vmem_shared>> -> memref<128x128xf32, #tpu.memory_space<vmem_shared>>
      %dma_wait3A_78 = arith.constant 0 : i32
      %dma_wait3A_79 = tpu.memref_slice %arg8[%add3A_9, %dma_wait3A_78] : memref<10112x128xf32, #tpu.memory_space<vmem_shared>> -> memref<128x128xf32, #tpu.memory_space<vmem_shared>>
      %dma_wait3A_80 = arith.constant 0 : i32
      %dma_wait3A_81 = arith.constant 0 : i32
      %dma_wait3A_82 = tpu.memref_slice %arg7[%run_scoped3A, %dma_wait3A_80, %dma_wait3A_81] : memref<2x128x128xf32, #tpu.memory_space<vmem>> -> memref<1x128x128xf32, #tpu.memory_space<vmem>>
      %dma_wait3A_83 = tpu.memref_squeeze %dma_wait3A_82 : memref<1x128x128xf32, #tpu.memory_space<vmem>> -> memref<128x128xf32, #tpu.memory_space<vmem>>
      tpu.wait_dma2 semaphore(%run_scoped3A_60 : memref<!tpu.dma_semaphore, #tpu.memory_space<semaphore_mem>>) src(%dma_wait3A_83 : memref<128x128xf32, #tpu.memory_space<vmem>>) dst(%dma_wait3A_79 : memref<128x128xf32, #tpu.memory_space<vmem_shared>>)
      tpu.yield
    }) : () -> ()
    %add3A_10 = arith.constant 128 : i32
    %add3A_11 = arith.addi %mul3A_7, %add3A_10 : i32
    %run_scoped3A_12 = arith.constant 0 : i32
    "tpu.region"() ({
      %run_scoped3A_60 = tpu.sem_alloc : memref<!tpu.dma_semaphore, #tpu.memory_space<semaphore_mem>>
      %dma_start3A_61 = arith.constant 0 : i32
      %dma_start3A_62 = arith.constant 0 : i32
      %dma_start3A_63 = tpu.memref_slice %arg7[%run_scoped3A_12, %dma_start3A_61, %dma_start3A_62] : memref<2x128x128xf32, #tpu.memory_space<vmem>> -> memref<1x128x128xf32, #tpu.memory_space<vmem>>
      %dma_start3A_64 = tpu.memref_squeeze %dma_start3A_63 : memref<1x128x128xf32, #tpu.memory_space<vmem>> -> memref<128x128xf32, #tpu.memory_space<vmem>>
      %dma_start3A_65 = arith.constant 0 : i32
      %dma_start3A_66 = tpu.memref_slice %arg8[%add3A_11, %dma_start3A_65] : memref<10112x128xf32, #tpu.memory_space<vmem_shared>> -> memref<128x128xf32, #tpu.memory_space<vmem_shared>>
      %dma_start3A_67 = arith.constant 0 : i32
      %dma_start3A_68 = tpu.memref_slice %arg8[%add3A_11, %dma_start3A_67] : memref<10112x128xf32, #tpu.memory_space<vmem_shared>> -> memref<128x128xf32, #tpu.memory_space<vmem_shared>>
      %dma_start3A_69 = arith.constant 0 : i32
      %dma_start3A_70 = arith.constant 0 : i32
      %dma_start3A_71 = tpu.memref_slice %arg7[%run_scoped3A_12, %dma_start3A_69, %dma_start3A_70] : memref<2x128x128xf32, #tpu.memory_space<vmem>> -> memref<1x128x128xf32, #tpu.memory_space<vmem>>
      %dma_start3A_72 = tpu.memref_squeeze %dma_start3A_71 : memref<1x128x128xf32, #tpu.memory_space<vmem>> -> memref<128x128xf32, #tpu.memory_space<vmem>>
      tpu.enqueue_dma source(%dma_start3A_72 : memref<128x128xf32, #tpu.memory_space<vmem>>) target(%dma_start3A_68 : memref<128x128xf32, #tpu.memory_space<vmem_shared>>) target_semaphore(%run_scoped3A_60 : memref<!tpu.dma_semaphore, #tpu.memory_space<semaphore_mem>>)
      %dma_wait3A = arith.constant 0 : i32
      %dma_wait3A_73 = arith.constant 0 : i32
      %dma_wait3A_74 = tpu.memref_slice %arg7[%run_scoped3A_12, %dma_wait3A, %dma_wait3A_73] : memref<2x128x128xf32, #tpu.memory_space<vmem>> -> memref<1x128x128xf32, #tpu.memory_space<vmem>>
      %dma_wait3A_75 = tpu.memref_squeeze %dma_wait3A_74 : memref<1x128x128xf32, #tpu.memory_space<vmem>> -> memref<128x128xf32, #tpu.memory_space<vmem>>
      %dma_wait3A_76 = arith.constant 0 : i32
      %dma_wait3A_77 = tpu.memref_slice %arg8[%add3A_11, %dma_wait3A_76] : memref<10112x128xf32, #tpu.memory_space<vmem_shared>> -> memref<128x128xf32, #tpu.memory_space<vmem_shared>>
      %dma_wait3A_78 = arith.constant 0 : i32
      %dma_wait3A_79 = tpu.memref_slice %arg8[%add3A_11, %dma_wait3A_78] : memref<10112x128xf32, #tpu.memory_space<vmem_shared>> -> memref<128x128xf32, #tpu.memory_space<vmem_shared>>
      %dma_wait3A_80 = arith.constant 0 : i32
      %dma_wait3A_81 = arith.constant 0 : i32
      %dma_wait3A_82 = tpu.memref_slice %arg7[%run_scoped3A_12, %dma_wait3A_80, %dma_wait3A_81] : memref<2x128x128xf32, #tpu.memory_space<vmem>> -> memref<1x128x128xf32, #tpu.memory_space<vmem>>
      %dma_wait3A_83 = tpu.memref_squeeze %dma_wait3A_82 : memref<1x128x128xf32, #tpu.memory_space<vmem>> -> memref<128x128xf32, #tpu.memory_space<vmem>>
      tpu.wait_dma2 semaphore(%run_scoped3A_60 : memref<!tpu.dma_semaphore, #tpu.memory_space<semaphore_mem>>) src(%dma_wait3A_83 : memref<128x128xf32, #tpu.memory_space<vmem>>) dst(%dma_wait3A_79 : memref<128x128xf32, #tpu.memory_space<vmem_shared>>)
      tpu.yield
    }) : () -> ()
    %add3A_13 = arith.constant 256 : i32
    %add3A_14 = arith.addi %mul3A_7, %add3A_13 : i32
    %run_scoped3A_15 = arith.constant 0 : i32
    "tpu.region"() ({
      %run_scoped3A_60 = tpu.sem_alloc : memref<!tpu.dma_semaphore, #tpu.memory_space<semaphore_mem>>
      %dma_start3A_61 = arith.constant 0 : i32
      %dma_start3A_62 = arith.constant 0 : i32
      %dma_start3A_63 = tpu.memref_slice %arg7[%run_scoped3A_15, %dma_start3A_61, %dma_start3A_62] : memref<2x128x128xf32, #tpu.memory_space<vmem>> -> memref<1x128x128xf32, #tpu.memory_space<vmem>>
      %dma_start3A_64 = tpu.memref_squeeze %dma_start3A_63 : memref<1x128x128xf32, #tpu.memory_space<vmem>> -> memref<128x128xf32, #tpu.memory_space<vmem>>
      %dma_start3A_65 = arith.constant 0 : i32
      %dma_start3A_66 = tpu.memref_slice %arg8[%add3A_14, %dma_start3A_65] : memref<10112x128xf32, #tpu.memory_space<vmem_shared>> -> memref<128x128xf32, #tpu.memory_space<vmem_shared>>
      %dma_start3A_67 = arith.constant 0 : i32
      %dma_start3A_68 = tpu.memref_slice %arg8[%add3A_14, %dma_start3A_67] : memref<10112x128xf32, #tpu.memory_space<vmem_shared>> -> memref<128x128xf32, #tpu.memory_space<vmem_shared>>
      %dma_start3A_69 = arith.constant 0 : i32
      %dma_start3A_70 = arith.constant 0 : i32
      %dma_start3A_71 = tpu.memref_slice %arg7[%run_scoped3A_15, %dma_start3A_69, %dma_start3A_70] : memref<2x128x128xf32, #tpu.memory_space<vmem>> -> memref<1x128x128xf32, #tpu.memory_space<vmem>>
      %dma_start3A_72 = tpu.memref_squeeze %dma_start3A_71 : memref<1x128x128xf32, #tpu.memory_space<vmem>> -> memref<128x128xf32, #tpu.memory_space<vmem>>
      tpu.enqueue_dma source(%dma_start3A_72 : memref<128x128xf32, #tpu.memory_space<vmem>>) target(%dma_start3A_68 : memref<128x128xf32, #tpu.memory_space<vmem_shared>>) target_semaphore(%run_scoped3A_60 : memref<!tpu.dma_semaphore, #tpu.memory_space<semaphore_mem>>)
      %dma_wait3A = arith.constant 0 : i32
      %dma_wait3A_73 = arith.constant 0 : i32
      %dma_wait3A_74 = tpu.memref_slice %arg7[%run_scoped3A_15, %dma_wait3A, %dma_wait3A_73] : memref<2x128x128xf32, #tpu.memory_space<vmem>> -> memref<1x128x128xf32, #tpu.memory_space<vmem>>
      %dma_wait3A_75 = tpu.memref_squeeze %dma_wait3A_74 : memref<1x128x128xf32, #tpu.memory_space<vmem>> -> memref<128x128xf32, #tpu.memory_space<vmem>>
      %dma_wait3A_76 = arith.constant 0 : i32
      %dma_wait3A_77 = tpu.memref_slice %arg8[%add3A_14, %dma_wait3A_76] : memref<10112x128xf32, #tpu.memory_space<vmem_shared>> -> memref<128x128xf32, #tpu.memory_space<vmem_shared>>
      %dma_wait3A_78 = arith.constant 0 : i32
      %dma_wait3A_79 = tpu.memref_slice %arg8[%add3A_14, %dma_wait3A_78] : memref<10112x128xf32, #tpu.memory_space<vmem_shared>> -> memref<128x128xf32, #tpu.memory_space<vmem_shared>>
      %dma_wait3A_80 = arith.constant 0 : i32
      %dma_wait3A_81 = arith.constant 0 : i32
      %dma_wait3A_82 = tpu.memref_slice %arg7[%run_scoped3A_15, %dma_wait3A_80, %dma_wait3A_81] : memref<2x128x128xf32, #tpu.memory_space<vmem>> -> memref<1x128x128xf32, #tpu.memory_space<vmem>>
      %dma_wait3A_83 = tpu.memref_squeeze %dma_wait3A_82 : memref<1x128x128xf32, #tpu.memory_space<vmem>> -> memref<128x128xf32, #tpu.memory_space<vmem>>
      tpu.wait_dma2 semaphore(%run_scoped3A_60 : memref<!tpu.dma_semaphore, #tpu.memory_space<semaphore_mem>>) src(%dma_wait3A_83 : memref<128x128xf32, #tpu.memory_space<vmem>>) dst(%dma_wait3A_79 : memref<128x128xf32, #tpu.memory_space<vmem_shared>>)
      tpu.yield
    }) : () -> ()
    %add3A_16 = arith.constant 384 : i32
    %add3A_17 = arith.addi %mul3A_7, %add3A_16 : i32
    %run_scoped3A_18 = arith.constant 0 : i32
    "tpu.region"() ({
      %run_scoped3A_60 = tpu.sem_alloc : memref<!tpu.dma_semaphore, #tpu.memory_space<semaphore_mem>>
      %dma_start3A_61 = arith.constant 0 : i32
      %dma_start3A_62 = arith.constant 0 : i32
      %dma_start3A_63 = tpu.memref_slice %arg7[%run_scoped3A_18, %dma_start3A_61, %dma_start3A_62] : memref<2x128x128xf32, #tpu.memory_space<vmem>> -> memref<1x128x128xf32, #tpu.memory_space<vmem>>
      %dma_start3A_64 = tpu.memref_squeeze %dma_start3A_63 : memref<1x128x128xf32, #tpu.memory_space<vmem>> -> memref<128x128xf32, #tpu.memory_space<vmem>>
      %dma_start3A_65 = arith.constant 0 : i32
      %dma_start3A_66 = tpu.memref_slice %arg8[%add3A_17, %dma_start3A_65] : memref<10112x128xf32, #tpu.memory_space<vmem_shared>> -> memref<128x128xf32, #tpu.memory_space<vmem_shared>>
      %dma_start3A_67 = arith.constant 0 : i32
      %dma_start3A_68 = tpu.memref_slice %arg8[%add3A_17, %dma_start3A_67] : memref<10112x128xf32, #tpu.memory_space<vmem_shared>> -> memref<128x128xf32, #tpu.memory_space<vmem_shared>>
      %dma_start3A_69 = arith.constant 0 : i32
      %dma_start3A_70 = arith.constant 0 : i32
      %dma_start3A_71 = tpu.memref_slice %arg7[%run_scoped3A_18, %dma_start3A_69, %dma_start3A_70] : memref<2x128x128xf32, #tpu.memory_space<vmem>> -> memref<1x128x128xf32, #tpu.memory_space<vmem>>
      %dma_start3A_72 = tpu.memref_squeeze %dma_start3A_71 : memref<1x128x128xf32, #tpu.memory_space<vmem>> -> memref<128x128xf32, #tpu.memory_space<vmem>>
      tpu.enqueue_dma source(%dma_start3A_72 : memref<128x128xf32, #tpu.memory_space<vmem>>) target(%dma_start3A_68 : memref<128x128xf32, #tpu.memory_space<vmem_shared>>) target_semaphore(%run_scoped3A_60 : memref<!tpu.dma_semaphore, #tpu.memory_space<semaphore_mem>>)
      %dma_wait3A = arith.constant 0 : i32
      %dma_wait3A_73 = arith.constant 0 : i32
      %dma_wait3A_74 = tpu.memref_slice %arg7[%run_scoped3A_18, %dma_wait3A, %dma_wait3A_73] : memref<2x128x128xf32, #tpu.memory_space<vmem>> -> memref<1x128x128xf32, #tpu.memory_space<vmem>>
      %dma_wait3A_75 = tpu.memref_squeeze %dma_wait3A_74 : memref<1x128x128xf32, #tpu.memory_space<vmem>> -> memref<128x128xf32, #tpu.memory_space<vmem>>
      %dma_wait3A_76 = arith.constant 0 : i32
      %dma_wait3A_77 = tpu.memref_slice %arg8[%add3A_17, %dma_wait3A_76] : memref<10112x128xf32, #tpu.memory_space<vmem_shared>> -> memref<128x128xf32, #tpu.memory_space<vmem_shared>>
      %dma_wait3A_78 = arith.constant 0 : i32
      %dma_wait3A_79 = tpu.memref_slice %arg8[%add3A_17, %dma_wait3A_78] : memref<10112x128xf32, #tpu.memory_space<vmem_shared>> -> memref<128x128xf32, #tpu.memory_space<vmem_shared>>
      %dma_wait3A_80 = arith.constant 0 : i32
      %dma_wait3A_81 = arith.constant 0 : i32
      %dma_wait3A_82 = tpu.memref_slice %arg7[%run_scoped3A_18, %dma_wait3A_80, %dma_wait3A_81] : memref<2x128x128xf32, #tpu.memory_space<vmem>> -> memref<1x128x128xf32, #tpu.memory_space<vmem>>
      %dma_wait3A_83 = tpu.memref_squeeze %dma_wait3A_82 : memref<1x128x128xf32, #tpu.memory_space<vmem>> -> memref<128x128xf32, #tpu.memory_space<vmem>>
      tpu.wait_dma2 semaphore(%run_scoped3A_60 : memref<!tpu.dma_semaphore, #tpu.memory_space<semaphore_mem>>) src(%dma_wait3A_83 : memref<128x128xf32, #tpu.memory_space<vmem>>) dst(%dma_wait3A_79 : memref<128x128xf32, #tpu.memory_space<vmem_shared>>)
      tpu.yield
    }) : () -> ()
    %add3A_19 = arith.constant 512 : i32
    %add3A_20 = arith.addi %mul3A_7, %add3A_19 : i32
    %run_scoped3A_21 = arith.constant 0 : i32
    "tpu.region"() ({
      %run_scoped3A_60 = tpu.sem_alloc : memref<!tpu.dma_semaphore, #tpu.memory_space<semaphore_mem>>
      %dma_start3A_61 = arith.constant 0 : i32
      %dma_start3A_62 = arith.constant 0 : i32
      %dma_start3A_63 = tpu.memref_slice %arg7[%run_scoped3A_21, %dma_start3A_61, %dma_start3A_62] : memref<2x128x128xf32, #tpu.memory_space<vmem>> -> memref<1x120x128xf32, #tpu.memory_space<vmem>>
      %dma_start3A_64 = tpu.memref_squeeze %dma_start3A_63 : memref<1x120x128xf32, #tpu.memory_space<vmem>> -> memref<120x128xf32, #tpu.memory_space<vmem>>
      %dma_start3A_65 = arith.constant 0 : i32
      %dma_start3A_66 = tpu.memref_slice %arg8[%add3A_20, %dma_start3A_65] : memref<10112x128xf32, #tpu.memory_space<vmem_shared>> -> memref<120x128xf32, #tpu.memory_space<vmem_shared>>
      %dma_start3A_67 = arith.constant 0 : i32
      %dma_start3A_68 = tpu.memref_slice %arg8[%add3A_20, %dma_start3A_67] : memref<10112x128xf32, #tpu.memory_space<vmem_shared>> -> memref<120x128xf32, #tpu.memory_space<vmem_shared>>
      %dma_start3A_69 = arith.constant 0 : i32
      %dma_start3A_70 = arith.constant 0 : i32
      %dma_start3A_71 = tpu.memref_slice %arg7[%run_scoped3A_21, %dma_start3A_69, %dma_start3A_70] : memref<2x128x128xf32, #tpu.memory_space<vmem>> -> memref<1x120x128xf32, #tpu.memory_space<vmem>>
      %dma_start3A_72 = tpu.memref_squeeze %dma_start3A_71 : memref<1x120x128xf32, #tpu.memory_space<vmem>> -> memref<120x128xf32, #tpu.memory_space<vmem>>
      tpu.enqueue_dma source(%dma_start3A_72 : memref<120x128xf32, #tpu.memory_space<vmem>>) target(%dma_start3A_68 : memref<120x128xf32, #tpu.memory_space<vmem_shared>>) target_semaphore(%run_scoped3A_60 : memref<!tpu.dma_semaphore, #tpu.memory_space<semaphore_mem>>)
      %dma_wait3A = arith.constant 0 : i32
      %dma_wait3A_73 = arith.constant 0 : i32
      %dma_wait3A_74 = tpu.memref_slice %arg7[%run_scoped3A_21, %dma_wait3A, %dma_wait3A_73] : memref<2x128x128xf32, #tpu.memory_space<vmem>> -> memref<1x120x128xf32, #tpu.memory_space<vmem>>
      %dma_wait3A_75 = tpu.memref_squeeze %dma_wait3A_74 : memref<1x120x128xf32, #tpu.memory_space<vmem>> -> memref<120x128xf32, #tpu.memory_space<vmem>>
      %dma_wait3A_76 = arith.constant 0 : i32
      %dma_wait3A_77 = tpu.memref_slice %arg8[%add3A_20, %dma_wait3A_76] : memref<10112x128xf32, #tpu.memory_space<vmem_shared>> -> memref<120x128xf32, #tpu.memory_space<vmem_shared>>
      %dma_wait3A_78 = arith.constant 0 : i32
      %dma_wait3A_79 = tpu.memref_slice %arg8[%add3A_20, %dma_wait3A_78] : memref<10112x128xf32, #tpu.memory_space<vmem_shared>> -> memref<120x128xf32, #tpu.memory_space<vmem_shared>>
      %dma_wait3A_80 = arith.constant 0 : i32
      %dma_wait3A_81 = arith.constant 0 : i32
      %dma_wait3A_82 = tpu.memref_slice %arg7[%run_scoped3A_21, %dma_wait3A_80, %dma_wait3A_81] : memref<2x128x128xf32, #tpu.memory_space<vmem>> -> memref<1x120x128xf32, #tpu.memory_space<vmem>>
      %dma_wait3A_83 = tpu.memref_squeeze %dma_wait3A_82 : memref<1x120x128xf32, #tpu.memory_space<vmem>> -> memref<120x128xf32, #tpu.memory_space<vmem>>
      tpu.wait_dma2 semaphore(%run_scoped3A_60 : memref<!tpu.dma_semaphore, #tpu.memory_space<semaphore_mem>>) src(%dma_wait3A_83 : memref<120x128xf32, #tpu.memory_space<vmem>>) dst(%dma_wait3A_79 : memref<120x128xf32, #tpu.memory_space<vmem_shared>>)
      tpu.yield
    }) : () -> ()
    %barrier3A = arith.constant 0 : index
    tpu.barrier barrier_id(%barrier3A)
    %mul3A_22 = arith.constant 40 : i32
    %mul3A_23 = arith.muli %add3A, %mul3A_22 : i32
    "tpu.region"() ({
      %run_scoped3A_60 = tpu.sem_alloc : memref<!tpu.dma_semaphore, #tpu.memory_space<semaphore_mem>>
      %dma_start3A_61 = arith.constant 0 : i32
      %dma_start3A_62 = tpu.memref_slice %arg2[%mul3A_23, %dma_start3A_61] : memref<1280x128xi32, #tpu.memory_space<hbm>> -> memref<40x128xi32, #tpu.memory_space<hbm>>
      %dma_start3A_63 = arith.constant 0 : i32
      %dma_start3A_64 = tpu.memref_slice %arg2[%mul3A_23, %dma_start3A_63] : memref<1280x128xi32, #tpu.memory_space<hbm>> -> memref<40x128xi32, #tpu.memory_space<hbm>>
      tpu.enqueue_dma source(%dma_start3A_64 : memref<40x128xi32, #tpu.memory_space<hbm>>) target(%arg5 : memref<40x128xi32, #tpu.memory_space<vmem>>) target_semaphore(%run_scoped3A_60 : memref<!tpu.dma_semaphore, #tpu.memory_space<semaphore_mem>>)
      %dma_wait3A = arith.constant 0 : i32
      %dma_wait3A_65 = tpu.memref_slice %arg2[%mul3A_23, %dma_wait3A] : memref<1280x128xi32, #tpu.memory_space<hbm>> -> memref<40x128xi32, #tpu.memory_space<hbm>>
      %dma_wait3A_66 = arith.constant 0 : i32
      %dma_wait3A_67 = tpu.memref_slice %arg2[%mul3A_23, %dma_wait3A_66] : memref<1280x128xi32, #tpu.memory_space<hbm>> -> memref<40x128xi32, #tpu.memory_space<hbm>>
      tpu.wait_dma2 semaphore(%run_scoped3A_60 : memref<!tpu.dma_semaphore, #tpu.memory_space<semaphore_mem>>) src(%dma_wait3A_67 : memref<40x128xi32, #tpu.memory_space<hbm>>) dst(%arg5 : memref<40x128xi32, #tpu.memory_space<vmem>>)
      tpu.yield
    }) : () -> ()
    %scan3A_24 = arith.constant 0 : i32
    %scan3A_25 = arith.constant 0 : i32
    %scan3A_26 = arith.constant 40 : i32
    %scan3A_27 = arith.addi %scan3A_25, %scan3A_26 : i32
    %scan3A_28 = arith.constant 1 : i32
    scf.for %scan3A_60 = %scan3A_25 to %scan3A_27 step %scan3A_28  : i32 {
      %get3A = arith.index_cast %scan3A_60 : i32 to index
      %get3A_61 = arith.constant 0 : index
      %get3A_62 = tpu.vector_load %arg5[%get3A, %get3A_61] {strides = array<i32>} : memref<40x128xi32, #tpu.memory_space<vmem>>, vector<1x16xi32>,
      %get3A_63 = vector.shape_cast %get3A_62 : vector<1x16xi32> to vector<16xi32>
      %shift_right_logical3A = arith.constant 17 : i32
      %shift_right_logical3A_64 = vector.broadcast %shift_right_logical3A : i32 to vector<16xi32>
      %shift_right_logical3A_65 = arith.shrui %get3A_63, %shift_right_logical3A_64 : vector<16xi32>
      %swap3A = arith.index_cast %scan3A_60 : i32 to index
      %swap3A_66 = arith.constant 0 : index
      %swap3A_67 = tpu.vector_load %arg6[%swap3A, %swap3A_66] {strides = array<i32>} : memref<40x128xi32, #tpu.memory_space<vmem>>, vector<1x16xi32>,
      %swap3A_68 = vector.shape_cast %swap3A_67 : vector<1x16xi32> to vector<16xi32>
      %swap3A_69 = vector.shape_cast %shift_right_logical3A_65 : vector<16xi32> to vector<1x16xi32>
      tpu.vector_store %arg6[%swap3A, %swap3A_66], %swap3A_69 {strides = array<i32>} : memref<40x128xi32, #tpu.memory_space<vmem>>, vector<1x16xi32>,
      %and3A = arith.constant 131071 : i32
      %and3A_70 = vector.broadcast %and3A : i32 to vector<16xi32>
      %and3A_71 = arith.andi %get3A_63, %and3A_70 : vector<16xi32>
      %swap3A_72 = arith.index_cast %scan3A_60 : i32 to index
      %swap3A_73 = arith.constant 0 : index
      %swap3A_74 = tpu.vector_load %arg5[%swap3A_72, %swap3A_73] {strides = array<i32>} : memref<40x128xi32, #tpu.memory_space<vmem>>, vector<1x16xi32>,
      %swap3A_75 = vector.shape_cast %swap3A_74 : vector<1x16xi32> to vector<16xi32>
      %swap3A_76 = vector.shape_cast %and3A_71 : vector<16xi32> to vector<1x16xi32>
      tpu.vector_store %arg5[%swap3A_72, %swap3A_73], %swap3A_76 {strides = array<i32>} : memref<40x128xi32, #tpu.memory_space<vmem>>, vector<1x16xi32>,
      %get3A_77 = arith.index_cast %scan3A_60 : i32 to index
      %get3A_78 = arith.constant 16 : index
      %get3A_79 = tpu.vector_load %arg5[%get3A_77, %get3A_78] {strides = array<i32>} : memref<40x128xi32, #tpu.memory_space<vmem>>, vector<1x16xi32>,
      %get3A_80 = vector.shape_cast %get3A_79 : vector<1x16xi32> to vector<16xi32>
      %shift_right_logical3A_81 = arith.constant 17 : i32
      %shift_right_logical3A_82 = vector.broadcast %shift_right_logical3A_81 : i32 to vector<16xi32>
      %shift_right_logical3A_83 = arith.shrui %get3A_80, %shift_right_logical3A_82 : vector<16xi32>
      %swap3A_84 = arith.index_cast %scan3A_60 : i32 to index
      %swap3A_85 = arith.constant 16 : index
      %swap3A_86 = tpu.vector_load %arg6[%swap3A_84, %swap3A_85] {strides = array<i32>} : memref<40x128xi32, #tpu.memory_space<vmem>>, vector<1x16xi32>,
      %swap3A_87 = vector.shape_cast %swap3A_86 : vector<1x16xi32> to vector<16xi32>
      %swap3A_88 = vector.shape_cast %shift_right_logical3A_83 : vector<16xi32> to vector<1x16xi32>
      tpu.vector_store %arg6[%swap3A_84, %swap3A_85], %swap3A_88 {strides = array<i32>} : memref<40x128xi32, #tpu.memory_space<vmem>>, vector<1x16xi32>,
      %and3A_89 = arith.constant 131071 : i32
      %and3A_90 = vector.broadcast %and3A_89 : i32 to vector<16xi32>
      %and3A_91 = arith.andi %get3A_80, %and3A_90 : vector<16xi32>
      %swap3A_92 = arith.index_cast %scan3A_60 : i32 to index
      %swap3A_93 = arith.constant 16 : index
      %swap3A_94 = tpu.vector_load %arg5[%swap3A_92, %swap3A_93] {strides = array<i32>} : memref<40x128xi32, #tpu.memory_space<vmem>>, vector<1x16xi32>,
      %swap3A_95 = vector.shape_cast %swap3A_94 : vector<1x16xi32> to vector<16xi32>
      %swap3A_96 = vector.shape_cast %and3A_91 : vector<16xi32> to vector<1x16xi32>
      tpu.vector_store %arg5[%swap3A_92, %swap3A_93], %swap3A_96 {strides = array<i32>} : memref<40x128xi32, #tpu.memory_space<vmem>>, vector<1x16xi32>,
      %get3A_97 = arith.index_cast %scan3A_60 : i32 to index
      %get3A_98 = arith.constant 32 : index
      %get3A_99 = tpu.vector_load %arg5[%get3A_97, %get3A_98] {strides = array<i32>} : memref<40x128xi32, #tpu.memory_space<vmem>>, vector<1x16xi32>,
      %get3A_100 = vector.shape_cast %get3A_99 : vector<1x16xi32> to vector<16xi32>
      %shift_right_logical3A_101 = arith.constant 17 : i32
      %shift_right_logical3A_102 = vector.broadcast %shift_right_logical3A_101 : i32 to vector<16xi32>
      %shift_right_logical3A_103 = arith.shrui %get3A_100, %shift_right_logical3A_102 : vector<16xi32>
      %swap3A_104 = arith.index_cast %scan3A_60 : i32 to index
      %swap3A_105 = arith.constant 32 : index
      %swap3A_106 = tpu.vector_load %arg6[%swap3A_104, %swap3A_105] {strides = array<i32>} : memref<40x128xi32, #tpu.memory_space<vmem>>, vector<1x16xi32>,
      %swap3A_107 = vector.shape_cast %swap3A_106 : vector<1x16xi32> to vector<16xi32>
      %swap3A_108 = vector.shape_cast %shift_right_logical3A_103 : vector<16xi32> to vector<1x16xi32>
      tpu.vector_store %arg6[%swap3A_104, %swap3A_105], %swap3A_108 {strides = array<i32>} : memref<40x128xi32, #tpu.memory_space<vmem>>, vector<1x16xi32>,
      %and3A_109 = arith.constant 131071 : i32
      %and3A_110 = vector.broadcast %and3A_109 : i32 to vector<16xi32>
      %and3A_111 = arith.andi %get3A_100, %and3A_110 : vector<16xi32>
      %swap3A_112 = arith.index_cast %scan3A_60 : i32 to index
      %swap3A_113 = arith.constant 32 : index
      %swap3A_114 = tpu.vector_load %arg5[%swap3A_112, %swap3A_113] {strides = array<i32>} : memref<40x128xi32, #tpu.memory_space<vmem>>, vector<1x16xi32>,
      %swap3A_115 = vector.shape_cast %swap3A_114 : vector<1x16xi32> to vector<16xi32>
      %swap3A_116 = vector.shape_cast %and3A_111 : vector<16xi32> to vector<1x16xi32>
      tpu.vector_store %arg5[%swap3A_112, %swap3A_113], %swap3A_116 {strides = array<i32>} : memref<40x128xi32, #tpu.memory_space<vmem>>, vector<1x16xi32>,
      %get3A_117 = arith.index_cast %scan3A_60 : i32 to index
      %get3A_118 = arith.constant 48 : index
      %get3A_119 = tpu.vector_load %arg5[%get3A_117, %get3A_118] {strides = array<i32>} : memref<40x128xi32, #tpu.memory_space<vmem>>, vector<1x16xi32>,
      %get3A_120 = vector.shape_cast %get3A_119 : vector<1x16xi32> to vector<16xi32>
      %shift_right_logical3A_121 = arith.constant 17 : i32
      %shift_right_logical3A_122 = vector.broadcast %shift_right_logical3A_121 : i32 to vector<16xi32>
      %shift_right_logical3A_123 = arith.shrui %get3A_120, %shift_right_logical3A_122 : vector<16xi32>
      %swap3A_124 = arith.index_cast %scan3A_60 : i32 to index
      %swap3A_125 = arith.constant 48 : index
      %swap3A_126 = tpu.vector_load %arg6[%swap3A_124, %swap3A_125] {strides = array<i32>} : memref<40x128xi32, #tpu.memory_space<vmem>>, vector<1x16xi32>,
      %swap3A_127 = vector.shape_cast %swap3A_126 : vector<1x16xi32> to vector<16xi32>
      %swap3A_128 = vector.shape_cast %shift_right_logical3A_123 : vector<16xi32> to vector<1x16xi32>
      tpu.vector_store %arg6[%swap3A_124, %swap3A_125], %swap3A_128 {strides = array<i32>} : memref<40x128xi32, #tpu.memory_space<vmem>>, vector<1x16xi32>,
      %and3A_129 = arith.constant 131071 : i32
      %and3A_130 = vector.broadcast %and3A_129 : i32 to vector<16xi32>
      %and3A_131 = arith.andi %get3A_120, %and3A_130 : vector<16xi32>
      %swap3A_132 = arith.index_cast %scan3A_60 : i32 to index
      %swap3A_133 = arith.constant 48 : index
      %swap3A_134 = tpu.vector_load %arg5[%swap3A_132, %swap3A_133] {strides = array<i32>} : memref<40x128xi32, #tpu.memory_space<vmem>>, vector<1x16xi32>,
      %swap3A_135 = vector.shape_cast %swap3A_134 : vector<1x16xi32> to vector<16xi32>
      %swap3A_136 = vector.shape_cast %and3A_131 : vector<16xi32> to vector<1x16xi32>
      tpu.vector_store %arg5[%swap3A_132, %swap3A_133], %swap3A_136 {strides = array<i32>} : memref<40x128xi32, #tpu.memory_space<vmem>>, vector<1x16xi32>,
      %get3A_137 = arith.index_cast %scan3A_60 : i32 to index
      %get3A_138 = arith.constant 64 : index
      %get3A_139 = tpu.vector_load %arg5[%get3A_137, %get3A_138] {strides = array<i32>} : memref<40x128xi32, #tpu.memory_space<vmem>>, vector<1x16xi32>,
      %get3A_140 = vector.shape_cast %get3A_139 : vector<1x16xi32> to vector<16xi32>
      %shift_right_logical3A_141 = arith.constant 17 : i32
      %shift_right_logical3A_142 = vector.broadcast %shift_right_logical3A_141 : i32 to vector<16xi32>
      %shift_right_logical3A_143 = arith.shrui %get3A_140, %shift_right_logical3A_142 : vector<16xi32>
      %swap3A_144 = arith.index_cast %scan3A_60 : i32 to index
      %swap3A_145 = arith.constant 64 : index
      %swap3A_146 = tpu.vector_load %arg6[%swap3A_144, %swap3A_145] {strides = array<i32>} : memref<40x128xi32, #tpu.memory_space<vmem>>, vector<1x16xi32>,
      %swap3A_147 = vector.shape_cast %swap3A_146 : vector<1x16xi32> to vector<16xi32>
      %swap3A_148 = vector.shape_cast %shift_right_logical3A_143 : vector<16xi32> to vector<1x16xi32>
      tpu.vector_store %arg6[%swap3A_144, %swap3A_145], %swap3A_148 {strides = array<i32>} : memref<40x128xi32, #tpu.memory_space<vmem>>, vector<1x16xi32>,
      %and3A_149 = arith.constant 131071 : i32
      %and3A_150 = vector.broadcast %and3A_149 : i32 to vector<16xi32>
      %and3A_151 = arith.andi %get3A_140, %and3A_150 : vector<16xi32>
      %swap3A_152 = arith.index_cast %scan3A_60 : i32 to index
      %swap3A_153 = arith.constant 64 : index
      %swap3A_154 = tpu.vector_load %arg5[%swap3A_152, %swap3A_153] {strides = array<i32>} : memref<40x128xi32, #tpu.memory_space<vmem>>, vector<1x16xi32>,
      %swap3A_155 = vector.shape_cast %swap3A_154 : vector<1x16xi32> to vector<16xi32>
      %swap3A_156 = vector.shape_cast %and3A_151 : vector<16xi32> to vector<1x16xi32>
      tpu.vector_store %arg5[%swap3A_152, %swap3A_153], %swap3A_156 {strides = array<i32>} : memref<40x128xi32, #tpu.memory_space<vmem>>, vector<1x16xi32>,
      %get3A_157 = arith.index_cast %scan3A_60 : i32 to index
      %get3A_158 = arith.constant 80 : index
      %get3A_159 = tpu.vector_load %arg5[%get3A_157, %get3A_158] {strides = array<i32>} : memref<40x128xi32, #tpu.memory_space<vmem>>, vector<1x16xi32>,
      %get3A_160 = vector.shape_cast %get3A_159 : vector<1x16xi32> to vector<16xi32>
      %shift_right_logical3A_161 = arith.constant 17 : i32
      %shift_right_logical3A_162 = vector.broadcast %shift_right_logical3A_161 : i32 to vector<16xi32>
      %shift_right_logical3A_163 = arith.shrui %get3A_160, %shift_right_logical3A_162 : vector<16xi32>
      %swap3A_164 = arith.index_cast %scan3A_60 : i32 to index
      %swap3A_165 = arith.constant 80 : index
      %swap3A_166 = tpu.vector_load %arg6[%swap3A_164, %swap3A_165] {strides = array<i32>} : memref<40x128xi32, #tpu.memory_space<vmem>>, vector<1x16xi32>,
      %swap3A_167 = vector.shape_cast %swap3A_166 : vector<1x16xi32> to vector<16xi32>
      %swap3A_168 = vector.shape_cast %shift_right_logical3A_163 : vector<16xi32> to vector<1x16xi32>
      tpu.vector_store %arg6[%swap3A_164, %swap3A_165], %swap3A_168 {strides = array<i32>} : memref<40x128xi32, #tpu.memory_space<vmem>>, vector<1x16xi32>,
      %and3A_169 = arith.constant 131071 : i32
      %and3A_170 = vector.broadcast %and3A_169 : i32 to vector<16xi32>
      %and3A_171 = arith.andi %get3A_160, %and3A_170 : vector<16xi32>
      %swap3A_172 = arith.index_cast %scan3A_60 : i32 to index
      %swap3A_173 = arith.constant 80 : index
      %swap3A_174 = tpu.vector_load %arg5[%swap3A_172, %swap3A_173] {strides = array<i32>} : memref<40x128xi32, #tpu.memory_space<vmem>>, vector<1x16xi32>,
      %swap3A_175 = vector.shape_cast %swap3A_174 : vector<1x16xi32> to vector<16xi32>
      %swap3A_176 = vector.shape_cast %and3A_171 : vector<16xi32> to vector<1x16xi32>
      tpu.vector_store %arg5[%swap3A_172, %swap3A_173], %swap3A_176 {strides = array<i32>} : memref<40x128xi32, #tpu.memory_space<vmem>>, vector<1x16xi32>,
      %get3A_177 = arith.index_cast %scan3A_60 : i32 to index
      %get3A_178 = arith.constant 96 : index
      %get3A_179 = tpu.vector_load %arg5[%get3A_177, %get3A_178] {strides = array<i32>} : memref<40x128xi32, #tpu.memory_space<vmem>>, vector<1x16xi32>,
      %get3A_180 = vector.shape_cast %get3A_179 : vector<1x16xi32> to vector<16xi32>
      %shift_right_logical3A_181 = arith.constant 17 : i32
      %shift_right_logical3A_182 = vector.broadcast %shift_right_logical3A_181 : i32 to vector<16xi32>
      %shift_right_logical3A_183 = arith.shrui %get3A_180, %shift_right_logical3A_182 : vector<16xi32>
      %swap3A_184 = arith.index_cast %scan3A_60 : i32 to index
      %swap3A_185 = arith.constant 96 : index
      %swap3A_186 = tpu.vector_load %arg6[%swap3A_184, %swap3A_185] {strides = array<i32>} : memref<40x128xi32, #tpu.memory_space<vmem>>, vector<1x16xi32>,
      %swap3A_187 = vector.shape_cast %swap3A_186 : vector<1x16xi32> to vector<16xi32>
      %swap3A_188 = vector.shape_cast %shift_right_logical3A_183 : vector<16xi32> to vector<1x16xi32>
      tpu.vector_store %arg6[%swap3A_184, %swap3A_185], %swap3A_188 {strides = array<i32>} : memref<40x128xi32, #tpu.memory_space<vmem>>, vector<1x16xi32>,
      %and3A_189 = arith.constant 131071 : i32
      %and3A_190 = vector.broadcast %and3A_189 : i32 to vector<16xi32>
      %and3A_191 = arith.andi %get3A_180, %and3A_190 : vector<16xi32>
      %swap3A_192 = arith.index_cast %scan3A_60 : i32 to index
      %swap3A_193 = arith.constant 96 : index
      %swap3A_194 = tpu.vector_load %arg5[%swap3A_192, %swap3A_193] {strides = array<i32>} : memref<40x128xi32, #tpu.memory_space<vmem>>, vector<1x16xi32>,
      %swap3A_195 = vector.shape_cast %swap3A_194 : vector<1x16xi32> to vector<16xi32>
      %swap3A_196 = vector.shape_cast %and3A_191 : vector<16xi32> to vector<1x16xi32>
      tpu.vector_store %arg5[%swap3A_192, %swap3A_193], %swap3A_196 {strides = array<i32>} : memref<40x128xi32, #tpu.memory_space<vmem>>, vector<1x16xi32>,
      %get3A_197 = arith.index_cast %scan3A_60 : i32 to index
      %get3A_198 = arith.constant 112 : index
      %get3A_199 = tpu.vector_load %arg5[%get3A_197, %get3A_198] {strides = array<i32>} : memref<40x128xi32, #tpu.memory_space<vmem>>, vector<1x16xi32>,
      %get3A_200 = vector.shape_cast %get3A_199 : vector<1x16xi32> to vector<16xi32>
      %shift_right_logical3A_201 = arith.constant 17 : i32
      %shift_right_logical3A_202 = vector.broadcast %shift_right_logical3A_201 : i32 to vector<16xi32>
      %shift_right_logical3A_203 = arith.shrui %get3A_200, %shift_right_logical3A_202 : vector<16xi32>
      %swap3A_204 = arith.index_cast %scan3A_60 : i32 to index
      %swap3A_205 = arith.constant 112 : index
      %swap3A_206 = tpu.vector_load %arg6[%swap3A_204, %swap3A_205] {strides = array<i32>} : memref<40x128xi32, #tpu.memory_space<vmem>>, vector<1x16xi32>,
      %swap3A_207 = vector.shape_cast %swap3A_206 : vector<1x16xi32> to vector<16xi32>
      %swap3A_208 = vector.shape_cast %shift_right_logical3A_203 : vector<16xi32> to vector<1x16xi32>
      tpu.vector_store %arg6[%swap3A_204, %swap3A_205], %swap3A_208 {strides = array<i32>} : memref<40x128xi32, #tpu.memory_space<vmem>>, vector<1x16xi32>,
      %and3A_209 = arith.constant 131071 : i32
      %and3A_210 = vector.broadcast %and3A_209 : i32 to vector<16xi32>
      %and3A_211 = arith.andi %get3A_200, %and3A_210 : vector<16xi32>
      %swap3A_212 = arith.index_cast %scan3A_60 : i32 to index
      %swap3A_213 = arith.constant 112 : index
      %swap3A_214 = tpu.vector_load %arg5[%swap3A_212, %swap3A_213] {strides = array<i32>} : memref<40x128xi32, #tpu.memory_space<vmem>>, vector<1x16xi32>,
      %swap3A_215 = vector.shape_cast %swap3A_214 : vector<1x16xi32> to vector<16xi32>
      %swap3A_216 = vector.shape_cast %and3A_211 : vector<16xi32> to vector<1x16xi32>
      tpu.vector_store %arg5[%swap3A_212, %swap3A_213], %swap3A_216 {strides = array<i32>} : memref<40x128xi32, #tpu.memory_space<vmem>>, vector<1x16xi32>,
    }
    %scan3A_29 = arith.constant 40 : i32
    %dma_start3A = arith.constant 0 : i32
    %dma_start3A_30 = arith.constant 0 : i32
    %dma_start3A_31 = arith.constant 0 : i32
    %dma_start3A_32 = arith.constant 0 : i32
    %dma_start3A_33 = tpu.memref_slice %arg7[%dma_start3A_30, %dma_start3A_31, %dma_start3A_32] : memref<2x128x128xf32, #tpu.memory_space<vmem>> -> memref<1x64x128xf32, #tpu.memory_space<vmem>>
    %dma_start3A_34 = tpu.memref_squeeze %dma_start3A_33 : memref<1x64x128xf32, #tpu.memory_space<vmem>> -> memref<64x128xf32, #tpu.memory_space<vmem>>
    %dma_start3A_35 = arith.constant 0 : i32
    %dma_start3A_36 = tpu.memref_slice %arg5[%dma_start3A, %dma_start3A_35] : memref<40x128xi32, #tpu.memory_space<vmem>> -> memref<1x64xi32, #tpu.memory_space<vmem>>
    %dma_start3A_37 = tpu.memref_squeeze %dma_start3A_36 : memref<1x64xi32, #tpu.memory_space<vmem>> -> memref<64xi32, #tpu.memory_space<vmem>>
    %dma_start3A_38 = arith.constant 0 : i32
    %dma_start3A_39 = arith.constant 0 : i32
    %dma_start3A_40 = tpu.memref_slice %arg3[%dma_start3A_38, %dma_start3A_39] : memref<80000x128xf32, #tpu.memory_space<hbm>> -> memref<80000x128xf32, #tpu.memory_space<hbm>>
    tpu.enqueue_indirect_dma source(%dma_start3A_40 : memref<80000x128xf32, #tpu.memory_space<hbm>>) target(%dma_start3A_34 : memref<64x128xf32, #tpu.memory_space<vmem>>) offsets(%dma_start3A_37 : memref<64xi32, #tpu.memory_space<vmem>>) semaphore(%arg9 : memref<!tpu.dma_semaphore, #tpu.memory_space<semaphore_mem>>)
    %dma_start3A_41 = arith.constant 0 : i32
    %dma_start3A_42 = arith.constant 0 : i32
    %dma_start3A_43 = arith.constant 64 : i32
    %dma_start3A_44 = arith.constant 0 : i32
    %dma_start3A_45 = tpu.memref_slice %arg7[%dma_start3A_42, %dma_start3A_43, %dma_start3A_44] : memref<2x128x128xf32, #tpu.memory_space<vmem>> -> memref<1x64x128xf32, #tpu.memory_space<vmem>>
    %dma_start3A_46 = tpu.memref_squeeze %dma_start3A_45 : memref<1x64x128xf32, #tpu.memory_space<vmem>> -> memref<64x128xf32, #tpu.memory_space<vmem>>
    %dma_start3A_47 = arith.constant 64 : i32
    %dma_start3A_48 = tpu.memref_slice %arg5[%dma_start3A_41, %dma_start3A_47] : memref<40x128xi32, #tpu.memory_space<vmem>> -> memref<1x64xi32, #tpu.memory_space<vmem>>
    %dma_start3A_49 = tpu.memref_squeeze %dma_start3A_48 : memref<1x64xi32, #tpu.memory_space<vmem>> -> memref<64xi32, #tpu.memory_space<vmem>>
    %dma_start3A_50 = arith.constant 0 : i32
    %dma_start3A_51 = arith.constant 0 : i32
    %dma_start3A_52 = tpu.memref_slice %arg3[%dma_start3A_50, %dma_start3A_51] : memref<80000x128xf32, #tpu.memory_space<hbm>> -> memref<80000x128xf32, #tpu.memory_space<hbm>>
    tpu.enqueue_indirect_dma source(%dma_start3A_52 : memref<80000x128xf32, #tpu.memory_space<hbm>>) target(%dma_start3A_46 : memref<64x128xf32, #tpu.memory_space<vmem>>) offsets(%dma_start3A_49 : memref<64xi32, #tpu.memory_space<vmem>>) semaphore(%arg10 : memref<!tpu.dma_semaphore, #tpu.memory_space<semaphore_mem>>)
    %scan3A_53 = arith.constant 0 : i32
    %scan3A_54 = arith.constant 0 : i32
    %scan3A_55 = arith.constant 20 : i32
    %scan3A_56 = arith.addi %scan3A_54, %scan3A_55 : i32
    %scan3A_57 = arith.constant 1 : i32
    scf.for %scan3A_60 = %scan3A_54 to %scan3A_56 step %scan3A_57  : i32 {
      %mul3A_61 = arith.constant 2 : i32
      %mul3A_62 = arith.muli %mul3A_61, %scan3A_60 : i32
      %add3A_63 = arith.constant 1 : i32
      %add3A_64 = arith.addi %mul3A_62, %add3A_63 : i32
      %dma_start3A_65 = arith.constant 1 : i32
      %dma_start3A_66 = arith.constant 0 : i32
      %dma_start3A_67 = arith.constant 0 : i32
      %dma_start3A_68 = tpu.memref_slice %arg7[%dma_start3A_65, %dma_start3A_66, %dma_start3A_67] : memref<2x128x128xf32, #tpu.memory_space<vmem>> -> memref<1x64x128xf32, #tpu.memory_space<vmem>>
      %dma_start3A_69 = tpu.memref_squeeze %dma_start3A_68 : memref<1x64x128xf32, #tpu.memory_space<vmem>> -> memref<64x128xf32, #tpu.memory_space<vmem>>
      %dma_start3A_70 = arith.constant 0 : i32
      %dma_start3A_71 = tpu.memref_slice %arg5[%add3A_64, %dma_start3A_70] : memref<40x128xi32, #tpu.memory_space<vmem>> -> memref<1x64xi32, #tpu.memory_space<vmem>>
      %dma_start3A_72 = tpu.memref_squeeze %dma_start3A_71 : memref<1x64xi32, #tpu.memory_space<vmem>> -> memref<64xi32, #tpu.memory_space<vmem>>
      %dma_start3A_73 = arith.constant 0 : i32
      %dma_start3A_74 = arith.constant 0 : i32
      %dma_start3A_75 = tpu.memref_slice %arg3[%dma_start3A_73, %dma_start3A_74] : memref<80000x128xf32, #tpu.memory_space<hbm>> -> memref<80000x128xf32, #tpu.memory_space<hbm>>
      tpu.enqueue_indirect_dma source(%dma_start3A_75 : memref<80000x128xf32, #tpu.memory_space<hbm>>) target(%dma_start3A_69 : memref<64x128xf32, #tpu.memory_space<vmem>>) offsets(%dma_start3A_72 : memref<64xi32, #tpu.memory_space<vmem>>) semaphore(%arg11 : memref<!tpu.dma_semaphore, #tpu.memory_space<semaphore_mem>>)
      %dma_start3A_76 = arith.constant 1 : i32
      %dma_start3A_77 = arith.constant 64 : i32
      %dma_start3A_78 = arith.constant 0 : i32
      %dma_start3A_79 = tpu.memref_slice %arg7[%dma_start3A_76, %dma_start3A_77, %dma_start3A_78] : memref<2x128x128xf32, #tpu.memory_space<vmem>> -> memref<1x64x128xf32, #tpu.memory_space<vmem>>
      %dma_start3A_80 = tpu.memref_squeeze %dma_start3A_79 : memref<1x64x128xf32, #tpu.memory_space<vmem>> -> memref<64x128xf32, #tpu.memory_space<vmem>>
      %dma_start3A_81 = arith.constant 64 : i32
      %dma_start3A_82 = tpu.memref_slice %arg5[%add3A_64, %dma_start3A_81] : memref<40x128xi32, #tpu.memory_space<vmem>> -> memref<1x64xi32, #tpu.memory_space<vmem>>
      %dma_start3A_83 = tpu.memref_squeeze %dma_start3A_82 : memref<1x64xi32, #tpu.memory_space<vmem>> -> memref<64xi32, #tpu.memory_space<vmem>>
      %dma_start3A_84 = arith.constant 0 : i32
      %dma_start3A_85 = arith.constant 0 : i32
      %dma_start3A_86 = tpu.memref_slice %arg3[%dma_start3A_84, %dma_start3A_85] : memref<80000x128xf32, #tpu.memory_space<hbm>> -> memref<80000x128xf32, #tpu.memory_space<hbm>>
      tpu.enqueue_indirect_dma source(%dma_start3A_86 : memref<80000x128xf32, #tpu.memory_space<hbm>>) target(%dma_start3A_80 : memref<64x128xf32, #tpu.memory_space<vmem>>) offsets(%dma_start3A_83 : memref<64xi32, #tpu.memory_space<vmem>>) semaphore(%arg12 : memref<!tpu.dma_semaphore, #tpu.memory_space<semaphore_mem>>)
      %dma_wait3A = arith.constant 0 : i32
      %dma_wait3A_87 = arith.constant 0 : i32
      %dma_wait3A_88 = arith.constant 0 : i32
      %dma_wait3A_89 = tpu.memref_slice %arg7[%dma_wait3A, %dma_wait3A_87, %dma_wait3A_88] : memref<2x128x128xf32, #tpu.memory_space<vmem>> -> memref<1x64x128xf32, #tpu.memory_space<vmem>>
      %dma_wait3A_90 = tpu.memref_squeeze %dma_wait3A_89 : memref<1x64x128xf32, #tpu.memory_space<vmem>> -> memref<64x128xf32, #tpu.memory_space<vmem>>
      %dma_wait3A_91 = arith.constant 0 : i32
      %dma_wait3A_92 = tpu.memref_slice %arg5[%mul3A_62, %dma_wait3A_91] : memref<40x128xi32, #tpu.memory_space<vmem>> -> memref<1x64xi32, #tpu.memory_space<vmem>>
      %dma_wait3A_93 = tpu.memref_squeeze %dma_wait3A_92 : memref<1x64xi32, #tpu.memory_space<vmem>> -> memref<64xi32, #tpu.memory_space<vmem>>
      %dma_wait3A_94 = arith.constant 0 : i32
      %dma_wait3A_95 = arith.constant 0 : i32
      %dma_wait3A_96 = tpu.memref_slice %arg3[%dma_wait3A_94, %dma_wait3A_95] : memref<80000x128xf32, #tpu.memory_space<hbm>> -> memref<80000x128xf32, #tpu.memory_space<hbm>>
      tpu.wait_indirect_dma semaphore(%arg9 : memref<!tpu.dma_semaphore, #tpu.memory_space<semaphore_mem>>) src(%dma_wait3A_96 : memref<80000x128xf32, #tpu.memory_space<hbm>>) dst(%dma_wait3A_90 : memref<64x128xf32, #tpu.memory_space<vmem>>)
      %dma_wait3A_97 = arith.constant 0 : i32
      %dma_wait3A_98 = arith.constant 64 : i32
      %dma_wait3A_99 = arith.constant 0 : i32
      %dma_wait3A_100 = tpu.memref_slice %arg7[%dma_wait3A_97, %dma_wait3A_98, %dma_wait3A_99] : memref<2x128x128xf32, #tpu.memory_space<vmem>> -> memref<1x64x128xf32, #tpu.memory_space<vmem>>
      %dma_wait3A_101 = tpu.memref_squeeze %dma_wait3A_100 : memref<1x64x128xf32, #tpu.memory_space<vmem>> -> memref<64x128xf32, #tpu.memory_space<vmem>>
      %dma_wait3A_102 = arith.constant 64 : i32
      %dma_wait3A_103 = tpu.memref_slice %arg5[%mul3A_62, %dma_wait3A_102] : memref<40x128xi32, #tpu.memory_space<vmem>> -> memref<1x64xi32, #tpu.memory_space<vmem>>
      %dma_wait3A_104 = tpu.memref_squeeze %dma_wait3A_103 : memref<1x64xi32, #tpu.memory_space<vmem>> -> memref<64xi32, #tpu.memory_space<vmem>>
      %dma_wait3A_105 = arith.constant 0 : i32
      %dma_wait3A_106 = arith.constant 0 : i32
      %dma_wait3A_107 = tpu.memref_slice %arg3[%dma_wait3A_105, %dma_wait3A_106] : memref<80000x128xf32, #tpu.memory_space<hbm>> -> memref<80000x128xf32, #tpu.memory_space<hbm>>
      tpu.wait_indirect_dma semaphore(%arg10 : memref<!tpu.dma_semaphore, #tpu.memory_space<semaphore_mem>>) src(%dma_wait3A_107 : memref<80000x128xf32, #tpu.memory_space<hbm>>) dst(%dma_wait3A_101 : memref<64x128xf32, #tpu.memory_space<vmem>>)
      %run_scoped3A_108 = arith.constant 0 : i32
      "tpu.region"() ({
        %run_scoped3A_136 = tpu.sem_alloc : memref<!tpu.dma_semaphore, #tpu.memory_space<semaphore_mem>>
        %dma_start3A_137 = arith.constant 0 : i32
        %dma_start3A_138 = arith.constant 0 : i32
        %dma_start3A_139 = tpu.memref_slice %arg7[%run_scoped3A_108, %dma_start3A_137, %dma_start3A_138] : memref<2x128x128xf32, #tpu.memory_space<vmem>> -> memref<1x128x128xf32, #tpu.memory_space<vmem>>
        %dma_start3A_140 = tpu.memref_squeeze %dma_start3A_139 : memref<1x128x128xf32, #tpu.memory_space<vmem>> -> memref<128x128xf32, #tpu.memory_space<vmem>>
        %dma_start3A_141 = arith.constant 0 : i32
        %dma_start3A_142 = tpu.memref_slice %arg6[%mul3A_62, %dma_start3A_141] : memref<40x128xi32, #tpu.memory_space<vmem>> -> memref<1x128xi32, #tpu.memory_space<vmem>>
        %dma_start3A_143 = tpu.memref_squeeze %dma_start3A_142 : memref<1x128xi32, #tpu.memory_space<vmem>> -> memref<128xi32, #tpu.memory_space<vmem>>
        %dma_start3A_144 = arith.constant 0 : i32
        %dma_start3A_145 = arith.constant 0 : i32
        %dma_start3A_146 = tpu.memref_slice %arg8[%dma_start3A_144, %dma_start3A_145] : memref<10112x128xf32, #tpu.memory_space<vmem_shared>> -> memref<10112x128xf32, #tpu.memory_space<vmem_shared>>
        tpu.enqueue_indirect_dma source(%dma_start3A_140 : memref<128x128xf32, #tpu.memory_space<vmem>>) target(%dma_start3A_146 : memref<10112x128xf32, #tpu.memory_space<vmem_shared>>) offsets(%dma_start3A_143 : memref<128xi32, #tpu.memory_space<vmem>>) semaphore(%run_scoped3A_136 : memref<!tpu.dma_semaphore, #tpu.memory_space<semaphore_mem>>) {add = true}
        %dma_wait3A_147 = arith.constant 0 : i32
        %dma_wait3A_148 = arith.constant 0 : i32
        %dma_wait3A_149 = tpu.memref_slice %arg7[%run_scoped3A_108, %dma_wait3A_147, %dma_wait3A_148] : memref<2x128x128xf32, #tpu.memory_space<vmem>> -> memref<1x128x128xf32, #tpu.memory_space<vmem>>
        %dma_wait3A_150 = tpu.memref_squeeze %dma_wait3A_149 : memref<1x128x128xf32, #tpu.memory_space<vmem>> -> memref<128x128xf32, #tpu.memory_space<vmem>>
        %dma_wait3A_151 = arith.constant 0 : i32
        %dma_wait3A_152 = tpu.memref_slice %arg6[%mul3A_62, %dma_wait3A_151] : memref<40x128xi32, #tpu.memory_space<vmem>> -> memref<1x128xi32, #tpu.memory_space<vmem>>
        %dma_wait3A_153 = tpu.memref_squeeze %dma_wait3A_152 : memref<1x128xi32, #tpu.memory_space<vmem>> -> memref<128xi32, #tpu.memory_space<vmem>>
        %dma_wait3A_154 = arith.constant 0 : i32
        %dma_wait3A_155 = arith.constant 0 : i32
        %dma_wait3A_156 = tpu.memref_slice %arg8[%dma_wait3A_154, %dma_wait3A_155] : memref<10112x128xf32, #tpu.memory_space<vmem_shared>> -> memref<10112x128xf32, #tpu.memory_space<vmem_shared>>
        tpu.wait_indirect_dma semaphore(%run_scoped3A_136 : memref<!tpu.dma_semaphore, #tpu.memory_space<semaphore_mem>>) src(%dma_wait3A_150 : memref<128x128xf32, #tpu.memory_space<vmem>>) dst(%dma_wait3A_156 : memref<10112x128xf32, #tpu.memory_space<vmem_shared>>)
        tpu.yield
      }) : () -> ()
      %add3A_109 = arith.constant 2 : i32
      %add3A_110 = arith.addi %mul3A_62, %add3A_109 : i32
      %lt3A = arith.constant 40 : i32
      %lt3A_111 = arith.cmpi slt, %add3A_110, %lt3A : i32
      %convert_element_type3A = arith.extui %lt3A_111 : i1 to i32
      %cond3A = arith.constant 0 : i32
      %cond3A_112 = arith.cmpi ne, %convert_element_type3A, %cond3A : i32
      scf.if %cond3A_112 {
        %add3A_136 = arith.constant 2 : i32
        %add3A_137 = arith.addi %mul3A_62, %add3A_136 : i32
        %dma_start3A_138 = arith.constant 0 : i32
        %dma_start3A_139 = arith.constant 0 : i32
        %dma_start3A_140 = arith.constant 0 : i32
        %dma_start3A_141 = tpu.memref_slice %arg7[%dma_start3A_138, %dma_start3A_139, %dma_start3A_140] : memref<2x128x128xf32, #tpu.memory_space<vmem>> -> memref<1x64x128xf32, #tpu.memory_space<vmem>>
        %dma_start3A_142 = tpu.memref_squeeze %dma_start3A_141 : memref<1x64x128xf32, #tpu.memory_space<vmem>> -> memref<64x128xf32, #tpu.memory_space<vmem>>
        %dma_start3A_143 = arith.constant 0 : i32
        %dma_start3A_144 = tpu.memref_slice %arg5[%add3A_137, %dma_start3A_143] : memref<40x128xi32, #tpu.memory_space<vmem>> -> memref<1x64xi32, #tpu.memory_space<vmem>>
        %dma_start3A_145 = tpu.memref_squeeze %dma_start3A_144 : memref<1x64xi32, #tpu.memory_space<vmem>> -> memref<64xi32, #tpu.memory_space<vmem>>
        %dma_start3A_146 = arith.constant 0 : i32
        %dma_start3A_147 = arith.constant 0 : i32
        %dma_start3A_148 = tpu.memref_slice %arg3[%dma_start3A_146, %dma_start3A_147] : memref<80000x128xf32, #tpu.memory_space<hbm>> -> memref<80000x128xf32, #tpu.memory_space<hbm>>
        tpu.enqueue_indirect_dma source(%dma_start3A_148 : memref<80000x128xf32, #tpu.memory_space<hbm>>) target(%dma_start3A_142 : memref<64x128xf32, #tpu.memory_space<vmem>>) offsets(%dma_start3A_145 : memref<64xi32, #tpu.memory_space<vmem>>) semaphore(%arg9 : memref<!tpu.dma_semaphore, #tpu.memory_space<semaphore_mem>>)
        %dma_start3A_149 = arith.constant 0 : i32
        %dma_start3A_150 = arith.constant 64 : i32
        %dma_start3A_151 = arith.constant 0 : i32
        %dma_start3A_152 = tpu.memref_slice %arg7[%dma_start3A_149, %dma_start3A_150, %dma_start3A_151] : memref<2x128x128xf32, #tpu.memory_space<vmem>> -> memref<1x64x128xf32, #tpu.memory_space<vmem>>
        %dma_start3A_153 = tpu.memref_squeeze %dma_start3A_152 : memref<1x64x128xf32, #tpu.memory_space<vmem>> -> memref<64x128xf32, #tpu.memory_space<vmem>>
        %dma_start3A_154 = arith.constant 64 : i32
        %dma_start3A_155 = tpu.memref_slice %arg5[%add3A_137, %dma_start3A_154] : memref<40x128xi32, #tpu.memory_space<vmem>> -> memref<1x64xi32, #tpu.memory_space<vmem>>
        %dma_start3A_156 = tpu.memref_squeeze %dma_start3A_155 : memref<1x64xi32, #tpu.memory_space<vmem>> -> memref<64xi32, #tpu.memory_space<vmem>>
        %dma_start3A_157 = arith.constant 0 : i32
        %dma_start3A_158 = arith.constant 0 : i32
        %dma_start3A_159 = tpu.memref_slice %arg3[%dma_start3A_157, %dma_start3A_158] : memref<80000x128xf32, #tpu.memory_space<hbm>> -> memref<80000x128xf32, #tpu.memory_space<hbm>>
        tpu.enqueue_indirect_dma source(%dma_start3A_159 : memref<80000x128xf32, #tpu.memory_space<hbm>>) target(%dma_start3A_153 : memref<64x128xf32, #tpu.memory_space<vmem>>) offsets(%dma_start3A_156 : memref<64xi32, #tpu.memory_space<vmem>>) semaphore(%arg10 : memref<!tpu.dma_semaphore, #tpu.memory_space<semaphore_mem>>)
      } else {
      }
      %dma_wait3A_113 = arith.constant 1 : i32
      %dma_wait3A_114 = arith.constant 0 : i32
      %dma_wait3A_115 = arith.constant 0 : i32
      %dma_wait3A_116 = tpu.memref_slice %arg7[%dma_wait3A_113, %dma_wait3A_114, %dma_wait3A_115] : memref<2x128x128xf32, #tpu.memory_space<vmem>> -> memref<1x64x128xf32, #tpu.memory_space<vmem>>
      %dma_wait3A_117 = tpu.memref_squeeze %dma_wait3A_116 : memref<1x64x128xf32, #tpu.memory_space<vmem>> -> memref<64x128xf32, #tpu.memory_space<vmem>>
      %dma_wait3A_118 = arith.constant 0 : i32
      %dma_wait3A_119 = tpu.memref_slice %arg5[%add3A_64, %dma_wait3A_118] : memref<40x128xi32, #tpu.memory_space<vmem>> -> memref<1x64xi32, #tpu.memory_space<vmem>>
      %dma_wait3A_120 = tpu.memref_squeeze %dma_wait3A_119 : memref<1x64xi32, #tpu.memory_space<vmem>> -> memref<64xi32, #tpu.memory_space<vmem>>
      %dma_wait3A_121 = arith.constant 0 : i32
      %dma_wait3A_122 = arith.constant 0 : i32
      %dma_wait3A_123 = tpu.memref_slice %arg3[%dma_wait3A_121, %dma_wait3A_122] : memref<80000x128xf32, #tpu.memory_space<hbm>> -> memref<80000x128xf32, #tpu.memory_space<hbm>>
      tpu.wait_indirect_dma semaphore(%arg11 : memref<!tpu.dma_semaphore, #tpu.memory_space<semaphore_mem>>) src(%dma_wait3A_123 : memref<80000x128xf32, #tpu.memory_space<hbm>>) dst(%dma_wait3A_117 : memref<64x128xf32, #tpu.memory_space<vmem>>)
      %dma_wait3A_124 = arith.constant 1 : i32
      %dma_wait3A_125 = arith.constant 64 : i32
      %dma_wait3A_126 = arith.constant 0 : i32
      %dma_wait3A_127 = tpu.memref_slice %arg7[%dma_wait3A_124, %dma_wait3A_125, %dma_wait3A_126] : memref<2x128x128xf32, #tpu.memory_space<vmem>> -> memref<1x64x128xf32, #tpu.memory_space<vmem>>
      %dma_wait3A_128 = tpu.memref_squeeze %dma_wait3A_127 : memref<1x64x128xf32, #tpu.memory_space<vmem>> -> memref<64x128xf32, #tpu.memory_space<vmem>>
      %dma_wait3A_129 = arith.constant 64 : i32
      %dma_wait3A_130 = tpu.memref_slice %arg5[%add3A_64, %dma_wait3A_129] : memref<40x128xi32, #tpu.memory_space<vmem>> -> memref<1x64xi32, #tpu.memory_space<vmem>>
      %dma_wait3A_131 = tpu.memref_squeeze %dma_wait3A_130 : memref<1x64xi32, #tpu.memory_space<vmem>> -> memref<64xi32, #tpu.memory_space<vmem>>
      %dma_wait3A_132 = arith.constant 0 : i32
      %dma_wait3A_133 = arith.constant 0 : i32
      %dma_wait3A_134 = tpu.memref_slice %arg3[%dma_wait3A_132, %dma_wait3A_133] : memref<80000x128xf32, #tpu.memory_space<hbm>> -> memref<80000x128xf32, #tpu.memory_space<hbm>>
      tpu.wait_indirect_dma semaphore(%arg12 : memref<!tpu.dma_semaphore, #tpu.memory_space<semaphore_mem>>) src(%dma_wait3A_134 : memref<80000x128xf32, #tpu.memory_space<hbm>>) dst(%dma_wait3A_128 : memref<64x128xf32, #tpu.memory_space<vmem>>)
      %run_scoped3A_135 = arith.constant 1 : i32
      "tpu.region"() ({
        %run_scoped3A_136 = tpu.sem_alloc : memref<!tpu.dma_semaphore, #tpu.memory_space<semaphore_mem>>
        %dma_start3A_137 = arith.constant 0 : i32
        %dma_start3A_138 = arith.constant 0 : i32
        %dma_start3A_139 = tpu.memref_slice %arg7[%run_scoped3A_135, %dma_start3A_137, %dma_start3A_138] : memref<2x128x128xf32, #tpu.memory_space<vmem>> -> memref<1x128x128xf32, #tpu.memory_space<vmem>>
        %dma_start3A_140 = tpu.memref_squeeze %dma_start3A_139 : memref<1x128x128xf32, #tpu.memory_space<vmem>> -> memref<128x128xf32, #tpu.memory_space<vmem>>
        %dma_start3A_141 = arith.constant 0 : i32
        %dma_start3A_142 = tpu.memref_slice %arg6[%add3A_64, %dma_start3A_141] : memref<40x128xi32, #tpu.memory_space<vmem>> -> memref<1x128xi32, #tpu.memory_space<vmem>>
        %dma_start3A_143 = tpu.memref_squeeze %dma_start3A_142 : memref<1x128xi32, #tpu.memory_space<vmem>> -> memref<128xi32, #tpu.memory_space<vmem>>
        %dma_start3A_144 = arith.constant 0 : i32
        %dma_start3A_145 = arith.constant 0 : i32
        %dma_start3A_146 = tpu.memref_slice %arg8[%dma_start3A_144, %dma_start3A_145] : memref<10112x128xf32, #tpu.memory_space<vmem_shared>> -> memref<10112x128xf32, #tpu.memory_space<vmem_shared>>
        tpu.enqueue_indirect_dma source(%dma_start3A_140 : memref<128x128xf32, #tpu.memory_space<vmem>>) target(%dma_start3A_146 : memref<10112x128xf32, #tpu.memory_space<vmem_shared>>) offsets(%dma_start3A_143 : memref<128xi32, #tpu.memory_space<vmem>>) semaphore(%run_scoped3A_136 : memref<!tpu.dma_semaphore, #tpu.memory_space<semaphore_mem>>) {add = true}
        %dma_wait3A_147 = arith.constant 0 : i32
        %dma_wait3A_148 = arith.constant 0 : i32
        %dma_wait3A_149 = tpu.memref_slice %arg7[%run_scoped3A_135, %dma_wait3A_147, %dma_wait3A_148] : memref<2x128x128xf32, #tpu.memory_space<vmem>> -> memref<1x128x128xf32, #tpu.memory_space<vmem>>
        %dma_wait3A_150 = tpu.memref_squeeze %dma_wait3A_149 : memref<1x128x128xf32, #tpu.memory_space<vmem>> -> memref<128x128xf32, #tpu.memory_space<vmem>>
        %dma_wait3A_151 = arith.constant 0 : i32
        %dma_wait3A_152 = tpu.memref_slice %arg6[%add3A_64, %dma_wait3A_151] : memref<40x128xi32, #tpu.memory_space<vmem>> -> memref<1x128xi32, #tpu.memory_space<vmem>>
        %dma_wait3A_153 = tpu.memref_squeeze %dma_wait3A_152 : memref<1x128xi32, #tpu.memory_space<vmem>> -> memref<128xi32, #tpu.memory_space<vmem>>
        %dma_wait3A_154 = arith.constant 0 : i32
        %dma_wait3A_155 = arith.constant 0 : i32
        %dma_wait3A_156 = tpu.memref_slice %arg8[%dma_wait3A_154, %dma_wait3A_155] : memref<10112x128xf32, #tpu.memory_space<vmem_shared>> -> memref<10112x128xf32, #tpu.memory_space<vmem_shared>>
        tpu.wait_indirect_dma semaphore(%run_scoped3A_136 : memref<!tpu.dma_semaphore, #tpu.memory_space<semaphore_mem>>) src(%dma_wait3A_150 : memref<128x128xf32, #tpu.memory_space<vmem>>) dst(%dma_wait3A_156 : memref<10112x128xf32, #tpu.memory_space<vmem_shared>>)
        tpu.yield
      }) : () -> ()
    }
    %scan3A_58 = arith.constant 20 : i32
    %barrier3A_59 = arith.constant 0 : index
    tpu.barrier barrier_id(%barrier3A_59)
    "tpu.region"() ({
      %run_scoped3A_60 = tpu.sem_alloc : memref<!tpu.dma_semaphore, #tpu.memory_space<semaphore_mem>>
      %dma_start3A_61 = arith.constant 0 : i32
      %dma_start3A_62 = tpu.memref_slice %arg4[%arg0, %mul3A_7, %dma_start3A_61] : memref<2x10112x128xf32, #tpu.memory_space<hbm>> -> memref<1x632x128xf32, #tpu.memory_space<hbm>>
      %dma_start3A_63 = tpu.memref_squeeze %dma_start3A_62 : memref<1x632x128xf32, #tpu.memory_space<hbm>> -> memref<632x128xf32, #tpu.memory_space<hbm>>
      %dma_start3A_64 = arith.constant 0 : i32
      %dma_start3A_65 = tpu.memref_slice %arg8[%mul3A_7, %dma_start3A_64] : memref<10112x128xf32, #tpu.memory_space<vmem_shared>> -> memref<632x128xf32, #tpu.memory_space<vmem_shared>>
      tpu.enqueue_dma source(%dma_start3A_65 : memref<632x128xf32, #tpu.memory_space<vmem_shared>>) target(%dma_start3A_63 : memref<632x128xf32, #tpu.memory_space<hbm>>) target_semaphore(%run_scoped3A_60 : memref<!tpu.dma_semaphore, #tpu.memory_space<semaphore_mem>>)
      %dma_wait3A = arith.constant 0 : i32
      %dma_wait3A_66 = tpu.memref_slice %arg4[%arg0, %mul3A_7, %dma_wait3A] : memref<2x10112x128xf32, #tpu.memory_space<hbm>> -> memref<1x632x128xf32, #tpu.memory_space<hbm>>
      %dma_wait3A_67 = tpu.memref_squeeze %dma_wait3A_66 : memref<1x632x128xf32, #tpu.memory_space<hbm>> -> memref<632x128xf32, #tpu.memory_space<hbm>>
      %dma_wait3A_68 = arith.constant 0 : i32
      %dma_wait3A_69 = tpu.memref_slice %arg8[%mul3A_7, %dma_wait3A_68] : memref<10112x128xf32, #tpu.memory_space<vmem_shared>> -> memref<632x128xf32, #tpu.memory_space<vmem_shared>>
      tpu.wait_dma2 semaphore(%run_scoped3A_60 : memref<!tpu.dma_semaphore, #tpu.memory_space<semaphore_mem>>) src(%dma_wait3A_69 : memref<632x128xf32, #tpu.memory_space<vmem_shared>>) dst(%dma_wait3A_67 : memref<632x128xf32, #tpu.memory_space<hbm>>)
      tpu.yield
    }) : () -> ()
    return
  }
}

#map = affine_map<(d0, d1) -> (0, 0)>
#map1 = affine_map<(d0, d1) -> (0, 0, 0)>
module attributes {stable_mosaic.version = 14 : i64} {
  func.func @rgcn_deg_pass(%arg0: i32, %arg1: i32, %arg2: memref<1280x128xi32, #tpu.memory_space<hbm>>, %arg3: memref<2x10112x128xf32, #tpu.memory_space<hbm>>, %arg4: memref<40x128xi32, #tpu.memory_space<vmem>>, %arg5: memref<128x128xf32, #tpu.memory_space<vmem>>, %arg6: memref<10112x128xf32, #tpu.memory_space<vmem_shared>>) attributes {dimension_semantics = [#tpu.dimension_semantics<core_parallel>, #tpu.dimension_semantics<subcore_parallel>], iteration_bounds = array<i64: 2, 16>, scalar_prefetch = 0 : i64, scratch_operands = 3 : i64, tpu.core_type = #tpu.core_type<sc_vector_subcore>, window_params = [{transform_indices = #map}, {transform_indices = #map1}]} {
    %mul3A = arith.constant 16 : i32
    %mul3A_0 = arith.muli %arg0, %mul3A : i32
    %add3A = arith.addi %mul3A_0, %arg1 : i32
    %scan3A = arith.constant 0 : i32
    %scan3A_1 = arith.constant 0 : i32
    %scan3A_2 = arith.constant 128 : i32
    %scan3A_3 = arith.addi %scan3A_1, %scan3A_2 : i32
    %scan3A_4 = arith.constant 1 : i32
    scf.for %scan3A_33 = %scan3A_1 to %scan3A_3 step %scan3A_4  : i32 {
      %broadcast_in_dim3A = arith.constant 0.000000e+00 : f32
      %broadcast_in_dim3A_34 = vector.broadcast %broadcast_in_dim3A : f32 to vector<16xf32>
      %swap3A = arith.index_cast %scan3A_33 : i32 to index
      %swap3A_35 = arith.constant 0 : index
      %swap3A_36 = tpu.vector_load %arg5[%swap3A, %swap3A_35] {strides = array<i32>} : memref<128x128xf32, #tpu.memory_space<vmem>>, vector<1x16xf32>,
      %swap3A_37 = vector.shape_cast %swap3A_36 : vector<1x16xf32> to vector<16xf32>
      %swap3A_38 = vector.shape_cast %broadcast_in_dim3A_34 : vector<16xf32> to vector<1x16xf32>
      tpu.vector_store %arg5[%swap3A, %swap3A_35], %swap3A_38 {strides = array<i32>} : memref<128x128xf32, #tpu.memory_space<vmem>>, vector<1x16xf32>,
      %broadcast_in_dim3A_39 = arith.constant 0.000000e+00 : f32
      %broadcast_in_dim3A_40 = vector.broadcast %broadcast_in_dim3A_39 : f32 to vector<16xf32>
      %swap3A_41 = arith.index_cast %scan3A_33 : i32 to index
      %swap3A_42 = arith.constant 16 : index
      %swap3A_43 = tpu.vector_load %arg5[%swap3A_41, %swap3A_42] {strides = array<i32>} : memref<128x128xf32, #tpu.memory_space<vmem>>, vector<1x16xf32>,
      %swap3A_44 = vector.shape_cast %swap3A_43 : vector<1x16xf32> to vector<16xf32>
      %swap3A_45 = vector.shape_cast %broadcast_in_dim3A_40 : vector<16xf32> to vector<1x16xf32>
      tpu.vector_store %arg5[%swap3A_41, %swap3A_42], %swap3A_45 {strides = array<i32>} : memref<128x128xf32, #tpu.memory_space<vmem>>, vector<1x16xf32>,
      %broadcast_in_dim3A_46 = arith.constant 0.000000e+00 : f32
      %broadcast_in_dim3A_47 = vector.broadcast %broadcast_in_dim3A_46 : f32 to vector<16xf32>
      %swap3A_48 = arith.index_cast %scan3A_33 : i32 to index
      %swap3A_49 = arith.constant 32 : index
      %swap3A_50 = tpu.vector_load %arg5[%swap3A_48, %swap3A_49] {strides = array<i32>} : memref<128x128xf32, #tpu.memory_space<vmem>>, vector<1x16xf32>,
      %swap3A_51 = vector.shape_cast %swap3A_50 : vector<1x16xf32> to vector<16xf32>
      %swap3A_52 = vector.shape_cast %broadcast_in_dim3A_47 : vector<16xf32> to vector<1x16xf32>
      tpu.vector_store %arg5[%swap3A_48, %swap3A_49], %swap3A_52 {strides = array<i32>} : memref<128x128xf32, #tpu.memory_space<vmem>>, vector<1x16xf32>,
      %broadcast_in_dim3A_53 = arith.constant 0.000000e+00 : f32
      %broadcast_in_dim3A_54 = vector.broadcast %broadcast_in_dim3A_53 : f32 to vector<16xf32>
      %swap3A_55 = arith.index_cast %scan3A_33 : i32 to index
      %swap3A_56 = arith.constant 48 : index
      %swap3A_57 = tpu.vector_load %arg5[%swap3A_55, %swap3A_56] {strides = array<i32>} : memref<128x128xf32, #tpu.memory_space<vmem>>, vector<1x16xf32>,
      %swap3A_58 = vector.shape_cast %swap3A_57 : vector<1x16xf32> to vector<16xf32>
      %swap3A_59 = vector.shape_cast %broadcast_in_dim3A_54 : vector<16xf32> to vector<1x16xf32>
      tpu.vector_store %arg5[%swap3A_55, %swap3A_56], %swap3A_59 {strides = array<i32>} : memref<128x128xf32, #tpu.memory_space<vmem>>, vector<1x16xf32>,
      %broadcast_in_dim3A_60 = arith.constant 0.000000e+00 : f32
      %broadcast_in_dim3A_61 = vector.broadcast %broadcast_in_dim3A_60 : f32 to vector<16xf32>
      %swap3A_62 = arith.index_cast %scan3A_33 : i32 to index
      %swap3A_63 = arith.constant 64 : index
      %swap3A_64 = tpu.vector_load %arg5[%swap3A_62, %swap3A_63] {strides = array<i32>} : memref<128x128xf32, #tpu.memory_space<vmem>>, vector<1x16xf32>,
      %swap3A_65 = vector.shape_cast %swap3A_64 : vector<1x16xf32> to vector<16xf32>
      %swap3A_66 = vector.shape_cast %broadcast_in_dim3A_61 : vector<16xf32> to vector<1x16xf32>
      tpu.vector_store %arg5[%swap3A_62, %swap3A_63], %swap3A_66 {strides = array<i32>} : memref<128x128xf32, #tpu.memory_space<vmem>>, vector<1x16xf32>,
      %broadcast_in_dim3A_67 = arith.constant 0.000000e+00 : f32
      %broadcast_in_dim3A_68 = vector.broadcast %broadcast_in_dim3A_67 : f32 to vector<16xf32>
      %swap3A_69 = arith.index_cast %scan3A_33 : i32 to index
      %swap3A_70 = arith.constant 80 : index
      %swap3A_71 = tpu.vector_load %arg5[%swap3A_69, %swap3A_70] {strides = array<i32>} : memref<128x128xf32, #tpu.memory_space<vmem>>, vector<1x16xf32>,
      %swap3A_72 = vector.shape_cast %swap3A_71 : vector<1x16xf32> to vector<16xf32>
      %swap3A_73 = vector.shape_cast %broadcast_in_dim3A_68 : vector<16xf32> to vector<1x16xf32>
      tpu.vector_store %arg5[%swap3A_69, %swap3A_70], %swap3A_73 {strides = array<i32>} : memref<128x128xf32, #tpu.memory_space<vmem>>, vector<1x16xf32>,
      %broadcast_in_dim3A_74 = arith.constant 0.000000e+00 : f32
      %broadcast_in_dim3A_75 = vector.broadcast %broadcast_in_dim3A_74 : f32 to vector<16xf32>
      %swap3A_76 = arith.index_cast %scan3A_33 : i32 to index
      %swap3A_77 = arith.constant 96 : index
      %swap3A_78 = tpu.vector_load %arg5[%swap3A_76, %swap3A_77] {strides = array<i32>} : memref<128x128xf32, #tpu.memory_space<vmem>>, vector<1x16xf32>,
      %swap3A_79 = vector.shape_cast %swap3A_78 : vector<1x16xf32> to vector<16xf32>
      %swap3A_80 = vector.shape_cast %broadcast_in_dim3A_75 : vector<16xf32> to vector<1x16xf32>
      tpu.vector_store %arg5[%swap3A_76, %swap3A_77], %swap3A_80 {strides = array<i32>} : memref<128x128xf32, #tpu.memory_space<vmem>>, vector<1x16xf32>,
      %broadcast_in_dim3A_81 = arith.constant 0.000000e+00 : f32
      %broadcast_in_dim3A_82 = vector.broadcast %broadcast_in_dim3A_81 : f32 to vector<16xf32>
      %swap3A_83 = arith.index_cast %scan3A_33 : i32 to index
      %swap3A_84 = arith.constant 112 : index
      %swap3A_85 = tpu.vector_load %arg5[%swap3A_83, %swap3A_84] {strides = array<i32>} : memref<128x128xf32, #tpu.memory_space<vmem>>, vector<1x16xf32>,
      %swap3A_86 = vector.shape_cast %swap3A_85 : vector<1x16xf32> to vector<16xf32>
      %swap3A_87 = vector.shape_cast %broadcast_in_dim3A_82 : vector<16xf32> to vector<1x16xf32>
      tpu.vector_store %arg5[%swap3A_83, %swap3A_84], %swap3A_87 {strides = array<i32>} : memref<128x128xf32, #tpu.memory_space<vmem>>, vector<1x16xf32>,
    }
    %scan3A_5 = arith.constant 128 : i32
    %mul3A_6 = arith.constant 632 : i32
    %mul3A_7 = arith.muli %arg1, %mul3A_6 : i32
    %add3A_8 = arith.constant 0 : i32
    %add3A_9 = arith.addi %mul3A_7, %add3A_8 : i32
    "tpu.region"() ({
      %run_scoped3A = tpu.sem_alloc : memref<!tpu.dma_semaphore, #tpu.memory_space<semaphore_mem>>
      %dma_start3A = arith.constant 0 : i32
      %dma_start3A_33 = tpu.memref_slice %arg6[%add3A_9, %dma_start3A] : memref<10112x128xf32, #tpu.memory_space<vmem_shared>> -> memref<128x128xf32, #tpu.memory_space<vmem_shared>>
      %dma_start3A_34 = arith.constant 0 : i32
      %dma_start3A_35 = tpu.memref_slice %arg6[%add3A_9, %dma_start3A_34] : memref<10112x128xf32, #tpu.memory_space<vmem_shared>> -> memref<128x128xf32, #tpu.memory_space<vmem_shared>>
      tpu.enqueue_dma source(%arg5 : memref<128x128xf32, #tpu.memory_space<vmem>>) target(%dma_start3A_35 : memref<128x128xf32, #tpu.memory_space<vmem_shared>>) target_semaphore(%run_scoped3A : memref<!tpu.dma_semaphore, #tpu.memory_space<semaphore_mem>>)
      %dma_wait3A = arith.constant 0 : i32
      %dma_wait3A_36 = tpu.memref_slice %arg6[%add3A_9, %dma_wait3A] : memref<10112x128xf32, #tpu.memory_space<vmem_shared>> -> memref<128x128xf32, #tpu.memory_space<vmem_shared>>
      %dma_wait3A_37 = arith.constant 0 : i32
      %dma_wait3A_38 = tpu.memref_slice %arg6[%add3A_9, %dma_wait3A_37] : memref<10112x128xf32, #tpu.memory_space<vmem_shared>> -> memref<128x128xf32, #tpu.memory_space<vmem_shared>>
      tpu.wait_dma2 semaphore(%run_scoped3A : memref<!tpu.dma_semaphore, #tpu.memory_space<semaphore_mem>>) src(%arg5 : memref<128x128xf32, #tpu.memory_space<vmem>>) dst(%dma_wait3A_38 : memref<128x128xf32, #tpu.memory_space<vmem_shared>>)
      tpu.yield
    }) : () -> ()
    %add3A_10 = arith.constant 128 : i32
    %add3A_11 = arith.addi %mul3A_7, %add3A_10 : i32
    "tpu.region"() ({
      %run_scoped3A = tpu.sem_alloc : memref<!tpu.dma_semaphore, #tpu.memory_space<semaphore_mem>>
      %dma_start3A = arith.constant 0 : i32
      %dma_start3A_33 = tpu.memref_slice %arg6[%add3A_11, %dma_start3A] : memref<10112x128xf32, #tpu.memory_space<vmem_shared>> -> memref<128x128xf32, #tpu.memory_space<vmem_shared>>
      %dma_start3A_34 = arith.constant 0 : i32
      %dma_start3A_35 = tpu.memref_slice %arg6[%add3A_11, %dma_start3A_34] : memref<10112x128xf32, #tpu.memory_space<vmem_shared>> -> memref<128x128xf32, #tpu.memory_space<vmem_shared>>
      tpu.enqueue_dma source(%arg5 : memref<128x128xf32, #tpu.memory_space<vmem>>) target(%dma_start3A_35 : memref<128x128xf32, #tpu.memory_space<vmem_shared>>) target_semaphore(%run_scoped3A : memref<!tpu.dma_semaphore, #tpu.memory_space<semaphore_mem>>)
      %dma_wait3A = arith.constant 0 : i32
      %dma_wait3A_36 = tpu.memref_slice %arg6[%add3A_11, %dma_wait3A] : memref<10112x128xf32, #tpu.memory_space<vmem_shared>> -> memref<128x128xf32, #tpu.memory_space<vmem_shared>>
      %dma_wait3A_37 = arith.constant 0 : i32
      %dma_wait3A_38 = tpu.memref_slice %arg6[%add3A_11, %dma_wait3A_37] : memref<10112x128xf32, #tpu.memory_space<vmem_shared>> -> memref<128x128xf32, #tpu.memory_space<vmem_shared>>
      tpu.wait_dma2 semaphore(%run_scoped3A : memref<!tpu.dma_semaphore, #tpu.memory_space<semaphore_mem>>) src(%arg5 : memref<128x128xf32, #tpu.memory_space<vmem>>) dst(%dma_wait3A_38 : memref<128x128xf32, #tpu.memory_space<vmem_shared>>)
      tpu.yield
    }) : () -> ()
    %add3A_12 = arith.constant 256 : i32
    %add3A_13 = arith.addi %mul3A_7, %add3A_12 : i32
    "tpu.region"() ({
      %run_scoped3A = tpu.sem_alloc : memref<!tpu.dma_semaphore, #tpu.memory_space<semaphore_mem>>
      %dma_start3A = arith.constant 0 : i32
      %dma_start3A_33 = tpu.memref_slice %arg6[%add3A_13, %dma_start3A] : memref<10112x128xf32, #tpu.memory_space<vmem_shared>> -> memref<128x128xf32, #tpu.memory_space<vmem_shared>>
      %dma_start3A_34 = arith.constant 0 : i32
      %dma_start3A_35 = tpu.memref_slice %arg6[%add3A_13, %dma_start3A_34] : memref<10112x128xf32, #tpu.memory_space<vmem_shared>> -> memref<128x128xf32, #tpu.memory_space<vmem_shared>>
      tpu.enqueue_dma source(%arg5 : memref<128x128xf32, #tpu.memory_space<vmem>>) target(%dma_start3A_35 : memref<128x128xf32, #tpu.memory_space<vmem_shared>>) target_semaphore(%run_scoped3A : memref<!tpu.dma_semaphore, #tpu.memory_space<semaphore_mem>>)
      %dma_wait3A = arith.constant 0 : i32
      %dma_wait3A_36 = tpu.memref_slice %arg6[%add3A_13, %dma_wait3A] : memref<10112x128xf32, #tpu.memory_space<vmem_shared>> -> memref<128x128xf32, #tpu.memory_space<vmem_shared>>
      %dma_wait3A_37 = arith.constant 0 : i32
      %dma_wait3A_38 = tpu.memref_slice %arg6[%add3A_13, %dma_wait3A_37] : memref<10112x128xf32, #tpu.memory_space<vmem_shared>> -> memref<128x128xf32, #tpu.memory_space<vmem_shared>>
      tpu.wait_dma2 semaphore(%run_scoped3A : memref<!tpu.dma_semaphore, #tpu.memory_space<semaphore_mem>>) src(%arg5 : memref<128x128xf32, #tpu.memory_space<vmem>>) dst(%dma_wait3A_38 : memref<128x128xf32, #tpu.memory_space<vmem_shared>>)
      tpu.yield
    }) : () -> ()
    %add3A_14 = arith.constant 384 : i32
    %add3A_15 = arith.addi %mul3A_7, %add3A_14 : i32
    "tpu.region"() ({
      %run_scoped3A = tpu.sem_alloc : memref<!tpu.dma_semaphore, #tpu.memory_space<semaphore_mem>>
      %dma_start3A = arith.constant 0 : i32
      %dma_start3A_33 = tpu.memref_slice %arg6[%add3A_15, %dma_start3A] : memref<10112x128xf32, #tpu.memory_space<vmem_shared>> -> memref<128x128xf32, #tpu.memory_space<vmem_shared>>
      %dma_start3A_34 = arith.constant 0 : i32
      %dma_start3A_35 = tpu.memref_slice %arg6[%add3A_15, %dma_start3A_34] : memref<10112x128xf32, #tpu.memory_space<vmem_shared>> -> memref<128x128xf32, #tpu.memory_space<vmem_shared>>
      tpu.enqueue_dma source(%arg5 : memref<128x128xf32, #tpu.memory_space<vmem>>) target(%dma_start3A_35 : memref<128x128xf32, #tpu.memory_space<vmem_shared>>) target_semaphore(%run_scoped3A : memref<!tpu.dma_semaphore, #tpu.memory_space<semaphore_mem>>)
      %dma_wait3A = arith.constant 0 : i32
      %dma_wait3A_36 = tpu.memref_slice %arg6[%add3A_15, %dma_wait3A] : memref<10112x128xf32, #tpu.memory_space<vmem_shared>> -> memref<128x128xf32, #tpu.memory_space<vmem_shared>>
      %dma_wait3A_37 = arith.constant 0 : i32
      %dma_wait3A_38 = tpu.memref_slice %arg6[%add3A_15, %dma_wait3A_37] : memref<10112x128xf32, #tpu.memory_space<vmem_shared>> -> memref<128x128xf32, #tpu.memory_space<vmem_shared>>
      tpu.wait_dma2 semaphore(%run_scoped3A : memref<!tpu.dma_semaphore, #tpu.memory_space<semaphore_mem>>) src(%arg5 : memref<128x128xf32, #tpu.memory_space<vmem>>) dst(%dma_wait3A_38 : memref<128x128xf32, #tpu.memory_space<vmem_shared>>)
      tpu.yield
    }) : () -> ()
    %add3A_16 = arith.constant 512 : i32
    %add3A_17 = arith.addi %mul3A_7, %add3A_16 : i32
    "tpu.region"() ({
      %run_scoped3A = tpu.sem_alloc : memref<!tpu.dma_semaphore, #tpu.memory_space<semaphore_mem>>
      %dma_start3A = arith.constant 0 : i32
      %dma_start3A_33 = arith.constant 0 : i32
      %dma_start3A_34 = tpu.memref_slice %arg5[%dma_start3A, %dma_start3A_33] : memref<128x128xf32, #tpu.memory_space<vmem>> -> memref<120x128xf32, #tpu.memory_space<vmem>>
      %dma_start3A_35 = arith.constant 0 : i32
      %dma_start3A_36 = tpu.memref_slice %arg6[%add3A_17, %dma_start3A_35] : memref<10112x128xf32, #tpu.memory_space<vmem_shared>> -> memref<120x128xf32, #tpu.memory_space<vmem_shared>>
      %dma_start3A_37 = arith.constant 0 : i32
      %dma_start3A_38 = tpu.memref_slice %arg6[%add3A_17, %dma_start3A_37] : memref<10112x128xf32, #tpu.memory_space<vmem_shared>> -> memref<120x128xf32, #tpu.memory_space<vmem_shared>>
      %dma_start3A_39 = arith.constant 0 : i32
      %dma_start3A_40 = arith.constant 0 : i32
      %dma_start3A_41 = tpu.memref_slice %arg5[%dma_start3A_39, %dma_start3A_40] : memref<128x128xf32, #tpu.memory_space<vmem>> -> memref<120x128xf32, #tpu.memory_space<vmem>>
      tpu.enqueue_dma source(%dma_start3A_41 : memref<120x128xf32, #tpu.memory_space<vmem>>) target(%dma_start3A_38 : memref<120x128xf32, #tpu.memory_space<vmem_shared>>) target_semaphore(%run_scoped3A : memref<!tpu.dma_semaphore, #tpu.memory_space<semaphore_mem>>)
      %dma_wait3A = arith.constant 0 : i32
      %dma_wait3A_42 = arith.constant 0 : i32
      %dma_wait3A_43 = tpu.memref_slice %arg5[%dma_wait3A, %dma_wait3A_42] : memref<128x128xf32, #tpu.memory_space<vmem>> -> memref<120x128xf32, #tpu.memory_space<vmem>>
      %dma_wait3A_44 = arith.constant 0 : i32
      %dma_wait3A_45 = tpu.memref_slice %arg6[%add3A_17, %dma_wait3A_44] : memref<10112x128xf32, #tpu.memory_space<vmem_shared>> -> memref<120x128xf32, #tpu.memory_space<vmem_shared>>
      %dma_wait3A_46 = arith.constant 0 : i32
      %dma_wait3A_47 = tpu.memref_slice %arg6[%add3A_17, %dma_wait3A_46] : memref<10112x128xf32, #tpu.memory_space<vmem_shared>> -> memref<120x128xf32, #tpu.memory_space<vmem_shared>>
      %dma_wait3A_48 = arith.constant 0 : i32
      %dma_wait3A_49 = arith.constant 0 : i32
      %dma_wait3A_50 = tpu.memref_slice %arg5[%dma_wait3A_48, %dma_wait3A_49] : memref<128x128xf32, #tpu.memory_space<vmem>> -> memref<120x128xf32, #tpu.memory_space<vmem>>
      tpu.wait_dma2 semaphore(%run_scoped3A : memref<!tpu.dma_semaphore, #tpu.memory_space<semaphore_mem>>) src(%dma_wait3A_50 : memref<120x128xf32, #tpu.memory_space<vmem>>) dst(%dma_wait3A_47 : memref<120x128xf32, #tpu.memory_space<vmem_shared>>)
      tpu.yield
    }) : () -> ()
    %barrier3A = arith.constant 0 : index
    tpu.barrier barrier_id(%barrier3A)
    %scan3A_18 = arith.constant 0 : i32
    %scan3A_19 = arith.constant 0 : i32
    %scan3A_20 = arith.constant 128 : i32
    %scan3A_21 = arith.addi %scan3A_19, %scan3A_20 : i32
    %scan3A_22 = arith.constant 1 : i32
    scf.for %scan3A_33 = %scan3A_19 to %scan3A_21 step %scan3A_22  : i32 {
      %broadcast_in_dim3A = arith.constant 1.000000e+00 : f32
      %broadcast_in_dim3A_34 = vector.broadcast %broadcast_in_dim3A : f32 to vector<16xf32>
      %swap3A = arith.index_cast %scan3A_33 : i32 to index
      %swap3A_35 = arith.constant 0 : index
      %swap3A_36 = tpu.vector_load %arg5[%swap3A, %swap3A_35] {strides = array<i32>} : memref<128x128xf32, #tpu.memory_space<vmem>>, vector<1x16xf32>,
      %swap3A_37 = vector.shape_cast %swap3A_36 : vector<1x16xf32> to vector<16xf32>
      %swap3A_38 = vector.shape_cast %broadcast_in_dim3A_34 : vector<16xf32> to vector<1x16xf32>
      tpu.vector_store %arg5[%swap3A, %swap3A_35], %swap3A_38 {strides = array<i32>} : memref<128x128xf32, #tpu.memory_space<vmem>>, vector<1x16xf32>,
      %broadcast_in_dim3A_39 = arith.constant 1.000000e+00 : f32
      %broadcast_in_dim3A_40 = vector.broadcast %broadcast_in_dim3A_39 : f32 to vector<16xf32>
      %swap3A_41 = arith.index_cast %scan3A_33 : i32 to index
      %swap3A_42 = arith.constant 16 : index
      %swap3A_43 = tpu.vector_load %arg5[%swap3A_41, %swap3A_42] {strides = array<i32>} : memref<128x128xf32, #tpu.memory_space<vmem>>, vector<1x16xf32>,
      %swap3A_44 = vector.shape_cast %swap3A_43 : vector<1x16xf32> to vector<16xf32>
      %swap3A_45 = vector.shape_cast %broadcast_in_dim3A_40 : vector<16xf32> to vector<1x16xf32>
      tpu.vector_store %arg5[%swap3A_41, %swap3A_42], %swap3A_45 {strides = array<i32>} : memref<128x128xf32, #tpu.memory_space<vmem>>, vector<1x16xf32>,
      %broadcast_in_dim3A_46 = arith.constant 1.000000e+00 : f32
      %broadcast_in_dim3A_47 = vector.broadcast %broadcast_in_dim3A_46 : f32 to vector<16xf32>
      %swap3A_48 = arith.index_cast %scan3A_33 : i32 to index
      %swap3A_49 = arith.constant 32 : index
      %swap3A_50 = tpu.vector_load %arg5[%swap3A_48, %swap3A_49] {strides = array<i32>} : memref<128x128xf32, #tpu.memory_space<vmem>>, vector<1x16xf32>,
      %swap3A_51 = vector.shape_cast %swap3A_50 : vector<1x16xf32> to vector<16xf32>
      %swap3A_52 = vector.shape_cast %broadcast_in_dim3A_47 : vector<16xf32> to vector<1x16xf32>
      tpu.vector_store %arg5[%swap3A_48, %swap3A_49], %swap3A_52 {strides = array<i32>} : memref<128x128xf32, #tpu.memory_space<vmem>>, vector<1x16xf32>,
      %broadcast_in_dim3A_53 = arith.constant 1.000000e+00 : f32
      %broadcast_in_dim3A_54 = vector.broadcast %broadcast_in_dim3A_53 : f32 to vector<16xf32>
      %swap3A_55 = arith.index_cast %scan3A_33 : i32 to index
      %swap3A_56 = arith.constant 48 : index
      %swap3A_57 = tpu.vector_load %arg5[%swap3A_55, %swap3A_56] {strides = array<i32>} : memref<128x128xf32, #tpu.memory_space<vmem>>, vector<1x16xf32>,
      %swap3A_58 = vector.shape_cast %swap3A_57 : vector<1x16xf32> to vector<16xf32>
      %swap3A_59 = vector.shape_cast %broadcast_in_dim3A_54 : vector<16xf32> to vector<1x16xf32>
      tpu.vector_store %arg5[%swap3A_55, %swap3A_56], %swap3A_59 {strides = array<i32>} : memref<128x128xf32, #tpu.memory_space<vmem>>, vector<1x16xf32>,
      %broadcast_in_dim3A_60 = arith.constant 1.000000e+00 : f32
      %broadcast_in_dim3A_61 = vector.broadcast %broadcast_in_dim3A_60 : f32 to vector<16xf32>
      %swap3A_62 = arith.index_cast %scan3A_33 : i32 to index
      %swap3A_63 = arith.constant 64 : index
      %swap3A_64 = tpu.vector_load %arg5[%swap3A_62, %swap3A_63] {strides = array<i32>} : memref<128x128xf32, #tpu.memory_space<vmem>>, vector<1x16xf32>,
      %swap3A_65 = vector.shape_cast %swap3A_64 : vector<1x16xf32> to vector<16xf32>
      %swap3A_66 = vector.shape_cast %broadcast_in_dim3A_61 : vector<16xf32> to vector<1x16xf32>
      tpu.vector_store %arg5[%swap3A_62, %swap3A_63], %swap3A_66 {strides = array<i32>} : memref<128x128xf32, #tpu.memory_space<vmem>>, vector<1x16xf32>,
      %broadcast_in_dim3A_67 = arith.constant 1.000000e+00 : f32
      %broadcast_in_dim3A_68 = vector.broadcast %broadcast_in_dim3A_67 : f32 to vector<16xf32>
      %swap3A_69 = arith.index_cast %scan3A_33 : i32 to index
      %swap3A_70 = arith.constant 80 : index
      %swap3A_71 = tpu.vector_load %arg5[%swap3A_69, %swap3A_70] {strides = array<i32>} : memref<128x128xf32, #tpu.memory_space<vmem>>, vector<1x16xf32>,
      %swap3A_72 = vector.shape_cast %swap3A_71 : vector<1x16xf32> to vector<16xf32>
      %swap3A_73 = vector.shape_cast %broadcast_in_dim3A_68 : vector<16xf32> to vector<1x16xf32>
      tpu.vector_store %arg5[%swap3A_69, %swap3A_70], %swap3A_73 {strides = array<i32>} : memref<128x128xf32, #tpu.memory_space<vmem>>, vector<1x16xf32>,
      %broadcast_in_dim3A_74 = arith.constant 1.000000e+00 : f32
      %broadcast_in_dim3A_75 = vector.broadcast %broadcast_in_dim3A_74 : f32 to vector<16xf32>
      %swap3A_76 = arith.index_cast %scan3A_33 : i32 to index
      %swap3A_77 = arith.constant 96 : index
      %swap3A_78 = tpu.vector_load %arg5[%swap3A_76, %swap3A_77] {strides = array<i32>} : memref<128x128xf32, #tpu.memory_space<vmem>>, vector<1x16xf32>,
      %swap3A_79 = vector.shape_cast %swap3A_78 : vector<1x16xf32> to vector<16xf32>
      %swap3A_80 = vector.shape_cast %broadcast_in_dim3A_75 : vector<16xf32> to vector<1x16xf32>
      tpu.vector_store %arg5[%swap3A_76, %swap3A_77], %swap3A_80 {strides = array<i32>} : memref<128x128xf32, #tpu.memory_space<vmem>>, vector<1x16xf32>,
      %broadcast_in_dim3A_81 = arith.constant 1.000000e+00 : f32
      %broadcast_in_dim3A_82 = vector.broadcast %broadcast_in_dim3A_81 : f32 to vector<16xf32>
      %swap3A_83 = arith.index_cast %scan3A_33 : i32 to index
      %swap3A_84 = arith.constant 112 : index
      %swap3A_85 = tpu.vector_load %arg5[%swap3A_83, %swap3A_84] {strides = array<i32>} : memref<128x128xf32, #tpu.memory_space<vmem>>, vector<1x16xf32>,
      %swap3A_86 = vector.shape_cast %swap3A_85 : vector<1x16xf32> to vector<16xf32>
      %swap3A_87 = vector.shape_cast %broadcast_in_dim3A_82 : vector<16xf32> to vector<1x16xf32>
      tpu.vector_store %arg5[%swap3A_83, %swap3A_84], %swap3A_87 {strides = array<i32>} : memref<128x128xf32, #tpu.memory_space<vmem>>, vector<1x16xf32>,
    }
    %scan3A_23 = arith.constant 128 : i32
    %mul3A_24 = arith.constant 40 : i32
    %mul3A_25 = arith.muli %add3A, %mul3A_24 : i32
    "tpu.region"() ({
      %run_scoped3A = tpu.sem_alloc : memref<!tpu.dma_semaphore, #tpu.memory_space<semaphore_mem>>
      %dma_start3A = arith.constant 0 : i32
      %dma_start3A_33 = tpu.memref_slice %arg2[%mul3A_25, %dma_start3A] : memref<1280x128xi32, #tpu.memory_space<hbm>> -> memref<40x128xi32, #tpu.memory_space<hbm>>
      %dma_start3A_34 = arith.constant 0 : i32
      %dma_start3A_35 = tpu.memref_slice %arg2[%mul3A_25, %dma_start3A_34] : memref<1280x128xi32, #tpu.memory_space<hbm>> -> memref<40x128xi32, #tpu.memory_space<hbm>>
      tpu.enqueue_dma source(%dma_start3A_35 : memref<40x128xi32, #tpu.memory_space<hbm>>) target(%arg4 : memref<40x128xi32, #tpu.memory_space<vmem>>) target_semaphore(%run_scoped3A : memref<!tpu.dma_semaphore, #tpu.memory_space<semaphore_mem>>)
      %dma_wait3A = arith.constant 0 : i32
      %dma_wait3A_36 = tpu.memref_slice %arg2[%mul3A_25, %dma_wait3A] : memref<1280x128xi32, #tpu.memory_space<hbm>> -> memref<40x128xi32, #tpu.memory_space<hbm>>
      %dma_wait3A_37 = arith.constant 0 : i32
      %dma_wait3A_38 = tpu.memref_slice %arg2[%mul3A_25, %dma_wait3A_37] : memref<1280x128xi32, #tpu.memory_space<hbm>> -> memref<40x128xi32, #tpu.memory_space<hbm>>
      tpu.wait_dma2 semaphore(%run_scoped3A : memref<!tpu.dma_semaphore, #tpu.memory_space<semaphore_mem>>) src(%dma_wait3A_38 : memref<40x128xi32, #tpu.memory_space<hbm>>) dst(%arg4 : memref<40x128xi32, #tpu.memory_space<vmem>>)
      tpu.yield
    }) : () -> ()
    %scan3A_26 = arith.constant 0 : i32
    %scan3A_27 = arith.constant 0 : i32
    %scan3A_28 = arith.constant 40 : i32
    %scan3A_29 = arith.addi %scan3A_27, %scan3A_28 : i32
    %scan3A_30 = arith.constant 1 : i32
    scf.for %scan3A_33 = %scan3A_27 to %scan3A_29 step %scan3A_30  : i32 {
      "tpu.region"() ({
        %run_scoped3A = tpu.sem_alloc : memref<!tpu.dma_semaphore, #tpu.memory_space<semaphore_mem>>
        %dma_start3A = arith.constant 0 : i32
        %dma_start3A_34 = tpu.memref_slice %arg4[%scan3A_33, %dma_start3A] : memref<40x128xi32, #tpu.memory_space<vmem>> -> memref<1x128xi32, #tpu.memory_space<vmem>>
        %dma_start3A_35 = tpu.memref_squeeze %dma_start3A_34 : memref<1x128xi32, #tpu.memory_space<vmem>> -> memref<128xi32, #tpu.memory_space<vmem>>
        %dma_start3A_36 = arith.constant 0 : i32
        %dma_start3A_37 = arith.constant 0 : i32
        %dma_start3A_38 = tpu.memref_slice %arg6[%dma_start3A_36, %dma_start3A_37] : memref<10112x128xf32, #tpu.memory_space<vmem_shared>> -> memref<10112x128xf32, #tpu.memory_space<vmem_shared>>
        tpu.enqueue_indirect_dma source(%arg5 : memref<128x128xf32, #tpu.memory_space<vmem>>) target(%dma_start3A_38 : memref<10112x128xf32, #tpu.memory_space<vmem_shared>>) offsets(%dma_start3A_35 : memref<128xi32, #tpu.memory_space<vmem>>) semaphore(%run_scoped3A : memref<!tpu.dma_semaphore, #tpu.memory_space<semaphore_mem>>) {add = true}
        %dma_wait3A = arith.constant 0 : i32
        %dma_wait3A_39 = tpu.memref_slice %arg4[%scan3A_33, %dma_wait3A] : memref<40x128xi32, #tpu.memory_space<vmem>> -> memref<1x128xi32, #tpu.memory_space<vmem>>
        %dma_wait3A_40 = tpu.memref_squeeze %dma_wait3A_39 : memref<1x128xi32, #tpu.memory_space<vmem>> -> memref<128xi32, #tpu.memory_space<vmem>>
        %dma_wait3A_41 = arith.constant 0 : i32
        %dma_wait3A_42 = arith.constant 0 : i32
        %dma_wait3A_43 = tpu.memref_slice %arg6[%dma_wait3A_41, %dma_wait3A_42] : memref<10112x128xf32, #tpu.memory_space<vmem_shared>> -> memref<10112x128xf32, #tpu.memory_space<vmem_shared>>
        tpu.wait_indirect_dma semaphore(%run_scoped3A : memref<!tpu.dma_semaphore, #tpu.memory_space<semaphore_mem>>) src(%arg5 : memref<128x128xf32, #tpu.memory_space<vmem>>) dst(%dma_wait3A_43 : memref<10112x128xf32, #tpu.memory_space<vmem_shared>>)
        tpu.yield
      }) : () -> ()
    }
    %scan3A_31 = arith.constant 40 : i32
    %barrier3A_32 = arith.constant 0 : index
    tpu.barrier barrier_id(%barrier3A_32)
    "tpu.region"() ({
      %run_scoped3A = tpu.sem_alloc : memref<!tpu.dma_semaphore, #tpu.memory_space<semaphore_mem>>
      %dma_start3A = arith.constant 0 : i32
      %dma_start3A_33 = tpu.memref_slice %arg3[%arg0, %mul3A_7, %dma_start3A] : memref<2x10112x128xf32, #tpu.memory_space<hbm>> -> memref<1x632x128xf32, #tpu.memory_space<hbm>>
      %dma_start3A_34 = tpu.memref_squeeze %dma_start3A_33 : memref<1x632x128xf32, #tpu.memory_space<hbm>> -> memref<632x128xf32, #tpu.memory_space<hbm>>
      %dma_start3A_35 = arith.constant 0 : i32
      %dma_start3A_36 = tpu.memref_slice %arg6[%mul3A_7, %dma_start3A_35] : memref<10112x128xf32, #tpu.memory_space<vmem_shared>> -> memref<632x128xf32, #tpu.memory_space<vmem_shared>>
      tpu.enqueue_dma source(%dma_start3A_36 : memref<632x128xf32, #tpu.memory_space<vmem_shared>>) target(%dma_start3A_34 : memref<632x128xf32, #tpu.memory_space<hbm>>) target_semaphore(%run_scoped3A : memref<!tpu.dma_semaphore, #tpu.memory_space<semaphore_mem>>)
      %dma_wait3A = arith.constant 0 : i32
      %dma_wait3A_37 = tpu.memref_slice %arg3[%arg0, %mul3A_7, %dma_wait3A] : memref<2x10112x128xf32, #tpu.memory_space<hbm>> -> memref<1x632x128xf32, #tpu.memory_space<hbm>>
      %dma_wait3A_38 = tpu.memref_squeeze %dma_wait3A_37 : memref<1x632x128xf32, #tpu.memory_space<hbm>> -> memref<632x128xf32, #tpu.memory_space<hbm>>
      %dma_wait3A_39 = arith.constant 0 : i32
      %dma_wait3A_40 = tpu.memref_slice %arg6[%mul3A_7, %dma_wait3A_39] : memref<10112x128xf32, #tpu.memory_space<vmem_shared>> -> memref<632x128xf32, #tpu.memory_space<vmem_shared>>
      tpu.wait_dma2 semaphore(%run_scoped3A : memref<!tpu.dma_semaphore, #tpu.memory_space<semaphore_mem>>) src(%dma_wait3A_40 : memref<632x128xf32, #tpu.memory_space<vmem_shared>>) dst(%dma_wait3A_38 : memref<632x128xf32, #tpu.memory_space<hbm>>)
      tpu.yield
    }) : () -> ()
    return
  }
}

#map = affine_map<(d0, d1) -> (0, 0)>
#map1 = affine_map<(d0, d1) -> (0, 0, 0)>
module attributes {stable_mosaic.version = 14 : i64} {
  func.func @rgcn_acc_pass(%arg0: i32, %arg1: i32, %arg2: memref<1280x128xi32, #tpu.memory_space<hbm>>, %arg3: memref<80000x128xf32, #tpu.memory_space<hbm>>, %arg4: memref<2x10112x128xf32, #tpu.memory_space<hbm>>, %arg5: memref<40x128xi32, #tpu.memory_space<vmem>>, %arg6: memref<40x128xi32, #tpu.memory_space<vmem>>, %arg7: memref<2x128x128xf32, #tpu.memory_space<vmem>>, %arg8: memref<10112x128xf32, #tpu.memory_space<vmem_shared>>, %arg9: memref<!tpu.dma_semaphore, #tpu.memory_space<semaphore_mem>>, %arg10: memref<!tpu.dma_semaphore, #tpu.memory_space<semaphore_mem>>, %arg11: memref<!tpu.dma_semaphore, #tpu.memory_space<semaphore_mem>>, %arg12: memref<!tpu.dma_semaphore, #tpu.memory_space<semaphore_mem>>) attributes {dimension_semantics = [#tpu.dimension_semantics<core_parallel>, #tpu.dimension_semantics<subcore_parallel>], iteration_bounds = array<i64: 2, 16>, scalar_prefetch = 0 : i64, scratch_operands = 8 : i64, tpu.core_type = #tpu.core_type<sc_vector_subcore>, window_params = [{transform_indices = #map}, {transform_indices = #map}, {transform_indices = #map1}]} {
    %mul3A = arith.constant 16 : i32
    %mul3A_0 = arith.muli %arg0, %mul3A : i32
    %add3A = arith.addi %mul3A_0, %arg1 : i32
    %scan3A = arith.constant 0 : i32
    %scan3A_1 = arith.constant 0 : i32
    %scan3A_2 = arith.constant 128 : i32
    %scan3A_3 = arith.addi %scan3A_1, %scan3A_2 : i32
    %scan3A_4 = arith.constant 1 : i32
    scf.for %scan3A_60 = %scan3A_1 to %scan3A_3 step %scan3A_4  : i32 {
      %broadcast_in_dim3A = arith.constant 0.000000e+00 : f32
      %broadcast_in_dim3A_61 = vector.broadcast %broadcast_in_dim3A : f32 to vector<16xf32>
      %swap3A = arith.constant 0 : i32
      %swap3A_62 = arith.index_cast %swap3A : i32 to index
      %swap3A_63 = arith.index_cast %scan3A_60 : i32 to index
      %swap3A_64 = arith.constant 0 : index
      %swap3A_65 = tpu.vector_load %arg7[%swap3A_62, %swap3A_63, %swap3A_64] {strides = array<i32>} : memref<2x128x128xf32, #tpu.memory_space<vmem>>, vector<1x1x16xf32>,
      %swap3A_66 = vector.shape_cast %swap3A_65 : vector<1x1x16xf32> to vector<16xf32>
      %swap3A_67 = vector.shape_cast %broadcast_in_dim3A_61 : vector<16xf32> to vector<1x1x16xf32>
      tpu.vector_store %arg7[%swap3A_62, %swap3A_63, %swap3A_64], %swap3A_67 {strides = array<i32>} : memref<2x128x128xf32, #tpu.memory_space<vmem>>, vector<1x1x16xf32>,
      %broadcast_in_dim3A_68 = arith.constant 0.000000e+00 : f32
      %broadcast_in_dim3A_69 = vector.broadcast %broadcast_in_dim3A_68 : f32 to vector<16xf32>
      %swap3A_70 = arith.constant 0 : i32
      %swap3A_71 = arith.index_cast %swap3A_70 : i32 to index
      %swap3A_72 = arith.index_cast %scan3A_60 : i32 to index
      %swap3A_73 = arith.constant 16 : index
      %swap3A_74 = tpu.vector_load %arg7[%swap3A_71, %swap3A_72, %swap3A_73] {strides = array<i32>} : memref<2x128x128xf32, #tpu.memory_space<vmem>>, vector<1x1x16xf32>,
      %swap3A_75 = vector.shape_cast %swap3A_74 : vector<1x1x16xf32> to vector<16xf32>
      %swap3A_76 = vector.shape_cast %broadcast_in_dim3A_69 : vector<16xf32> to vector<1x1x16xf32>
      tpu.vector_store %arg7[%swap3A_71, %swap3A_72, %swap3A_73], %swap3A_76 {strides = array<i32>} : memref<2x128x128xf32, #tpu.memory_space<vmem>>, vector<1x1x16xf32>,
      %broadcast_in_dim3A_77 = arith.constant 0.000000e+00 : f32
      %broadcast_in_dim3A_78 = vector.broadcast %broadcast_in_dim3A_77 : f32 to vector<16xf32>
      %swap3A_79 = arith.constant 0 : i32
      %swap3A_80 = arith.index_cast %swap3A_79 : i32 to index
      %swap3A_81 = arith.index_cast %scan3A_60 : i32 to index
      %swap3A_82 = arith.constant 32 : index
      %swap3A_83 = tpu.vector_load %arg7[%swap3A_80, %swap3A_81, %swap3A_82] {strides = array<i32>} : memref<2x128x128xf32, #tpu.memory_space<vmem>>, vector<1x1x16xf32>,
      %swap3A_84 = vector.shape_cast %swap3A_83 : vector<1x1x16xf32> to vector<16xf32>
      %swap3A_85 = vector.shape_cast %broadcast_in_dim3A_78 : vector<16xf32> to vector<1x1x16xf32>
      tpu.vector_store %arg7[%swap3A_80, %swap3A_81, %swap3A_82], %swap3A_85 {strides = array<i32>} : memref<2x128x128xf32, #tpu.memory_space<vmem>>, vector<1x1x16xf32>,
      %broadcast_in_dim3A_86 = arith.constant 0.000000e+00 : f32
      %broadcast_in_dim3A_87 = vector.broadcast %broadcast_in_dim3A_86 : f32 to vector<16xf32>
      %swap3A_88 = arith.constant 0 : i32
      %swap3A_89 = arith.index_cast %swap3A_88 : i32 to index
      %swap3A_90 = arith.index_cast %scan3A_60 : i32 to index
      %swap3A_91 = arith.constant 48 : index
      %swap3A_92 = tpu.vector_load %arg7[%swap3A_89, %swap3A_90, %swap3A_91] {strides = array<i32>} : memref<2x128x128xf32, #tpu.memory_space<vmem>>, vector<1x1x16xf32>,
      %swap3A_93 = vector.shape_cast %swap3A_92 : vector<1x1x16xf32> to vector<16xf32>
      %swap3A_94 = vector.shape_cast %broadcast_in_dim3A_87 : vector<16xf32> to vector<1x1x16xf32>
      tpu.vector_store %arg7[%swap3A_89, %swap3A_90, %swap3A_91], %swap3A_94 {strides = array<i32>} : memref<2x128x128xf32, #tpu.memory_space<vmem>>, vector<1x1x16xf32>,
      %broadcast_in_dim3A_95 = arith.constant 0.000000e+00 : f32
      %broadcast_in_dim3A_96 = vector.broadcast %broadcast_in_dim3A_95 : f32 to vector<16xf32>
      %swap3A_97 = arith.constant 0 : i32
      %swap3A_98 = arith.index_cast %swap3A_97 : i32 to index
      %swap3A_99 = arith.index_cast %scan3A_60 : i32 to index
      %swap3A_100 = arith.constant 64 : index
      %swap3A_101 = tpu.vector_load %arg7[%swap3A_98, %swap3A_99, %swap3A_100] {strides = array<i32>} : memref<2x128x128xf32, #tpu.memory_space<vmem>>, vector<1x1x16xf32>,
      %swap3A_102 = vector.shape_cast %swap3A_101 : vector<1x1x16xf32> to vector<16xf32>
      %swap3A_103 = vector.shape_cast %broadcast_in_dim3A_96 : vector<16xf32> to vector<1x1x16xf32>
      tpu.vector_store %arg7[%swap3A_98, %swap3A_99, %swap3A_100], %swap3A_103 {strides = array<i32>} : memref<2x128x128xf32, #tpu.memory_space<vmem>>, vector<1x1x16xf32>,
      %broadcast_in_dim3A_104 = arith.constant 0.000000e+00 : f32
      %broadcast_in_dim3A_105 = vector.broadcast %broadcast_in_dim3A_104 : f32 to vector<16xf32>
      %swap3A_106 = arith.constant 0 : i32
      %swap3A_107 = arith.index_cast %swap3A_106 : i32 to index
      %swap3A_108 = arith.index_cast %scan3A_60 : i32 to index
      %swap3A_109 = arith.constant 80 : index
      %swap3A_110 = tpu.vector_load %arg7[%swap3A_107, %swap3A_108, %swap3A_109] {strides = array<i32>} : memref<2x128x128xf32, #tpu.memory_space<vmem>>, vector<1x1x16xf32>,
      %swap3A_111 = vector.shape_cast %swap3A_110 : vector<1x1x16xf32> to vector<16xf32>
      %swap3A_112 = vector.shape_cast %broadcast_in_dim3A_105 : vector<16xf32> to vector<1x1x16xf32>
      tpu.vector_store %arg7[%swap3A_107, %swap3A_108, %swap3A_109], %swap3A_112 {strides = array<i32>} : memref<2x128x128xf32, #tpu.memory_space<vmem>>, vector<1x1x16xf32>,
      %broadcast_in_dim3A_113 = arith.constant 0.000000e+00 : f32
      %broadcast_in_dim3A_114 = vector.broadcast %broadcast_in_dim3A_113 : f32 to vector<16xf32>
      %swap3A_115 = arith.constant 0 : i32
      %swap3A_116 = arith.index_cast %swap3A_115 : i32 to index
      %swap3A_117 = arith.index_cast %scan3A_60 : i32 to index
      %swap3A_118 = arith.constant 96 : index
      %swap3A_119 = tpu.vector_load %arg7[%swap3A_116, %swap3A_117, %swap3A_118] {strides = array<i32>} : memref<2x128x128xf32, #tpu.memory_space<vmem>>, vector<1x1x16xf32>,
      %swap3A_120 = vector.shape_cast %swap3A_119 : vector<1x1x16xf32> to vector<16xf32>
      %swap3A_121 = vector.shape_cast %broadcast_in_dim3A_114 : vector<16xf32> to vector<1x1x16xf32>
      tpu.vector_store %arg7[%swap3A_116, %swap3A_117, %swap3A_118], %swap3A_121 {strides = array<i32>} : memref<2x128x128xf32, #tpu.memory_space<vmem>>, vector<1x1x16xf32>,
      %broadcast_in_dim3A_122 = arith.constant 0.000000e+00 : f32
      %broadcast_in_dim3A_123 = vector.broadcast %broadcast_in_dim3A_122 : f32 to vector<16xf32>
      %swap3A_124 = arith.constant 0 : i32
      %swap3A_125 = arith.index_cast %swap3A_124 : i32 to index
      %swap3A_126 = arith.index_cast %scan3A_60 : i32 to index
      %swap3A_127 = arith.constant 112 : index
      %swap3A_128 = tpu.vector_load %arg7[%swap3A_125, %swap3A_126, %swap3A_127] {strides = array<i32>} : memref<2x128x128xf32, #tpu.memory_space<vmem>>, vector<1x1x16xf32>,
      %swap3A_129 = vector.shape_cast %swap3A_128 : vector<1x1x16xf32> to vector<16xf32>
      %swap3A_130 = vector.shape_cast %broadcast_in_dim3A_123 : vector<16xf32> to vector<1x1x16xf32>
      tpu.vector_store %arg7[%swap3A_125, %swap3A_126, %swap3A_127], %swap3A_130 {strides = array<i32>} : memref<2x128x128xf32, #tpu.memory_space<vmem>>, vector<1x1x16xf32>,
      %broadcast_in_dim3A_131 = arith.constant 0.000000e+00 : f32
      %broadcast_in_dim3A_132 = vector.broadcast %broadcast_in_dim3A_131 : f32 to vector<16xf32>
      %swap3A_133 = arith.constant 1 : i32
      %swap3A_134 = arith.index_cast %swap3A_133 : i32 to index
      %swap3A_135 = arith.index_cast %scan3A_60 : i32 to index
      %swap3A_136 = arith.constant 0 : index
      %swap3A_137 = tpu.vector_load %arg7[%swap3A_134, %swap3A_135, %swap3A_136] {strides = array<i32>} : memref<2x128x128xf32, #tpu.memory_space<vmem>>, vector<1x1x16xf32>,
      %swap3A_138 = vector.shape_cast %swap3A_137 : vector<1x1x16xf32> to vector<16xf32>
      %swap3A_139 = vector.shape_cast %broadcast_in_dim3A_132 : vector<16xf32> to vector<1x1x16xf32>
      tpu.vector_store %arg7[%swap3A_134, %swap3A_135, %swap3A_136], %swap3A_139 {strides = array<i32>} : memref<2x128x128xf32, #tpu.memory_space<vmem>>, vector<1x1x16xf32>,
      %broadcast_in_dim3A_140 = arith.constant 0.000000e+00 : f32
      %broadcast_in_dim3A_141 = vector.broadcast %broadcast_in_dim3A_140 : f32 to vector<16xf32>
      %swap3A_142 = arith.constant 1 : i32
      %swap3A_143 = arith.index_cast %swap3A_142 : i32 to index
      %swap3A_144 = arith.index_cast %scan3A_60 : i32 to index
      %swap3A_145 = arith.constant 16 : index
      %swap3A_146 = tpu.vector_load %arg7[%swap3A_143, %swap3A_144, %swap3A_145] {strides = array<i32>} : memref<2x128x128xf32, #tpu.memory_space<vmem>>, vector<1x1x16xf32>,
      %swap3A_147 = vector.shape_cast %swap3A_146 : vector<1x1x16xf32> to vector<16xf32>
      %swap3A_148 = vector.shape_cast %broadcast_in_dim3A_141 : vector<16xf32> to vector<1x1x16xf32>
      tpu.vector_store %arg7[%swap3A_143, %swap3A_144, %swap3A_145], %swap3A_148 {strides = array<i32>} : memref<2x128x128xf32, #tpu.memory_space<vmem>>, vector<1x1x16xf32>,
      %broadcast_in_dim3A_149 = arith.constant 0.000000e+00 : f32
      %broadcast_in_dim3A_150 = vector.broadcast %broadcast_in_dim3A_149 : f32 to vector<16xf32>
      %swap3A_151 = arith.constant 1 : i32
      %swap3A_152 = arith.index_cast %swap3A_151 : i32 to index
      %swap3A_153 = arith.index_cast %scan3A_60 : i32 to index
      %swap3A_154 = arith.constant 32 : index
      %swap3A_155 = tpu.vector_load %arg7[%swap3A_152, %swap3A_153, %swap3A_154] {strides = array<i32>} : memref<2x128x128xf32, #tpu.memory_space<vmem>>, vector<1x1x16xf32>,
      %swap3A_156 = vector.shape_cast %swap3A_155 : vector<1x1x16xf32> to vector<16xf32>
      %swap3A_157 = vector.shape_cast %broadcast_in_dim3A_150 : vector<16xf32> to vector<1x1x16xf32>
      tpu.vector_store %arg7[%swap3A_152, %swap3A_153, %swap3A_154], %swap3A_157 {strides = array<i32>} : memref<2x128x128xf32, #tpu.memory_space<vmem>>, vector<1x1x16xf32>,
      %broadcast_in_dim3A_158 = arith.constant 0.000000e+00 : f32
      %broadcast_in_dim3A_159 = vector.broadcast %broadcast_in_dim3A_158 : f32 to vector<16xf32>
      %swap3A_160 = arith.constant 1 : i32
      %swap3A_161 = arith.index_cast %swap3A_160 : i32 to index
      %swap3A_162 = arith.index_cast %scan3A_60 : i32 to index
      %swap3A_163 = arith.constant 48 : index
      %swap3A_164 = tpu.vector_load %arg7[%swap3A_161, %swap3A_162, %swap3A_163] {strides = array<i32>} : memref<2x128x128xf32, #tpu.memory_space<vmem>>, vector<1x1x16xf32>,
      %swap3A_165 = vector.shape_cast %swap3A_164 : vector<1x1x16xf32> to vector<16xf32>
      %swap3A_166 = vector.shape_cast %broadcast_in_dim3A_159 : vector<16xf32> to vector<1x1x16xf32>
      tpu.vector_store %arg7[%swap3A_161, %swap3A_162, %swap3A_163], %swap3A_166 {strides = array<i32>} : memref<2x128x128xf32, #tpu.memory_space<vmem>>, vector<1x1x16xf32>,
      %broadcast_in_dim3A_167 = arith.constant 0.000000e+00 : f32
      %broadcast_in_dim3A_168 = vector.broadcast %broadcast_in_dim3A_167 : f32 to vector<16xf32>
      %swap3A_169 = arith.constant 1 : i32
      %swap3A_170 = arith.index_cast %swap3A_169 : i32 to index
      %swap3A_171 = arith.index_cast %scan3A_60 : i32 to index
      %swap3A_172 = arith.constant 64 : index
      %swap3A_173 = tpu.vector_load %arg7[%swap3A_170, %swap3A_171, %swap3A_172] {strides = array<i32>} : memref<2x128x128xf32, #tpu.memory_space<vmem>>, vector<1x1x16xf32>,
      %swap3A_174 = vector.shape_cast %swap3A_173 : vector<1x1x16xf32> to vector<16xf32>
      %swap3A_175 = vector.shape_cast %broadcast_in_dim3A_168 : vector<16xf32> to vector<1x1x16xf32>
      tpu.vector_store %arg7[%swap3A_170, %swap3A_171, %swap3A_172], %swap3A_175 {strides = array<i32>} : memref<2x128x128xf32, #tpu.memory_space<vmem>>, vector<1x1x16xf32>,
      %broadcast_in_dim3A_176 = arith.constant 0.000000e+00 : f32
      %broadcast_in_dim3A_177 = vector.broadcast %broadcast_in_dim3A_176 : f32 to vector<16xf32>
      %swap3A_178 = arith.constant 1 : i32
      %swap3A_179 = arith.index_cast %swap3A_178 : i32 to index
      %swap3A_180 = arith.index_cast %scan3A_60 : i32 to index
      %swap3A_181 = arith.constant 80 : index
      %swap3A_182 = tpu.vector_load %arg7[%swap3A_179, %swap3A_180, %swap3A_181] {strides = array<i32>} : memref<2x128x128xf32, #tpu.memory_space<vmem>>, vector<1x1x16xf32>,
      %swap3A_183 = vector.shape_cast %swap3A_182 : vector<1x1x16xf32> to vector<16xf32>
      %swap3A_184 = vector.shape_cast %broadcast_in_dim3A_177 : vector<16xf32> to vector<1x1x16xf32>
      tpu.vector_store %arg7[%swap3A_179, %swap3A_180, %swap3A_181], %swap3A_184 {strides = array<i32>} : memref<2x128x128xf32, #tpu.memory_space<vmem>>, vector<1x1x16xf32>,
      %broadcast_in_dim3A_185 = arith.constant 0.000000e+00 : f32
      %broadcast_in_dim3A_186 = vector.broadcast %broadcast_in_dim3A_185 : f32 to vector<16xf32>
      %swap3A_187 = arith.constant 1 : i32
      %swap3A_188 = arith.index_cast %swap3A_187 : i32 to index
      %swap3A_189 = arith.index_cast %scan3A_60 : i32 to index
      %swap3A_190 = arith.constant 96 : index
      %swap3A_191 = tpu.vector_load %arg7[%swap3A_188, %swap3A_189, %swap3A_190] {strides = array<i32>} : memref<2x128x128xf32, #tpu.memory_space<vmem>>, vector<1x1x16xf32>,
      %swap3A_192 = vector.shape_cast %swap3A_191 : vector<1x1x16xf32> to vector<16xf32>
      %swap3A_193 = vector.shape_cast %broadcast_in_dim3A_186 : vector<16xf32> to vector<1x1x16xf32>
      tpu.vector_store %arg7[%swap3A_188, %swap3A_189, %swap3A_190], %swap3A_193 {strides = array<i32>} : memref<2x128x128xf32, #tpu.memory_space<vmem>>, vector<1x1x16xf32>,
      %broadcast_in_dim3A_194 = arith.constant 0.000000e+00 : f32
      %broadcast_in_dim3A_195 = vector.broadcast %broadcast_in_dim3A_194 : f32 to vector<16xf32>
      %swap3A_196 = arith.constant 1 : i32
      %swap3A_197 = arith.index_cast %swap3A_196 : i32 to index
      %swap3A_198 = arith.index_cast %scan3A_60 : i32 to index
      %swap3A_199 = arith.constant 112 : index
      %swap3A_200 = tpu.vector_load %arg7[%swap3A_197, %swap3A_198, %swap3A_199] {strides = array<i32>} : memref<2x128x128xf32, #tpu.memory_space<vmem>>, vector<1x1x16xf32>,
      %swap3A_201 = vector.shape_cast %swap3A_200 : vector<1x1x16xf32> to vector<16xf32>
      %swap3A_202 = vector.shape_cast %broadcast_in_dim3A_195 : vector<16xf32> to vector<1x1x16xf32>
      tpu.vector_store %arg7[%swap3A_197, %swap3A_198, %swap3A_199], %swap3A_202 {strides = array<i32>} : memref<2x128x128xf32, #tpu.memory_space<vmem>>, vector<1x1x16xf32>,
    }
    %scan3A_5 = arith.constant 128 : i32
    %mul3A_6 = arith.constant 632 : i32
    %mul3A_7 = arith.muli %arg1, %mul3A_6 : i32
    %add3A_8 = arith.constant 0 : i32
    %add3A_9 = arith.addi %mul3A_7, %add3A_8 : i32
    %run_scoped3A = arith.constant 0 : i32
    "tpu.region"() ({
      %run_scoped3A_60 = tpu.sem_alloc : memref<!tpu.dma_semaphore, #tpu.memory_space<semaphore_mem>>
      %dma_start3A_61 = arith.constant 0 : i32
      %dma_start3A_62 = arith.constant 0 : i32
      %dma_start3A_63 = tpu.memref_slice %arg7[%run_scoped3A, %dma_start3A_61, %dma_start3A_62] : memref<2x128x128xf32, #tpu.memory_space<vmem>> -> memref<1x128x128xf32, #tpu.memory_space<vmem>>
      %dma_start3A_64 = tpu.memref_squeeze %dma_start3A_63 : memref<1x128x128xf32, #tpu.memory_space<vmem>> -> memref<128x128xf32, #tpu.memory_space<vmem>>
      %dma_start3A_65 = arith.constant 0 : i32
      %dma_start3A_66 = tpu.memref_slice %arg8[%add3A_9, %dma_start3A_65] : memref<10112x128xf32, #tpu.memory_space<vmem_shared>> -> memref<128x128xf32, #tpu.memory_space<vmem_shared>>
      %dma_start3A_67 = arith.constant 0 : i32
      %dma_start3A_68 = tpu.memref_slice %arg8[%add3A_9, %dma_start3A_67] : memref<10112x128xf32, #tpu.memory_space<vmem_shared>> -> memref<128x128xf32, #tpu.memory_space<vmem_shared>>
      %dma_start3A_69 = arith.constant 0 : i32
      %dma_start3A_70 = arith.constant 0 : i32
      %dma_start3A_71 = tpu.memref_slice %arg7[%run_scoped3A, %dma_start3A_69, %dma_start3A_70] : memref<2x128x128xf32, #tpu.memory_space<vmem>> -> memref<1x128x128xf32, #tpu.memory_space<vmem>>
      %dma_start3A_72 = tpu.memref_squeeze %dma_start3A_71 : memref<1x128x128xf32, #tpu.memory_space<vmem>> -> memref<128x128xf32, #tpu.memory_space<vmem>>
      tpu.enqueue_dma source(%dma_start3A_72 : memref<128x128xf32, #tpu.memory_space<vmem>>) target(%dma_start3A_68 : memref<128x128xf32, #tpu.memory_space<vmem_shared>>) target_semaphore(%run_scoped3A_60 : memref<!tpu.dma_semaphore, #tpu.memory_space<semaphore_mem>>)
      %dma_wait3A = arith.constant 0 : i32
      %dma_wait3A_73 = arith.constant 0 : i32
      %dma_wait3A_74 = tpu.memref_slice %arg7[%run_scoped3A, %dma_wait3A, %dma_wait3A_73] : memref<2x128x128xf32, #tpu.memory_space<vmem>> -> memref<1x128x128xf32, #tpu.memory_space<vmem>>
      %dma_wait3A_75 = tpu.memref_squeeze %dma_wait3A_74 : memref<1x128x128xf32, #tpu.memory_space<vmem>> -> memref<128x128xf32, #tpu.memory_space<vmem>>
      %dma_wait3A_76 = arith.constant 0 : i32
      %dma_wait3A_77 = tpu.memref_slice %arg8[%add3A_9, %dma_wait3A_76] : memref<10112x128xf32, #tpu.memory_space<vmem_shared>> -> memref<128x128xf32, #tpu.memory_space<vmem_shared>>
      %dma_wait3A_78 = arith.constant 0 : i32
      %dma_wait3A_79 = tpu.memref_slice %arg8[%add3A_9, %dma_wait3A_78] : memref<10112x128xf32, #tpu.memory_space<vmem_shared>> -> memref<128x128xf32, #tpu.memory_space<vmem_shared>>
      %dma_wait3A_80 = arith.constant 0 : i32
      %dma_wait3A_81 = arith.constant 0 : i32
      %dma_wait3A_82 = tpu.memref_slice %arg7[%run_scoped3A, %dma_wait3A_80, %dma_wait3A_81] : memref<2x128x128xf32, #tpu.memory_space<vmem>> -> memref<1x128x128xf32, #tpu.memory_space<vmem>>
      %dma_wait3A_83 = tpu.memref_squeeze %dma_wait3A_82 : memref<1x128x128xf32, #tpu.memory_space<vmem>> -> memref<128x128xf32, #tpu.memory_space<vmem>>
      tpu.wait_dma2 semaphore(%run_scoped3A_60 : memref<!tpu.dma_semaphore, #tpu.memory_space<semaphore_mem>>) src(%dma_wait3A_83 : memref<128x128xf32, #tpu.memory_space<vmem>>) dst(%dma_wait3A_79 : memref<128x128xf32, #tpu.memory_space<vmem_shared>>)
      tpu.yield
    }) : () -> ()
    %add3A_10 = arith.constant 128 : i32
    %add3A_11 = arith.addi %mul3A_7, %add3A_10 : i32
    %run_scoped3A_12 = arith.constant 0 : i32
    "tpu.region"() ({
      %run_scoped3A_60 = tpu.sem_alloc : memref<!tpu.dma_semaphore, #tpu.memory_space<semaphore_mem>>
      %dma_start3A_61 = arith.constant 0 : i32
      %dma_start3A_62 = arith.constant 0 : i32
      %dma_start3A_63 = tpu.memref_slice %arg7[%run_scoped3A_12, %dma_start3A_61, %dma_start3A_62] : memref<2x128x128xf32, #tpu.memory_space<vmem>> -> memref<1x128x128xf32, #tpu.memory_space<vmem>>
      %dma_start3A_64 = tpu.memref_squeeze %dma_start3A_63 : memref<1x128x128xf32, #tpu.memory_space<vmem>> -> memref<128x128xf32, #tpu.memory_space<vmem>>
      %dma_start3A_65 = arith.constant 0 : i32
      %dma_start3A_66 = tpu.memref_slice %arg8[%add3A_11, %dma_start3A_65] : memref<10112x128xf32, #tpu.memory_space<vmem_shared>> -> memref<128x128xf32, #tpu.memory_space<vmem_shared>>
      %dma_start3A_67 = arith.constant 0 : i32
      %dma_start3A_68 = tpu.memref_slice %arg8[%add3A_11, %dma_start3A_67] : memref<10112x128xf32, #tpu.memory_space<vmem_shared>> -> memref<128x128xf32, #tpu.memory_space<vmem_shared>>
      %dma_start3A_69 = arith.constant 0 : i32
      %dma_start3A_70 = arith.constant 0 : i32
      %dma_start3A_71 = tpu.memref_slice %arg7[%run_scoped3A_12, %dma_start3A_69, %dma_start3A_70] : memref<2x128x128xf32, #tpu.memory_space<vmem>> -> memref<1x128x128xf32, #tpu.memory_space<vmem>>
      %dma_start3A_72 = tpu.memref_squeeze %dma_start3A_71 : memref<1x128x128xf32, #tpu.memory_space<vmem>> -> memref<128x128xf32, #tpu.memory_space<vmem>>
      tpu.enqueue_dma source(%dma_start3A_72 : memref<128x128xf32, #tpu.memory_space<vmem>>) target(%dma_start3A_68 : memref<128x128xf32, #tpu.memory_space<vmem_shared>>) target_semaphore(%run_scoped3A_60 : memref<!tpu.dma_semaphore, #tpu.memory_space<semaphore_mem>>)
      %dma_wait3A = arith.constant 0 : i32
      %dma_wait3A_73 = arith.constant 0 : i32
      %dma_wait3A_74 = tpu.memref_slice %arg7[%run_scoped3A_12, %dma_wait3A, %dma_wait3A_73] : memref<2x128x128xf32, #tpu.memory_space<vmem>> -> memref<1x128x128xf32, #tpu.memory_space<vmem>>
      %dma_wait3A_75 = tpu.memref_squeeze %dma_wait3A_74 : memref<1x128x128xf32, #tpu.memory_space<vmem>> -> memref<128x128xf32, #tpu.memory_space<vmem>>
      %dma_wait3A_76 = arith.constant 0 : i32
      %dma_wait3A_77 = tpu.memref_slice %arg8[%add3A_11, %dma_wait3A_76] : memref<10112x128xf32, #tpu.memory_space<vmem_shared>> -> memref<128x128xf32, #tpu.memory_space<vmem_shared>>
      %dma_wait3A_78 = arith.constant 0 : i32
      %dma_wait3A_79 = tpu.memref_slice %arg8[%add3A_11, %dma_wait3A_78] : memref<10112x128xf32, #tpu.memory_space<vmem_shared>> -> memref<128x128xf32, #tpu.memory_space<vmem_shared>>
      %dma_wait3A_80 = arith.constant 0 : i32
      %dma_wait3A_81 = arith.constant 0 : i32
      %dma_wait3A_82 = tpu.memref_slice %arg7[%run_scoped3A_12, %dma_wait3A_80, %dma_wait3A_81] : memref<2x128x128xf32, #tpu.memory_space<vmem>> -> memref<1x128x128xf32, #tpu.memory_space<vmem>>
      %dma_wait3A_83 = tpu.memref_squeeze %dma_wait3A_82 : memref<1x128x128xf32, #tpu.memory_space<vmem>> -> memref<128x128xf32, #tpu.memory_space<vmem>>
      tpu.wait_dma2 semaphore(%run_scoped3A_60 : memref<!tpu.dma_semaphore, #tpu.memory_space<semaphore_mem>>) src(%dma_wait3A_83 : memref<128x128xf32, #tpu.memory_space<vmem>>) dst(%dma_wait3A_79 : memref<128x128xf32, #tpu.memory_space<vmem_shared>>)
      tpu.yield
    }) : () -> ()
    %add3A_13 = arith.constant 256 : i32
    %add3A_14 = arith.addi %mul3A_7, %add3A_13 : i32
    %run_scoped3A_15 = arith.constant 0 : i32
    "tpu.region"() ({
      %run_scoped3A_60 = tpu.sem_alloc : memref<!tpu.dma_semaphore, #tpu.memory_space<semaphore_mem>>
      %dma_start3A_61 = arith.constant 0 : i32
      %dma_start3A_62 = arith.constant 0 : i32
      %dma_start3A_63 = tpu.memref_slice %arg7[%run_scoped3A_15, %dma_start3A_61, %dma_start3A_62] : memref<2x128x128xf32, #tpu.memory_space<vmem>> -> memref<1x128x128xf32, #tpu.memory_space<vmem>>
      %dma_start3A_64 = tpu.memref_squeeze %dma_start3A_63 : memref<1x128x128xf32, #tpu.memory_space<vmem>> -> memref<128x128xf32, #tpu.memory_space<vmem>>
      %dma_start3A_65 = arith.constant 0 : i32
      %dma_start3A_66 = tpu.memref_slice %arg8[%add3A_14, %dma_start3A_65] : memref<10112x128xf32, #tpu.memory_space<vmem_shared>> -> memref<128x128xf32, #tpu.memory_space<vmem_shared>>
      %dma_start3A_67 = arith.constant 0 : i32
      %dma_start3A_68 = tpu.memref_slice %arg8[%add3A_14, %dma_start3A_67] : memref<10112x128xf32, #tpu.memory_space<vmem_shared>> -> memref<128x128xf32, #tpu.memory_space<vmem_shared>>
      %dma_start3A_69 = arith.constant 0 : i32
      %dma_start3A_70 = arith.constant 0 : i32
      %dma_start3A_71 = tpu.memref_slice %arg7[%run_scoped3A_15, %dma_start3A_69, %dma_start3A_70] : memref<2x128x128xf32, #tpu.memory_space<vmem>> -> memref<1x128x128xf32, #tpu.memory_space<vmem>>
      %dma_start3A_72 = tpu.memref_squeeze %dma_start3A_71 : memref<1x128x128xf32, #tpu.memory_space<vmem>> -> memref<128x128xf32, #tpu.memory_space<vmem>>
      tpu.enqueue_dma source(%dma_start3A_72 : memref<128x128xf32, #tpu.memory_space<vmem>>) target(%dma_start3A_68 : memref<128x128xf32, #tpu.memory_space<vmem_shared>>) target_semaphore(%run_scoped3A_60 : memref<!tpu.dma_semaphore, #tpu.memory_space<semaphore_mem>>)
      %dma_wait3A = arith.constant 0 : i32
      %dma_wait3A_73 = arith.constant 0 : i32
      %dma_wait3A_74 = tpu.memref_slice %arg7[%run_scoped3A_15, %dma_wait3A, %dma_wait3A_73] : memref<2x128x128xf32, #tpu.memory_space<vmem>> -> memref<1x128x128xf32, #tpu.memory_space<vmem>>
      %dma_wait3A_75 = tpu.memref_squeeze %dma_wait3A_74 : memref<1x128x128xf32, #tpu.memory_space<vmem>> -> memref<128x128xf32, #tpu.memory_space<vmem>>
      %dma_wait3A_76 = arith.constant 0 : i32
      %dma_wait3A_77 = tpu.memref_slice %arg8[%add3A_14, %dma_wait3A_76] : memref<10112x128xf32, #tpu.memory_space<vmem_shared>> -> memref<128x128xf32, #tpu.memory_space<vmem_shared>>
      %dma_wait3A_78 = arith.constant 0 : i32
      %dma_wait3A_79 = tpu.memref_slice %arg8[%add3A_14, %dma_wait3A_78] : memref<10112x128xf32, #tpu.memory_space<vmem_shared>> -> memref<128x128xf32, #tpu.memory_space<vmem_shared>>
      %dma_wait3A_80 = arith.constant 0 : i32
      %dma_wait3A_81 = arith.constant 0 : i32
      %dma_wait3A_82 = tpu.memref_slice %arg7[%run_scoped3A_15, %dma_wait3A_80, %dma_wait3A_81] : memref<2x128x128xf32, #tpu.memory_space<vmem>> -> memref<1x128x128xf32, #tpu.memory_space<vmem>>
      %dma_wait3A_83 = tpu.memref_squeeze %dma_wait3A_82 : memref<1x128x128xf32, #tpu.memory_space<vmem>> -> memref<128x128xf32, #tpu.memory_space<vmem>>
      tpu.wait_dma2 semaphore(%run_scoped3A_60 : memref<!tpu.dma_semaphore, #tpu.memory_space<semaphore_mem>>) src(%dma_wait3A_83 : memref<128x128xf32, #tpu.memory_space<vmem>>) dst(%dma_wait3A_79 : memref<128x128xf32, #tpu.memory_space<vmem_shared>>)
      tpu.yield
    }) : () -> ()
    %add3A_16 = arith.constant 384 : i32
    %add3A_17 = arith.addi %mul3A_7, %add3A_16 : i32
    %run_scoped3A_18 = arith.constant 0 : i32
    "tpu.region"() ({
      %run_scoped3A_60 = tpu.sem_alloc : memref<!tpu.dma_semaphore, #tpu.memory_space<semaphore_mem>>
      %dma_start3A_61 = arith.constant 0 : i32
      %dma_start3A_62 = arith.constant 0 : i32
      %dma_start3A_63 = tpu.memref_slice %arg7[%run_scoped3A_18, %dma_start3A_61, %dma_start3A_62] : memref<2x128x128xf32, #tpu.memory_space<vmem>> -> memref<1x128x128xf32, #tpu.memory_space<vmem>>
      %dma_start3A_64 = tpu.memref_squeeze %dma_start3A_63 : memref<1x128x128xf32, #tpu.memory_space<vmem>> -> memref<128x128xf32, #tpu.memory_space<vmem>>
      %dma_start3A_65 = arith.constant 0 : i32
      %dma_start3A_66 = tpu.memref_slice %arg8[%add3A_17, %dma_start3A_65] : memref<10112x128xf32, #tpu.memory_space<vmem_shared>> -> memref<128x128xf32, #tpu.memory_space<vmem_shared>>
      %dma_start3A_67 = arith.constant 0 : i32
      %dma_start3A_68 = tpu.memref_slice %arg8[%add3A_17, %dma_start3A_67] : memref<10112x128xf32, #tpu.memory_space<vmem_shared>> -> memref<128x128xf32, #tpu.memory_space<vmem_shared>>
      %dma_start3A_69 = arith.constant 0 : i32
      %dma_start3A_70 = arith.constant 0 : i32
      %dma_start3A_71 = tpu.memref_slice %arg7[%run_scoped3A_18, %dma_start3A_69, %dma_start3A_70] : memref<2x128x128xf32, #tpu.memory_space<vmem>> -> memref<1x128x128xf32, #tpu.memory_space<vmem>>
      %dma_start3A_72 = tpu.memref_squeeze %dma_start3A_71 : memref<1x128x128xf32, #tpu.memory_space<vmem>> -> memref<128x128xf32, #tpu.memory_space<vmem>>
      tpu.enqueue_dma source(%dma_start3A_72 : memref<128x128xf32, #tpu.memory_space<vmem>>) target(%dma_start3A_68 : memref<128x128xf32, #tpu.memory_space<vmem_shared>>) target_semaphore(%run_scoped3A_60 : memref<!tpu.dma_semaphore, #tpu.memory_space<semaphore_mem>>)
      %dma_wait3A = arith.constant 0 : i32
      %dma_wait3A_73 = arith.constant 0 : i32
      %dma_wait3A_74 = tpu.memref_slice %arg7[%run_scoped3A_18, %dma_wait3A, %dma_wait3A_73] : memref<2x128x128xf32, #tpu.memory_space<vmem>> -> memref<1x128x128xf32, #tpu.memory_space<vmem>>
      %dma_wait3A_75 = tpu.memref_squeeze %dma_wait3A_74 : memref<1x128x128xf32, #tpu.memory_space<vmem>> -> memref<128x128xf32, #tpu.memory_space<vmem>>
      %dma_wait3A_76 = arith.constant 0 : i32
      %dma_wait3A_77 = tpu.memref_slice %arg8[%add3A_17, %dma_wait3A_76] : memref<10112x128xf32, #tpu.memory_space<vmem_shared>> -> memref<128x128xf32, #tpu.memory_space<vmem_shared>>
      %dma_wait3A_78 = arith.constant 0 : i32
      %dma_wait3A_79 = tpu.memref_slice %arg8[%add3A_17, %dma_wait3A_78] : memref<10112x128xf32, #tpu.memory_space<vmem_shared>> -> memref<128x128xf32, #tpu.memory_space<vmem_shared>>
      %dma_wait3A_80 = arith.constant 0 : i32
      %dma_wait3A_81 = arith.constant 0 : i32
      %dma_wait3A_82 = tpu.memref_slice %arg7[%run_scoped3A_18, %dma_wait3A_80, %dma_wait3A_81] : memref<2x128x128xf32, #tpu.memory_space<vmem>> -> memref<1x128x128xf32, #tpu.memory_space<vmem>>
      %dma_wait3A_83 = tpu.memref_squeeze %dma_wait3A_82 : memref<1x128x128xf32, #tpu.memory_space<vmem>> -> memref<128x128xf32, #tpu.memory_space<vmem>>
      tpu.wait_dma2 semaphore(%run_scoped3A_60 : memref<!tpu.dma_semaphore, #tpu.memory_space<semaphore_mem>>) src(%dma_wait3A_83 : memref<128x128xf32, #tpu.memory_space<vmem>>) dst(%dma_wait3A_79 : memref<128x128xf32, #tpu.memory_space<vmem_shared>>)
      tpu.yield
    }) : () -> ()
    %add3A_19 = arith.constant 512 : i32
    %add3A_20 = arith.addi %mul3A_7, %add3A_19 : i32
    %run_scoped3A_21 = arith.constant 0 : i32
    "tpu.region"() ({
      %run_scoped3A_60 = tpu.sem_alloc : memref<!tpu.dma_semaphore, #tpu.memory_space<semaphore_mem>>
      %dma_start3A_61 = arith.constant 0 : i32
      %dma_start3A_62 = arith.constant 0 : i32
      %dma_start3A_63 = tpu.memref_slice %arg7[%run_scoped3A_21, %dma_start3A_61, %dma_start3A_62] : memref<2x128x128xf32, #tpu.memory_space<vmem>> -> memref<1x120x128xf32, #tpu.memory_space<vmem>>
      %dma_start3A_64 = tpu.memref_squeeze %dma_start3A_63 : memref<1x120x128xf32, #tpu.memory_space<vmem>> -> memref<120x128xf32, #tpu.memory_space<vmem>>
      %dma_start3A_65 = arith.constant 0 : i32
      %dma_start3A_66 = tpu.memref_slice %arg8[%add3A_20, %dma_start3A_65] : memref<10112x128xf32, #tpu.memory_space<vmem_shared>> -> memref<120x128xf32, #tpu.memory_space<vmem_shared>>
      %dma_start3A_67 = arith.constant 0 : i32
      %dma_start3A_68 = tpu.memref_slice %arg8[%add3A_20, %dma_start3A_67] : memref<10112x128xf32, #tpu.memory_space<vmem_shared>> -> memref<120x128xf32, #tpu.memory_space<vmem_shared>>
      %dma_start3A_69 = arith.constant 0 : i32
      %dma_start3A_70 = arith.constant 0 : i32
      %dma_start3A_71 = tpu.memref_slice %arg7[%run_scoped3A_21, %dma_start3A_69, %dma_start3A_70] : memref<2x128x128xf32, #tpu.memory_space<vmem>> -> memref<1x120x128xf32, #tpu.memory_space<vmem>>
      %dma_start3A_72 = tpu.memref_squeeze %dma_start3A_71 : memref<1x120x128xf32, #tpu.memory_space<vmem>> -> memref<120x128xf32, #tpu.memory_space<vmem>>
      tpu.enqueue_dma source(%dma_start3A_72 : memref<120x128xf32, #tpu.memory_space<vmem>>) target(%dma_start3A_68 : memref<120x128xf32, #tpu.memory_space<vmem_shared>>) target_semaphore(%run_scoped3A_60 : memref<!tpu.dma_semaphore, #tpu.memory_space<semaphore_mem>>)
      %dma_wait3A = arith.constant 0 : i32
      %dma_wait3A_73 = arith.constant 0 : i32
      %dma_wait3A_74 = tpu.memref_slice %arg7[%run_scoped3A_21, %dma_wait3A, %dma_wait3A_73] : memref<2x128x128xf32, #tpu.memory_space<vmem>> -> memref<1x120x128xf32, #tpu.memory_space<vmem>>
      %dma_wait3A_75 = tpu.memref_squeeze %dma_wait3A_74 : memref<1x120x128xf32, #tpu.memory_space<vmem>> -> memref<120x128xf32, #tpu.memory_space<vmem>>
      %dma_wait3A_76 = arith.constant 0 : i32
      %dma_wait3A_77 = tpu.memref_slice %arg8[%add3A_20, %dma_wait3A_76] : memref<10112x128xf32, #tpu.memory_space<vmem_shared>> -> memref<120x128xf32, #tpu.memory_space<vmem_shared>>
      %dma_wait3A_78 = arith.constant 0 : i32
      %dma_wait3A_79 = tpu.memref_slice %arg8[%add3A_20, %dma_wait3A_78] : memref<10112x128xf32, #tpu.memory_space<vmem_shared>> -> memref<120x128xf32, #tpu.memory_space<vmem_shared>>
      %dma_wait3A_80 = arith.constant 0 : i32
      %dma_wait3A_81 = arith.constant 0 : i32
      %dma_wait3A_82 = tpu.memref_slice %arg7[%run_scoped3A_21, %dma_wait3A_80, %dma_wait3A_81] : memref<2x128x128xf32, #tpu.memory_space<vmem>> -> memref<1x120x128xf32, #tpu.memory_space<vmem>>
      %dma_wait3A_83 = tpu.memref_squeeze %dma_wait3A_82 : memref<1x120x128xf32, #tpu.memory_space<vmem>> -> memref<120x128xf32, #tpu.memory_space<vmem>>
      tpu.wait_dma2 semaphore(%run_scoped3A_60 : memref<!tpu.dma_semaphore, #tpu.memory_space<semaphore_mem>>) src(%dma_wait3A_83 : memref<120x128xf32, #tpu.memory_space<vmem>>) dst(%dma_wait3A_79 : memref<120x128xf32, #tpu.memory_space<vmem_shared>>)
      tpu.yield
    }) : () -> ()
    %barrier3A = arith.constant 0 : index
    tpu.barrier barrier_id(%barrier3A)
    %mul3A_22 = arith.constant 40 : i32
    %mul3A_23 = arith.muli %add3A, %mul3A_22 : i32
    "tpu.region"() ({
      %run_scoped3A_60 = tpu.sem_alloc : memref<!tpu.dma_semaphore, #tpu.memory_space<semaphore_mem>>
      %dma_start3A_61 = arith.constant 0 : i32
      %dma_start3A_62 = tpu.memref_slice %arg2[%mul3A_23, %dma_start3A_61] : memref<1280x128xi32, #tpu.memory_space<hbm>> -> memref<40x128xi32, #tpu.memory_space<hbm>>
      %dma_start3A_63 = arith.constant 0 : i32
      %dma_start3A_64 = tpu.memref_slice %arg2[%mul3A_23, %dma_start3A_63] : memref<1280x128xi32, #tpu.memory_space<hbm>> -> memref<40x128xi32, #tpu.memory_space<hbm>>
      tpu.enqueue_dma source(%dma_start3A_64 : memref<40x128xi32, #tpu.memory_space<hbm>>) target(%arg5 : memref<40x128xi32, #tpu.memory_space<vmem>>) target_semaphore(%run_scoped3A_60 : memref<!tpu.dma_semaphore, #tpu.memory_space<semaphore_mem>>)
      %dma_wait3A = arith.constant 0 : i32
      %dma_wait3A_65 = tpu.memref_slice %arg2[%mul3A_23, %dma_wait3A] : memref<1280x128xi32, #tpu.memory_space<hbm>> -> memref<40x128xi32, #tpu.memory_space<hbm>>
      %dma_wait3A_66 = arith.constant 0 : i32
      %dma_wait3A_67 = tpu.memref_slice %arg2[%mul3A_23, %dma_wait3A_66] : memref<1280x128xi32, #tpu.memory_space<hbm>> -> memref<40x128xi32, #tpu.memory_space<hbm>>
      tpu.wait_dma2 semaphore(%run_scoped3A_60 : memref<!tpu.dma_semaphore, #tpu.memory_space<semaphore_mem>>) src(%dma_wait3A_67 : memref<40x128xi32, #tpu.memory_space<hbm>>) dst(%arg5 : memref<40x128xi32, #tpu.memory_space<vmem>>)
      tpu.yield
    }) : () -> ()
    %scan3A_24 = arith.constant 0 : i32
    %scan3A_25 = arith.constant 0 : i32
    %scan3A_26 = arith.constant 40 : i32
    %scan3A_27 = arith.addi %scan3A_25, %scan3A_26 : i32
    %scan3A_28 = arith.constant 1 : i32
    scf.for %scan3A_60 = %scan3A_25 to %scan3A_27 step %scan3A_28  : i32 {
      %get3A = arith.index_cast %scan3A_60 : i32 to index
      %get3A_61 = arith.constant 0 : index
      %get3A_62 = tpu.vector_load %arg5[%get3A, %get3A_61] {strides = array<i32>} : memref<40x128xi32, #tpu.memory_space<vmem>>, vector<1x16xi32>,
      %get3A_63 = vector.shape_cast %get3A_62 : vector<1x16xi32> to vector<16xi32>
      %shift_right_logical3A = arith.constant 17 : i32
      %shift_right_logical3A_64 = vector.broadcast %shift_right_logical3A : i32 to vector<16xi32>
      %shift_right_logical3A_65 = arith.shrui %get3A_63, %shift_right_logical3A_64 : vector<16xi32>
      %swap3A = arith.index_cast %scan3A_60 : i32 to index
      %swap3A_66 = arith.constant 0 : index
      %swap3A_67 = tpu.vector_load %arg6[%swap3A, %swap3A_66] {strides = array<i32>} : memref<40x128xi32, #tpu.memory_space<vmem>>, vector<1x16xi32>,
      %swap3A_68 = vector.shape_cast %swap3A_67 : vector<1x16xi32> to vector<16xi32>
      %swap3A_69 = vector.shape_cast %shift_right_logical3A_65 : vector<16xi32> to vector<1x16xi32>
      tpu.vector_store %arg6[%swap3A, %swap3A_66], %swap3A_69 {strides = array<i32>} : memref<40x128xi32, #tpu.memory_space<vmem>>, vector<1x16xi32>,
      %and3A = arith.constant 131071 : i32
      %and3A_70 = vector.broadcast %and3A : i32 to vector<16xi32>
      %and3A_71 = arith.andi %get3A_63, %and3A_70 : vector<16xi32>
      %swap3A_72 = arith.index_cast %scan3A_60 : i32 to index
      %swap3A_73 = arith.constant 0 : index
      %swap3A_74 = tpu.vector_load %arg5[%swap3A_72, %swap3A_73] {strides = array<i32>} : memref<40x128xi32, #tpu.memory_space<vmem>>, vector<1x16xi32>,
      %swap3A_75 = vector.shape_cast %swap3A_74 : vector<1x16xi32> to vector<16xi32>
      %swap3A_76 = vector.shape_cast %and3A_71 : vector<16xi32> to vector<1x16xi32>
      tpu.vector_store %arg5[%swap3A_72, %swap3A_73], %swap3A_76 {strides = array<i32>} : memref<40x128xi32, #tpu.memory_space<vmem>>, vector<1x16xi32>,
      %get3A_77 = arith.index_cast %scan3A_60 : i32 to index
      %get3A_78 = arith.constant 16 : index
      %get3A_79 = tpu.vector_load %arg5[%get3A_77, %get3A_78] {strides = array<i32>} : memref<40x128xi32, #tpu.memory_space<vmem>>, vector<1x16xi32>,
      %get3A_80 = vector.shape_cast %get3A_79 : vector<1x16xi32> to vector<16xi32>
      %shift_right_logical3A_81 = arith.constant 17 : i32
      %shift_right_logical3A_82 = vector.broadcast %shift_right_logical3A_81 : i32 to vector<16xi32>
      %shift_right_logical3A_83 = arith.shrui %get3A_80, %shift_right_logical3A_82 : vector<16xi32>
      %swap3A_84 = arith.index_cast %scan3A_60 : i32 to index
      %swap3A_85 = arith.constant 16 : index
      %swap3A_86 = tpu.vector_load %arg6[%swap3A_84, %swap3A_85] {strides = array<i32>} : memref<40x128xi32, #tpu.memory_space<vmem>>, vector<1x16xi32>,
      %swap3A_87 = vector.shape_cast %swap3A_86 : vector<1x16xi32> to vector<16xi32>
      %swap3A_88 = vector.shape_cast %shift_right_logical3A_83 : vector<16xi32> to vector<1x16xi32>
      tpu.vector_store %arg6[%swap3A_84, %swap3A_85], %swap3A_88 {strides = array<i32>} : memref<40x128xi32, #tpu.memory_space<vmem>>, vector<1x16xi32>,
      %and3A_89 = arith.constant 131071 : i32
      %and3A_90 = vector.broadcast %and3A_89 : i32 to vector<16xi32>
      %and3A_91 = arith.andi %get3A_80, %and3A_90 : vector<16xi32>
      %swap3A_92 = arith.index_cast %scan3A_60 : i32 to index
      %swap3A_93 = arith.constant 16 : index
      %swap3A_94 = tpu.vector_load %arg5[%swap3A_92, %swap3A_93] {strides = array<i32>} : memref<40x128xi32, #tpu.memory_space<vmem>>, vector<1x16xi32>,
      %swap3A_95 = vector.shape_cast %swap3A_94 : vector<1x16xi32> to vector<16xi32>
      %swap3A_96 = vector.shape_cast %and3A_91 : vector<16xi32> to vector<1x16xi32>
      tpu.vector_store %arg5[%swap3A_92, %swap3A_93], %swap3A_96 {strides = array<i32>} : memref<40x128xi32, #tpu.memory_space<vmem>>, vector<1x16xi32>,
      %get3A_97 = arith.index_cast %scan3A_60 : i32 to index
      %get3A_98 = arith.constant 32 : index
      %get3A_99 = tpu.vector_load %arg5[%get3A_97, %get3A_98] {strides = array<i32>} : memref<40x128xi32, #tpu.memory_space<vmem>>, vector<1x16xi32>,
      %get3A_100 = vector.shape_cast %get3A_99 : vector<1x16xi32> to vector<16xi32>
      %shift_right_logical3A_101 = arith.constant 17 : i32
      %shift_right_logical3A_102 = vector.broadcast %shift_right_logical3A_101 : i32 to vector<16xi32>
      %shift_right_logical3A_103 = arith.shrui %get3A_100, %shift_right_logical3A_102 : vector<16xi32>
      %swap3A_104 = arith.index_cast %scan3A_60 : i32 to index
      %swap3A_105 = arith.constant 32 : index
      %swap3A_106 = tpu.vector_load %arg6[%swap3A_104, %swap3A_105] {strides = array<i32>} : memref<40x128xi32, #tpu.memory_space<vmem>>, vector<1x16xi32>,
      %swap3A_107 = vector.shape_cast %swap3A_106 : vector<1x16xi32> to vector<16xi32>
      %swap3A_108 = vector.shape_cast %shift_right_logical3A_103 : vector<16xi32> to vector<1x16xi32>
      tpu.vector_store %arg6[%swap3A_104, %swap3A_105], %swap3A_108 {strides = array<i32>} : memref<40x128xi32, #tpu.memory_space<vmem>>, vector<1x16xi32>,
      %and3A_109 = arith.constant 131071 : i32
      %and3A_110 = vector.broadcast %and3A_109 : i32 to vector<16xi32>
      %and3A_111 = arith.andi %get3A_100, %and3A_110 : vector<16xi32>
      %swap3A_112 = arith.index_cast %scan3A_60 : i32 to index
      %swap3A_113 = arith.constant 32 : index
      %swap3A_114 = tpu.vector_load %arg5[%swap3A_112, %swap3A_113] {strides = array<i32>} : memref<40x128xi32, #tpu.memory_space<vmem>>, vector<1x16xi32>,
      %swap3A_115 = vector.shape_cast %swap3A_114 : vector<1x16xi32> to vector<16xi32>
      %swap3A_116 = vector.shape_cast %and3A_111 : vector<16xi32> to vector<1x16xi32>
      tpu.vector_store %arg5[%swap3A_112, %swap3A_113], %swap3A_116 {strides = array<i32>} : memref<40x128xi32, #tpu.memory_space<vmem>>, vector<1x16xi32>,
      %get3A_117 = arith.index_cast %scan3A_60 : i32 to index
      %get3A_118 = arith.constant 48 : index
      %get3A_119 = tpu.vector_load %arg5[%get3A_117, %get3A_118] {strides = array<i32>} : memref<40x128xi32, #tpu.memory_space<vmem>>, vector<1x16xi32>,
      %get3A_120 = vector.shape_cast %get3A_119 : vector<1x16xi32> to vector<16xi32>
      %shift_right_logical3A_121 = arith.constant 17 : i32
      %shift_right_logical3A_122 = vector.broadcast %shift_right_logical3A_121 : i32 to vector<16xi32>
      %shift_right_logical3A_123 = arith.shrui %get3A_120, %shift_right_logical3A_122 : vector<16xi32>
      %swap3A_124 = arith.index_cast %scan3A_60 : i32 to index
      %swap3A_125 = arith.constant 48 : index
      %swap3A_126 = tpu.vector_load %arg6[%swap3A_124, %swap3A_125] {strides = array<i32>} : memref<40x128xi32, #tpu.memory_space<vmem>>, vector<1x16xi32>,
      %swap3A_127 = vector.shape_cast %swap3A_126 : vector<1x16xi32> to vector<16xi32>
      %swap3A_128 = vector.shape_cast %shift_right_logical3A_123 : vector<16xi32> to vector<1x16xi32>
      tpu.vector_store %arg6[%swap3A_124, %swap3A_125], %swap3A_128 {strides = array<i32>} : memref<40x128xi32, #tpu.memory_space<vmem>>, vector<1x16xi32>,
      %and3A_129 = arith.constant 131071 : i32
      %and3A_130 = vector.broadcast %and3A_129 : i32 to vector<16xi32>
      %and3A_131 = arith.andi %get3A_120, %and3A_130 : vector<16xi32>
      %swap3A_132 = arith.index_cast %scan3A_60 : i32 to index
      %swap3A_133 = arith.constant 48 : index
      %swap3A_134 = tpu.vector_load %arg5[%swap3A_132, %swap3A_133] {strides = array<i32>} : memref<40x128xi32, #tpu.memory_space<vmem>>, vector<1x16xi32>,
      %swap3A_135 = vector.shape_cast %swap3A_134 : vector<1x16xi32> to vector<16xi32>
      %swap3A_136 = vector.shape_cast %and3A_131 : vector<16xi32> to vector<1x16xi32>
      tpu.vector_store %arg5[%swap3A_132, %swap3A_133], %swap3A_136 {strides = array<i32>} : memref<40x128xi32, #tpu.memory_space<vmem>>, vector<1x16xi32>,
      %get3A_137 = arith.index_cast %scan3A_60 : i32 to index
      %get3A_138 = arith.constant 64 : index
      %get3A_139 = tpu.vector_load %arg5[%get3A_137, %get3A_138] {strides = array<i32>} : memref<40x128xi32, #tpu.memory_space<vmem>>, vector<1x16xi32>,
      %get3A_140 = vector.shape_cast %get3A_139 : vector<1x16xi32> to vector<16xi32>
      %shift_right_logical3A_141 = arith.constant 17 : i32
      %shift_right_logical3A_142 = vector.broadcast %shift_right_logical3A_141 : i32 to vector<16xi32>
      %shift_right_logical3A_143 = arith.shrui %get3A_140, %shift_right_logical3A_142 : vector<16xi32>
      %swap3A_144 = arith.index_cast %scan3A_60 : i32 to index
      %swap3A_145 = arith.constant 64 : index
      %swap3A_146 = tpu.vector_load %arg6[%swap3A_144, %swap3A_145] {strides = array<i32>} : memref<40x128xi32, #tpu.memory_space<vmem>>, vector<1x16xi32>,
      %swap3A_147 = vector.shape_cast %swap3A_146 : vector<1x16xi32> to vector<16xi32>
      %swap3A_148 = vector.shape_cast %shift_right_logical3A_143 : vector<16xi32> to vector<1x16xi32>
      tpu.vector_store %arg6[%swap3A_144, %swap3A_145], %swap3A_148 {strides = array<i32>} : memref<40x128xi32, #tpu.memory_space<vmem>>, vector<1x16xi32>,
      %and3A_149 = arith.constant 131071 : i32
      %and3A_150 = vector.broadcast %and3A_149 : i32 to vector<16xi32>
      %and3A_151 = arith.andi %get3A_140, %and3A_150 : vector<16xi32>
      %swap3A_152 = arith.index_cast %scan3A_60 : i32 to index
      %swap3A_153 = arith.constant 64 : index
      %swap3A_154 = tpu.vector_load %arg5[%swap3A_152, %swap3A_153] {strides = array<i32>} : memref<40x128xi32, #tpu.memory_space<vmem>>, vector<1x16xi32>,
      %swap3A_155 = vector.shape_cast %swap3A_154 : vector<1x16xi32> to vector<16xi32>
      %swap3A_156 = vector.shape_cast %and3A_151 : vector<16xi32> to vector<1x16xi32>
      tpu.vector_store %arg5[%swap3A_152, %swap3A_153], %swap3A_156 {strides = array<i32>} : memref<40x128xi32, #tpu.memory_space<vmem>>, vector<1x16xi32>,
      %get3A_157 = arith.index_cast %scan3A_60 : i32 to index
      %get3A_158 = arith.constant 80 : index
      %get3A_159 = tpu.vector_load %arg5[%get3A_157, %get3A_158] {strides = array<i32>} : memref<40x128xi32, #tpu.memory_space<vmem>>, vector<1x16xi32>,
      %get3A_160 = vector.shape_cast %get3A_159 : vector<1x16xi32> to vector<16xi32>
      %shift_right_logical3A_161 = arith.constant 17 : i32
      %shift_right_logical3A_162 = vector.broadcast %shift_right_logical3A_161 : i32 to vector<16xi32>
      %shift_right_logical3A_163 = arith.shrui %get3A_160, %shift_right_logical3A_162 : vector<16xi32>
      %swap3A_164 = arith.index_cast %scan3A_60 : i32 to index
      %swap3A_165 = arith.constant 80 : index
      %swap3A_166 = tpu.vector_load %arg6[%swap3A_164, %swap3A_165] {strides = array<i32>} : memref<40x128xi32, #tpu.memory_space<vmem>>, vector<1x16xi32>,
      %swap3A_167 = vector.shape_cast %swap3A_166 : vector<1x16xi32> to vector<16xi32>
      %swap3A_168 = vector.shape_cast %shift_right_logical3A_163 : vector<16xi32> to vector<1x16xi32>
      tpu.vector_store %arg6[%swap3A_164, %swap3A_165], %swap3A_168 {strides = array<i32>} : memref<40x128xi32, #tpu.memory_space<vmem>>, vector<1x16xi32>,
      %and3A_169 = arith.constant 131071 : i32
      %and3A_170 = vector.broadcast %and3A_169 : i32 to vector<16xi32>
      %and3A_171 = arith.andi %get3A_160, %and3A_170 : vector<16xi32>
      %swap3A_172 = arith.index_cast %scan3A_60 : i32 to index
      %swap3A_173 = arith.constant 80 : index
      %swap3A_174 = tpu.vector_load %arg5[%swap3A_172, %swap3A_173] {strides = array<i32>} : memref<40x128xi32, #tpu.memory_space<vmem>>, vector<1x16xi32>,
      %swap3A_175 = vector.shape_cast %swap3A_174 : vector<1x16xi32> to vector<16xi32>
      %swap3A_176 = vector.shape_cast %and3A_171 : vector<16xi32> to vector<1x16xi32>
      tpu.vector_store %arg5[%swap3A_172, %swap3A_173], %swap3A_176 {strides = array<i32>} : memref<40x128xi32, #tpu.memory_space<vmem>>, vector<1x16xi32>,
      %get3A_177 = arith.index_cast %scan3A_60 : i32 to index
      %get3A_178 = arith.constant 96 : index
      %get3A_179 = tpu.vector_load %arg5[%get3A_177, %get3A_178] {strides = array<i32>} : memref<40x128xi32, #tpu.memory_space<vmem>>, vector<1x16xi32>,
      %get3A_180 = vector.shape_cast %get3A_179 : vector<1x16xi32> to vector<16xi32>
      %shift_right_logical3A_181 = arith.constant 17 : i32
      %shift_right_logical3A_182 = vector.broadcast %shift_right_logical3A_181 : i32 to vector<16xi32>
      %shift_right_logical3A_183 = arith.shrui %get3A_180, %shift_right_logical3A_182 : vector<16xi32>
      %swap3A_184 = arith.index_cast %scan3A_60 : i32 to index
      %swap3A_185 = arith.constant 96 : index
      %swap3A_186 = tpu.vector_load %arg6[%swap3A_184, %swap3A_185] {strides = array<i32>} : memref<40x128xi32, #tpu.memory_space<vmem>>, vector<1x16xi32>,
      %swap3A_187 = vector.shape_cast %swap3A_186 : vector<1x16xi32> to vector<16xi32>
      %swap3A_188 = vector.shape_cast %shift_right_logical3A_183 : vector<16xi32> to vector<1x16xi32>
      tpu.vector_store %arg6[%swap3A_184, %swap3A_185], %swap3A_188 {strides = array<i32>} : memref<40x128xi32, #tpu.memory_space<vmem>>, vector<1x16xi32>,
      %and3A_189 = arith.constant 131071 : i32
      %and3A_190 = vector.broadcast %and3A_189 : i32 to vector<16xi32>
      %and3A_191 = arith.andi %get3A_180, %and3A_190 : vector<16xi32>
      %swap3A_192 = arith.index_cast %scan3A_60 : i32 to index
      %swap3A_193 = arith.constant 96 : index
      %swap3A_194 = tpu.vector_load %arg5[%swap3A_192, %swap3A_193] {strides = array<i32>} : memref<40x128xi32, #tpu.memory_space<vmem>>, vector<1x16xi32>,
      %swap3A_195 = vector.shape_cast %swap3A_194 : vector<1x16xi32> to vector<16xi32>
      %swap3A_196 = vector.shape_cast %and3A_191 : vector<16xi32> to vector<1x16xi32>
      tpu.vector_store %arg5[%swap3A_192, %swap3A_193], %swap3A_196 {strides = array<i32>} : memref<40x128xi32, #tpu.memory_space<vmem>>, vector<1x16xi32>,
      %get3A_197 = arith.index_cast %scan3A_60 : i32 to index
      %get3A_198 = arith.constant 112 : index
      %get3A_199 = tpu.vector_load %arg5[%get3A_197, %get3A_198] {strides = array<i32>} : memref<40x128xi32, #tpu.memory_space<vmem>>, vector<1x16xi32>,
      %get3A_200 = vector.shape_cast %get3A_199 : vector<1x16xi32> to vector<16xi32>
      %shift_right_logical3A_201 = arith.constant 17 : i32
      %shift_right_logical3A_202 = vector.broadcast %shift_right_logical3A_201 : i32 to vector<16xi32>
      %shift_right_logical3A_203 = arith.shrui %get3A_200, %shift_right_logical3A_202 : vector<16xi32>
      %swap3A_204 = arith.index_cast %scan3A_60 : i32 to index
      %swap3A_205 = arith.constant 112 : index
      %swap3A_206 = tpu.vector_load %arg6[%swap3A_204, %swap3A_205] {strides = array<i32>} : memref<40x128xi32, #tpu.memory_space<vmem>>, vector<1x16xi32>,
      %swap3A_207 = vector.shape_cast %swap3A_206 : vector<1x16xi32> to vector<16xi32>
      %swap3A_208 = vector.shape_cast %shift_right_logical3A_203 : vector<16xi32> to vector<1x16xi32>
      tpu.vector_store %arg6[%swap3A_204, %swap3A_205], %swap3A_208 {strides = array<i32>} : memref<40x128xi32, #tpu.memory_space<vmem>>, vector<1x16xi32>,
      %and3A_209 = arith.constant 131071 : i32
      %and3A_210 = vector.broadcast %and3A_209 : i32 to vector<16xi32>
      %and3A_211 = arith.andi %get3A_200, %and3A_210 : vector<16xi32>
      %swap3A_212 = arith.index_cast %scan3A_60 : i32 to index
      %swap3A_213 = arith.constant 112 : index
      %swap3A_214 = tpu.vector_load %arg5[%swap3A_212, %swap3A_213] {strides = array<i32>} : memref<40x128xi32, #tpu.memory_space<vmem>>, vector<1x16xi32>,
      %swap3A_215 = vector.shape_cast %swap3A_214 : vector<1x16xi32> to vector<16xi32>
      %swap3A_216 = vector.shape_cast %and3A_211 : vector<16xi32> to vector<1x16xi32>
      tpu.vector_store %arg5[%swap3A_212, %swap3A_213], %swap3A_216 {strides = array<i32>} : memref<40x128xi32, #tpu.memory_space<vmem>>, vector<1x16xi32>,
    }
    %scan3A_29 = arith.constant 40 : i32
    %dma_start3A = arith.constant 0 : i32
    %dma_start3A_30 = arith.constant 0 : i32
    %dma_start3A_31 = arith.constant 0 : i32
    %dma_start3A_32 = arith.constant 0 : i32
    %dma_start3A_33 = tpu.memref_slice %arg7[%dma_start3A_30, %dma_start3A_31, %dma_start3A_32] : memref<2x128x128xf32, #tpu.memory_space<vmem>> -> memref<1x64x128xf32, #tpu.memory_space<vmem>>
    %dma_start3A_34 = tpu.memref_squeeze %dma_start3A_33 : memref<1x64x128xf32, #tpu.memory_space<vmem>> -> memref<64x128xf32, #tpu.memory_space<vmem>>
    %dma_start3A_35 = arith.constant 0 : i32
    %dma_start3A_36 = tpu.memref_slice %arg5[%dma_start3A, %dma_start3A_35] : memref<40x128xi32, #tpu.memory_space<vmem>> -> memref<1x64xi32, #tpu.memory_space<vmem>>
    %dma_start3A_37 = tpu.memref_squeeze %dma_start3A_36 : memref<1x64xi32, #tpu.memory_space<vmem>> -> memref<64xi32, #tpu.memory_space<vmem>>
    %dma_start3A_38 = arith.constant 0 : i32
    %dma_start3A_39 = arith.constant 0 : i32
    %dma_start3A_40 = tpu.memref_slice %arg3[%dma_start3A_38, %dma_start3A_39] : memref<80000x128xf32, #tpu.memory_space<hbm>> -> memref<80000x128xf32, #tpu.memory_space<hbm>>
    tpu.enqueue_indirect_dma source(%dma_start3A_40 : memref<80000x128xf32, #tpu.memory_space<hbm>>) target(%dma_start3A_34 : memref<64x128xf32, #tpu.memory_space<vmem>>) offsets(%dma_start3A_37 : memref<64xi32, #tpu.memory_space<vmem>>) semaphore(%arg9 : memref<!tpu.dma_semaphore, #tpu.memory_space<semaphore_mem>>)
    %dma_start3A_41 = arith.constant 0 : i32
    %dma_start3A_42 = arith.constant 0 : i32
    %dma_start3A_43 = arith.constant 64 : i32
    %dma_start3A_44 = arith.constant 0 : i32
    %dma_start3A_45 = tpu.memref_slice %arg7[%dma_start3A_42, %dma_start3A_43, %dma_start3A_44] : memref<2x128x128xf32, #tpu.memory_space<vmem>> -> memref<1x64x128xf32, #tpu.memory_space<vmem>>
    %dma_start3A_46 = tpu.memref_squeeze %dma_start3A_45 : memref<1x64x128xf32, #tpu.memory_space<vmem>> -> memref<64x128xf32, #tpu.memory_space<vmem>>
    %dma_start3A_47 = arith.constant 64 : i32
    %dma_start3A_48 = tpu.memref_slice %arg5[%dma_start3A_41, %dma_start3A_47] : memref<40x128xi32, #tpu.memory_space<vmem>> -> memref<1x64xi32, #tpu.memory_space<vmem>>
    %dma_start3A_49 = tpu.memref_squeeze %dma_start3A_48 : memref<1x64xi32, #tpu.memory_space<vmem>> -> memref<64xi32, #tpu.memory_space<vmem>>
    %dma_start3A_50 = arith.constant 0 : i32
    %dma_start3A_51 = arith.constant 0 : i32
    %dma_start3A_52 = tpu.memref_slice %arg3[%dma_start3A_50, %dma_start3A_51] : memref<80000x128xf32, #tpu.memory_space<hbm>> -> memref<80000x128xf32, #tpu.memory_space<hbm>>
    tpu.enqueue_indirect_dma source(%dma_start3A_52 : memref<80000x128xf32, #tpu.memory_space<hbm>>) target(%dma_start3A_46 : memref<64x128xf32, #tpu.memory_space<vmem>>) offsets(%dma_start3A_49 : memref<64xi32, #tpu.memory_space<vmem>>) semaphore(%arg10 : memref<!tpu.dma_semaphore, #tpu.memory_space<semaphore_mem>>)
    %scan3A_53 = arith.constant 0 : i32
    %scan3A_54 = arith.constant 0 : i32
    %scan3A_55 = arith.constant 20 : i32
    %scan3A_56 = arith.addi %scan3A_54, %scan3A_55 : i32
    %scan3A_57 = arith.constant 1 : i32
    scf.for %scan3A_60 = %scan3A_54 to %scan3A_56 step %scan3A_57  : i32 {
      %mul3A_61 = arith.constant 2 : i32
      %mul3A_62 = arith.muli %mul3A_61, %scan3A_60 : i32
      %add3A_63 = arith.constant 1 : i32
      %add3A_64 = arith.addi %mul3A_62, %add3A_63 : i32
      %dma_start3A_65 = arith.constant 1 : i32
      %dma_start3A_66 = arith.constant 0 : i32
      %dma_start3A_67 = arith.constant 0 : i32
      %dma_start3A_68 = tpu.memref_slice %arg7[%dma_start3A_65, %dma_start3A_66, %dma_start3A_67] : memref<2x128x128xf32, #tpu.memory_space<vmem>> -> memref<1x64x128xf32, #tpu.memory_space<vmem>>
      %dma_start3A_69 = tpu.memref_squeeze %dma_start3A_68 : memref<1x64x128xf32, #tpu.memory_space<vmem>> -> memref<64x128xf32, #tpu.memory_space<vmem>>
      %dma_start3A_70 = arith.constant 0 : i32
      %dma_start3A_71 = tpu.memref_slice %arg5[%add3A_64, %dma_start3A_70] : memref<40x128xi32, #tpu.memory_space<vmem>> -> memref<1x64xi32, #tpu.memory_space<vmem>>
      %dma_start3A_72 = tpu.memref_squeeze %dma_start3A_71 : memref<1x64xi32, #tpu.memory_space<vmem>> -> memref<64xi32, #tpu.memory_space<vmem>>
      %dma_start3A_73 = arith.constant 0 : i32
      %dma_start3A_74 = arith.constant 0 : i32
      %dma_start3A_75 = tpu.memref_slice %arg3[%dma_start3A_73, %dma_start3A_74] : memref<80000x128xf32, #tpu.memory_space<hbm>> -> memref<80000x128xf32, #tpu.memory_space<hbm>>
      tpu.enqueue_indirect_dma source(%dma_start3A_75 : memref<80000x128xf32, #tpu.memory_space<hbm>>) target(%dma_start3A_69 : memref<64x128xf32, #tpu.memory_space<vmem>>) offsets(%dma_start3A_72 : memref<64xi32, #tpu.memory_space<vmem>>) semaphore(%arg11 : memref<!tpu.dma_semaphore, #tpu.memory_space<semaphore_mem>>)
      %dma_start3A_76 = arith.constant 1 : i32
      %dma_start3A_77 = arith.constant 64 : i32
      %dma_start3A_78 = arith.constant 0 : i32
      %dma_start3A_79 = tpu.memref_slice %arg7[%dma_start3A_76, %dma_start3A_77, %dma_start3A_78] : memref<2x128x128xf32, #tpu.memory_space<vmem>> -> memref<1x64x128xf32, #tpu.memory_space<vmem>>
      %dma_start3A_80 = tpu.memref_squeeze %dma_start3A_79 : memref<1x64x128xf32, #tpu.memory_space<vmem>> -> memref<64x128xf32, #tpu.memory_space<vmem>>
      %dma_start3A_81 = arith.constant 64 : i32
      %dma_start3A_82 = tpu.memref_slice %arg5[%add3A_64, %dma_start3A_81] : memref<40x128xi32, #tpu.memory_space<vmem>> -> memref<1x64xi32, #tpu.memory_space<vmem>>
      %dma_start3A_83 = tpu.memref_squeeze %dma_start3A_82 : memref<1x64xi32, #tpu.memory_space<vmem>> -> memref<64xi32, #tpu.memory_space<vmem>>
      %dma_start3A_84 = arith.constant 0 : i32
      %dma_start3A_85 = arith.constant 0 : i32
      %dma_start3A_86 = tpu.memref_slice %arg3[%dma_start3A_84, %dma_start3A_85] : memref<80000x128xf32, #tpu.memory_space<hbm>> -> memref<80000x128xf32, #tpu.memory_space<hbm>>
      tpu.enqueue_indirect_dma source(%dma_start3A_86 : memref<80000x128xf32, #tpu.memory_space<hbm>>) target(%dma_start3A_80 : memref<64x128xf32, #tpu.memory_space<vmem>>) offsets(%dma_start3A_83 : memref<64xi32, #tpu.memory_space<vmem>>) semaphore(%arg12 : memref<!tpu.dma_semaphore, #tpu.memory_space<semaphore_mem>>)
      %dma_wait3A = arith.constant 0 : i32
      %dma_wait3A_87 = arith.constant 0 : i32
      %dma_wait3A_88 = arith.constant 0 : i32
      %dma_wait3A_89 = tpu.memref_slice %arg7[%dma_wait3A, %dma_wait3A_87, %dma_wait3A_88] : memref<2x128x128xf32, #tpu.memory_space<vmem>> -> memref<1x64x128xf32, #tpu.memory_space<vmem>>
      %dma_wait3A_90 = tpu.memref_squeeze %dma_wait3A_89 : memref<1x64x128xf32, #tpu.memory_space<vmem>> -> memref<64x128xf32, #tpu.memory_space<vmem>>
      %dma_wait3A_91 = arith.constant 0 : i32
      %dma_wait3A_92 = tpu.memref_slice %arg5[%mul3A_62, %dma_wait3A_91] : memref<40x128xi32, #tpu.memory_space<vmem>> -> memref<1x64xi32, #tpu.memory_space<vmem>>
      %dma_wait3A_93 = tpu.memref_squeeze %dma_wait3A_92 : memref<1x64xi32, #tpu.memory_space<vmem>> -> memref<64xi32, #tpu.memory_space<vmem>>
      %dma_wait3A_94 = arith.constant 0 : i32
      %dma_wait3A_95 = arith.constant 0 : i32
      %dma_wait3A_96 = tpu.memref_slice %arg3[%dma_wait3A_94, %dma_wait3A_95] : memref<80000x128xf32, #tpu.memory_space<hbm>> -> memref<80000x128xf32, #tpu.memory_space<hbm>>
      tpu.wait_indirect_dma semaphore(%arg9 : memref<!tpu.dma_semaphore, #tpu.memory_space<semaphore_mem>>) src(%dma_wait3A_96 : memref<80000x128xf32, #tpu.memory_space<hbm>>) dst(%dma_wait3A_90 : memref<64x128xf32, #tpu.memory_space<vmem>>)
      %dma_wait3A_97 = arith.constant 0 : i32
      %dma_wait3A_98 = arith.constant 64 : i32
      %dma_wait3A_99 = arith.constant 0 : i32
      %dma_wait3A_100 = tpu.memref_slice %arg7[%dma_wait3A_97, %dma_wait3A_98, %dma_wait3A_99] : memref<2x128x128xf32, #tpu.memory_space<vmem>> -> memref<1x64x128xf32, #tpu.memory_space<vmem>>
      %dma_wait3A_101 = tpu.memref_squeeze %dma_wait3A_100 : memref<1x64x128xf32, #tpu.memory_space<vmem>> -> memref<64x128xf32, #tpu.memory_space<vmem>>
      %dma_wait3A_102 = arith.constant 64 : i32
      %dma_wait3A_103 = tpu.memref_slice %arg5[%mul3A_62, %dma_wait3A_102] : memref<40x128xi32, #tpu.memory_space<vmem>> -> memref<1x64xi32, #tpu.memory_space<vmem>>
      %dma_wait3A_104 = tpu.memref_squeeze %dma_wait3A_103 : memref<1x64xi32, #tpu.memory_space<vmem>> -> memref<64xi32, #tpu.memory_space<vmem>>
      %dma_wait3A_105 = arith.constant 0 : i32
      %dma_wait3A_106 = arith.constant 0 : i32
      %dma_wait3A_107 = tpu.memref_slice %arg3[%dma_wait3A_105, %dma_wait3A_106] : memref<80000x128xf32, #tpu.memory_space<hbm>> -> memref<80000x128xf32, #tpu.memory_space<hbm>>
      tpu.wait_indirect_dma semaphore(%arg10 : memref<!tpu.dma_semaphore, #tpu.memory_space<semaphore_mem>>) src(%dma_wait3A_107 : memref<80000x128xf32, #tpu.memory_space<hbm>>) dst(%dma_wait3A_101 : memref<64x128xf32, #tpu.memory_space<vmem>>)
      %run_scoped3A_108 = arith.constant 0 : i32
      "tpu.region"() ({
        %run_scoped3A_136 = tpu.sem_alloc : memref<!tpu.dma_semaphore, #tpu.memory_space<semaphore_mem>>
        %dma_start3A_137 = arith.constant 0 : i32
        %dma_start3A_138 = arith.constant 0 : i32
        %dma_start3A_139 = tpu.memref_slice %arg7[%run_scoped3A_108, %dma_start3A_137, %dma_start3A_138] : memref<2x128x128xf32, #tpu.memory_space<vmem>> -> memref<1x128x128xf32, #tpu.memory_space<vmem>>
        %dma_start3A_140 = tpu.memref_squeeze %dma_start3A_139 : memref<1x128x128xf32, #tpu.memory_space<vmem>> -> memref<128x128xf32, #tpu.memory_space<vmem>>
        %dma_start3A_141 = arith.constant 0 : i32
        %dma_start3A_142 = tpu.memref_slice %arg6[%mul3A_62, %dma_start3A_141] : memref<40x128xi32, #tpu.memory_space<vmem>> -> memref<1x128xi32, #tpu.memory_space<vmem>>
        %dma_start3A_143 = tpu.memref_squeeze %dma_start3A_142 : memref<1x128xi32, #tpu.memory_space<vmem>> -> memref<128xi32, #tpu.memory_space<vmem>>
        %dma_start3A_144 = arith.constant 0 : i32
        %dma_start3A_145 = arith.constant 0 : i32
        %dma_start3A_146 = tpu.memref_slice %arg8[%dma_start3A_144, %dma_start3A_145] : memref<10112x128xf32, #tpu.memory_space<vmem_shared>> -> memref<10112x128xf32, #tpu.memory_space<vmem_shared>>
        tpu.enqueue_indirect_dma source(%dma_start3A_140 : memref<128x128xf32, #tpu.memory_space<vmem>>) target(%dma_start3A_146 : memref<10112x128xf32, #tpu.memory_space<vmem_shared>>) offsets(%dma_start3A_143 : memref<128xi32, #tpu.memory_space<vmem>>) semaphore(%run_scoped3A_136 : memref<!tpu.dma_semaphore, #tpu.memory_space<semaphore_mem>>) {add = true}
        %dma_wait3A_147 = arith.constant 0 : i32
        %dma_wait3A_148 = arith.constant 0 : i32
        %dma_wait3A_149 = tpu.memref_slice %arg7[%run_scoped3A_108, %dma_wait3A_147, %dma_wait3A_148] : memref<2x128x128xf32, #tpu.memory_space<vmem>> -> memref<1x128x128xf32, #tpu.memory_space<vmem>>
        %dma_wait3A_150 = tpu.memref_squeeze %dma_wait3A_149 : memref<1x128x128xf32, #tpu.memory_space<vmem>> -> memref<128x128xf32, #tpu.memory_space<vmem>>
        %dma_wait3A_151 = arith.constant 0 : i32
        %dma_wait3A_152 = tpu.memref_slice %arg6[%mul3A_62, %dma_wait3A_151] : memref<40x128xi32, #tpu.memory_space<vmem>> -> memref<1x128xi32, #tpu.memory_space<vmem>>
        %dma_wait3A_153 = tpu.memref_squeeze %dma_wait3A_152 : memref<1x128xi32, #tpu.memory_space<vmem>> -> memref<128xi32, #tpu.memory_space<vmem>>
        %dma_wait3A_154 = arith.constant 0 : i32
        %dma_wait3A_155 = arith.constant 0 : i32
        %dma_wait3A_156 = tpu.memref_slice %arg8[%dma_wait3A_154, %dma_wait3A_155] : memref<10112x128xf32, #tpu.memory_space<vmem_shared>> -> memref<10112x128xf32, #tpu.memory_space<vmem_shared>>
        tpu.wait_indirect_dma semaphore(%run_scoped3A_136 : memref<!tpu.dma_semaphore, #tpu.memory_space<semaphore_mem>>) src(%dma_wait3A_150 : memref<128x128xf32, #tpu.memory_space<vmem>>) dst(%dma_wait3A_156 : memref<10112x128xf32, #tpu.memory_space<vmem_shared>>)
        tpu.yield
      }) : () -> ()
      %add3A_109 = arith.constant 2 : i32
      %add3A_110 = arith.addi %mul3A_62, %add3A_109 : i32
      %lt3A = arith.constant 40 : i32
      %lt3A_111 = arith.cmpi slt, %add3A_110, %lt3A : i32
      %convert_element_type3A = arith.extui %lt3A_111 : i1 to i32
      %cond3A = arith.constant 0 : i32
      %cond3A_112 = arith.cmpi ne, %convert_element_type3A, %cond3A : i32
      scf.if %cond3A_112 {
        %add3A_136 = arith.constant 2 : i32
        %add3A_137 = arith.addi %mul3A_62, %add3A_136 : i32
        %dma_start3A_138 = arith.constant 0 : i32
        %dma_start3A_139 = arith.constant 0 : i32
        %dma_start3A_140 = arith.constant 0 : i32
        %dma_start3A_141 = tpu.memref_slice %arg7[%dma_start3A_138, %dma_start3A_139, %dma_start3A_140] : memref<2x128x128xf32, #tpu.memory_space<vmem>> -> memref<1x64x128xf32, #tpu.memory_space<vmem>>
        %dma_start3A_142 = tpu.memref_squeeze %dma_start3A_141 : memref<1x64x128xf32, #tpu.memory_space<vmem>> -> memref<64x128xf32, #tpu.memory_space<vmem>>
        %dma_start3A_143 = arith.constant 0 : i32
        %dma_start3A_144 = tpu.memref_slice %arg5[%add3A_137, %dma_start3A_143] : memref<40x128xi32, #tpu.memory_space<vmem>> -> memref<1x64xi32, #tpu.memory_space<vmem>>
        %dma_start3A_145 = tpu.memref_squeeze %dma_start3A_144 : memref<1x64xi32, #tpu.memory_space<vmem>> -> memref<64xi32, #tpu.memory_space<vmem>>
        %dma_start3A_146 = arith.constant 0 : i32
        %dma_start3A_147 = arith.constant 0 : i32
        %dma_start3A_148 = tpu.memref_slice %arg3[%dma_start3A_146, %dma_start3A_147] : memref<80000x128xf32, #tpu.memory_space<hbm>> -> memref<80000x128xf32, #tpu.memory_space<hbm>>
        tpu.enqueue_indirect_dma source(%dma_start3A_148 : memref<80000x128xf32, #tpu.memory_space<hbm>>) target(%dma_start3A_142 : memref<64x128xf32, #tpu.memory_space<vmem>>) offsets(%dma_start3A_145 : memref<64xi32, #tpu.memory_space<vmem>>) semaphore(%arg9 : memref<!tpu.dma_semaphore, #tpu.memory_space<semaphore_mem>>)
        %dma_start3A_149 = arith.constant 0 : i32
        %dma_start3A_150 = arith.constant 64 : i32
        %dma_start3A_151 = arith.constant 0 : i32
        %dma_start3A_152 = tpu.memref_slice %arg7[%dma_start3A_149, %dma_start3A_150, %dma_start3A_151] : memref<2x128x128xf32, #tpu.memory_space<vmem>> -> memref<1x64x128xf32, #tpu.memory_space<vmem>>
        %dma_start3A_153 = tpu.memref_squeeze %dma_start3A_152 : memref<1x64x128xf32, #tpu.memory_space<vmem>> -> memref<64x128xf32, #tpu.memory_space<vmem>>
        %dma_start3A_154 = arith.constant 64 : i32
        %dma_start3A_155 = tpu.memref_slice %arg5[%add3A_137, %dma_start3A_154] : memref<40x128xi32, #tpu.memory_space<vmem>> -> memref<1x64xi32, #tpu.memory_space<vmem>>
        %dma_start3A_156 = tpu.memref_squeeze %dma_start3A_155 : memref<1x64xi32, #tpu.memory_space<vmem>> -> memref<64xi32, #tpu.memory_space<vmem>>
        %dma_start3A_157 = arith.constant 0 : i32
        %dma_start3A_158 = arith.constant 0 : i32
        %dma_start3A_159 = tpu.memref_slice %arg3[%dma_start3A_157, %dma_start3A_158] : memref<80000x128xf32, #tpu.memory_space<hbm>> -> memref<80000x128xf32, #tpu.memory_space<hbm>>
        tpu.enqueue_indirect_dma source(%dma_start3A_159 : memref<80000x128xf32, #tpu.memory_space<hbm>>) target(%dma_start3A_153 : memref<64x128xf32, #tpu.memory_space<vmem>>) offsets(%dma_start3A_156 : memref<64xi32, #tpu.memory_space<vmem>>) semaphore(%arg10 : memref<!tpu.dma_semaphore, #tpu.memory_space<semaphore_mem>>)
      } else {
      }
      %dma_wait3A_113 = arith.constant 1 : i32
      %dma_wait3A_114 = arith.constant 0 : i32
      %dma_wait3A_115 = arith.constant 0 : i32
      %dma_wait3A_116 = tpu.memref_slice %arg7[%dma_wait3A_113, %dma_wait3A_114, %dma_wait3A_115] : memref<2x128x128xf32, #tpu.memory_space<vmem>> -> memref<1x64x128xf32, #tpu.memory_space<vmem>>
      %dma_wait3A_117 = tpu.memref_squeeze %dma_wait3A_116 : memref<1x64x128xf32, #tpu.memory_space<vmem>> -> memref<64x128xf32, #tpu.memory_space<vmem>>
      %dma_wait3A_118 = arith.constant 0 : i32
      %dma_wait3A_119 = tpu.memref_slice %arg5[%add3A_64, %dma_wait3A_118] : memref<40x128xi32, #tpu.memory_space<vmem>> -> memref<1x64xi32, #tpu.memory_space<vmem>>
      %dma_wait3A_120 = tpu.memref_squeeze %dma_wait3A_119 : memref<1x64xi32, #tpu.memory_space<vmem>> -> memref<64xi32, #tpu.memory_space<vmem>>
      %dma_wait3A_121 = arith.constant 0 : i32
      %dma_wait3A_122 = arith.constant 0 : i32
      %dma_wait3A_123 = tpu.memref_slice %arg3[%dma_wait3A_121, %dma_wait3A_122] : memref<80000x128xf32, #tpu.memory_space<hbm>> -> memref<80000x128xf32, #tpu.memory_space<hbm>>
      tpu.wait_indirect_dma semaphore(%arg11 : memref<!tpu.dma_semaphore, #tpu.memory_space<semaphore_mem>>) src(%dma_wait3A_123 : memref<80000x128xf32, #tpu.memory_space<hbm>>) dst(%dma_wait3A_117 : memref<64x128xf32, #tpu.memory_space<vmem>>)
      %dma_wait3A_124 = arith.constant 1 : i32
      %dma_wait3A_125 = arith.constant 64 : i32
      %dma_wait3A_126 = arith.constant 0 : i32
      %dma_wait3A_127 = tpu.memref_slice %arg7[%dma_wait3A_124, %dma_wait3A_125, %dma_wait3A_126] : memref<2x128x128xf32, #tpu.memory_space<vmem>> -> memref<1x64x128xf32, #tpu.memory_space<vmem>>
      %dma_wait3A_128 = tpu.memref_squeeze %dma_wait3A_127 : memref<1x64x128xf32, #tpu.memory_space<vmem>> -> memref<64x128xf32, #tpu.memory_space<vmem>>
      %dma_wait3A_129 = arith.constant 64 : i32
      %dma_wait3A_130 = tpu.memref_slice %arg5[%add3A_64, %dma_wait3A_129] : memref<40x128xi32, #tpu.memory_space<vmem>> -> memref<1x64xi32, #tpu.memory_space<vmem>>
      %dma_wait3A_131 = tpu.memref_squeeze %dma_wait3A_130 : memref<1x64xi32, #tpu.memory_space<vmem>> -> memref<64xi32, #tpu.memory_space<vmem>>
      %dma_wait3A_132 = arith.constant 0 : i32
      %dma_wait3A_133 = arith.constant 0 : i32
      %dma_wait3A_134 = tpu.memref_slice %arg3[%dma_wait3A_132, %dma_wait3A_133] : memref<80000x128xf32, #tpu.memory_space<hbm>> -> memref<80000x128xf32, #tpu.memory_space<hbm>>
      tpu.wait_indirect_dma semaphore(%arg12 : memref<!tpu.dma_semaphore, #tpu.memory_space<semaphore_mem>>) src(%dma_wait3A_134 : memref<80000x128xf32, #tpu.memory_space<hbm>>) dst(%dma_wait3A_128 : memref<64x128xf32, #tpu.memory_space<vmem>>)
      %run_scoped3A_135 = arith.constant 1 : i32
      "tpu.region"() ({
        %run_scoped3A_136 = tpu.sem_alloc : memref<!tpu.dma_semaphore, #tpu.memory_space<semaphore_mem>>
        %dma_start3A_137 = arith.constant 0 : i32
        %dma_start3A_138 = arith.constant 0 : i32
        %dma_start3A_139 = tpu.memref_slice %arg7[%run_scoped3A_135, %dma_start3A_137, %dma_start3A_138] : memref<2x128x128xf32, #tpu.memory_space<vmem>> -> memref<1x128x128xf32, #tpu.memory_space<vmem>>
        %dma_start3A_140 = tpu.memref_squeeze %dma_start3A_139 : memref<1x128x128xf32, #tpu.memory_space<vmem>> -> memref<128x128xf32, #tpu.memory_space<vmem>>
        %dma_start3A_141 = arith.constant 0 : i32
        %dma_start3A_142 = tpu.memref_slice %arg6[%add3A_64, %dma_start3A_141] : memref<40x128xi32, #tpu.memory_space<vmem>> -> memref<1x128xi32, #tpu.memory_space<vmem>>
        %dma_start3A_143 = tpu.memref_squeeze %dma_start3A_142 : memref<1x128xi32, #tpu.memory_space<vmem>> -> memref<128xi32, #tpu.memory_space<vmem>>
        %dma_start3A_144 = arith.constant 0 : i32
        %dma_start3A_145 = arith.constant 0 : i32
        %dma_start3A_146 = tpu.memref_slice %arg8[%dma_start3A_144, %dma_start3A_145] : memref<10112x128xf32, #tpu.memory_space<vmem_shared>> -> memref<10112x128xf32, #tpu.memory_space<vmem_shared>>
        tpu.enqueue_indirect_dma source(%dma_start3A_140 : memref<128x128xf32, #tpu.memory_space<vmem>>) target(%dma_start3A_146 : memref<10112x128xf32, #tpu.memory_space<vmem_shared>>) offsets(%dma_start3A_143 : memref<128xi32, #tpu.memory_space<vmem>>) semaphore(%run_scoped3A_136 : memref<!tpu.dma_semaphore, #tpu.memory_space<semaphore_mem>>) {add = true}
        %dma_wait3A_147 = arith.constant 0 : i32
        %dma_wait3A_148 = arith.constant 0 : i32
        %dma_wait3A_149 = tpu.memref_slice %arg7[%run_scoped3A_135, %dma_wait3A_147, %dma_wait3A_148] : memref<2x128x128xf32, #tpu.memory_space<vmem>> -> memref<1x128x128xf32, #tpu.memory_space<vmem>>
        %dma_wait3A_150 = tpu.memref_squeeze %dma_wait3A_149 : memref<1x128x128xf32, #tpu.memory_space<vmem>> -> memref<128x128xf32, #tpu.memory_space<vmem>>
        %dma_wait3A_151 = arith.constant 0 : i32
        %dma_wait3A_152 = tpu.memref_slice %arg6[%add3A_64, %dma_wait3A_151] : memref<40x128xi32, #tpu.memory_space<vmem>> -> memref<1x128xi32, #tpu.memory_space<vmem>>
        %dma_wait3A_153 = tpu.memref_squeeze %dma_wait3A_152 : memref<1x128xi32, #tpu.memory_space<vmem>> -> memref<128xi32, #tpu.memory_space<vmem>>
        %dma_wait3A_154 = arith.constant 0 : i32
        %dma_wait3A_155 = arith.constant 0 : i32
        %dma_wait3A_156 = tpu.memref_slice %arg8[%dma_wait3A_154, %dma_wait3A_155] : memref<10112x128xf32, #tpu.memory_space<vmem_shared>> -> memref<10112x128xf32, #tpu.memory_space<vmem_shared>>
        tpu.wait_indirect_dma semaphore(%run_scoped3A_136 : memref<!tpu.dma_semaphore, #tpu.memory_space<semaphore_mem>>) src(%dma_wait3A_150 : memref<128x128xf32, #tpu.memory_space<vmem>>) dst(%dma_wait3A_156 : memref<10112x128xf32, #tpu.memory_space<vmem_shared>>)
        tpu.yield
      }) : () -> ()
    }
    %scan3A_58 = arith.constant 20 : i32
    %barrier3A_59 = arith.constant 0 : index
    tpu.barrier barrier_id(%barrier3A_59)
    "tpu.region"() ({
      %run_scoped3A_60 = tpu.sem_alloc : memref<!tpu.dma_semaphore, #tpu.memory_space<semaphore_mem>>
      %dma_start3A_61 = arith.constant 0 : i32
      %dma_start3A_62 = tpu.memref_slice %arg4[%arg0, %mul3A_7, %dma_start3A_61] : memref<2x10112x128xf32, #tpu.memory_space<hbm>> -> memref<1x632x128xf32, #tpu.memory_space<hbm>>
      %dma_start3A_63 = tpu.memref_squeeze %dma_start3A_62 : memref<1x632x128xf32, #tpu.memory_space<hbm>> -> memref<632x128xf32, #tpu.memory_space<hbm>>
      %dma_start3A_64 = arith.constant 0 : i32
      %dma_start3A_65 = tpu.memref_slice %arg8[%mul3A_7, %dma_start3A_64] : memref<10112x128xf32, #tpu.memory_space<vmem_shared>> -> memref<632x128xf32, #tpu.memory_space<vmem_shared>>
      tpu.enqueue_dma source(%dma_start3A_65 : memref<632x128xf32, #tpu.memory_space<vmem_shared>>) target(%dma_start3A_63 : memref<632x128xf32, #tpu.memory_space<hbm>>) target_semaphore(%run_scoped3A_60 : memref<!tpu.dma_semaphore, #tpu.memory_space<semaphore_mem>>)
      %dma_wait3A = arith.constant 0 : i32
      %dma_wait3A_66 = tpu.memref_slice %arg4[%arg0, %mul3A_7, %dma_wait3A] : memref<2x10112x128xf32, #tpu.memory_space<hbm>> -> memref<1x632x128xf32, #tpu.memory_space<hbm>>
      %dma_wait3A_67 = tpu.memref_squeeze %dma_wait3A_66 : memref<1x632x128xf32, #tpu.memory_space<hbm>> -> memref<632x128xf32, #tpu.memory_space<hbm>>
      %dma_wait3A_68 = arith.constant 0 : i32
      %dma_wait3A_69 = tpu.memref_slice %arg8[%mul3A_7, %dma_wait3A_68] : memref<10112x128xf32, #tpu.memory_space<vmem_shared>> -> memref<632x128xf32, #tpu.memory_space<vmem_shared>>
      tpu.wait_dma2 semaphore(%run_scoped3A_60 : memref<!tpu.dma_semaphore, #tpu.memory_space<semaphore_mem>>) src(%dma_wait3A_69 : memref<632x128xf32, #tpu.memory_space<vmem_shared>>) dst(%dma_wait3A_67 : memref<632x128xf32, #tpu.memory_space<hbm>>)
      tpu.yield
    }) : () -> ()
    return
  }
}

#map = affine_map<(d0, d1) -> (0, 0)>
#map1 = affine_map<(d0, d1) -> (0)>
module attributes {stable_mosaic.version = 14 : i64} {
  func.func @rgcn_score_gather(%arg0: i32, %arg1: i32, %arg2: memref<10000x128xf32, #tpu.memory_space<hbm>>, %arg3: memref<8x128xf32, #tpu.memory_space<hbm>>, %arg4: memref<1024xi32, #tpu.memory_space<hbm>>, %arg5: memref<1024xi32, #tpu.memory_space<hbm>>, %arg6: memref<1024xi32, #tpu.memory_space<hbm>>, %arg7: memref<512x128xi32, #tpu.memory_space<hbm>>, %arg8: memref<1024x128xf32, #tpu.memory_space<hbm>>, %arg9: memref<1024x128xf32, #tpu.memory_space<hbm>>, %arg10: memref<1024x128xf32, #tpu.memory_space<hbm>>, %arg11: memref<65536x128xf32, #tpu.memory_space<hbm>>, %arg12: memref<32xi32, #tpu.memory_space<vmem>>, %arg13: memref<32x128xf32, #tpu.memory_space<vmem>>, %arg14: memref<16x128xi32, #tpu.memory_space<vmem>>, %arg15: memref<128x128xf32, #tpu.memory_space<vmem>>, %arg16: memref<!tpu.dma_semaphore, #tpu.memory_space<semaphore_mem>>) attributes {dimension_semantics = [#tpu.dimension_semantics<core_parallel>, #tpu.dimension_semantics<subcore_parallel>], iteration_bounds = array<i64: 2, 16>, scalar_prefetch = 0 : i64, scratch_operands = 5 : i64, tpu.core_type = #tpu.core_type<sc_vector_subcore>, window_params = [{transform_indices = #map}, {transform_indices = #map}, {transform_indices = #map1}, {transform_indices = #map1}, {transform_indices = #map1}, {transform_indices = #map}, {transform_indices = #map}, {transform_indices = #map}, {transform_indices = #map}, {transform_indices = #map}]} {
    %mul3A = arith.constant 16 : i32
    %mul3A_0 = arith.muli %arg0, %mul3A : i32
    %add3A = arith.addi %mul3A_0, %arg1 : i32
    %mul3A_1 = arith.constant 32 : i32
    %mul3A_2 = arith.muli %add3A, %mul3A_1 : i32
    "tpu.region"() ({
      %run_scoped3A = tpu.sem_alloc : memref<!tpu.dma_semaphore, #tpu.memory_space<semaphore_mem>>
      %dma_start3A_26 = tpu.memref_slice %arg4[%mul3A_2] : memref<1024xi32, #tpu.memory_space<hbm>> -> memref<32xi32, #tpu.memory_space<hbm>>
      %dma_start3A_27 = tpu.memref_slice %arg4[%mul3A_2] : memref<1024xi32, #tpu.memory_space<hbm>> -> memref<32xi32, #tpu.memory_space<hbm>>
      tpu.enqueue_dma source(%dma_start3A_27 : memref<32xi32, #tpu.memory_space<hbm>>) target(%arg12 : memref<32xi32, #tpu.memory_space<vmem>>) target_semaphore(%run_scoped3A : memref<!tpu.dma_semaphore, #tpu.memory_space<semaphore_mem>>)
      %dma_wait3A_28 = tpu.memref_slice %arg4[%mul3A_2] : memref<1024xi32, #tpu.memory_space<hbm>> -> memref<32xi32, #tpu.memory_space<hbm>>
      %dma_wait3A_29 = tpu.memref_slice %arg4[%mul3A_2] : memref<1024xi32, #tpu.memory_space<hbm>> -> memref<32xi32, #tpu.memory_space<hbm>>
      tpu.wait_dma2 semaphore(%run_scoped3A : memref<!tpu.dma_semaphore, #tpu.memory_space<semaphore_mem>>) src(%dma_wait3A_29 : memref<32xi32, #tpu.memory_space<hbm>>) dst(%arg12 : memref<32xi32, #tpu.memory_space<vmem>>)
      tpu.yield
    }) : () -> ()
    %dma_start3A = arith.constant 0 : i32
    %dma_start3A_3 = arith.constant 0 : i32
    %dma_start3A_4 = tpu.memref_slice %arg2[%dma_start3A, %dma_start3A_3] : memref<10000x128xf32, #tpu.memory_space<hbm>> -> memref<10000x128xf32, #tpu.memory_space<hbm>>
    tpu.enqueue_indirect_dma source(%dma_start3A_4 : memref<10000x128xf32, #tpu.memory_space<hbm>>) target(%arg13 : memref<32x128xf32, #tpu.memory_space<vmem>>) offsets(%arg12 : memref<32xi32, #tpu.memory_space<vmem>>) semaphore(%arg16 : memref<!tpu.dma_semaphore, #tpu.memory_space<semaphore_mem>>)
    %dma_wait3A = arith.constant 0 : i32
    %dma_wait3A_5 = arith.constant 0 : i32
    %dma_wait3A_6 = tpu.memref_slice %arg2[%dma_wait3A, %dma_wait3A_5] : memref<10000x128xf32, #tpu.memory_space<hbm>> -> memref<10000x128xf32, #tpu.memory_space<hbm>>
    tpu.wait_indirect_dma semaphore(%arg16 : memref<!tpu.dma_semaphore, #tpu.memory_space<semaphore_mem>>) src(%dma_wait3A_6 : memref<10000x128xf32, #tpu.memory_space<hbm>>) dst(%arg13 : memref<32x128xf32, #tpu.memory_space<vmem>>)
    "tpu.region"() ({
      %run_scoped3A = tpu.sem_alloc : memref<!tpu.dma_semaphore, #tpu.memory_space<semaphore_mem>>
      %dma_start3A_26 = arith.constant 0 : i32
      %dma_start3A_27 = tpu.memref_slice %arg8[%mul3A_2, %dma_start3A_26] : memref<1024x128xf32, #tpu.memory_space<hbm>> -> memref<32x128xf32, #tpu.memory_space<hbm>>
      %dma_start3A_28 = arith.constant 0 : i32
      %dma_start3A_29 = tpu.memref_slice %arg8[%mul3A_2, %dma_start3A_28] : memref<1024x128xf32, #tpu.memory_space<hbm>> -> memref<32x128xf32, #tpu.memory_space<hbm>>
      tpu.enqueue_dma source(%arg13 : memref<32x128xf32, #tpu.memory_space<vmem>>) target(%dma_start3A_29 : memref<32x128xf32, #tpu.memory_space<hbm>>) target_semaphore(%run_scoped3A : memref<!tpu.dma_semaphore, #tpu.memory_space<semaphore_mem>>)
      %dma_wait3A_30 = arith.constant 0 : i32
      %dma_wait3A_31 = tpu.memref_slice %arg8[%mul3A_2, %dma_wait3A_30] : memref<1024x128xf32, #tpu.memory_space<hbm>> -> memref<32x128xf32, #tpu.memory_space<hbm>>
      %dma_wait3A_32 = arith.constant 0 : i32
      %dma_wait3A_33 = tpu.memref_slice %arg8[%mul3A_2, %dma_wait3A_32] : memref<1024x128xf32, #tpu.memory_space<hbm>> -> memref<32x128xf32, #tpu.memory_space<hbm>>
      tpu.wait_dma2 semaphore(%run_scoped3A : memref<!tpu.dma_semaphore, #tpu.memory_space<semaphore_mem>>) src(%arg13 : memref<32x128xf32, #tpu.memory_space<vmem>>) dst(%dma_wait3A_33 : memref<32x128xf32, #tpu.memory_space<hbm>>)
      tpu.yield
    }) : () -> ()
    "tpu.region"() ({
      %run_scoped3A = tpu.sem_alloc : memref<!tpu.dma_semaphore, #tpu.memory_space<semaphore_mem>>
      %dma_start3A_26 = tpu.memref_slice %arg5[%mul3A_2] : memref<1024xi32, #tpu.memory_space<hbm>> -> memref<32xi32, #tpu.memory_space<hbm>>
      %dma_start3A_27 = tpu.memref_slice %arg5[%mul3A_2] : memref<1024xi32, #tpu.memory_space<hbm>> -> memref<32xi32, #tpu.memory_space<hbm>>
      tpu.enqueue_dma source(%dma_start3A_27 : memref<32xi32, #tpu.memory_space<hbm>>) target(%arg12 : memref<32xi32, #tpu.memory_space<vmem>>) target_semaphore(%run_scoped3A : memref<!tpu.dma_semaphore, #tpu.memory_space<semaphore_mem>>)
      %dma_wait3A_28 = tpu.memref_slice %arg5[%mul3A_2] : memref<1024xi32, #tpu.memory_space<hbm>> -> memref<32xi32, #tpu.memory_space<hbm>>
      %dma_wait3A_29 = tpu.memref_slice %arg5[%mul3A_2] : memref<1024xi32, #tpu.memory_space<hbm>> -> memref<32xi32, #tpu.memory_space<hbm>>
      tpu.wait_dma2 semaphore(%run_scoped3A : memref<!tpu.dma_semaphore, #tpu.memory_space<semaphore_mem>>) src(%dma_wait3A_29 : memref<32xi32, #tpu.memory_space<hbm>>) dst(%arg12 : memref<32xi32, #tpu.memory_space<vmem>>)
      tpu.yield
    }) : () -> ()
    %dma_start3A_7 = arith.constant 0 : i32
    %dma_start3A_8 = arith.constant 0 : i32
    %dma_start3A_9 = tpu.memref_slice %arg2[%dma_start3A_7, %dma_start3A_8] : memref<10000x128xf32, #tpu.memory_space<hbm>> -> memref<10000x128xf32, #tpu.memory_space<hbm>>
    tpu.enqueue_indirect_dma source(%dma_start3A_9 : memref<10000x128xf32, #tpu.memory_space<hbm>>) target(%arg13 : memref<32x128xf32, #tpu.memory_space<vmem>>) offsets(%arg12 : memref<32xi32, #tpu.memory_space<vmem>>) semaphore(%arg16 : memref<!tpu.dma_semaphore, #tpu.memory_space<semaphore_mem>>)
    %dma_wait3A_10 = arith.constant 0 : i32
    %dma_wait3A_11 = arith.constant 0 : i32
    %dma_wait3A_12 = tpu.memref_slice %arg2[%dma_wait3A_10, %dma_wait3A_11] : memref<10000x128xf32, #tpu.memory_space<hbm>> -> memref<10000x128xf32, #tpu.memory_space<hbm>>
    tpu.wait_indirect_dma semaphore(%arg16 : memref<!tpu.dma_semaphore, #tpu.memory_space<semaphore_mem>>) src(%dma_wait3A_12 : memref<10000x128xf32, #tpu.memory_space<hbm>>) dst(%arg13 : memref<32x128xf32, #tpu.memory_space<vmem>>)
    "tpu.region"() ({
      %run_scoped3A = tpu.sem_alloc : memref<!tpu.dma_semaphore, #tpu.memory_space<semaphore_mem>>
      %dma_start3A_26 = arith.constant 0 : i32
      %dma_start3A_27 = tpu.memref_slice %arg9[%mul3A_2, %dma_start3A_26] : memref<1024x128xf32, #tpu.memory_space<hbm>> -> memref<32x128xf32, #tpu.memory_space<hbm>>
      %dma_start3A_28 = arith.constant 0 : i32
      %dma_start3A_29 = tpu.memref_slice %arg9[%mul3A_2, %dma_start3A_28] : memref<1024x128xf32, #tpu.memory_space<hbm>> -> memref<32x128xf32, #tpu.memory_space<hbm>>
      tpu.enqueue_dma source(%arg13 : memref<32x128xf32, #tpu.memory_space<vmem>>) target(%dma_start3A_29 : memref<32x128xf32, #tpu.memory_space<hbm>>) target_semaphore(%run_scoped3A : memref<!tpu.dma_semaphore, #tpu.memory_space<semaphore_mem>>)
      %dma_wait3A_30 = arith.constant 0 : i32
      %dma_wait3A_31 = tpu.memref_slice %arg9[%mul3A_2, %dma_wait3A_30] : memref<1024x128xf32, #tpu.memory_space<hbm>> -> memref<32x128xf32, #tpu.memory_space<hbm>>
      %dma_wait3A_32 = arith.constant 0 : i32
      %dma_wait3A_33 = tpu.memref_slice %arg9[%mul3A_2, %dma_wait3A_32] : memref<1024x128xf32, #tpu.memory_space<hbm>> -> memref<32x128xf32, #tpu.memory_space<hbm>>
      tpu.wait_dma2 semaphore(%run_scoped3A : memref<!tpu.dma_semaphore, #tpu.memory_space<semaphore_mem>>) src(%arg13 : memref<32x128xf32, #tpu.memory_space<vmem>>) dst(%dma_wait3A_33 : memref<32x128xf32, #tpu.memory_space<hbm>>)
      tpu.yield
    }) : () -> ()
    "tpu.region"() ({
      %run_scoped3A = tpu.sem_alloc : memref<!tpu.dma_semaphore, #tpu.memory_space<semaphore_mem>>
      %dma_start3A_26 = tpu.memref_slice %arg6[%mul3A_2] : memref<1024xi32, #tpu.memory_space<hbm>> -> memref<32xi32, #tpu.memory_space<hbm>>
      %dma_start3A_27 = tpu.memref_slice %arg6[%mul3A_2] : memref<1024xi32, #tpu.memory_space<hbm>> -> memref<32xi32, #tpu.memory_space<hbm>>
      tpu.enqueue_dma source(%dma_start3A_27 : memref<32xi32, #tpu.memory_space<hbm>>) target(%arg12 : memref<32xi32, #tpu.memory_space<vmem>>) target_semaphore(%run_scoped3A : memref<!tpu.dma_semaphore, #tpu.memory_space<semaphore_mem>>)
      %dma_wait3A_28 = tpu.memref_slice %arg6[%mul3A_2] : memref<1024xi32, #tpu.memory_space<hbm>> -> memref<32xi32, #tpu.memory_space<hbm>>
      %dma_wait3A_29 = tpu.memref_slice %arg6[%mul3A_2] : memref<1024xi32, #tpu.memory_space<hbm>> -> memref<32xi32, #tpu.memory_space<hbm>>
      tpu.wait_dma2 semaphore(%run_scoped3A : memref<!tpu.dma_semaphore, #tpu.memory_space<semaphore_mem>>) src(%dma_wait3A_29 : memref<32xi32, #tpu.memory_space<hbm>>) dst(%arg12 : memref<32xi32, #tpu.memory_space<vmem>>)
      tpu.yield
    }) : () -> ()
    %dma_start3A_13 = arith.constant 0 : i32
    %dma_start3A_14 = arith.constant 0 : i32
    %dma_start3A_15 = tpu.memref_slice %arg3[%dma_start3A_13, %dma_start3A_14] : memref<8x128xf32, #tpu.memory_space<hbm>> -> memref<8x128xf32, #tpu.memory_space<hbm>>
    tpu.enqueue_indirect_dma source(%dma_start3A_15 : memref<8x128xf32, #tpu.memory_space<hbm>>) target(%arg13 : memref<32x128xf32, #tpu.memory_space<vmem>>) offsets(%arg12 : memref<32xi32, #tpu.memory_space<vmem>>) semaphore(%arg16 : memref<!tpu.dma_semaphore, #tpu.memory_space<semaphore_mem>>)
    %dma_wait3A_16 = arith.constant 0 : i32
    %dma_wait3A_17 = arith.constant 0 : i32
    %dma_wait3A_18 = tpu.memref_slice %arg3[%dma_wait3A_16, %dma_wait3A_17] : memref<8x128xf32, #tpu.memory_space<hbm>> -> memref<8x128xf32, #tpu.memory_space<hbm>>
    tpu.wait_indirect_dma semaphore(%arg16 : memref<!tpu.dma_semaphore, #tpu.memory_space<semaphore_mem>>) src(%dma_wait3A_18 : memref<8x128xf32, #tpu.memory_space<hbm>>) dst(%arg13 : memref<32x128xf32, #tpu.memory_space<vmem>>)
    "tpu.region"() ({
      %run_scoped3A = tpu.sem_alloc : memref<!tpu.dma_semaphore, #tpu.memory_space<semaphore_mem>>
      %dma_start3A_26 = arith.constant 0 : i32
      %dma_start3A_27 = tpu.memref_slice %arg10[%mul3A_2, %dma_start3A_26] : memref<1024x128xf32, #tpu.memory_space<hbm>> -> memref<32x128xf32, #tpu.memory_space<hbm>>
      %dma_start3A_28 = arith.constant 0 : i32
      %dma_start3A_29 = tpu.memref_slice %arg10[%mul3A_2, %dma_start3A_28] : memref<1024x128xf32, #tpu.memory_space<hbm>> -> memref<32x128xf32, #tpu.memory_space<hbm>>
      tpu.enqueue_dma source(%arg13 : memref<32x128xf32, #tpu.memory_space<vmem>>) target(%dma_start3A_29 : memref<32x128xf32, #tpu.memory_space<hbm>>) target_semaphore(%run_scoped3A : memref<!tpu.dma_semaphore, #tpu.memory_space<semaphore_mem>>)
      %dma_wait3A_30 = arith.constant 0 : i32
      %dma_wait3A_31 = tpu.memref_slice %arg10[%mul3A_2, %dma_wait3A_30] : memref<1024x128xf32, #tpu.memory_space<hbm>> -> memref<32x128xf32, #tpu.memory_space<hbm>>
      %dma_wait3A_32 = arith.constant 0 : i32
      %dma_wait3A_33 = tpu.memref_slice %arg10[%mul3A_2, %dma_wait3A_32] : memref<1024x128xf32, #tpu.memory_space<hbm>> -> memref<32x128xf32, #tpu.memory_space<hbm>>
      tpu.wait_dma2 semaphore(%run_scoped3A : memref<!tpu.dma_semaphore, #tpu.memory_space<semaphore_mem>>) src(%arg13 : memref<32x128xf32, #tpu.memory_space<vmem>>) dst(%dma_wait3A_33 : memref<32x128xf32, #tpu.memory_space<hbm>>)
      tpu.yield
    }) : () -> ()
    %mul3A_19 = arith.constant 16 : i32
    %mul3A_20 = arith.muli %add3A, %mul3A_19 : i32
    "tpu.region"() ({
      %run_scoped3A = tpu.sem_alloc : memref<!tpu.dma_semaphore, #tpu.memory_space<semaphore_mem>>
      %dma_start3A_26 = arith.constant 0 : i32
      %dma_start3A_27 = tpu.memref_slice %arg7[%mul3A_20, %dma_start3A_26] : memref<512x128xi32, #tpu.memory_space<hbm>> -> memref<16x128xi32, #tpu.memory_space<hbm>>
      %dma_start3A_28 = arith.constant 0 : i32
      %dma_start3A_29 = tpu.memref_slice %arg7[%mul3A_20, %dma_start3A_28] : memref<512x128xi32, #tpu.memory_space<hbm>> -> memref<16x128xi32, #tpu.memory_space<hbm>>
      tpu.enqueue_dma source(%dma_start3A_29 : memref<16x128xi32, #tpu.memory_space<hbm>>) target(%arg14 : memref<16x128xi32, #tpu.memory_space<vmem>>) target_semaphore(%run_scoped3A : memref<!tpu.dma_semaphore, #tpu.memory_space<semaphore_mem>>)
      %dma_wait3A_30 = arith.constant 0 : i32
      %dma_wait3A_31 = tpu.memref_slice %arg7[%mul3A_20, %dma_wait3A_30] : memref<512x128xi32, #tpu.memory_space<hbm>> -> memref<16x128xi32, #tpu.memory_space<hbm>>
      %dma_wait3A_32 = arith.constant 0 : i32
      %dma_wait3A_33 = tpu.memref_slice %arg7[%mul3A_20, %dma_wait3A_32] : memref<512x128xi32, #tpu.memory_space<hbm>> -> memref<16x128xi32, #tpu.memory_space<hbm>>
      tpu.wait_dma2 semaphore(%run_scoped3A : memref<!tpu.dma_semaphore, #tpu.memory_space<semaphore_mem>>) src(%dma_wait3A_33 : memref<16x128xi32, #tpu.memory_space<hbm>>) dst(%arg14 : memref<16x128xi32, #tpu.memory_space<vmem>>)
      tpu.yield
    }) : () -> ()
    %scan3A = arith.constant 0 : i32
    %scan3A_21 = arith.constant 0 : i32
    %scan3A_22 = arith.constant 16 : i32
    %scan3A_23 = arith.addi %scan3A_21, %scan3A_22 : i32
    %scan3A_24 = arith.constant 1 : i32
    scf.for %scan3A_26 = %scan3A_21 to %scan3A_23 step %scan3A_24  : i32 {
      %dma_start3A_27 = arith.constant 0 : i32
      %dma_start3A_28 = tpu.memref_slice %arg14[%scan3A_26, %dma_start3A_27] : memref<16x128xi32, #tpu.memory_space<vmem>> -> memref<1x128xi32, #tpu.memory_space<vmem>>
      %dma_start3A_29 = tpu.memref_squeeze %dma_start3A_28 : memref<1x128xi32, #tpu.memory_space<vmem>> -> memref<128xi32, #tpu.memory_space<vmem>>
      %dma_start3A_30 = arith.constant 0 : i32
      %dma_start3A_31 = arith.constant 0 : i32
      %dma_start3A_32 = tpu.memref_slice %arg2[%dma_start3A_30, %dma_start3A_31] : memref<10000x128xf32, #tpu.memory_space<hbm>> -> memref<10000x128xf32, #tpu.memory_space<hbm>>
      tpu.enqueue_indirect_dma source(%dma_start3A_32 : memref<10000x128xf32, #tpu.memory_space<hbm>>) target(%arg15 : memref<128x128xf32, #tpu.memory_space<vmem>>) offsets(%dma_start3A_29 : memref<128xi32, #tpu.memory_space<vmem>>) semaphore(%arg16 : memref<!tpu.dma_semaphore, #tpu.memory_space<semaphore_mem>>)
      %dma_wait3A_33 = arith.constant 0 : i32
      %dma_wait3A_34 = tpu.memref_slice %arg14[%scan3A_26, %dma_wait3A_33] : memref<16x128xi32, #tpu.memory_space<vmem>> -> memref<1x128xi32, #tpu.memory_space<vmem>>
      %dma_wait3A_35 = tpu.memref_squeeze %dma_wait3A_34 : memref<1x128xi32, #tpu.memory_space<vmem>> -> memref<128xi32, #tpu.memory_space<vmem>>
      %dma_wait3A_36 = arith.constant 0 : i32
      %dma_wait3A_37 = arith.constant 0 : i32
      %dma_wait3A_38 = tpu.memref_slice %arg2[%dma_wait3A_36, %dma_wait3A_37] : memref<10000x128xf32, #tpu.memory_space<hbm>> -> memref<10000x128xf32, #tpu.memory_space<hbm>>
      tpu.wait_indirect_dma semaphore(%arg16 : memref<!tpu.dma_semaphore, #tpu.memory_space<semaphore_mem>>) src(%dma_wait3A_38 : memref<10000x128xf32, #tpu.memory_space<hbm>>) dst(%arg15 : memref<128x128xf32, #tpu.memory_space<vmem>>)
      %add3A_39 = arith.addi %mul3A_20, %scan3A_26 : i32
      %mul3A_40 = arith.constant 128 : i32
      %mul3A_41 = arith.muli %add3A_39, %mul3A_40 : i32
      "tpu.region"() ({
        %run_scoped3A = tpu.sem_alloc : memref<!tpu.dma_semaphore, #tpu.memory_space<semaphore_mem>>
        %dma_start3A_42 = arith.constant 0 : i32
        %dma_start3A_43 = tpu.memref_slice %arg11[%mul3A_41, %dma_start3A_42] : memref<65536x128xf32, #tpu.memory_space<hbm>> -> memref<128x128xf32, #tpu.memory_space<hbm>>
        %dma_start3A_44 = arith.constant 0 : i32
        %dma_start3A_45 = tpu.memref_slice %arg11[%mul3A_41, %dma_start3A_44] : memref<65536x128xf32, #tpu.memory_space<hbm>> -> memref<128x128xf32, #tpu.memory_space<hbm>>
        tpu.enqueue_dma source(%arg15 : memref<128x128xf32, #tpu.memory_space<vmem>>) target(%dma_start3A_45 : memref<128x128xf32, #tpu.memory_space<hbm>>) target_semaphore(%run_scoped3A : memref<!tpu.dma_semaphore, #tpu.memory_space<semaphore_mem>>)
        %dma_wait3A_46 = arith.constant 0 : i32
        %dma_wait3A_47 = tpu.memref_slice %arg11[%mul3A_41, %dma_wait3A_46] : memref<65536x128xf32, #tpu.memory_space<hbm>> -> memref<128x128xf32, #tpu.memory_space<hbm>>
        %dma_wait3A_48 = arith.constant 0 : i32
        %dma_wait3A_49 = tpu.memref_slice %arg11[%mul3A_41, %dma_wait3A_48] : memref<65536x128xf32, #tpu.memory_space<hbm>> -> memref<128x128xf32, #tpu.memory_space<hbm>>
        tpu.wait_dma2 semaphore(%run_scoped3A : memref<!tpu.dma_semaphore, #tpu.memory_space<semaphore_mem>>) src(%arg15 : memref<128x128xf32, #tpu.memory_space<vmem>>) dst(%dma_wait3A_49 : memref<128x128xf32, #tpu.memory_space<hbm>>)
        tpu.yield
      }) : () -> ()
    }
    %scan3A_25 = arith.constant 16 : i32
    return
  }
}

module attributes {stable_mosaic.version = 14 : i64} {
  func.func @_rel_mm_body(%arg0: i32, %arg1: memref<1000x128xf32, #tpu.memory_space<vmem>>, %arg2: memref<4x128x128xf32, #tpu.memory_space<vmem>>, %arg3: memref<8x4xf32, #tpu.memory_space<smem>>, %arg4: memref<8x1000x128xf32, #tpu.memory_space<vmem>>) attributes {dimension_semantics = [#tpu.dimension_semantics<arbitrary>], iteration_bounds = array<i64: 10>, scalar_prefetch = 0 : i64, scratch_operands = 0 : i64, tpu.core_type = #tpu.core_type<tc>, window_params = [{transform_indices = @transform_0, window_bounds = array<i64: 1000, 128>}, {pipeline_mode = #tpu.pipeline_mode<synchronous>, transform_indices = @transform_1, window_bounds = array<i64: 4, 128, 128>}, {transform_indices = @transform_2, window_bounds = array<i64: 8, 4>}, {transform_indices = @transform_3, window_bounds = array<i64: 8, 1000, 128>}]} {
    %get3A = arith.constant 0 : index
    %get3A_0 = arith.constant 0 : index
    %get3A_1 = vector.load %arg1[%get3A, %get3A_0] : memref<1000x128xf32, #tpu.memory_space<vmem>>, vector<1000x128xf32>
    %get3A_2 = arith.constant 0 : index
    %get3A_3 = arith.constant 0 : index
    %get3A_4 = arith.constant 0 : index
    %get3A_5 = vector.load %arg2[%get3A_2, %get3A_3, %get3A_4] : memref<4x128x128xf32, #tpu.memory_space<vmem>>, vector<4x128x128xf32>
    %get3A_6 = arith.constant 0 : index
    %get3A_7 = arith.constant 0 : index
    %get3A_8 = memref.load %arg3[%get3A_6, %get3A_7] : memref<8x4xf32, #tpu.memory_space<smem>>
    %slice3A = vector.extract_strided_slice %get3A_5 {offsets = [0, 0, 0], sizes = [1, 128, 128], strides = [1, 1, 1]} : vector<4x128x128xf32> to vector<1x128x128xf32>
    %squeeze3A = vector.shape_cast %slice3A : vector<1x128x128xf32> to vector<128x128xf32>
    %mul3A = vector.broadcast %get3A_8 : f32 to vector<128x128xf32>
    %mul3A_9 = arith.mulf %mul3A, %squeeze3A : vector<128x128xf32>
    %get3A_10 = arith.constant 0 : index
    %get3A_11 = arith.constant 1 : index
    %get3A_12 = memref.load %arg3[%get3A_10, %get3A_11] : memref<8x4xf32, #tpu.memory_space<smem>>
    %slice3A_13 = vector.extract_strided_slice %get3A_5 {offsets = [1, 0, 0], sizes = [1, 128, 128], strides = [1, 1, 1]} : vector<4x128x128xf32> to vector<1x128x128xf32>
    %squeeze3A_14 = vector.shape_cast %slice3A_13 : vector<1x128x128xf32> to vector<128x128xf32>
    %mul3A_15 = vector.broadcast %get3A_12 : f32 to vector<128x128xf32>
    %mul3A_16 = arith.mulf %mul3A_15, %squeeze3A_14 : vector<128x128xf32>
    %add3A = arith.addf %mul3A_9, %mul3A_16 : vector<128x128xf32>
    %get3A_17 = arith.constant 0 : index
    %get3A_18 = arith.constant 2 : index
    %get3A_19 = memref.load %arg3[%get3A_17, %get3A_18] : memref<8x4xf32, #tpu.memory_space<smem>>
    %slice3A_20 = vector.extract_strided_slice %get3A_5 {offsets = [2, 0, 0], sizes = [1, 128, 128], strides = [1, 1, 1]} : vector<4x128x128xf32> to vector<1x128x128xf32>
    %squeeze3A_21 = vector.shape_cast %slice3A_20 : vector<1x128x128xf32> to vector<128x128xf32>
    %mul3A_22 = vector.broadcast %get3A_19 : f32 to vector<128x128xf32>
    %mul3A_23 = arith.mulf %mul3A_22, %squeeze3A_21 : vector<128x128xf32>
    %add3A_24 = arith.addf %add3A, %mul3A_23 : vector<128x128xf32>
    %get3A_25 = arith.constant 0 : index
    %get3A_26 = arith.constant 3 : index
    %get3A_27 = memref.load %arg3[%get3A_25, %get3A_26] : memref<8x4xf32, #tpu.memory_space<smem>>
    %slice3A_28 = vector.extract_strided_slice %get3A_5 {offsets = [3, 0, 0], sizes = [1, 128, 128], strides = [1, 1, 1]} : vector<4x128x128xf32> to vector<1x128x128xf32>
    %squeeze3A_29 = vector.shape_cast %slice3A_28 : vector<1x128x128xf32> to vector<128x128xf32>
    %mul3A_30 = vector.broadcast %get3A_27 : f32 to vector<128x128xf32>
    %mul3A_31 = arith.mulf %mul3A_30, %squeeze3A_29 : vector<128x128xf32>
    %add3A_32 = arith.addf %add3A_24, %mul3A_31 : vector<128x128xf32>
    %dot_general3A = arith.constant dense<0.000000e+00> : vector<1000x128xf32>
    %dot_general3A_33 = tpu.matmul %get3A_1, %add3A_32, %dot_general3A {dimension_numbers = #tpu.dot_dimension_numbers<[1], [0], [0], [1], [0, 0, 1, 1], [], []>, transpose_lhs_hint = false} : vector<1000x128xf32>, vector<128x128xf32>, vector<1000x128xf32> -> vector<1000x128xf32>
    %swap3A = arith.constant 0 : index
    %swap3A_34 = arith.constant 0 : index
    %swap3A_35 = arith.constant 0 : index
    %swap3A_36 = vector.load %arg4[%swap3A, %swap3A_34, %swap3A_35] : memref<8x1000x128xf32, #tpu.memory_space<vmem>>, vector<1x1000x128xf32>
    %swap3A_37 = vector.shape_cast %swap3A_36 : vector<1x1000x128xf32> to vector<1000x128xf32>
    %swap3A_38 = vector.shape_cast %dot_general3A_33 : vector<1000x128xf32> to vector<1x1000x128xf32>
    tpu.vector_store %arg4[%swap3A, %swap3A_34, %swap3A_35], %swap3A_38 {strides = array<i32>} : memref<8x1000x128xf32, #tpu.memory_space<vmem>>, vector<1x1000x128xf32>,
    %get3A_39 = arith.constant 0 : index
    %get3A_40 = arith.constant 0 : index
    %get3A_41 = arith.constant 0 : index
    %get3A_42 = vector.load %arg2[%get3A_39, %get3A_40, %get3A_41] : memref<4x128x128xf32, #tpu.memory_space<vmem>>, vector<4x128x128xf32>
    %get3A_43 = arith.constant 1 : index
    %get3A_44 = arith.constant 0 : index
    %get3A_45 = memref.load %arg3[%get3A_43, %get3A_44] : memref<8x4xf32, #tpu.memory_space<smem>>
    %slice3A_46 = vector.extract_strided_slice %get3A_42 {offsets = [0, 0, 0], sizes = [1, 128, 128], strides = [1, 1, 1]} : vector<4x128x128xf32> to vector<1x128x128xf32>
    %squeeze3A_47 = vector.shape_cast %slice3A_46 : vector<1x128x128xf32> to vector<128x128xf32>
    %mul3A_48 = vector.broadcast %get3A_45 : f32 to vector<128x128xf32>
    %mul3A_49 = arith.mulf %mul3A_48, %squeeze3A_47 : vector<128x128xf32>
    %get3A_50 = arith.constant 1 : index
    %get3A_51 = arith.constant 1 : index
    %get3A_52 = memref.load %arg3[%get3A_50, %get3A_51] : memref<8x4xf32, #tpu.memory_space<smem>>
    %slice3A_53 = vector.extract_strided_slice %get3A_42 {offsets = [1, 0, 0], sizes = [1, 128, 128], strides = [1, 1, 1]} : vector<4x128x128xf32> to vector<1x128x128xf32>
    %squeeze3A_54 = vector.shape_cast %slice3A_53 : vector<1x128x128xf32> to vector<128x128xf32>
    %mul3A_55 = vector.broadcast %get3A_52 : f32 to vector<128x128xf32>
    %mul3A_56 = arith.mulf %mul3A_55, %squeeze3A_54 : vector<128x128xf32>
    %add3A_57 = arith.addf %mul3A_49, %mul3A_56 : vector<128x128xf32>
    %get3A_58 = arith.constant 1 : index
    %get3A_59 = arith.constant 2 : index
    %get3A_60 = memref.load %arg3[%get3A_58, %get3A_59] : memref<8x4xf32, #tpu.memory_space<smem>>
    %slice3A_61 = vector.extract_strided_slice %get3A_42 {offsets = [2, 0, 0], sizes = [1, 128, 128], strides = [1, 1, 1]} : vector<4x128x128xf32> to vector<1x128x128xf32>
    %squeeze3A_62 = vector.shape_cast %slice3A_61 : vector<1x128x128xf32> to vector<128x128xf32>
    %mul3A_63 = vector.broadcast %get3A_60 : f32 to vector<128x128xf32>
    %mul3A_64 = arith.mulf %mul3A_63, %squeeze3A_62 : vector<128x128xf32>
    %add3A_65 = arith.addf %add3A_57, %mul3A_64 : vector<128x128xf32>
    %get3A_66 = arith.constant 1 : index
    %get3A_67 = arith.constant 3 : index
    %get3A_68 = memref.load %arg3[%get3A_66, %get3A_67] : memref<8x4xf32, #tpu.memory_space<smem>>
    %slice3A_69 = vector.extract_strided_slice %get3A_42 {offsets = [3, 0, 0], sizes = [1, 128, 128], strides = [1, 1, 1]} : vector<4x128x128xf32> to vector<1x128x128xf32>
    %squeeze3A_70 = vector.shape_cast %slice3A_69 : vector<1x128x128xf32> to vector<128x128xf32>
    %mul3A_71 = vector.broadcast %get3A_68 : f32 to vector<128x128xf32>
    %mul3A_72 = arith.mulf %mul3A_71, %squeeze3A_70 : vector<128x128xf32>
    %add3A_73 = arith.addf %add3A_65, %mul3A_72 : vector<128x128xf32>
    %dot_general3A_74 = arith.constant dense<0.000000e+00> : vector<1000x128xf32>
    %dot_general3A_75 = tpu.matmul %get3A_1, %add3A_73, %dot_general3A_74 {dimension_numbers = #tpu.dot_dimension_numbers<[1], [0], [0], [1], [0, 0, 1, 1], [], []>, transpose_lhs_hint = false} : vector<1000x128xf32>, vector<128x128xf32>, vector<1000x128xf32> -> vector<1000x128xf32>
    %swap3A_76 = arith.constant 1 : index
    %swap3A_77 = arith.constant 0 : index
    %swap3A_78 = arith.constant 0 : index
    %swap3A_79 = vector.load %arg4[%swap3A_76, %swap3A_77, %swap3A_78] : memref<8x1000x128xf32, #tpu.memory_space<vmem>>, vector<1x1000x128xf32>
    %swap3A_80 = vector.shape_cast %swap3A_79 : vector<1x1000x128xf32> to vector<1000x128xf32>
    %swap3A_81 = vector.shape_cast %dot_general3A_75 : vector<1000x128xf32> to vector<1x1000x128xf32>
    tpu.vector_store %arg4[%swap3A_76, %swap3A_77, %swap3A_78], %swap3A_81 {strides = array<i32>} : memref<8x1000x128xf32, #tpu.memory_space<vmem>>, vector<1x1000x128xf32>,
    %get3A_82 = arith.constant 0 : index
    %get3A_83 = arith.constant 0 : index
    %get3A_84 = arith.constant 0 : index
    %get3A_85 = vector.load %arg2[%get3A_82, %get3A_83, %get3A_84] : memref<4x128x128xf32, #tpu.memory_space<vmem>>, vector<4x128x128xf32>
    %get3A_86 = arith.constant 2 : index
    %get3A_87 = arith.constant 0 : index
    %get3A_88 = memref.load %arg3[%get3A_86, %get3A_87] : memref<8x4xf32, #tpu.memory_space<smem>>
    %slice3A_89 = vector.extract_strided_slice %get3A_85 {offsets = [0, 0, 0], sizes = [1, 128, 128], strides = [1, 1, 1]} : vector<4x128x128xf32> to vector<1x128x128xf32>
    %squeeze3A_90 = vector.shape_cast %slice3A_89 : vector<1x128x128xf32> to vector<128x128xf32>
    %mul3A_91 = vector.broadcast %get3A_88 : f32 to vector<128x128xf32>
    %mul3A_92 = arith.mulf %mul3A_91, %squeeze3A_90 : vector<128x128xf32>
    %get3A_93 = arith.constant 2 : index
    %get3A_94 = arith.constant 1 : index
    %get3A_95 = memref.load %arg3[%get3A_93, %get3A_94] : memref<8x4xf32, #tpu.memory_space<smem>>
    %slice3A_96 = vector.extract_strided_slice %get3A_85 {offsets = [1, 0, 0], sizes = [1, 128, 128], strides = [1, 1, 1]} : vector<4x128x128xf32> to vector<1x128x128xf32>
    %squeeze3A_97 = vector.shape_cast %slice3A_96 : vector<1x128x128xf32> to vector<128x128xf32>
    %mul3A_98 = vector.broadcast %get3A_95 : f32 to vector<128x128xf32>
    %mul3A_99 = arith.mulf %mul3A_98, %squeeze3A_97 : vector<128x128xf32>
    %add3A_100 = arith.addf %mul3A_92, %mul3A_99 : vector<128x128xf32>
    %get3A_101 = arith.constant 2 : index
    %get3A_102 = arith.constant 2 : index
    %get3A_103 = memref.load %arg3[%get3A_101, %get3A_102] : memref<8x4xf32, #tpu.memory_space<smem>>
    %slice3A_104 = vector.extract_strided_slice %get3A_85 {offsets = [2, 0, 0], sizes = [1, 128, 128], strides = [1, 1, 1]} : vector<4x128x128xf32> to vector<1x128x128xf32>
    %squeeze3A_105 = vector.shape_cast %slice3A_104 : vector<1x128x128xf32> to vector<128x128xf32>
    %mul3A_106 = vector.broadcast %get3A_103 : f32 to vector<128x128xf32>
    %mul3A_107 = arith.mulf %mul3A_106, %squeeze3A_105 : vector<128x128xf32>
    %add3A_108 = arith.addf %add3A_100, %mul3A_107 : vector<128x128xf32>
    %get3A_109 = arith.constant 2 : index
    %get3A_110 = arith.constant 3 : index
    %get3A_111 = memref.load %arg3[%get3A_109, %get3A_110] : memref<8x4xf32, #tpu.memory_space<smem>>
    %slice3A_112 = vector.extract_strided_slice %get3A_85 {offsets = [3, 0, 0], sizes = [1, 128, 128], strides = [1, 1, 1]} : vector<4x128x128xf32> to vector<1x128x128xf32>
    %squeeze3A_113 = vector.shape_cast %slice3A_112 : vector<1x128x128xf32> to vector<128x128xf32>
    %mul3A_114 = vector.broadcast %get3A_111 : f32 to vector<128x128xf32>
    %mul3A_115 = arith.mulf %mul3A_114, %squeeze3A_113 : vector<128x128xf32>
    %add3A_116 = arith.addf %add3A_108, %mul3A_115 : vector<128x128xf32>
    %dot_general3A_117 = arith.constant dense<0.000000e+00> : vector<1000x128xf32>
    %dot_general3A_118 = tpu.matmul %get3A_1, %add3A_116, %dot_general3A_117 {dimension_numbers = #tpu.dot_dimension_numbers<[1], [0], [0], [1], [0, 0, 1, 1], [], []>, transpose_lhs_hint = false} : vector<1000x128xf32>, vector<128x128xf32>, vector<1000x128xf32> -> vector<1000x128xf32>
    %swap3A_119 = arith.constant 2 : index
    %swap3A_120 = arith.constant 0 : index
    %swap3A_121 = arith.constant 0 : index
    %swap3A_122 = vector.load %arg4[%swap3A_119, %swap3A_120, %swap3A_121] : memref<8x1000x128xf32, #tpu.memory_space<vmem>>, vector<1x1000x128xf32>
    %swap3A_123 = vector.shape_cast %swap3A_122 : vector<1x1000x128xf32> to vector<1000x128xf32>
    %swap3A_124 = vector.shape_cast %dot_general3A_118 : vector<1000x128xf32> to vector<1x1000x128xf32>
    tpu.vector_store %arg4[%swap3A_119, %swap3A_120, %swap3A_121], %swap3A_124 {strides = array<i32>} : memref<8x1000x128xf32, #tpu.memory_space<vmem>>, vector<1x1000x128xf32>,
    %get3A_125 = arith.constant 0 : index
    %get3A_126 = arith.constant 0 : index
    %get3A_127 = arith.constant 0 : index
    %get3A_128 = vector.load %arg2[%get3A_125, %get3A_126, %get3A_127] : memref<4x128x128xf32, #tpu.memory_space<vmem>>, vector<4x128x128xf32>
    %get3A_129 = arith.constant 3 : index
    %get3A_130 = arith.constant 0 : index
    %get3A_131 = memref.load %arg3[%get3A_129, %get3A_130] : memref<8x4xf32, #tpu.memory_space<smem>>
    %slice3A_132 = vector.extract_strided_slice %get3A_128 {offsets = [0, 0, 0], sizes = [1, 128, 128], strides = [1, 1, 1]} : vector<4x128x128xf32> to vector<1x128x128xf32>
    %squeeze3A_133 = vector.shape_cast %slice3A_132 : vector<1x128x128xf32> to vector<128x128xf32>
    %mul3A_134 = vector.broadcast %get3A_131 : f32 to vector<128x128xf32>
    %mul3A_135 = arith.mulf %mul3A_134, %squeeze3A_133 : vector<128x128xf32>
    %get3A_136 = arith.constant 3 : index
    %get3A_137 = arith.constant 1 : index
    %get3A_138 = memref.load %arg3[%get3A_136, %get3A_137] : memref<8x4xf32, #tpu.memory_space<smem>>
    %slice3A_139 = vector.extract_strided_slice %get3A_128 {offsets = [1, 0, 0], sizes = [1, 128, 128], strides = [1, 1, 1]} : vector<4x128x128xf32> to vector<1x128x128xf32>
    %squeeze3A_140 = vector.shape_cast %slice3A_139 : vector<1x128x128xf32> to vector<128x128xf32>
    %mul3A_141 = vector.broadcast %get3A_138 : f32 to vector<128x128xf32>
    %mul3A_142 = arith.mulf %mul3A_141, %squeeze3A_140 : vector<128x128xf32>
    %add3A_143 = arith.addf %mul3A_135, %mul3A_142 : vector<128x128xf32>
    %get3A_144 = arith.constant 3 : index
    %get3A_145 = arith.constant 2 : index
    %get3A_146 = memref.load %arg3[%get3A_144, %get3A_145] : memref<8x4xf32, #tpu.memory_space<smem>>
    %slice3A_147 = vector.extract_strided_slice %get3A_128 {offsets = [2, 0, 0], sizes = [1, 128, 128], strides = [1, 1, 1]} : vector<4x128x128xf32> to vector<1x128x128xf32>
    %squeeze3A_148 = vector.shape_cast %slice3A_147 : vector<1x128x128xf32> to vector<128x128xf32>
    %mul3A_149 = vector.broadcast %get3A_146 : f32 to vector<128x128xf32>
    %mul3A_150 = arith.mulf %mul3A_149, %squeeze3A_148 : vector<128x128xf32>
    %add3A_151 = arith.addf %add3A_143, %mul3A_150 : vector<128x128xf32>
    %get3A_152 = arith.constant 3 : index
    %get3A_153 = arith.constant 3 : index
    %get3A_154 = memref.load %arg3[%get3A_152, %get3A_153] : memref<8x4xf32, #tpu.memory_space<smem>>
    %slice3A_155 = vector.extract_strided_slice %get3A_128 {offsets = [3, 0, 0], sizes = [1, 128, 128], strides = [1, 1, 1]} : vector<4x128x128xf32> to vector<1x128x128xf32>
    %squeeze3A_156 = vector.shape_cast %slice3A_155 : vector<1x128x128xf32> to vector<128x128xf32>
    %mul3A_157 = vector.broadcast %get3A_154 : f32 to vector<128x128xf32>
    %mul3A_158 = arith.mulf %mul3A_157, %squeeze3A_156 : vector<128x128xf32>
    %add3A_159 = arith.addf %add3A_151, %mul3A_158 : vector<128x128xf32>
    %dot_general3A_160 = arith.constant dense<0.000000e+00> : vector<1000x128xf32>
    %dot_general3A_161 = tpu.matmul %get3A_1, %add3A_159, %dot_general3A_160 {dimension_numbers = #tpu.dot_dimension_numbers<[1], [0], [0], [1], [0, 0, 1, 1], [], []>, transpose_lhs_hint = false} : vector<1000x128xf32>, vector<128x128xf32>, vector<1000x128xf32> -> vector<1000x128xf32>
    %swap3A_162 = arith.constant 3 : index
    %swap3A_163 = arith.constant 0 : index
    %swap3A_164 = arith.constant 0 : index
    %swap3A_165 = vector.load %arg4[%swap3A_162, %swap3A_163, %swap3A_164] : memref<8x1000x128xf32, #tpu.memory_space<vmem>>, vector<1x1000x128xf32>
    %swap3A_166 = vector.shape_cast %swap3A_165 : vector<1x1000x128xf32> to vector<1000x128xf32>
    %swap3A_167 = vector.shape_cast %dot_general3A_161 : vector<1000x128xf32> to vector<1x1000x128xf32>
    tpu.vector_store %arg4[%swap3A_162, %swap3A_163, %swap3A_164], %swap3A_167 {strides = array<i32>} : memref<8x1000x128xf32, #tpu.memory_space<vmem>>, vector<1x1000x128xf32>,
    %get3A_168 = arith.constant 0 : index
    %get3A_169 = arith.constant 0 : index
    %get3A_170 = arith.constant 0 : index
    %get3A_171 = vector.load %arg2[%get3A_168, %get3A_169, %get3A_170] : memref<4x128x128xf32, #tpu.memory_space<vmem>>, vector<4x128x128xf32>
    %get3A_172 = arith.constant 4 : index
    %get3A_173 = arith.constant 0 : index
    %get3A_174 = memref.load %arg3[%get3A_172, %get3A_173] : memref<8x4xf32, #tpu.memory_space<smem>>
    %slice3A_175 = vector.extract_strided_slice %get3A_171 {offsets = [0, 0, 0], sizes = [1, 128, 128], strides = [1, 1, 1]} : vector<4x128x128xf32> to vector<1x128x128xf32>
    %squeeze3A_176 = vector.shape_cast %slice3A_175 : vector<1x128x128xf32> to vector<128x128xf32>
    %mul3A_177 = vector.broadcast %get3A_174 : f32 to vector<128x128xf32>
    %mul3A_178 = arith.mulf %mul3A_177, %squeeze3A_176 : vector<128x128xf32>
    %get3A_179 = arith.constant 4 : index
    %get3A_180 = arith.constant 1 : index
    %get3A_181 = memref.load %arg3[%get3A_179, %get3A_180] : memref<8x4xf32, #tpu.memory_space<smem>>
    %slice3A_182 = vector.extract_strided_slice %get3A_171 {offsets = [1, 0, 0], sizes = [1, 128, 128], strides = [1, 1, 1]} : vector<4x128x128xf32> to vector<1x128x128xf32>
    %squeeze3A_183 = vector.shape_cast %slice3A_182 : vector<1x128x128xf32> to vector<128x128xf32>
    %mul3A_184 = vector.broadcast %get3A_181 : f32 to vector<128x128xf32>
    %mul3A_185 = arith.mulf %mul3A_184, %squeeze3A_183 : vector<128x128xf32>
    %add3A_186 = arith.addf %mul3A_178, %mul3A_185 : vector<128x128xf32>
    %get3A_187 = arith.constant 4 : index
    %get3A_188 = arith.constant 2 : index
    %get3A_189 = memref.load %arg3[%get3A_187, %get3A_188] : memref<8x4xf32, #tpu.memory_space<smem>>
    %slice3A_190 = vector.extract_strided_slice %get3A_171 {offsets = [2, 0, 0], sizes = [1, 128, 128], strides = [1, 1, 1]} : vector<4x128x128xf32> to vector<1x128x128xf32>
    %squeeze3A_191 = vector.shape_cast %slice3A_190 : vector<1x128x128xf32> to vector<128x128xf32>
    %mul3A_192 = vector.broadcast %get3A_189 : f32 to vector<128x128xf32>
    %mul3A_193 = arith.mulf %mul3A_192, %squeeze3A_191 : vector<128x128xf32>
    %add3A_194 = arith.addf %add3A_186, %mul3A_193 : vector<128x128xf32>
    %get3A_195 = arith.constant 4 : index
    %get3A_196 = arith.constant 3 : index
    %get3A_197 = memref.load %arg3[%get3A_195, %get3A_196] : memref<8x4xf32, #tpu.memory_space<smem>>
    %slice3A_198 = vector.extract_strided_slice %get3A_171 {offsets = [3, 0, 0], sizes = [1, 128, 128], strides = [1, 1, 1]} : vector<4x128x128xf32> to vector<1x128x128xf32>
    %squeeze3A_199 = vector.shape_cast %slice3A_198 : vector<1x128x128xf32> to vector<128x128xf32>
    %mul3A_200 = vector.broadcast %get3A_197 : f32 to vector<128x128xf32>
    %mul3A_201 = arith.mulf %mul3A_200, %squeeze3A_199 : vector<128x128xf32>
    %add3A_202 = arith.addf %add3A_194, %mul3A_201 : vector<128x128xf32>
    %dot_general3A_203 = arith.constant dense<0.000000e+00> : vector<1000x128xf32>
    %dot_general3A_204 = tpu.matmul %get3A_1, %add3A_202, %dot_general3A_203 {dimension_numbers = #tpu.dot_dimension_numbers<[1], [0], [0], [1], [0, 0, 1, 1], [], []>, transpose_lhs_hint = false} : vector<1000x128xf32>, vector<128x128xf32>, vector<1000x128xf32> -> vector<1000x128xf32>
    %swap3A_205 = arith.constant 4 : index
    %swap3A_206 = arith.constant 0 : index
    %swap3A_207 = arith.constant 0 : index
    %swap3A_208 = vector.load %arg4[%swap3A_205, %swap3A_206, %swap3A_207] : memref<8x1000x128xf32, #tpu.memory_space<vmem>>, vector<1x1000x128xf32>
    %swap3A_209 = vector.shape_cast %swap3A_208 : vector<1x1000x128xf32> to vector<1000x128xf32>
    %swap3A_210 = vector.shape_cast %dot_general3A_204 : vector<1000x128xf32> to vector<1x1000x128xf32>
    tpu.vector_store %arg4[%swap3A_205, %swap3A_206, %swap3A_207], %swap3A_210 {strides = array<i32>} : memref<8x1000x128xf32, #tpu.memory_space<vmem>>, vector<1x1000x128xf32>,
    %get3A_211 = arith.constant 0 : index
    %get3A_212 = arith.constant 0 : index
    %get3A_213 = arith.constant 0 : index
    %get3A_214 = vector.load %arg2[%get3A_211, %get3A_212, %get3A_213] : memref<4x128x128xf32, #tpu.memory_space<vmem>>, vector<4x128x128xf32>
    %get3A_215 = arith.constant 5 : index
    %get3A_216 = arith.constant 0 : index
    %get3A_217 = memref.load %arg3[%get3A_215, %get3A_216] : memref<8x4xf32, #tpu.memory_space<smem>>
    %slice3A_218 = vector.extract_strided_slice %get3A_214 {offsets = [0, 0, 0], sizes = [1, 128, 128], strides = [1, 1, 1]} : vector<4x128x128xf32> to vector<1x128x128xf32>
    %squeeze3A_219 = vector.shape_cast %slice3A_218 : vector<1x128x128xf32> to vector<128x128xf32>
    %mul3A_220 = vector.broadcast %get3A_217 : f32 to vector<128x128xf32>
    %mul3A_221 = arith.mulf %mul3A_220, %squeeze3A_219 : vector<128x128xf32>
    %get3A_222 = arith.constant 5 : index
    %get3A_223 = arith.constant 1 : index
    %get3A_224 = memref.load %arg3[%get3A_222, %get3A_223] : memref<8x4xf32, #tpu.memory_space<smem>>
    %slice3A_225 = vector.extract_strided_slice %get3A_214 {offsets = [1, 0, 0], sizes = [1, 128, 128], strides = [1, 1, 1]} : vector<4x128x128xf32> to vector<1x128x128xf32>
    %squeeze3A_226 = vector.shape_cast %slice3A_225 : vector<1x128x128xf32> to vector<128x128xf32>
    %mul3A_227 = vector.broadcast %get3A_224 : f32 to vector<128x128xf32>
    %mul3A_228 = arith.mulf %mul3A_227, %squeeze3A_226 : vector<128x128xf32>
    %add3A_229 = arith.addf %mul3A_221, %mul3A_228 : vector<128x128xf32>
    %get3A_230 = arith.constant 5 : index
    %get3A_231 = arith.constant 2 : index
    %get3A_232 = memref.load %arg3[%get3A_230, %get3A_231] : memref<8x4xf32, #tpu.memory_space<smem>>
    %slice3A_233 = vector.extract_strided_slice %get3A_214 {offsets = [2, 0, 0], sizes = [1, 128, 128], strides = [1, 1, 1]} : vector<4x128x128xf32> to vector<1x128x128xf32>
    %squeeze3A_234 = vector.shape_cast %slice3A_233 : vector<1x128x128xf32> to vector<128x128xf32>
    %mul3A_235 = vector.broadcast %get3A_232 : f32 to vector<128x128xf32>
    %mul3A_236 = arith.mulf %mul3A_235, %squeeze3A_234 : vector<128x128xf32>
    %add3A_237 = arith.addf %add3A_229, %mul3A_236 : vector<128x128xf32>
    %get3A_238 = arith.constant 5 : index
    %get3A_239 = arith.constant 3 : index
    %get3A_240 = memref.load %arg3[%get3A_238, %get3A_239] : memref<8x4xf32, #tpu.memory_space<smem>>
    %slice3A_241 = vector.extract_strided_slice %get3A_214 {offsets = [3, 0, 0], sizes = [1, 128, 128], strides = [1, 1, 1]} : vector<4x128x128xf32> to vector<1x128x128xf32>
    %squeeze3A_242 = vector.shape_cast %slice3A_241 : vector<1x128x128xf32> to vector<128x128xf32>
    %mul3A_243 = vector.broadcast %get3A_240 : f32 to vector<128x128xf32>
    %mul3A_244 = arith.mulf %mul3A_243, %squeeze3A_242 : vector<128x128xf32>
    %add3A_245 = arith.addf %add3A_237, %mul3A_244 : vector<128x128xf32>
    %dot_general3A_246 = arith.constant dense<0.000000e+00> : vector<1000x128xf32>
    %dot_general3A_247 = tpu.matmul %get3A_1, %add3A_245, %dot_general3A_246 {dimension_numbers = #tpu.dot_dimension_numbers<[1], [0], [0], [1], [0, 0, 1, 1], [], []>, transpose_lhs_hint = false} : vector<1000x128xf32>, vector<128x128xf32>, vector<1000x128xf32> -> vector<1000x128xf32>
    %swap3A_248 = arith.constant 5 : index
    %swap3A_249 = arith.constant 0 : index
    %swap3A_250 = arith.constant 0 : index
    %swap3A_251 = vector.load %arg4[%swap3A_248, %swap3A_249, %swap3A_250] : memref<8x1000x128xf32, #tpu.memory_space<vmem>>, vector<1x1000x128xf32>
    %swap3A_252 = vector.shape_cast %swap3A_251 : vector<1x1000x128xf32> to vector<1000x128xf32>
    %swap3A_253 = vector.shape_cast %dot_general3A_247 : vector<1000x128xf32> to vector<1x1000x128xf32>
    tpu.vector_store %arg4[%swap3A_248, %swap3A_249, %swap3A_250], %swap3A_253 {strides = array<i32>} : memref<8x1000x128xf32, #tpu.memory_space<vmem>>, vector<1x1000x128xf32>,
    %get3A_254 = arith.constant 0 : index
    %get3A_255 = arith.constant 0 : index
    %get3A_256 = arith.constant 0 : index
    %get3A_257 = vector.load %arg2[%get3A_254, %get3A_255, %get3A_256] : memref<4x128x128xf32, #tpu.memory_space<vmem>>, vector<4x128x128xf32>
    %get3A_258 = arith.constant 6 : index
    %get3A_259 = arith.constant 0 : index
    %get3A_260 = memref.load %arg3[%get3A_258, %get3A_259] : memref<8x4xf32, #tpu.memory_space<smem>>
    %slice3A_261 = vector.extract_strided_slice %get3A_257 {offsets = [0, 0, 0], sizes = [1, 128, 128], strides = [1, 1, 1]} : vector<4x128x128xf32> to vector<1x128x128xf32>
    %squeeze3A_262 = vector.shape_cast %slice3A_261 : vector<1x128x128xf32> to vector<128x128xf32>
    %mul3A_263 = vector.broadcast %get3A_260 : f32 to vector<128x128xf32>
    %mul3A_264 = arith.mulf %mul3A_263, %squeeze3A_262 : vector<128x128xf32>
    %get3A_265 = arith.constant 6 : index
    %get3A_266 = arith.constant 1 : index
    %get3A_267 = memref.load %arg3[%get3A_265, %get3A_266] : memref<8x4xf32, #tpu.memory_space<smem>>
    %slice3A_268 = vector.extract_strided_slice %get3A_257 {offsets = [1, 0, 0], sizes = [1, 128, 128], strides = [1, 1, 1]} : vector<4x128x128xf32> to vector<1x128x128xf32>
    %squeeze3A_269 = vector.shape_cast %slice3A_268 : vector<1x128x128xf32> to vector<128x128xf32>
    %mul3A_270 = vector.broadcast %get3A_267 : f32 to vector<128x128xf32>
    %mul3A_271 = arith.mulf %mul3A_270, %squeeze3A_269 : vector<128x128xf32>
    %add3A_272 = arith.addf %mul3A_264, %mul3A_271 : vector<128x128xf32>
    %get3A_273 = arith.constant 6 : index
    %get3A_274 = arith.constant 2 : index
    %get3A_275 = memref.load %arg3[%get3A_273, %get3A_274] : memref<8x4xf32, #tpu.memory_space<smem>>
    %slice3A_276 = vector.extract_strided_slice %get3A_257 {offsets = [2, 0, 0], sizes = [1, 128, 128], strides = [1, 1, 1]} : vector<4x128x128xf32> to vector<1x128x128xf32>
    %squeeze3A_277 = vector.shape_cast %slice3A_276 : vector<1x128x128xf32> to vector<128x128xf32>
    %mul3A_278 = vector.broadcast %get3A_275 : f32 to vector<128x128xf32>
    %mul3A_279 = arith.mulf %mul3A_278, %squeeze3A_277 : vector<128x128xf32>
    %add3A_280 = arith.addf %add3A_272, %mul3A_279 : vector<128x128xf32>
    %get3A_281 = arith.constant 6 : index
    %get3A_282 = arith.constant 3 : index
    %get3A_283 = memref.load %arg3[%get3A_281, %get3A_282] : memref<8x4xf32, #tpu.memory_space<smem>>
    %slice3A_284 = vector.extract_strided_slice %get3A_257 {offsets = [3, 0, 0], sizes = [1, 128, 128], strides = [1, 1, 1]} : vector<4x128x128xf32> to vector<1x128x128xf32>
    %squeeze3A_285 = vector.shape_cast %slice3A_284 : vector<1x128x128xf32> to vector<128x128xf32>
    %mul3A_286 = vector.broadcast %get3A_283 : f32 to vector<128x128xf32>
    %mul3A_287 = arith.mulf %mul3A_286, %squeeze3A_285 : vector<128x128xf32>
    %add3A_288 = arith.addf %add3A_280, %mul3A_287 : vector<128x128xf32>
    %dot_general3A_289 = arith.constant dense<0.000000e+00> : vector<1000x128xf32>
    %dot_general3A_290 = tpu.matmul %get3A_1, %add3A_288, %dot_general3A_289 {dimension_numbers = #tpu.dot_dimension_numbers<[1], [0], [0], [1], [0, 0, 1, 1], [], []>, transpose_lhs_hint = false} : vector<1000x128xf32>, vector<128x128xf32>, vector<1000x128xf32> -> vector<1000x128xf32>
    %swap3A_291 = arith.constant 6 : index
    %swap3A_292 = arith.constant 0 : index
    %swap3A_293 = arith.constant 0 : index
    %swap3A_294 = vector.load %arg4[%swap3A_291, %swap3A_292, %swap3A_293] : memref<8x1000x128xf32, #tpu.memory_space<vmem>>, vector<1x1000x128xf32>
    %swap3A_295 = vector.shape_cast %swap3A_294 : vector<1x1000x128xf32> to vector<1000x128xf32>
    %swap3A_296 = vector.shape_cast %dot_general3A_290 : vector<1000x128xf32> to vector<1x1000x128xf32>
    tpu.vector_store %arg4[%swap3A_291, %swap3A_292, %swap3A_293], %swap3A_296 {strides = array<i32>} : memref<8x1000x128xf32, #tpu.memory_space<vmem>>, vector<1x1000x128xf32>,
    %get3A_297 = arith.constant 0 : index
    %get3A_298 = arith.constant 0 : index
    %get3A_299 = arith.constant 0 : index
    %get3A_300 = vector.load %arg2[%get3A_297, %get3A_298, %get3A_299] : memref<4x128x128xf32, #tpu.memory_space<vmem>>, vector<4x128x128xf32>
    %get3A_301 = arith.constant 7 : index
    %get3A_302 = arith.constant 0 : index
    %get3A_303 = memref.load %arg3[%get3A_301, %get3A_302] : memref<8x4xf32, #tpu.memory_space<smem>>
    %slice3A_304 = vector.extract_strided_slice %get3A_300 {offsets = [0, 0, 0], sizes = [1, 128, 128], strides = [1, 1, 1]} : vector<4x128x128xf32> to vector<1x128x128xf32>
    %squeeze3A_305 = vector.shape_cast %slice3A_304 : vector<1x128x128xf32> to vector<128x128xf32>
    %mul3A_306 = vector.broadcast %get3A_303 : f32 to vector<128x128xf32>
    %mul3A_307 = arith.mulf %mul3A_306, %squeeze3A_305 : vector<128x128xf32>
    %get3A_308 = arith.constant 7 : index
    %get3A_309 = arith.constant 1 : index
    %get3A_310 = memref.load %arg3[%get3A_308, %get3A_309] : memref<8x4xf32, #tpu.memory_space<smem>>
    %slice3A_311 = vector.extract_strided_slice %get3A_300 {offsets = [1, 0, 0], sizes = [1, 128, 128], strides = [1, 1, 1]} : vector<4x128x128xf32> to vector<1x128x128xf32>
    %squeeze3A_312 = vector.shape_cast %slice3A_311 : vector<1x128x128xf32> to vector<128x128xf32>
    %mul3A_313 = vector.broadcast %get3A_310 : f32 to vector<128x128xf32>
    %mul3A_314 = arith.mulf %mul3A_313, %squeeze3A_312 : vector<128x128xf32>
    %add3A_315 = arith.addf %mul3A_307, %mul3A_314 : vector<128x128xf32>
    %get3A_316 = arith.constant 7 : index
    %get3A_317 = arith.constant 2 : index
    %get3A_318 = memref.load %arg3[%get3A_316, %get3A_317] : memref<8x4xf32, #tpu.memory_space<smem>>
    %slice3A_319 = vector.extract_strided_slice %get3A_300 {offsets = [2, 0, 0], sizes = [1, 128, 128], strides = [1, 1, 1]} : vector<4x128x128xf32> to vector<1x128x128xf32>
    %squeeze3A_320 = vector.shape_cast %slice3A_319 : vector<1x128x128xf32> to vector<128x128xf32>
    %mul3A_321 = vector.broadcast %get3A_318 : f32 to vector<128x128xf32>
    %mul3A_322 = arith.mulf %mul3A_321, %squeeze3A_320 : vector<128x128xf32>
    %add3A_323 = arith.addf %add3A_315, %mul3A_322 : vector<128x128xf32>
    %get3A_324 = arith.constant 7 : index
    %get3A_325 = arith.constant 3 : index
    %get3A_326 = memref.load %arg3[%get3A_324, %get3A_325] : memref<8x4xf32, #tpu.memory_space<smem>>
    %slice3A_327 = vector.extract_strided_slice %get3A_300 {offsets = [3, 0, 0], sizes = [1, 128, 128], strides = [1, 1, 1]} : vector<4x128x128xf32> to vector<1x128x128xf32>
    %squeeze3A_328 = vector.shape_cast %slice3A_327 : vector<1x128x128xf32> to vector<128x128xf32>
    %mul3A_329 = vector.broadcast %get3A_326 : f32 to vector<128x128xf32>
    %mul3A_330 = arith.mulf %mul3A_329, %squeeze3A_328 : vector<128x128xf32>
    %add3A_331 = arith.addf %add3A_323, %mul3A_330 : vector<128x128xf32>
    %dot_general3A_332 = arith.constant dense<0.000000e+00> : vector<1000x128xf32>
    %dot_general3A_333 = tpu.matmul %get3A_1, %add3A_331, %dot_general3A_332 {dimension_numbers = #tpu.dot_dimension_numbers<[1], [0], [0], [1], [0, 0, 1, 1], [], []>, transpose_lhs_hint = false} : vector<1000x128xf32>, vector<128x128xf32>, vector<1000x128xf32> -> vector<1000x128xf32>
    %swap3A_334 = arith.constant 7 : index
    %swap3A_335 = arith.constant 0 : index
    %swap3A_336 = arith.constant 0 : index
    %swap3A_337 = vector.load %arg4[%swap3A_334, %swap3A_335, %swap3A_336] : memref<8x1000x128xf32, #tpu.memory_space<vmem>>, vector<1x1000x128xf32>
    %swap3A_338 = vector.shape_cast %swap3A_337 : vector<1x1000x128xf32> to vector<1000x128xf32>
    %swap3A_339 = vector.shape_cast %dot_general3A_333 : vector<1000x128xf32> to vector<1x1000x128xf32>
    tpu.vector_store %arg4[%swap3A_334, %swap3A_335, %swap3A_336], %swap3A_339 {strides = array<i32>} : memref<8x1000x128xf32, #tpu.memory_space<vmem>>, vector<1x1000x128xf32>,
    return
  }
  func.func @transform_0(%arg0: i32) -> (i32, i32) {
    %c0_i32 = arith.constant 0 : i32
    %c0_i32_0 = arith.constant 0 : i32
    return %arg0, %c0_i32 : i32, i32
  }
  func.func @transform_1(%arg0: i32) -> (i32, i32, i32) {
    %c0_i32 = arith.constant 0 : i32
    %c0_i32_0 = arith.constant 0 : i32
    %c0_i32_1 = arith.constant 0 : i32
    %c0_i32_2 = arith.constant 0 : i32
    return %c0_i32, %c0_i32_0, %c0_i32_1 : i32, i32, i32
  }
  func.func @transform_2(%arg0: i32) -> (i32, i32) {
    %c0_i32 = arith.constant 0 : i32
    %c0_i32_0 = arith.constant 0 : i32
    %c0_i32_1 = arith.constant 0 : i32
    return %c0_i32, %c0_i32_0 : i32, i32
  }
  func.func @transform_3(%arg0: i32) -> (i32, i32, i32) {
    %c0_i32 = arith.constant 0 : i32
    %c0_i32_0 = arith.constant 0 : i32
    %c0_i32_1 = arith.constant 0 : i32
    return %c0_i32, %arg0, %c0_i32_0 : i32, i32, i32
  }
}

module attributes {stable_mosaic.version = 14 : i64} {
  func.func @body(%arg0: i32, %arg1: memref<1000x128xf32, #tpu.memory_space<vmem>>, %arg2: memref<128x128xf32, #tpu.memory_space<vmem>>, %arg3: memref<1x128xf32, #tpu.memory_space<vmem>>, %arg4: memref<2x1000x128xf32, #tpu.memory_space<vmem>>, %arg5: memref<2x1000x128xf32, #tpu.memory_space<vmem>>, %arg6: memref<1000x128xf32, #tpu.memory_space<vmem>>, %arg7: memref<8x128xf32, #tpu.memory_space<vmem>>) attributes {dimension_semantics = [#tpu.dimension_semantics<arbitrary>], iteration_bounds = array<i64: 10>, scalar_prefetch = 0 : i64, scratch_operands = 0 : i64, tpu.core_type = #tpu.core_type<tc>, window_params = [{transform_indices = @transform_0, window_bounds = array<i64: 1000, 128>}, {pipeline_mode = #tpu.pipeline_mode<synchronous>, transform_indices = @transform_1, window_bounds = array<i64: 128, 128>}, {pipeline_mode = #tpu.pipeline_mode<synchronous>, transform_indices = @transform_2, window_bounds = array<i64: 1, 128>}, {transform_indices = @transform_3, window_bounds = array<i64: 2, 1000, 128>}, {transform_indices = @transform_4, window_bounds = array<i64: 2, 1000, 128>}, {transform_indices = @transform_5, window_bounds = array<i64: 1000, 128>}, {pipeline_mode = #tpu.pipeline_mode<synchronous>, transform_indices = @transform_6, window_bounds = array<i64: 8, 128>}]} {
    %get3A = arith.constant 0 : index
    %get3A_0 = arith.constant 0 : index
    %get3A_1 = vector.load %arg1[%get3A, %get3A_0] : memref<1000x128xf32, #tpu.memory_space<vmem>>, vector<1000x128xf32>
    %get3A_2 = arith.constant 0 : index
    %get3A_3 = arith.constant 0 : index
    %get3A_4 = vector.load %arg2[%get3A_2, %get3A_3] : memref<128x128xf32, #tpu.memory_space<vmem>>, vector<128x128xf32>
    %dot_general3A = arith.constant dense<0.000000e+00> : vector<1000x128xf32>
    %dot_general3A_5 = tpu.matmul %get3A_1, %get3A_4, %dot_general3A {dimension_numbers = #tpu.dot_dimension_numbers<[1], [0], [0], [1], [0, 0, 1, 1], [], []>, transpose_lhs_hint = false} : vector<1000x128xf32>, vector<128x128xf32>, vector<1000x128xf32> -> vector<1000x128xf32>
    %get3A_6 = arith.constant 0 : index
    %get3A_7 = arith.constant 0 : index
    %get3A_8 = vector.load %arg3[%get3A_6, %get3A_7] : memref<1x128xf32, #tpu.memory_space<vmem>>, vector<1x128xf32>
    %add3A = vector.broadcast %get3A_8 : vector<1x128xf32> to vector<1000x128xf32>
    %add3A_9 = arith.addf %dot_general3A_5, %add3A : vector<1000x128xf32>
    %get3A_10 = arith.constant 0 : index
    %get3A_11 = arith.constant 0 : index
    %get3A_12 = arith.constant 0 : index
    %get3A_13 = vector.load %arg4[%get3A_10, %get3A_11, %get3A_12] : memref<2x1000x128xf32, #tpu.memory_space<vmem>>, vector<1x1000x128xf32>
    %get3A_14 = vector.shape_cast %get3A_13 : vector<1x1000x128xf32> to vector<1000x128xf32>
    %add3A_15 = arith.addf %add3A_9, %get3A_14 : vector<1000x128xf32>
    %get3A_16 = arith.constant 1 : index
    %get3A_17 = arith.constant 0 : index
    %get3A_18 = arith.constant 0 : index
    %get3A_19 = vector.load %arg4[%get3A_16, %get3A_17, %get3A_18] : memref<2x1000x128xf32, #tpu.memory_space<vmem>>, vector<1x1000x128xf32>
    %get3A_20 = vector.shape_cast %get3A_19 : vector<1x1000x128xf32> to vector<1000x128xf32>
    %add3A_21 = arith.addf %add3A_15, %get3A_20 : vector<1000x128xf32>
    %get3A_22 = arith.constant 0 : index
    %get3A_23 = arith.constant 0 : index
    %get3A_24 = arith.constant 0 : index
    %get3A_25 = vector.load %arg5[%get3A_22, %get3A_23, %get3A_24] : memref<2x1000x128xf32, #tpu.memory_space<vmem>>, vector<1x1000x1xf32>
    %get3A_26 = vector.shape_cast %get3A_25 : vector<1x1000x1xf32> to vector<1000x1xf32>
    %get3A_27 = arith.constant 1 : index
    %get3A_28 = arith.constant 0 : index
    %get3A_29 = arith.constant 0 : index
    %get3A_30 = vector.load %arg5[%get3A_27, %get3A_28, %get3A_29] : memref<2x1000x128xf32, #tpu.memory_space<vmem>>, vector<1x1000x1xf32>
    %get3A_31 = vector.shape_cast %get3A_30 : vector<1x1000x1xf32> to vector<1000x1xf32>
    %add3A_32 = arith.addf %get3A_26, %get3A_31 : vector<1000x1xf32>
    %max3A = arith.constant 1.000000e+00 : f32
    %max3A_33 = vector.broadcast %max3A : f32 to vector<1000x1xf32>
    %max3A_34 = arith.maximumf %add3A_32, %max3A_33 : vector<1000x1xf32>
    %div3A = vector.broadcast %max3A_34 : vector<1000x1xf32> to vector<1000x128xf32>
    %div3A_35 = arith.divf %add3A_21, %div3A : vector<1000x128xf32>
    %swap3A = arith.constant 0 : index
    %swap3A_36 = arith.constant 0 : index
    %swap3A_37 = vector.load %arg6[%swap3A, %swap3A_36] : memref<1000x128xf32, #tpu.memory_space<vmem>>, vector<1000x128xf32>
    tpu.vector_store %arg6[%swap3A, %swap3A_36], %div3A_35 {strides = array<i32>} : memref<1000x128xf32, #tpu.memory_space<vmem>>, vector<1000x128xf32>,
    %reduce_sum3A = arith.constant dense<0.000000e+00> : vector<128xf32>
    %reduce_sum3A_38 = vector.multi_reduction <add>, %div3A_35, %reduce_sum3A [0] : vector<1000x128xf32> to vector<128xf32>
    %broadcast_in_dim3A = vector.shape_cast %reduce_sum3A_38 : vector<128xf32> to vector<1x128xf32>
    %mul3A = arith.mulf %div3A_35, %div3A_35 : vector<1000x128xf32>
    %reduce_sum3A_39 = arith.constant dense<0.000000e+00> : vector<128xf32>
    %reduce_sum3A_40 = vector.multi_reduction <add>, %mul3A, %reduce_sum3A_39 [0] : vector<1000x128xf32> to vector<128xf32>
    %broadcast_in_dim3A_41 = vector.shape_cast %reduce_sum3A_40 : vector<128xf32> to vector<1x128xf32>
    %broadcast_in_dim3A_42 = arith.constant 0.000000e+00 : f32
    %broadcast_in_dim3A_43 = vector.broadcast %broadcast_in_dim3A_42 : f32 to vector<6x128xf32>
    %concatenate3A = tpu.concatenate %broadcast_in_dim3A, %broadcast_in_dim3A_41, %broadcast_in_dim3A_43 in 0 : vector<1x128xf32>, vector<1x128xf32>, vector<6x128xf32> -> vector<8x128xf32>
    %eq3A = arith.constant 0 : i32
    %eq3A_44 = arith.cmpi eq, %arg0, %eq3A : i32
    %convert_element_type3A = arith.extui %eq3A_44 : i1 to i32
    %cond3A = arith.constant 0 : i32
    %cond3A_45 = arith.cmpi ne, %convert_element_type3A, %cond3A : i32
    scf.if %cond3A_45 {
      %swap3A_50 = arith.constant 0 : index
      %swap3A_51 = arith.constant 0 : index
      %swap3A_52 = vector.load %arg7[%swap3A_50, %swap3A_51] : memref<8x128xf32, #tpu.memory_space<vmem>>, vector<8x128xf32>
      tpu.vector_store %arg7[%swap3A_50, %swap3A_51], %concatenate3A {strides = array<i32>} : memref<8x128xf32, #tpu.memory_space<vmem>>, vector<8x128xf32>,
    } else {
    }
    %ne3A = arith.constant 0 : i32
    %ne3A_46 = arith.cmpi ne, %arg0, %ne3A : i32
    %convert_element_type3A_47 = arith.extui %ne3A_46 : i1 to i32
    %cond3A_48 = arith.constant 0 : i32
    %cond3A_49 = arith.cmpi ne, %convert_element_type3A_47, %cond3A_48 : i32
    scf.if %cond3A_49 {
      %get3A_50 = arith.constant 0 : index
      %get3A_51 = arith.constant 0 : index
      %get3A_52 = vector.load %arg7[%get3A_50, %get3A_51] : memref<8x128xf32, #tpu.memory_space<vmem>>, vector<8x128xf32>
      %add3A_53 = arith.addf %get3A_52, %concatenate3A : vector<8x128xf32>
      %swap3A_54 = arith.constant 0 : index
      %swap3A_55 = arith.constant 0 : index
      %swap3A_56 = vector.load %arg7[%swap3A_54, %swap3A_55] : memref<8x128xf32, #tpu.memory_space<vmem>>, vector<8x128xf32>
      tpu.vector_store %arg7[%swap3A_54, %swap3A_55], %add3A_53 {strides = array<i32>} : memref<8x128xf32, #tpu.memory_space<vmem>>, vector<8x128xf32>,
    } else {
    }
    return
  }
  func.func @transform_0(%arg0: i32) -> (i32, i32) {
    %c0_i32 = arith.constant 0 : i32
    %c0_i32_0 = arith.constant 0 : i32
    return %arg0, %c0_i32 : i32, i32
  }
  func.func @transform_1(%arg0: i32) -> (i32, i32) {
    %c0_i32 = arith.constant 0 : i32
    %c0_i32_0 = arith.constant 0 : i32
    %c0_i32_1 = arith.constant 0 : i32
    return %c0_i32, %c0_i32_0 : i32, i32
  }
  func.func @transform_2(%arg0: i32) -> (i32, i32) {
    %c0_i32 = arith.constant 0 : i32
    %c0_i32_0 = arith.constant 0 : i32
    %c0_i32_1 = arith.constant 0 : i32
    return %c0_i32, %c0_i32_0 : i32, i32
  }
  func.func @transform_3(%arg0: i32) -> (i32, i32, i32) {
    %c0_i32 = arith.constant 0 : i32
    %c0_i32_0 = arith.constant 0 : i32
    %c0_i32_1 = arith.constant 0 : i32
    return %c0_i32, %arg0, %c0_i32_0 : i32, i32, i32
  }
  func.func @transform_4(%arg0: i32) -> (i32, i32, i32) {
    %c0_i32 = arith.constant 0 : i32
    %c0_i32_0 = arith.constant 0 : i32
    %c0_i32_1 = arith.constant 0 : i32
    return %c0_i32, %arg0, %c0_i32_0 : i32, i32, i32
  }
  func.func @transform_5(%arg0: i32) -> (i32, i32) {
    %c0_i32 = arith.constant 0 : i32
    %c0_i32_0 = arith.constant 0 : i32
    return %arg0, %c0_i32 : i32, i32
  }
  func.func @transform_6(%arg0: i32) -> (i32, i32) {
    %c0_i32 = arith.constant 0 : i32
    %c0_i32_0 = arith.constant 0 : i32
    %c0_i32_1 = arith.constant 0 : i32
    return %c0_i32, %c0_i32_0 : i32, i32
  }
}

module attributes {stable_mosaic.version = 14 : i64} {
  func.func @_rel_mm_bn_body(%arg0: i32, %arg1: memref<1000x128xf32, #tpu.memory_space<vmem>>, %arg2: memref<8x128xf32, #tpu.memory_space<vmem>>, %arg3: memref<1x128xf32, #tpu.memory_space<vmem>>, %arg4: memref<1x128xf32, #tpu.memory_space<vmem>>, %arg5: memref<4x128x128xf32, #tpu.memory_space<vmem>>, %arg6: memref<8x4xf32, #tpu.memory_space<smem>>, %arg7: memref<8x1000x128xf32, #tpu.memory_space<vmem>>) attributes {dimension_semantics = [#tpu.dimension_semantics<arbitrary>], iteration_bounds = array<i64: 10>, scalar_prefetch = 0 : i64, scratch_operands = 0 : i64, tpu.core_type = #tpu.core_type<tc>, window_params = [{transform_indices = @transform_0, window_bounds = array<i64: 1000, 128>}, {pipeline_mode = #tpu.pipeline_mode<synchronous>, transform_indices = @transform_1, window_bounds = array<i64: 8, 128>}, {pipeline_mode = #tpu.pipeline_mode<synchronous>, transform_indices = @transform_2, window_bounds = array<i64: 1, 128>}, {pipeline_mode = #tpu.pipeline_mode<synchronous>, transform_indices = @transform_3, window_bounds = array<i64: 1, 128>}, {pipeline_mode = #tpu.pipeline_mode<synchronous>, transform_indices = @transform_4, window_bounds = array<i64: 4, 128, 128>}, {transform_indices = @transform_5, window_bounds = array<i64: 8, 4>}, {transform_indices = @transform_6, window_bounds = array<i64: 8, 1000, 128>}]} {
    %get3A = arith.constant 0 : index
    %get3A_0 = arith.constant 0 : index
    %get3A_1 = vector.load %arg1[%get3A, %get3A_0] : memref<1000x128xf32, #tpu.memory_space<vmem>>, vector<1000x128xf32>
    %get3A_2 = arith.constant 0 : index
    %get3A_3 = arith.constant 0 : index
    %get3A_4 = vector.load %arg2[%get3A_2, %get3A_3] : memref<8x128xf32, #tpu.memory_space<vmem>>, vector<8x128xf32>
    %get3A_5 = arith.constant 0 : index
    %get3A_6 = arith.constant 0 : index
    %get3A_7 = vector.load %arg3[%get3A_5, %get3A_6] : memref<1x128xf32, #tpu.memory_space<vmem>>, vector<1x128xf32>
    %get3A_8 = arith.constant 0 : index
    %get3A_9 = arith.constant 0 : index
    %get3A_10 = vector.load %arg4[%get3A_8, %get3A_9] : memref<1x128xf32, #tpu.memory_space<vmem>>, vector<1x128xf32>
    %slice3A = vector.extract_strided_slice %get3A_4 {offsets = [0, 0], sizes = [1, 128], strides = [1, 1]} : vector<8x128xf32> to vector<1x128xf32>
    %mul3A = arith.constant 9.99999974E-5 : f32
    %mul3A_11 = vector.broadcast %mul3A : f32 to vector<1x128xf32>
    %mul3A_12 = arith.mulf %slice3A, %mul3A_11 : vector<1x128xf32>
    %slice3A_13 = vector.extract_strided_slice %get3A_4 {offsets = [1, 0], sizes = [1, 128], strides = [1, 1]} : vector<8x128xf32> to vector<1x128xf32>
    %mul3A_14 = arith.constant 9.99999974E-5 : f32
    %mul3A_15 = vector.broadcast %mul3A_14 : f32 to vector<1x128xf32>
    %mul3A_16 = arith.mulf %slice3A_13, %mul3A_15 : vector<1x128xf32>
    %mul3A_17 = arith.mulf %mul3A_12, %mul3A_12 : vector<1x128xf32>
    %sub3A = arith.subf %mul3A_16, %mul3A_17 : vector<1x128xf32>
    %add3A = arith.constant 9.99999974E-6 : f32
    %add3A_18 = vector.broadcast %add3A : f32 to vector<1x128xf32>
    %add3A_19 = arith.addf %sub3A, %add3A_18 : vector<1x128xf32>
    %rsqrt3A = math.rsqrt %add3A_19 : vector<1x128xf32>
    %sub3A_20 = vector.broadcast %mul3A_12 : vector<1x128xf32> to vector<1000x128xf32>
    %sub3A_21 = arith.subf %get3A_1, %sub3A_20 : vector<1000x128xf32>
    %mul3A_22 = vector.broadcast %rsqrt3A : vector<1x128xf32> to vector<1000x128xf32>
    %mul3A_23 = arith.mulf %sub3A_21, %mul3A_22 : vector<1000x128xf32>
    %mul3A_24 = vector.broadcast %get3A_7 : vector<1x128xf32> to vector<1000x128xf32>
    %mul3A_25 = arith.mulf %mul3A_23, %mul3A_24 : vector<1000x128xf32>
    %add3A_26 = vector.broadcast %get3A_10 : vector<1x128xf32> to vector<1000x128xf32>
    %add3A_27 = arith.addf %mul3A_25, %add3A_26 : vector<1000x128xf32>
    %max3A = arith.constant 0.000000e+00 : f32
    %max3A_28 = vector.broadcast %max3A : f32 to vector<1000x128xf32>
    %max3A_29 = arith.maximumf %add3A_27, %max3A_28 : vector<1000x128xf32>
    %get3A_30 = arith.constant 0 : index
    %get3A_31 = arith.constant 0 : index
    %get3A_32 = arith.constant 0 : index
    %get3A_33 = vector.load %arg5[%get3A_30, %get3A_31, %get3A_32] : memref<4x128x128xf32, #tpu.memory_space<vmem>>, vector<4x128x128xf32>
    %get3A_34 = arith.constant 0 : index
    %get3A_35 = arith.constant 0 : index
    %get3A_36 = memref.load %arg6[%get3A_34, %get3A_35] : memref<8x4xf32, #tpu.memory_space<smem>>
    %slice3A_37 = vector.extract_strided_slice %get3A_33 {offsets = [0, 0, 0], sizes = [1, 128, 128], strides = [1, 1, 1]} : vector<4x128x128xf32> to vector<1x128x128xf32>
    %squeeze3A = vector.shape_cast %slice3A_37 : vector<1x128x128xf32> to vector<128x128xf32>
    %mul3A_38 = vector.broadcast %get3A_36 : f32 to vector<128x128xf32>
    %mul3A_39 = arith.mulf %mul3A_38, %squeeze3A : vector<128x128xf32>
    %get3A_40 = arith.constant 0 : index
    %get3A_41 = arith.constant 1 : index
    %get3A_42 = memref.load %arg6[%get3A_40, %get3A_41] : memref<8x4xf32, #tpu.memory_space<smem>>
    %slice3A_43 = vector.extract_strided_slice %get3A_33 {offsets = [1, 0, 0], sizes = [1, 128, 128], strides = [1, 1, 1]} : vector<4x128x128xf32> to vector<1x128x128xf32>
    %squeeze3A_44 = vector.shape_cast %slice3A_43 : vector<1x128x128xf32> to vector<128x128xf32>
    %mul3A_45 = vector.broadcast %get3A_42 : f32 to vector<128x128xf32>
    %mul3A_46 = arith.mulf %mul3A_45, %squeeze3A_44 : vector<128x128xf32>
    %add3A_47 = arith.addf %mul3A_39, %mul3A_46 : vector<128x128xf32>
    %get3A_48 = arith.constant 0 : index
    %get3A_49 = arith.constant 2 : index
    %get3A_50 = memref.load %arg6[%get3A_48, %get3A_49] : memref<8x4xf32, #tpu.memory_space<smem>>
    %slice3A_51 = vector.extract_strided_slice %get3A_33 {offsets = [2, 0, 0], sizes = [1, 128, 128], strides = [1, 1, 1]} : vector<4x128x128xf32> to vector<1x128x128xf32>
    %squeeze3A_52 = vector.shape_cast %slice3A_51 : vector<1x128x128xf32> to vector<128x128xf32>
    %mul3A_53 = vector.broadcast %get3A_50 : f32 to vector<128x128xf32>
    %mul3A_54 = arith.mulf %mul3A_53, %squeeze3A_52 : vector<128x128xf32>
    %add3A_55 = arith.addf %add3A_47, %mul3A_54 : vector<128x128xf32>
    %get3A_56 = arith.constant 0 : index
    %get3A_57 = arith.constant 3 : index
    %get3A_58 = memref.load %arg6[%get3A_56, %get3A_57] : memref<8x4xf32, #tpu.memory_space<smem>>
    %slice3A_59 = vector.extract_strided_slice %get3A_33 {offsets = [3, 0, 0], sizes = [1, 128, 128], strides = [1, 1, 1]} : vector<4x128x128xf32> to vector<1x128x128xf32>
    %squeeze3A_60 = vector.shape_cast %slice3A_59 : vector<1x128x128xf32> to vector<128x128xf32>
    %mul3A_61 = vector.broadcast %get3A_58 : f32 to vector<128x128xf32>
    %mul3A_62 = arith.mulf %mul3A_61, %squeeze3A_60 : vector<128x128xf32>
    %add3A_63 = arith.addf %add3A_55, %mul3A_62 : vector<128x128xf32>
    %dot_general3A = arith.constant dense<0.000000e+00> : vector<1000x128xf32>
    %dot_general3A_64 = tpu.matmul %max3A_29, %add3A_63, %dot_general3A {dimension_numbers = #tpu.dot_dimension_numbers<[1], [0], [0], [1], [0, 0, 1, 1], [], []>, transpose_lhs_hint = false} : vector<1000x128xf32>, vector<128x128xf32>, vector<1000x128xf32> -> vector<1000x128xf32>
    %swap3A = arith.constant 0 : index
    %swap3A_65 = arith.constant 0 : index
    %swap3A_66 = arith.constant 0 : index
    %swap3A_67 = vector.load %arg7[%swap3A, %swap3A_65, %swap3A_66] : memref<8x1000x128xf32, #tpu.memory_space<vmem>>, vector<1x1000x128xf32>
    %swap3A_68 = vector.shape_cast %swap3A_67 : vector<1x1000x128xf32> to vector<1000x128xf32>
    %swap3A_69 = vector.shape_cast %dot_general3A_64 : vector<1000x128xf32> to vector<1x1000x128xf32>
    tpu.vector_store %arg7[%swap3A, %swap3A_65, %swap3A_66], %swap3A_69 {strides = array<i32>} : memref<8x1000x128xf32, #tpu.memory_space<vmem>>, vector<1x1000x128xf32>,
    %get3A_70 = arith.constant 0 : index
    %get3A_71 = arith.constant 0 : index
    %get3A_72 = arith.constant 0 : index
    %get3A_73 = vector.load %arg5[%get3A_70, %get3A_71, %get3A_72] : memref<4x128x128xf32, #tpu.memory_space<vmem>>, vector<4x128x128xf32>
    %get3A_74 = arith.constant 1 : index
    %get3A_75 = arith.constant 0 : index
    %get3A_76 = memref.load %arg6[%get3A_74, %get3A_75] : memref<8x4xf32, #tpu.memory_space<smem>>
    %slice3A_77 = vector.extract_strided_slice %get3A_73 {offsets = [0, 0, 0], sizes = [1, 128, 128], strides = [1, 1, 1]} : vector<4x128x128xf32> to vector<1x128x128xf32>
    %squeeze3A_78 = vector.shape_cast %slice3A_77 : vector<1x128x128xf32> to vector<128x128xf32>
    %mul3A_79 = vector.broadcast %get3A_76 : f32 to vector<128x128xf32>
    %mul3A_80 = arith.mulf %mul3A_79, %squeeze3A_78 : vector<128x128xf32>
    %get3A_81 = arith.constant 1 : index
    %get3A_82 = arith.constant 1 : index
    %get3A_83 = memref.load %arg6[%get3A_81, %get3A_82] : memref<8x4xf32, #tpu.memory_space<smem>>
    %slice3A_84 = vector.extract_strided_slice %get3A_73 {offsets = [1, 0, 0], sizes = [1, 128, 128], strides = [1, 1, 1]} : vector<4x128x128xf32> to vector<1x128x128xf32>
    %squeeze3A_85 = vector.shape_cast %slice3A_84 : vector<1x128x128xf32> to vector<128x128xf32>
    %mul3A_86 = vector.broadcast %get3A_83 : f32 to vector<128x128xf32>
    %mul3A_87 = arith.mulf %mul3A_86, %squeeze3A_85 : vector<128x128xf32>
    %add3A_88 = arith.addf %mul3A_80, %mul3A_87 : vector<128x128xf32>
    %get3A_89 = arith.constant 1 : index
    %get3A_90 = arith.constant 2 : index
    %get3A_91 = memref.load %arg6[%get3A_89, %get3A_90] : memref<8x4xf32, #tpu.memory_space<smem>>
    %slice3A_92 = vector.extract_strided_slice %get3A_73 {offsets = [2, 0, 0], sizes = [1, 128, 128], strides = [1, 1, 1]} : vector<4x128x128xf32> to vector<1x128x128xf32>
    %squeeze3A_93 = vector.shape_cast %slice3A_92 : vector<1x128x128xf32> to vector<128x128xf32>
    %mul3A_94 = vector.broadcast %get3A_91 : f32 to vector<128x128xf32>
    %mul3A_95 = arith.mulf %mul3A_94, %squeeze3A_93 : vector<128x128xf32>
    %add3A_96 = arith.addf %add3A_88, %mul3A_95 : vector<128x128xf32>
    %get3A_97 = arith.constant 1 : index
    %get3A_98 = arith.constant 3 : index
    %get3A_99 = memref.load %arg6[%get3A_97, %get3A_98] : memref<8x4xf32, #tpu.memory_space<smem>>
    %slice3A_100 = vector.extract_strided_slice %get3A_73 {offsets = [3, 0, 0], sizes = [1, 128, 128], strides = [1, 1, 1]} : vector<4x128x128xf32> to vector<1x128x128xf32>
    %squeeze3A_101 = vector.shape_cast %slice3A_100 : vector<1x128x128xf32> to vector<128x128xf32>
    %mul3A_102 = vector.broadcast %get3A_99 : f32 to vector<128x128xf32>
    %mul3A_103 = arith.mulf %mul3A_102, %squeeze3A_101 : vector<128x128xf32>
    %add3A_104 = arith.addf %add3A_96, %mul3A_103 : vector<128x128xf32>
    %dot_general3A_105 = arith.constant dense<0.000000e+00> : vector<1000x128xf32>
    %dot_general3A_106 = tpu.matmul %max3A_29, %add3A_104, %dot_general3A_105 {dimension_numbers = #tpu.dot_dimension_numbers<[1], [0], [0], [1], [0, 0, 1, 1], [], []>, transpose_lhs_hint = false} : vector<1000x128xf32>, vector<128x128xf32>, vector<1000x128xf32> -> vector<1000x128xf32>
    %swap3A_107 = arith.constant 1 : index
    %swap3A_108 = arith.constant 0 : index
    %swap3A_109 = arith.constant 0 : index
    %swap3A_110 = vector.load %arg7[%swap3A_107, %swap3A_108, %swap3A_109] : memref<8x1000x128xf32, #tpu.memory_space<vmem>>, vector<1x1000x128xf32>
    %swap3A_111 = vector.shape_cast %swap3A_110 : vector<1x1000x128xf32> to vector<1000x128xf32>
    %swap3A_112 = vector.shape_cast %dot_general3A_106 : vector<1000x128xf32> to vector<1x1000x128xf32>
    tpu.vector_store %arg7[%swap3A_107, %swap3A_108, %swap3A_109], %swap3A_112 {strides = array<i32>} : memref<8x1000x128xf32, #tpu.memory_space<vmem>>, vector<1x1000x128xf32>,
    %get3A_113 = arith.constant 0 : index
    %get3A_114 = arith.constant 0 : index
    %get3A_115 = arith.constant 0 : index
    %get3A_116 = vector.load %arg5[%get3A_113, %get3A_114, %get3A_115] : memref<4x128x128xf32, #tpu.memory_space<vmem>>, vector<4x128x128xf32>
    %get3A_117 = arith.constant 2 : index
    %get3A_118 = arith.constant 0 : index
    %get3A_119 = memref.load %arg6[%get3A_117, %get3A_118] : memref<8x4xf32, #tpu.memory_space<smem>>
    %slice3A_120 = vector.extract_strided_slice %get3A_116 {offsets = [0, 0, 0], sizes = [1, 128, 128], strides = [1, 1, 1]} : vector<4x128x128xf32> to vector<1x128x128xf32>
    %squeeze3A_121 = vector.shape_cast %slice3A_120 : vector<1x128x128xf32> to vector<128x128xf32>
    %mul3A_122 = vector.broadcast %get3A_119 : f32 to vector<128x128xf32>
    %mul3A_123 = arith.mulf %mul3A_122, %squeeze3A_121 : vector<128x128xf32>
    %get3A_124 = arith.constant 2 : index
    %get3A_125 = arith.constant 1 : index
    %get3A_126 = memref.load %arg6[%get3A_124, %get3A_125] : memref<8x4xf32, #tpu.memory_space<smem>>
    %slice3A_127 = vector.extract_strided_slice %get3A_116 {offsets = [1, 0, 0], sizes = [1, 128, 128], strides = [1, 1, 1]} : vector<4x128x128xf32> to vector<1x128x128xf32>
    %squeeze3A_128 = vector.shape_cast %slice3A_127 : vector<1x128x128xf32> to vector<128x128xf32>
    %mul3A_129 = vector.broadcast %get3A_126 : f32 to vector<128x128xf32>
    %mul3A_130 = arith.mulf %mul3A_129, %squeeze3A_128 : vector<128x128xf32>
    %add3A_131 = arith.addf %mul3A_123, %mul3A_130 : vector<128x128xf32>
    %get3A_132 = arith.constant 2 : index
    %get3A_133 = arith.constant 2 : index
    %get3A_134 = memref.load %arg6[%get3A_132, %get3A_133] : memref<8x4xf32, #tpu.memory_space<smem>>
    %slice3A_135 = vector.extract_strided_slice %get3A_116 {offsets = [2, 0, 0], sizes = [1, 128, 128], strides = [1, 1, 1]} : vector<4x128x128xf32> to vector<1x128x128xf32>
    %squeeze3A_136 = vector.shape_cast %slice3A_135 : vector<1x128x128xf32> to vector<128x128xf32>
    %mul3A_137 = vector.broadcast %get3A_134 : f32 to vector<128x128xf32>
    %mul3A_138 = arith.mulf %mul3A_137, %squeeze3A_136 : vector<128x128xf32>
    %add3A_139 = arith.addf %add3A_131, %mul3A_138 : vector<128x128xf32>
    %get3A_140 = arith.constant 2 : index
    %get3A_141 = arith.constant 3 : index
    %get3A_142 = memref.load %arg6[%get3A_140, %get3A_141] : memref<8x4xf32, #tpu.memory_space<smem>>
    %slice3A_143 = vector.extract_strided_slice %get3A_116 {offsets = [3, 0, 0], sizes = [1, 128, 128], strides = [1, 1, 1]} : vector<4x128x128xf32> to vector<1x128x128xf32>
    %squeeze3A_144 = vector.shape_cast %slice3A_143 : vector<1x128x128xf32> to vector<128x128xf32>
    %mul3A_145 = vector.broadcast %get3A_142 : f32 to vector<128x128xf32>
    %mul3A_146 = arith.mulf %mul3A_145, %squeeze3A_144 : vector<128x128xf32>
    %add3A_147 = arith.addf %add3A_139, %mul3A_146 : vector<128x128xf32>
    %dot_general3A_148 = arith.constant dense<0.000000e+00> : vector<1000x128xf32>
    %dot_general3A_149 = tpu.matmul %max3A_29, %add3A_147, %dot_general3A_148 {dimension_numbers = #tpu.dot_dimension_numbers<[1], [0], [0], [1], [0, 0, 1, 1], [], []>, transpose_lhs_hint = false} : vector<1000x128xf32>, vector<128x128xf32>, vector<1000x128xf32> -> vector<1000x128xf32>
    %swap3A_150 = arith.constant 2 : index
    %swap3A_151 = arith.constant 0 : index
    %swap3A_152 = arith.constant 0 : index
    %swap3A_153 = vector.load %arg7[%swap3A_150, %swap3A_151, %swap3A_152] : memref<8x1000x128xf32, #tpu.memory_space<vmem>>, vector<1x1000x128xf32>
    %swap3A_154 = vector.shape_cast %swap3A_153 : vector<1x1000x128xf32> to vector<1000x128xf32>
    %swap3A_155 = vector.shape_cast %dot_general3A_149 : vector<1000x128xf32> to vector<1x1000x128xf32>
    tpu.vector_store %arg7[%swap3A_150, %swap3A_151, %swap3A_152], %swap3A_155 {strides = array<i32>} : memref<8x1000x128xf32, #tpu.memory_space<vmem>>, vector<1x1000x128xf32>,
    %get3A_156 = arith.constant 0 : index
    %get3A_157 = arith.constant 0 : index
    %get3A_158 = arith.constant 0 : index
    %get3A_159 = vector.load %arg5[%get3A_156, %get3A_157, %get3A_158] : memref<4x128x128xf32, #tpu.memory_space<vmem>>, vector<4x128x128xf32>
    %get3A_160 = arith.constant 3 : index
    %get3A_161 = arith.constant 0 : index
    %get3A_162 = memref.load %arg6[%get3A_160, %get3A_161] : memref<8x4xf32, #tpu.memory_space<smem>>
    %slice3A_163 = vector.extract_strided_slice %get3A_159 {offsets = [0, 0, 0], sizes = [1, 128, 128], strides = [1, 1, 1]} : vector<4x128x128xf32> to vector<1x128x128xf32>
    %squeeze3A_164 = vector.shape_cast %slice3A_163 : vector<1x128x128xf32> to vector<128x128xf32>
    %mul3A_165 = vector.broadcast %get3A_162 : f32 to vector<128x128xf32>
    %mul3A_166 = arith.mulf %mul3A_165, %squeeze3A_164 : vector<128x128xf32>
    %get3A_167 = arith.constant 3 : index
    %get3A_168 = arith.constant 1 : index
    %get3A_169 = memref.load %arg6[%get3A_167, %get3A_168] : memref<8x4xf32, #tpu.memory_space<smem>>
    %slice3A_170 = vector.extract_strided_slice %get3A_159 {offsets = [1, 0, 0], sizes = [1, 128, 128], strides = [1, 1, 1]} : vector<4x128x128xf32> to vector<1x128x128xf32>
    %squeeze3A_171 = vector.shape_cast %slice3A_170 : vector<1x128x128xf32> to vector<128x128xf32>
    %mul3A_172 = vector.broadcast %get3A_169 : f32 to vector<128x128xf32>
    %mul3A_173 = arith.mulf %mul3A_172, %squeeze3A_171 : vector<128x128xf32>
    %add3A_174 = arith.addf %mul3A_166, %mul3A_173 : vector<128x128xf32>
    %get3A_175 = arith.constant 3 : index
    %get3A_176 = arith.constant 2 : index
    %get3A_177 = memref.load %arg6[%get3A_175, %get3A_176] : memref<8x4xf32, #tpu.memory_space<smem>>
    %slice3A_178 = vector.extract_strided_slice %get3A_159 {offsets = [2, 0, 0], sizes = [1, 128, 128], strides = [1, 1, 1]} : vector<4x128x128xf32> to vector<1x128x128xf32>
    %squeeze3A_179 = vector.shape_cast %slice3A_178 : vector<1x128x128xf32> to vector<128x128xf32>
    %mul3A_180 = vector.broadcast %get3A_177 : f32 to vector<128x128xf32>
    %mul3A_181 = arith.mulf %mul3A_180, %squeeze3A_179 : vector<128x128xf32>
    %add3A_182 = arith.addf %add3A_174, %mul3A_181 : vector<128x128xf32>
    %get3A_183 = arith.constant 3 : index
    %get3A_184 = arith.constant 3 : index
    %get3A_185 = memref.load %arg6[%get3A_183, %get3A_184] : memref<8x4xf32, #tpu.memory_space<smem>>
    %slice3A_186 = vector.extract_strided_slice %get3A_159 {offsets = [3, 0, 0], sizes = [1, 128, 128], strides = [1, 1, 1]} : vector<4x128x128xf32> to vector<1x128x128xf32>
    %squeeze3A_187 = vector.shape_cast %slice3A_186 : vector<1x128x128xf32> to vector<128x128xf32>
    %mul3A_188 = vector.broadcast %get3A_185 : f32 to vector<128x128xf32>
    %mul3A_189 = arith.mulf %mul3A_188, %squeeze3A_187 : vector<128x128xf32>
    %add3A_190 = arith.addf %add3A_182, %mul3A_189 : vector<128x128xf32>
    %dot_general3A_191 = arith.constant dense<0.000000e+00> : vector<1000x128xf32>
    %dot_general3A_192 = tpu.matmul %max3A_29, %add3A_190, %dot_general3A_191 {dimension_numbers = #tpu.dot_dimension_numbers<[1], [0], [0], [1], [0, 0, 1, 1], [], []>, transpose_lhs_hint = false} : vector<1000x128xf32>, vector<128x128xf32>, vector<1000x128xf32> -> vector<1000x128xf32>
    %swap3A_193 = arith.constant 3 : index
    %swap3A_194 = arith.constant 0 : index
    %swap3A_195 = arith.constant 0 : index
    %swap3A_196 = vector.load %arg7[%swap3A_193, %swap3A_194, %swap3A_195] : memref<8x1000x128xf32, #tpu.memory_space<vmem>>, vector<1x1000x128xf32>
    %swap3A_197 = vector.shape_cast %swap3A_196 : vector<1x1000x128xf32> to vector<1000x128xf32>
    %swap3A_198 = vector.shape_cast %dot_general3A_192 : vector<1000x128xf32> to vector<1x1000x128xf32>
    tpu.vector_store %arg7[%swap3A_193, %swap3A_194, %swap3A_195], %swap3A_198 {strides = array<i32>} : memref<8x1000x128xf32, #tpu.memory_space<vmem>>, vector<1x1000x128xf32>,
    %get3A_199 = arith.constant 0 : index
    %get3A_200 = arith.constant 0 : index
    %get3A_201 = arith.constant 0 : index
    %get3A_202 = vector.load %arg5[%get3A_199, %get3A_200, %get3A_201] : memref<4x128x128xf32, #tpu.memory_space<vmem>>, vector<4x128x128xf32>
    %get3A_203 = arith.constant 4 : index
    %get3A_204 = arith.constant 0 : index
    %get3A_205 = memref.load %arg6[%get3A_203, %get3A_204] : memref<8x4xf32, #tpu.memory_space<smem>>
    %slice3A_206 = vector.extract_strided_slice %get3A_202 {offsets = [0, 0, 0], sizes = [1, 128, 128], strides = [1, 1, 1]} : vector<4x128x128xf32> to vector<1x128x128xf32>
    %squeeze3A_207 = vector.shape_cast %slice3A_206 : vector<1x128x128xf32> to vector<128x128xf32>
    %mul3A_208 = vector.broadcast %get3A_205 : f32 to vector<128x128xf32>
    %mul3A_209 = arith.mulf %mul3A_208, %squeeze3A_207 : vector<128x128xf32>
    %get3A_210 = arith.constant 4 : index
    %get3A_211 = arith.constant 1 : index
    %get3A_212 = memref.load %arg6[%get3A_210, %get3A_211] : memref<8x4xf32, #tpu.memory_space<smem>>
    %slice3A_213 = vector.extract_strided_slice %get3A_202 {offsets = [1, 0, 0], sizes = [1, 128, 128], strides = [1, 1, 1]} : vector<4x128x128xf32> to vector<1x128x128xf32>
    %squeeze3A_214 = vector.shape_cast %slice3A_213 : vector<1x128x128xf32> to vector<128x128xf32>
    %mul3A_215 = vector.broadcast %get3A_212 : f32 to vector<128x128xf32>
    %mul3A_216 = arith.mulf %mul3A_215, %squeeze3A_214 : vector<128x128xf32>
    %add3A_217 = arith.addf %mul3A_209, %mul3A_216 : vector<128x128xf32>
    %get3A_218 = arith.constant 4 : index
    %get3A_219 = arith.constant 2 : index
    %get3A_220 = memref.load %arg6[%get3A_218, %get3A_219] : memref<8x4xf32, #tpu.memory_space<smem>>
    %slice3A_221 = vector.extract_strided_slice %get3A_202 {offsets = [2, 0, 0], sizes = [1, 128, 128], strides = [1, 1, 1]} : vector<4x128x128xf32> to vector<1x128x128xf32>
    %squeeze3A_222 = vector.shape_cast %slice3A_221 : vector<1x128x128xf32> to vector<128x128xf32>
    %mul3A_223 = vector.broadcast %get3A_220 : f32 to vector<128x128xf32>
    %mul3A_224 = arith.mulf %mul3A_223, %squeeze3A_222 : vector<128x128xf32>
    %add3A_225 = arith.addf %add3A_217, %mul3A_224 : vector<128x128xf32>
    %get3A_226 = arith.constant 4 : index
    %get3A_227 = arith.constant 3 : index
    %get3A_228 = memref.load %arg6[%get3A_226, %get3A_227] : memref<8x4xf32, #tpu.memory_space<smem>>
    %slice3A_229 = vector.extract_strided_slice %get3A_202 {offsets = [3, 0, 0], sizes = [1, 128, 128], strides = [1, 1, 1]} : vector<4x128x128xf32> to vector<1x128x128xf32>
    %squeeze3A_230 = vector.shape_cast %slice3A_229 : vector<1x128x128xf32> to vector<128x128xf32>
    %mul3A_231 = vector.broadcast %get3A_228 : f32 to vector<128x128xf32>
    %mul3A_232 = arith.mulf %mul3A_231, %squeeze3A_230 : vector<128x128xf32>
    %add3A_233 = arith.addf %add3A_225, %mul3A_232 : vector<128x128xf32>
    %dot_general3A_234 = arith.constant dense<0.000000e+00> : vector<1000x128xf32>
    %dot_general3A_235 = tpu.matmul %max3A_29, %add3A_233, %dot_general3A_234 {dimension_numbers = #tpu.dot_dimension_numbers<[1], [0], [0], [1], [0, 0, 1, 1], [], []>, transpose_lhs_hint = false} : vector<1000x128xf32>, vector<128x128xf32>, vector<1000x128xf32> -> vector<1000x128xf32>
    %swap3A_236 = arith.constant 4 : index
    %swap3A_237 = arith.constant 0 : index
    %swap3A_238 = arith.constant 0 : index
    %swap3A_239 = vector.load %arg7[%swap3A_236, %swap3A_237, %swap3A_238] : memref<8x1000x128xf32, #tpu.memory_space<vmem>>, vector<1x1000x128xf32>
    %swap3A_240 = vector.shape_cast %swap3A_239 : vector<1x1000x128xf32> to vector<1000x128xf32>
    %swap3A_241 = vector.shape_cast %dot_general3A_235 : vector<1000x128xf32> to vector<1x1000x128xf32>
    tpu.vector_store %arg7[%swap3A_236, %swap3A_237, %swap3A_238], %swap3A_241 {strides = array<i32>} : memref<8x1000x128xf32, #tpu.memory_space<vmem>>, vector<1x1000x128xf32>,
    %get3A_242 = arith.constant 0 : index
    %get3A_243 = arith.constant 0 : index
    %get3A_244 = arith.constant 0 : index
    %get3A_245 = vector.load %arg5[%get3A_242, %get3A_243, %get3A_244] : memref<4x128x128xf32, #tpu.memory_space<vmem>>, vector<4x128x128xf32>
    %get3A_246 = arith.constant 5 : index
    %get3A_247 = arith.constant 0 : index
    %get3A_248 = memref.load %arg6[%get3A_246, %get3A_247] : memref<8x4xf32, #tpu.memory_space<smem>>
    %slice3A_249 = vector.extract_strided_slice %get3A_245 {offsets = [0, 0, 0], sizes = [1, 128, 128], strides = [1, 1, 1]} : vector<4x128x128xf32> to vector<1x128x128xf32>
    %squeeze3A_250 = vector.shape_cast %slice3A_249 : vector<1x128x128xf32> to vector<128x128xf32>
    %mul3A_251 = vector.broadcast %get3A_248 : f32 to vector<128x128xf32>
    %mul3A_252 = arith.mulf %mul3A_251, %squeeze3A_250 : vector<128x128xf32>
    %get3A_253 = arith.constant 5 : index
    %get3A_254 = arith.constant 1 : index
    %get3A_255 = memref.load %arg6[%get3A_253, %get3A_254] : memref<8x4xf32, #tpu.memory_space<smem>>
    %slice3A_256 = vector.extract_strided_slice %get3A_245 {offsets = [1, 0, 0], sizes = [1, 128, 128], strides = [1, 1, 1]} : vector<4x128x128xf32> to vector<1x128x128xf32>
    %squeeze3A_257 = vector.shape_cast %slice3A_256 : vector<1x128x128xf32> to vector<128x128xf32>
    %mul3A_258 = vector.broadcast %get3A_255 : f32 to vector<128x128xf32>
    %mul3A_259 = arith.mulf %mul3A_258, %squeeze3A_257 : vector<128x128xf32>
    %add3A_260 = arith.addf %mul3A_252, %mul3A_259 : vector<128x128xf32>
    %get3A_261 = arith.constant 5 : index
    %get3A_262 = arith.constant 2 : index
    %get3A_263 = memref.load %arg6[%get3A_261, %get3A_262] : memref<8x4xf32, #tpu.memory_space<smem>>
    %slice3A_264 = vector.extract_strided_slice %get3A_245 {offsets = [2, 0, 0], sizes = [1, 128, 128], strides = [1, 1, 1]} : vector<4x128x128xf32> to vector<1x128x128xf32>
    %squeeze3A_265 = vector.shape_cast %slice3A_264 : vector<1x128x128xf32> to vector<128x128xf32>
    %mul3A_266 = vector.broadcast %get3A_263 : f32 to vector<128x128xf32>
    %mul3A_267 = arith.mulf %mul3A_266, %squeeze3A_265 : vector<128x128xf32>
    %add3A_268 = arith.addf %add3A_260, %mul3A_267 : vector<128x128xf32>
    %get3A_269 = arith.constant 5 : index
    %get3A_270 = arith.constant 3 : index
    %get3A_271 = memref.load %arg6[%get3A_269, %get3A_270] : memref<8x4xf32, #tpu.memory_space<smem>>
    %slice3A_272 = vector.extract_strided_slice %get3A_245 {offsets = [3, 0, 0], sizes = [1, 128, 128], strides = [1, 1, 1]} : vector<4x128x128xf32> to vector<1x128x128xf32>
    %squeeze3A_273 = vector.shape_cast %slice3A_272 : vector<1x128x128xf32> to vector<128x128xf32>
    %mul3A_274 = vector.broadcast %get3A_271 : f32 to vector<128x128xf32>
    %mul3A_275 = arith.mulf %mul3A_274, %squeeze3A_273 : vector<128x128xf32>
    %add3A_276 = arith.addf %add3A_268, %mul3A_275 : vector<128x128xf32>
    %dot_general3A_277 = arith.constant dense<0.000000e+00> : vector<1000x128xf32>
    %dot_general3A_278 = tpu.matmul %max3A_29, %add3A_276, %dot_general3A_277 {dimension_numbers = #tpu.dot_dimension_numbers<[1], [0], [0], [1], [0, 0, 1, 1], [], []>, transpose_lhs_hint = false} : vector<1000x128xf32>, vector<128x128xf32>, vector<1000x128xf32> -> vector<1000x128xf32>
    %swap3A_279 = arith.constant 5 : index
    %swap3A_280 = arith.constant 0 : index
    %swap3A_281 = arith.constant 0 : index
    %swap3A_282 = vector.load %arg7[%swap3A_279, %swap3A_280, %swap3A_281] : memref<8x1000x128xf32, #tpu.memory_space<vmem>>, vector<1x1000x128xf32>
    %swap3A_283 = vector.shape_cast %swap3A_282 : vector<1x1000x128xf32> to vector<1000x128xf32>
    %swap3A_284 = vector.shape_cast %dot_general3A_278 : vector<1000x128xf32> to vector<1x1000x128xf32>
    tpu.vector_store %arg7[%swap3A_279, %swap3A_280, %swap3A_281], %swap3A_284 {strides = array<i32>} : memref<8x1000x128xf32, #tpu.memory_space<vmem>>, vector<1x1000x128xf32>,
    %get3A_285 = arith.constant 0 : index
    %get3A_286 = arith.constant 0 : index
    %get3A_287 = arith.constant 0 : index
    %get3A_288 = vector.load %arg5[%get3A_285, %get3A_286, %get3A_287] : memref<4x128x128xf32, #tpu.memory_space<vmem>>, vector<4x128x128xf32>
    %get3A_289 = arith.constant 6 : index
    %get3A_290 = arith.constant 0 : index
    %get3A_291 = memref.load %arg6[%get3A_289, %get3A_290] : memref<8x4xf32, #tpu.memory_space<smem>>
    %slice3A_292 = vector.extract_strided_slice %get3A_288 {offsets = [0, 0, 0], sizes = [1, 128, 128], strides = [1, 1, 1]} : vector<4x128x128xf32> to vector<1x128x128xf32>
    %squeeze3A_293 = vector.shape_cast %slice3A_292 : vector<1x128x128xf32> to vector<128x128xf32>
    %mul3A_294 = vector.broadcast %get3A_291 : f32 to vector<128x128xf32>
    %mul3A_295 = arith.mulf %mul3A_294, %squeeze3A_293 : vector<128x128xf32>
    %get3A_296 = arith.constant 6 : index
    %get3A_297 = arith.constant 1 : index
    %get3A_298 = memref.load %arg6[%get3A_296, %get3A_297] : memref<8x4xf32, #tpu.memory_space<smem>>
    %slice3A_299 = vector.extract_strided_slice %get3A_288 {offsets = [1, 0, 0], sizes = [1, 128, 128], strides = [1, 1, 1]} : vector<4x128x128xf32> to vector<1x128x128xf32>
    %squeeze3A_300 = vector.shape_cast %slice3A_299 : vector<1x128x128xf32> to vector<128x128xf32>
    %mul3A_301 = vector.broadcast %get3A_298 : f32 to vector<128x128xf32>
    %mul3A_302 = arith.mulf %mul3A_301, %squeeze3A_300 : vector<128x128xf32>
    %add3A_303 = arith.addf %mul3A_295, %mul3A_302 : vector<128x128xf32>
    %get3A_304 = arith.constant 6 : index
    %get3A_305 = arith.constant 2 : index
    %get3A_306 = memref.load %arg6[%get3A_304, %get3A_305] : memref<8x4xf32, #tpu.memory_space<smem>>
    %slice3A_307 = vector.extract_strided_slice %get3A_288 {offsets = [2, 0, 0], sizes = [1, 128, 128], strides = [1, 1, 1]} : vector<4x128x128xf32> to vector<1x128x128xf32>
    %squeeze3A_308 = vector.shape_cast %slice3A_307 : vector<1x128x128xf32> to vector<128x128xf32>
    %mul3A_309 = vector.broadcast %get3A_306 : f32 to vector<128x128xf32>
    %mul3A_310 = arith.mulf %mul3A_309, %squeeze3A_308 : vector<128x128xf32>
    %add3A_311 = arith.addf %add3A_303, %mul3A_310 : vector<128x128xf32>
    %get3A_312 = arith.constant 6 : index
    %get3A_313 = arith.constant 3 : index
    %get3A_314 = memref.load %arg6[%get3A_312, %get3A_313] : memref<8x4xf32, #tpu.memory_space<smem>>
    %slice3A_315 = vector.extract_strided_slice %get3A_288 {offsets = [3, 0, 0], sizes = [1, 128, 128], strides = [1, 1, 1]} : vector<4x128x128xf32> to vector<1x128x128xf32>
    %squeeze3A_316 = vector.shape_cast %slice3A_315 : vector<1x128x128xf32> to vector<128x128xf32>
    %mul3A_317 = vector.broadcast %get3A_314 : f32 to vector<128x128xf32>
    %mul3A_318 = arith.mulf %mul3A_317, %squeeze3A_316 : vector<128x128xf32>
    %add3A_319 = arith.addf %add3A_311, %mul3A_318 : vector<128x128xf32>
    %dot_general3A_320 = arith.constant dense<0.000000e+00> : vector<1000x128xf32>
    %dot_general3A_321 = tpu.matmul %max3A_29, %add3A_319, %dot_general3A_320 {dimension_numbers = #tpu.dot_dimension_numbers<[1], [0], [0], [1], [0, 0, 1, 1], [], []>, transpose_lhs_hint = false} : vector<1000x128xf32>, vector<128x128xf32>, vector<1000x128xf32> -> vector<1000x128xf32>
    %swap3A_322 = arith.constant 6 : index
    %swap3A_323 = arith.constant 0 : index
    %swap3A_324 = arith.constant 0 : index
    %swap3A_325 = vector.load %arg7[%swap3A_322, %swap3A_323, %swap3A_324] : memref<8x1000x128xf32, #tpu.memory_space<vmem>>, vector<1x1000x128xf32>
    %swap3A_326 = vector.shape_cast %swap3A_325 : vector<1x1000x128xf32> to vector<1000x128xf32>
    %swap3A_327 = vector.shape_cast %dot_general3A_321 : vector<1000x128xf32> to vector<1x1000x128xf32>
    tpu.vector_store %arg7[%swap3A_322, %swap3A_323, %swap3A_324], %swap3A_327 {strides = array<i32>} : memref<8x1000x128xf32, #tpu.memory_space<vmem>>, vector<1x1000x128xf32>,
    %get3A_328 = arith.constant 0 : index
    %get3A_329 = arith.constant 0 : index
    %get3A_330 = arith.constant 0 : index
    %get3A_331 = vector.load %arg5[%get3A_328, %get3A_329, %get3A_330] : memref<4x128x128xf32, #tpu.memory_space<vmem>>, vector<4x128x128xf32>
    %get3A_332 = arith.constant 7 : index
    %get3A_333 = arith.constant 0 : index
    %get3A_334 = memref.load %arg6[%get3A_332, %get3A_333] : memref<8x4xf32, #tpu.memory_space<smem>>
    %slice3A_335 = vector.extract_strided_slice %get3A_331 {offsets = [0, 0, 0], sizes = [1, 128, 128], strides = [1, 1, 1]} : vector<4x128x128xf32> to vector<1x128x128xf32>
    %squeeze3A_336 = vector.shape_cast %slice3A_335 : vector<1x128x128xf32> to vector<128x128xf32>
    %mul3A_337 = vector.broadcast %get3A_334 : f32 to vector<128x128xf32>
    %mul3A_338 = arith.mulf %mul3A_337, %squeeze3A_336 : vector<128x128xf32>
    %get3A_339 = arith.constant 7 : index
    %get3A_340 = arith.constant 1 : index
    %get3A_341 = memref.load %arg6[%get3A_339, %get3A_340] : memref<8x4xf32, #tpu.memory_space<smem>>
    %slice3A_342 = vector.extract_strided_slice %get3A_331 {offsets = [1, 0, 0], sizes = [1, 128, 128], strides = [1, 1, 1]} : vector<4x128x128xf32> to vector<1x128x128xf32>
    %squeeze3A_343 = vector.shape_cast %slice3A_342 : vector<1x128x128xf32> to vector<128x128xf32>
    %mul3A_344 = vector.broadcast %get3A_341 : f32 to vector<128x128xf32>
    %mul3A_345 = arith.mulf %mul3A_344, %squeeze3A_343 : vector<128x128xf32>
    %add3A_346 = arith.addf %mul3A_338, %mul3A_345 : vector<128x128xf32>
    %get3A_347 = arith.constant 7 : index
    %get3A_348 = arith.constant 2 : index
    %get3A_349 = memref.load %arg6[%get3A_347, %get3A_348] : memref<8x4xf32, #tpu.memory_space<smem>>
    %slice3A_350 = vector.extract_strided_slice %get3A_331 {offsets = [2, 0, 0], sizes = [1, 128, 128], strides = [1, 1, 1]} : vector<4x128x128xf32> to vector<1x128x128xf32>
    %squeeze3A_351 = vector.shape_cast %slice3A_350 : vector<1x128x128xf32> to vector<128x128xf32>
    %mul3A_352 = vector.broadcast %get3A_349 : f32 to vector<128x128xf32>
    %mul3A_353 = arith.mulf %mul3A_352, %squeeze3A_351 : vector<128x128xf32>
    %add3A_354 = arith.addf %add3A_346, %mul3A_353 : vector<128x128xf32>
    %get3A_355 = arith.constant 7 : index
    %get3A_356 = arith.constant 3 : index
    %get3A_357 = memref.load %arg6[%get3A_355, %get3A_356] : memref<8x4xf32, #tpu.memory_space<smem>>
    %slice3A_358 = vector.extract_strided_slice %get3A_331 {offsets = [3, 0, 0], sizes = [1, 128, 128], strides = [1, 1, 1]} : vector<4x128x128xf32> to vector<1x128x128xf32>
    %squeeze3A_359 = vector.shape_cast %slice3A_358 : vector<1x128x128xf32> to vector<128x128xf32>
    %mul3A_360 = vector.broadcast %get3A_357 : f32 to vector<128x128xf32>
    %mul3A_361 = arith.mulf %mul3A_360, %squeeze3A_359 : vector<128x128xf32>
    %add3A_362 = arith.addf %add3A_354, %mul3A_361 : vector<128x128xf32>
    %dot_general3A_363 = arith.constant dense<0.000000e+00> : vector<1000x128xf32>
    %dot_general3A_364 = tpu.matmul %max3A_29, %add3A_362, %dot_general3A_363 {dimension_numbers = #tpu.dot_dimension_numbers<[1], [0], [0], [1], [0, 0, 1, 1], [], []>, transpose_lhs_hint = false} : vector<1000x128xf32>, vector<128x128xf32>, vector<1000x128xf32> -> vector<1000x128xf32>
    %swap3A_365 = arith.constant 7 : index
    %swap3A_366 = arith.constant 0 : index
    %swap3A_367 = arith.constant 0 : index
    %swap3A_368 = vector.load %arg7[%swap3A_365, %swap3A_366, %swap3A_367] : memref<8x1000x128xf32, #tpu.memory_space<vmem>>, vector<1x1000x128xf32>
    %swap3A_369 = vector.shape_cast %swap3A_368 : vector<1x1000x128xf32> to vector<1000x128xf32>
    %swap3A_370 = vector.shape_cast %dot_general3A_364 : vector<1000x128xf32> to vector<1x1000x128xf32>
    tpu.vector_store %arg7[%swap3A_365, %swap3A_366, %swap3A_367], %swap3A_370 {strides = array<i32>} : memref<8x1000x128xf32, #tpu.memory_space<vmem>>, vector<1x1000x128xf32>,
    return
  }
  func.func @transform_0(%arg0: i32) -> (i32, i32) {
    %c0_i32 = arith.constant 0 : i32
    %c0_i32_0 = arith.constant 0 : i32
    return %arg0, %c0_i32 : i32, i32
  }
  func.func @transform_1(%arg0: i32) -> (i32, i32) {
    %c0_i32 = arith.constant 0 : i32
    %c0_i32_0 = arith.constant 0 : i32
    %c0_i32_1 = arith.constant 0 : i32
    return %c0_i32, %c0_i32_0 : i32, i32
  }
  func.func @transform_2(%arg0: i32) -> (i32, i32) {
    %c0_i32 = arith.constant 0 : i32
    %c0_i32_0 = arith.constant 0 : i32
    %c0_i32_1 = arith.constant 0 : i32
    return %c0_i32, %c0_i32_0 : i32, i32
  }
  func.func @transform_3(%arg0: i32) -> (i32, i32) {
    %c0_i32 = arith.constant 0 : i32
    %c0_i32_0 = arith.constant 0 : i32
    %c0_i32_1 = arith.constant 0 : i32
    return %c0_i32, %c0_i32_0 : i32, i32
  }
  func.func @transform_4(%arg0: i32) -> (i32, i32, i32) {
    %c0_i32 = arith.constant 0 : i32
    %c0_i32_0 = arith.constant 0 : i32
    %c0_i32_1 = arith.constant 0 : i32
    %c0_i32_2 = arith.constant 0 : i32
    return %c0_i32, %c0_i32_0, %c0_i32_1 : i32, i32, i32
  }
  func.func @transform_5(%arg0: i32) -> (i32, i32) {
    %c0_i32 = arith.constant 0 : i32
    %c0_i32_0 = arith.constant 0 : i32
    %c0_i32_1 = arith.constant 0 : i32
    return %c0_i32, %c0_i32_0 : i32, i32
  }
  func.func @transform_6(%arg0: i32) -> (i32, i32, i32) {
    %c0_i32 = arith.constant 0 : i32
    %c0_i32_0 = arith.constant 0 : i32
    %c0_i32_1 = arith.constant 0 : i32
    return %c0_i32, %arg0, %c0_i32_0 : i32, i32, i32
  }
}

module attributes {stable_mosaic.version = 14 : i64} {
  func.func @body(%arg0: i32, %arg1: memref<1000x128xf32, #tpu.memory_space<vmem>>, %arg2: memref<8x128xf32, #tpu.memory_space<vmem>>, %arg3: memref<1x128xf32, #tpu.memory_space<vmem>>, %arg4: memref<1x128xf32, #tpu.memory_space<vmem>>, %arg5: memref<128x128xf32, #tpu.memory_space<vmem>>, %arg6: memref<1x128xf32, #tpu.memory_space<vmem>>, %arg7: memref<2x1000x128xf32, #tpu.memory_space<vmem>>, %arg8: memref<2x1000x128xf32, #tpu.memory_space<vmem>>, %arg9: memref<1000x128xf32, #tpu.memory_space<vmem>>, %arg10: memref<8x128xf32, #tpu.memory_space<vmem>>) attributes {dimension_semantics = [#tpu.dimension_semantics<arbitrary>], iteration_bounds = array<i64: 10>, scalar_prefetch = 0 : i64, scratch_operands = 0 : i64, tpu.core_type = #tpu.core_type<tc>, window_params = [{transform_indices = @transform_0, window_bounds = array<i64: 1000, 128>}, {pipeline_mode = #tpu.pipeline_mode<synchronous>, transform_indices = @transform_1, window_bounds = array<i64: 8, 128>}, {pipeline_mode = #tpu.pipeline_mode<synchronous>, transform_indices = @transform_2, window_bounds = array<i64: 1, 128>}, {pipeline_mode = #tpu.pipeline_mode<synchronous>, transform_indices = @transform_3, window_bounds = array<i64: 1, 128>}, {pipeline_mode = #tpu.pipeline_mode<synchronous>, transform_indices = @transform_4, window_bounds = array<i64: 128, 128>}, {pipeline_mode = #tpu.pipeline_mode<synchronous>, transform_indices = @transform_5, window_bounds = array<i64: 1, 128>}, {transform_indices = @transform_6, window_bounds = array<i64: 2, 1000, 128>}, {transform_indices = @transform_7, window_bounds = array<i64: 2, 1000, 128>}, {transform_indices = @transform_8, window_bounds = array<i64: 1000, 128>}, {pipeline_mode = #tpu.pipeline_mode<synchronous>, transform_indices = @transform_9, window_bounds = array<i64: 8, 128>}]} {
    %get3A = arith.constant 0 : index
    %get3A_0 = arith.constant 0 : index
    %get3A_1 = vector.load %arg1[%get3A, %get3A_0] : memref<1000x128xf32, #tpu.memory_space<vmem>>, vector<1000x128xf32>
    %get3A_2 = arith.constant 0 : index
    %get3A_3 = arith.constant 0 : index
    %get3A_4 = vector.load %arg2[%get3A_2, %get3A_3] : memref<8x128xf32, #tpu.memory_space<vmem>>, vector<8x128xf32>
    %get3A_5 = arith.constant 0 : index
    %get3A_6 = arith.constant 0 : index
    %get3A_7 = vector.load %arg3[%get3A_5, %get3A_6] : memref<1x128xf32, #tpu.memory_space<vmem>>, vector<1x128xf32>
    %get3A_8 = arith.constant 0 : index
    %get3A_9 = arith.constant 0 : index
    %get3A_10 = vector.load %arg4[%get3A_8, %get3A_9] : memref<1x128xf32, #tpu.memory_space<vmem>>, vector<1x128xf32>
    %slice3A = vector.extract_strided_slice %get3A_4 {offsets = [0, 0], sizes = [1, 128], strides = [1, 1]} : vector<8x128xf32> to vector<1x128xf32>
    %mul3A = arith.constant 9.99999974E-5 : f32
    %mul3A_11 = vector.broadcast %mul3A : f32 to vector<1x128xf32>
    %mul3A_12 = arith.mulf %slice3A, %mul3A_11 : vector<1x128xf32>
    %slice3A_13 = vector.extract_strided_slice %get3A_4 {offsets = [1, 0], sizes = [1, 128], strides = [1, 1]} : vector<8x128xf32> to vector<1x128xf32>
    %mul3A_14 = arith.constant 9.99999974E-5 : f32
    %mul3A_15 = vector.broadcast %mul3A_14 : f32 to vector<1x128xf32>
    %mul3A_16 = arith.mulf %slice3A_13, %mul3A_15 : vector<1x128xf32>
    %mul3A_17 = arith.mulf %mul3A_12, %mul3A_12 : vector<1x128xf32>
    %sub3A = arith.subf %mul3A_16, %mul3A_17 : vector<1x128xf32>
    %add3A = arith.constant 9.99999974E-6 : f32
    %add3A_18 = vector.broadcast %add3A : f32 to vector<1x128xf32>
    %add3A_19 = arith.addf %sub3A, %add3A_18 : vector<1x128xf32>
    %rsqrt3A = math.rsqrt %add3A_19 : vector<1x128xf32>
    %sub3A_20 = vector.broadcast %mul3A_12 : vector<1x128xf32> to vector<1000x128xf32>
    %sub3A_21 = arith.subf %get3A_1, %sub3A_20 : vector<1000x128xf32>
    %mul3A_22 = vector.broadcast %rsqrt3A : vector<1x128xf32> to vector<1000x128xf32>
    %mul3A_23 = arith.mulf %sub3A_21, %mul3A_22 : vector<1000x128xf32>
    %mul3A_24 = vector.broadcast %get3A_7 : vector<1x128xf32> to vector<1000x128xf32>
    %mul3A_25 = arith.mulf %mul3A_23, %mul3A_24 : vector<1000x128xf32>
    %add3A_26 = vector.broadcast %get3A_10 : vector<1x128xf32> to vector<1000x128xf32>
    %add3A_27 = arith.addf %mul3A_25, %add3A_26 : vector<1000x128xf32>
    %max3A = arith.constant 0.000000e+00 : f32
    %max3A_28 = vector.broadcast %max3A : f32 to vector<1000x128xf32>
    %max3A_29 = arith.maximumf %add3A_27, %max3A_28 : vector<1000x128xf32>
    %get3A_30 = arith.constant 0 : index
    %get3A_31 = arith.constant 0 : index
    %get3A_32 = vector.load %arg5[%get3A_30, %get3A_31] : memref<128x128xf32, #tpu.memory_space<vmem>>, vector<128x128xf32>
    %dot_general3A = arith.constant dense<0.000000e+00> : vector<1000x128xf32>
    %dot_general3A_33 = tpu.matmul %max3A_29, %get3A_32, %dot_general3A {dimension_numbers = #tpu.dot_dimension_numbers<[1], [0], [0], [1], [0, 0, 1, 1], [], []>, transpose_lhs_hint = false} : vector<1000x128xf32>, vector<128x128xf32>, vector<1000x128xf32> -> vector<1000x128xf32>
    %get3A_34 = arith.constant 0 : index
    %get3A_35 = arith.constant 0 : index
    %get3A_36 = vector.load %arg6[%get3A_34, %get3A_35] : memref<1x128xf32, #tpu.memory_space<vmem>>, vector<1x128xf32>
    %add3A_37 = vector.broadcast %get3A_36 : vector<1x128xf32> to vector<1000x128xf32>
    %add3A_38 = arith.addf %dot_general3A_33, %add3A_37 : vector<1000x128xf32>
    %get3A_39 = arith.constant 0 : index
    %get3A_40 = arith.constant 0 : index
    %get3A_41 = arith.constant 0 : index
    %get3A_42 = vector.load %arg7[%get3A_39, %get3A_40, %get3A_41] : memref<2x1000x128xf32, #tpu.memory_space<vmem>>, vector<1x1000x128xf32>
    %get3A_43 = vector.shape_cast %get3A_42 : vector<1x1000x128xf32> to vector<1000x128xf32>
    %add3A_44 = arith.addf %add3A_38, %get3A_43 : vector<1000x128xf32>
    %get3A_45 = arith.constant 1 : index
    %get3A_46 = arith.constant 0 : index
    %get3A_47 = arith.constant 0 : index
    %get3A_48 = vector.load %arg7[%get3A_45, %get3A_46, %get3A_47] : memref<2x1000x128xf32, #tpu.memory_space<vmem>>, vector<1x1000x128xf32>
    %get3A_49 = vector.shape_cast %get3A_48 : vector<1x1000x128xf32> to vector<1000x128xf32>
    %add3A_50 = arith.addf %add3A_44, %get3A_49 : vector<1000x128xf32>
    %get3A_51 = arith.constant 0 : index
    %get3A_52 = arith.constant 0 : index
    %get3A_53 = arith.constant 0 : index
    %get3A_54 = vector.load %arg8[%get3A_51, %get3A_52, %get3A_53] : memref<2x1000x128xf32, #tpu.memory_space<vmem>>, vector<1x1000x1xf32>
    %get3A_55 = vector.shape_cast %get3A_54 : vector<1x1000x1xf32> to vector<1000x1xf32>
    %get3A_56 = arith.constant 1 : index
    %get3A_57 = arith.constant 0 : index
    %get3A_58 = arith.constant 0 : index
    %get3A_59 = vector.load %arg8[%get3A_56, %get3A_57, %get3A_58] : memref<2x1000x128xf32, #tpu.memory_space<vmem>>, vector<1x1000x1xf32>
    %get3A_60 = vector.shape_cast %get3A_59 : vector<1x1000x1xf32> to vector<1000x1xf32>
    %add3A_61 = arith.addf %get3A_55, %get3A_60 : vector<1000x1xf32>
    %max3A_62 = arith.constant 1.000000e+00 : f32
    %max3A_63 = vector.broadcast %max3A_62 : f32 to vector<1000x1xf32>
    %max3A_64 = arith.maximumf %add3A_61, %max3A_63 : vector<1000x1xf32>
    %div3A = vector.broadcast %max3A_64 : vector<1000x1xf32> to vector<1000x128xf32>
    %div3A_65 = arith.divf %add3A_50, %div3A : vector<1000x128xf32>
    %swap3A = arith.constant 0 : index
    %swap3A_66 = arith.constant 0 : index
    %swap3A_67 = vector.load %arg9[%swap3A, %swap3A_66] : memref<1000x128xf32, #tpu.memory_space<vmem>>, vector<1000x128xf32>
    tpu.vector_store %arg9[%swap3A, %swap3A_66], %div3A_65 {strides = array<i32>} : memref<1000x128xf32, #tpu.memory_space<vmem>>, vector<1000x128xf32>,
    %reduce_sum3A = arith.constant dense<0.000000e+00> : vector<128xf32>
    %reduce_sum3A_68 = vector.multi_reduction <add>, %div3A_65, %reduce_sum3A [0] : vector<1000x128xf32> to vector<128xf32>
    %broadcast_in_dim3A = vector.shape_cast %reduce_sum3A_68 : vector<128xf32> to vector<1x128xf32>
    %mul3A_69 = arith.mulf %div3A_65, %div3A_65 : vector<1000x128xf32>
    %reduce_sum3A_70 = arith.constant dense<0.000000e+00> : vector<128xf32>
    %reduce_sum3A_71 = vector.multi_reduction <add>, %mul3A_69, %reduce_sum3A_70 [0] : vector<1000x128xf32> to vector<128xf32>
    %broadcast_in_dim3A_72 = vector.shape_cast %reduce_sum3A_71 : vector<128xf32> to vector<1x128xf32>
    %broadcast_in_dim3A_73 = arith.constant 0.000000e+00 : f32
    %broadcast_in_dim3A_74 = vector.broadcast %broadcast_in_dim3A_73 : f32 to vector<6x128xf32>
    %concatenate3A = tpu.concatenate %broadcast_in_dim3A, %broadcast_in_dim3A_72, %broadcast_in_dim3A_74 in 0 : vector<1x128xf32>, vector<1x128xf32>, vector<6x128xf32> -> vector<8x128xf32>
    %eq3A = arith.constant 0 : i32
    %eq3A_75 = arith.cmpi eq, %arg0, %eq3A : i32
    %convert_element_type3A = arith.extui %eq3A_75 : i1 to i32
    %cond3A = arith.constant 0 : i32
    %cond3A_76 = arith.cmpi ne, %convert_element_type3A, %cond3A : i32
    scf.if %cond3A_76 {
      %swap3A_81 = arith.constant 0 : index
      %swap3A_82 = arith.constant 0 : index
      %swap3A_83 = vector.load %arg10[%swap3A_81, %swap3A_82] : memref<8x128xf32, #tpu.memory_space<vmem>>, vector<8x128xf32>
      tpu.vector_store %arg10[%swap3A_81, %swap3A_82], %concatenate3A {strides = array<i32>} : memref<8x128xf32, #tpu.memory_space<vmem>>, vector<8x128xf32>,
    } else {
    }
    %ne3A = arith.constant 0 : i32
    %ne3A_77 = arith.cmpi ne, %arg0, %ne3A : i32
    %convert_element_type3A_78 = arith.extui %ne3A_77 : i1 to i32
    %cond3A_79 = arith.constant 0 : i32
    %cond3A_80 = arith.cmpi ne, %convert_element_type3A_78, %cond3A_79 : i32
    scf.if %cond3A_80 {
      %get3A_81 = arith.constant 0 : index
      %get3A_82 = arith.constant 0 : index
      %get3A_83 = vector.load %arg10[%get3A_81, %get3A_82] : memref<8x128xf32, #tpu.memory_space<vmem>>, vector<8x128xf32>
      %add3A_84 = arith.addf %get3A_83, %concatenate3A : vector<8x128xf32>
      %swap3A_85 = arith.constant 0 : index
      %swap3A_86 = arith.constant 0 : index
      %swap3A_87 = vector.load %arg10[%swap3A_85, %swap3A_86] : memref<8x128xf32, #tpu.memory_space<vmem>>, vector<8x128xf32>
      tpu.vector_store %arg10[%swap3A_85, %swap3A_86], %add3A_84 {strides = array<i32>} : memref<8x128xf32, #tpu.memory_space<vmem>>, vector<8x128xf32>,
    } else {
    }
    return
  }
  func.func @transform_0(%arg0: i32) -> (i32, i32) {
    %c0_i32 = arith.constant 0 : i32
    %c0_i32_0 = arith.constant 0 : i32
    return %arg0, %c0_i32 : i32, i32
  }
  func.func @transform_1(%arg0: i32) -> (i32, i32) {
    %c0_i32 = arith.constant 0 : i32
    %c0_i32_0 = arith.constant 0 : i32
    %c0_i32_1 = arith.constant 0 : i32
    return %c0_i32, %c0_i32_0 : i32, i32
  }
  func.func @transform_2(%arg0: i32) -> (i32, i32) {
    %c0_i32 = arith.constant 0 : i32
    %c0_i32_0 = arith.constant 0 : i32
    %c0_i32_1 = arith.constant 0 : i32
    return %c0_i32, %c0_i32_0 : i32, i32
  }
  func.func @transform_3(%arg0: i32) -> (i32, i32) {
    %c0_i32 = arith.constant 0 : i32
    %c0_i32_0 = arith.constant 0 : i32
    %c0_i32_1 = arith.constant 0 : i32
    return %c0_i32, %c0_i32_0 : i32, i32
  }
  func.func @transform_4(%arg0: i32) -> (i32, i32) {
    %c0_i32 = arith.constant 0 : i32
    %c0_i32_0 = arith.constant 0 : i32
    %c0_i32_1 = arith.constant 0 : i32
    return %c0_i32, %c0_i32_0 : i32, i32
  }
  func.func @transform_5(%arg0: i32) -> (i32, i32) {
    %c0_i32 = arith.constant 0 : i32
    %c0_i32_0 = arith.constant 0 : i32
    %c0_i32_1 = arith.constant 0 : i32
    return %c0_i32, %c0_i32_0 : i32, i32
  }
  func.func @transform_6(%arg0: i32) -> (i32, i32, i32) {
    %c0_i32 = arith.constant 0 : i32
    %c0_i32_0 = arith.constant 0 : i32
    %c0_i32_1 = arith.constant 0 : i32
    return %c0_i32, %arg0, %c0_i32_0 : i32, i32, i32
  }
  func.func @transform_7(%arg0: i32) -> (i32, i32, i32) {
    %c0_i32 = arith.constant 0 : i32
    %c0_i32_0 = arith.constant 0 : i32
    %c0_i32_1 = arith.constant 0 : i32
    return %c0_i32, %arg0, %c0_i32_0 : i32, i32, i32
  }
  func.func @transform_8(%arg0: i32) -> (i32, i32) {
    %c0_i32 = arith.constant 0 : i32
    %c0_i32_0 = arith.constant 0 : i32
    return %arg0, %c0_i32 : i32, i32
  }
  func.func @transform_9(%arg0: i32) -> (i32, i32) {
    %c0_i32 = arith.constant 0 : i32
    %c0_i32_0 = arith.constant 0 : i32
    %c0_i32_1 = arith.constant 0 : i32
    return %c0_i32, %c0_i32_0 : i32, i32
  }
}

module attributes {stable_mosaic.version = 14 : i64} {
  func.func @_bn_final_body(%arg0: i32, %arg1: memref<1000x128xf32, #tpu.memory_space<vmem>>, %arg2: memref<8x128xf32, #tpu.memory_space<vmem>>, %arg3: memref<1x128xf32, #tpu.memory_space<vmem>>, %arg4: memref<1x128xf32, #tpu.memory_space<vmem>>, %arg5: memref<1000x128xf32, #tpu.memory_space<vmem>>) attributes {dimension_semantics = [#tpu.dimension_semantics<arbitrary>], iteration_bounds = array<i64: 10>, scalar_prefetch = 0 : i64, scratch_operands = 0 : i64, tpu.core_type = #tpu.core_type<tc>, window_params = [{transform_indices = @transform_0, window_bounds = array<i64: 1000, 128>}, {pipeline_mode = #tpu.pipeline_mode<synchronous>, transform_indices = @transform_1, window_bounds = array<i64: 8, 128>}, {pipeline_mode = #tpu.pipeline_mode<synchronous>, transform_indices = @transform_2, window_bounds = array<i64: 1, 128>}, {pipeline_mode = #tpu.pipeline_mode<synchronous>, transform_indices = @transform_3, window_bounds = array<i64: 1, 128>}, {transform_indices = @transform_4, window_bounds = array<i64: 1000, 128>}]} {
    %get3A = arith.constant 0 : index
    %get3A_0 = arith.constant 0 : index
    %get3A_1 = vector.load %arg1[%get3A, %get3A_0] : memref<1000x128xf32, #tpu.memory_space<vmem>>, vector<1000x128xf32>
    %get3A_2 = arith.constant 0 : index
    %get3A_3 = arith.constant 0 : index
    %get3A_4 = vector.load %arg2[%get3A_2, %get3A_3] : memref<8x128xf32, #tpu.memory_space<vmem>>, vector<8x128xf32>
    %get3A_5 = arith.constant 0 : index
    %get3A_6 = arith.constant 0 : index
    %get3A_7 = vector.load %arg3[%get3A_5, %get3A_6] : memref<1x128xf32, #tpu.memory_space<vmem>>, vector<1x128xf32>
    %get3A_8 = arith.constant 0 : index
    %get3A_9 = arith.constant 0 : index
    %get3A_10 = vector.load %arg4[%get3A_8, %get3A_9] : memref<1x128xf32, #tpu.memory_space<vmem>>, vector<1x128xf32>
    %slice3A = vector.extract_strided_slice %get3A_4 {offsets = [0, 0], sizes = [1, 128], strides = [1, 1]} : vector<8x128xf32> to vector<1x128xf32>
    %mul3A = arith.constant 9.99999974E-5 : f32
    %mul3A_11 = vector.broadcast %mul3A : f32 to vector<1x128xf32>
    %mul3A_12 = arith.mulf %slice3A, %mul3A_11 : vector<1x128xf32>
    %slice3A_13 = vector.extract_strided_slice %get3A_4 {offsets = [1, 0], sizes = [1, 128], strides = [1, 1]} : vector<8x128xf32> to vector<1x128xf32>
    %mul3A_14 = arith.constant 9.99999974E-5 : f32
    %mul3A_15 = vector.broadcast %mul3A_14 : f32 to vector<1x128xf32>
    %mul3A_16 = arith.mulf %slice3A_13, %mul3A_15 : vector<1x128xf32>
    %mul3A_17 = arith.mulf %mul3A_12, %mul3A_12 : vector<1x128xf32>
    %sub3A = arith.subf %mul3A_16, %mul3A_17 : vector<1x128xf32>
    %add3A = arith.constant 9.99999974E-6 : f32
    %add3A_18 = vector.broadcast %add3A : f32 to vector<1x128xf32>
    %add3A_19 = arith.addf %sub3A, %add3A_18 : vector<1x128xf32>
    %rsqrt3A = math.rsqrt %add3A_19 : vector<1x128xf32>
    %sub3A_20 = vector.broadcast %mul3A_12 : vector<1x128xf32> to vector<1000x128xf32>
    %sub3A_21 = arith.subf %get3A_1, %sub3A_20 : vector<1000x128xf32>
    %mul3A_22 = vector.broadcast %rsqrt3A : vector<1x128xf32> to vector<1000x128xf32>
    %mul3A_23 = arith.mulf %sub3A_21, %mul3A_22 : vector<1000x128xf32>
    %mul3A_24 = vector.broadcast %get3A_7 : vector<1x128xf32> to vector<1000x128xf32>
    %mul3A_25 = arith.mulf %mul3A_23, %mul3A_24 : vector<1000x128xf32>
    %add3A_26 = vector.broadcast %get3A_10 : vector<1x128xf32> to vector<1000x128xf32>
    %add3A_27 = arith.addf %mul3A_25, %add3A_26 : vector<1000x128xf32>
    %max3A = arith.constant 0.000000e+00 : f32
    %max3A_28 = vector.broadcast %max3A : f32 to vector<1000x128xf32>
    %max3A_29 = arith.maximumf %add3A_27, %max3A_28 : vector<1000x128xf32>
    %swap3A = arith.constant 0 : index
    %swap3A_30 = arith.constant 0 : index
    %swap3A_31 = vector.load %arg5[%swap3A, %swap3A_30] : memref<1000x128xf32, #tpu.memory_space<vmem>>, vector<1000x128xf32>
    tpu.vector_store %arg5[%swap3A, %swap3A_30], %max3A_29 {strides = array<i32>} : memref<1000x128xf32, #tpu.memory_space<vmem>>, vector<1000x128xf32>,
    return
  }
  func.func @transform_0(%arg0: i32) -> (i32, i32) {
    %c0_i32 = arith.constant 0 : i32
    %c0_i32_0 = arith.constant 0 : i32
    return %arg0, %c0_i32 : i32, i32
  }
  func.func @transform_1(%arg0: i32) -> (i32, i32) {
    %c0_i32 = arith.constant 0 : i32
    %c0_i32_0 = arith.constant 0 : i32
    %c0_i32_1 = arith.constant 0 : i32
    return %c0_i32, %c0_i32_0 : i32, i32
  }
  func.func @transform_2(%arg0: i32) -> (i32, i32) {
    %c0_i32 = arith.constant 0 : i32
    %c0_i32_0 = arith.constant 0 : i32
    %c0_i32_1 = arith.constant 0 : i32
    return %c0_i32, %c0_i32_0 : i32, i32
  }
  func.func @transform_3(%arg0: i32) -> (i32, i32) {
    %c0_i32 = arith.constant 0 : i32
    %c0_i32_0 = arith.constant 0 : i32
    %c0_i32_1 = arith.constant 0 : i32
    return %c0_i32, %c0_i32_0 : i32, i32
  }
  func.func @transform_4(%arg0: i32) -> (i32, i32) {
    %c0_i32 = arith.constant 0 : i32
    %c0_i32_0 = arith.constant 0 : i32
    return %arg0, %c0_i32 : i32, i32
  }
}

module attributes {stable_mosaic.version = 14 : i64} {
  func.func @_score_body(%arg0: i32, %arg1: memref<128x128xf32, #tpu.memory_space<vmem>>, %arg2: memref<128x128xf32, #tpu.memory_space<vmem>>, %arg3: memref<128x128xf32, #tpu.memory_space<vmem>>, %arg4: memref<128x64x128xf32, #tpu.memory_space<vmem>>, %arg5: memref<8x128xf32, #tpu.memory_space<vmem>>, %arg6: memref<128x64xf32, #tpu.memory_space<vmem>>) attributes {dimension_semantics = [#tpu.dimension_semantics<arbitrary>], iteration_bounds = array<i64: 8>, scalar_prefetch = 0 : i64, scratch_operands = 0 : i64, tpu.core_type = #tpu.core_type<tc>, window_params = [{transform_indices = @transform_0, window_bounds = array<i64: 128, 128>}, {transform_indices = @transform_1, window_bounds = array<i64: 128, 128>}, {transform_indices = @transform_2, window_bounds = array<i64: 128, 128>}, {transform_indices = @transform_3, window_bounds = array<i64: 128, 64, 128>}, {pipeline_mode = #tpu.pipeline_mode<synchronous>, transform_indices = @transform_4, window_bounds = array<i64: 8, 128>}, {transform_indices = @transform_5, window_bounds = array<i64: 128, 64>}]} {
    %get3A = arith.constant 0 : index
    %get3A_0 = arith.constant 0 : index
    %get3A_1 = vector.load %arg1[%get3A, %get3A_0] : memref<128x128xf32, #tpu.memory_space<vmem>>, vector<128x128xf32>
    %get3A_2 = arith.constant 0 : index
    %get3A_3 = arith.constant 0 : index
    %get3A_4 = vector.load %arg2[%get3A_2, %get3A_3] : memref<128x128xf32, #tpu.memory_space<vmem>>, vector<128x128xf32>
    %get3A_5 = arith.constant 0 : index
    %get3A_6 = arith.constant 0 : index
    %get3A_7 = vector.load %arg3[%get3A_5, %get3A_6] : memref<128x128xf32, #tpu.memory_space<vmem>>, vector<128x128xf32>
    %add3A = arith.addf %get3A_1, %get3A_4 : vector<128x128xf32>
    %sub3A = arith.subf %add3A, %get3A_7 : vector<128x128xf32>
    %mul3A = arith.mulf %sub3A, %sub3A : vector<128x128xf32>
    %reduce_sum3A = arith.constant dense<0.000000e+00> : vector<128xf32>
    %reduce_sum3A_8 = vector.multi_reduction <add>, %mul3A, %reduce_sum3A [1] : vector<128x128xf32> to vector<128xf32>
    %sqrt3A = math.sqrt %reduce_sum3A_8 : vector<128xf32>
    %neg3A = arith.constant 0.000000e+00 : f32
    %neg3A_9 = vector.broadcast %neg3A : f32 to vector<128xf32>
    %neg3A_10 = arith.subf %neg3A_9, %sqrt3A : vector<128xf32>
    %swap3A = arith.index_cast %arg0 : i32 to index
    %swap3A_11 = arith.constant 0 : index
    %swap3A_12 = vector.load %arg5[%swap3A, %swap3A_11] : memref<8x128xf32, #tpu.memory_space<vmem>>, vector<1x128xf32>
    %swap3A_13 = vector.shape_cast %swap3A_12 : vector<1x128xf32> to vector<128xf32>
    %swap3A_14 = vector.shape_cast %neg3A_10 : vector<128xf32> to vector<1x128xf32>
    tpu.vector_store %arg5[%swap3A, %swap3A_11], %swap3A_14 {strides = array<i32>} : memref<8x128xf32, #tpu.memory_space<vmem>>, vector<1x128xf32>,
    %add3A_15 = arith.addf %get3A_1, %get3A_4 : vector<128x128xf32>
    %broadcast_in_dim3A = vector.shape_cast %add3A_15 : vector<128x128xf32> to vector<128x1x128xf32>
    %get3A_16 = arith.constant 0 : index
    %get3A_17 = arith.constant 0 : index
    %get3A_18 = arith.constant 0 : index
    %get3A_19 = vector.load %arg4[%get3A_16, %get3A_17, %get3A_18] : memref<128x64x128xf32, #tpu.memory_space<vmem>>, vector<128x64x128xf32>
    %sub3A_20 = vector.broadcast %broadcast_in_dim3A : vector<128x1x128xf32> to vector<128x64x128xf32>
    %sub3A_21 = arith.subf %sub3A_20, %get3A_19 : vector<128x64x128xf32>
    %mul3A_22 = arith.mulf %sub3A_21, %sub3A_21 : vector<128x64x128xf32>
    %reduce_sum3A_23 = arith.constant dense<0.000000e+00> : vector<128x64xf32>
    %reduce_sum3A_24 = vector.multi_reduction <add>, %mul3A_22, %reduce_sum3A_23 [2] : vector<128x64x128xf32> to vector<128x64xf32>
    %sqrt3A_25 = math.sqrt %reduce_sum3A_24 : vector<128x64xf32>
    %neg3A_26 = arith.constant 0.000000e+00 : f32
    %neg3A_27 = vector.broadcast %neg3A_26 : f32 to vector<128x64xf32>
    %neg3A_28 = arith.subf %neg3A_27, %sqrt3A_25 : vector<128x64xf32>
    %swap3A_29 = arith.constant 0 : index
    %swap3A_30 = arith.constant 0 : index
    %swap3A_31 = vector.load %arg6[%swap3A_29, %swap3A_30] : memref<128x64xf32, #tpu.memory_space<vmem>>, vector<128x64xf32>
    tpu.vector_store %arg6[%swap3A_29, %swap3A_30], %neg3A_28 {strides = array<i32>} : memref<128x64xf32, #tpu.memory_space<vmem>>, vector<128x64xf32>,
    return
  }
  func.func @transform_0(%arg0: i32) -> (i32, i32) {
    %c0_i32 = arith.constant 0 : i32
    %c0_i32_0 = arith.constant 0 : i32
    return %arg0, %c0_i32 : i32, i32
  }
  func.func @transform_1(%arg0: i32) -> (i32, i32) {
    %c0_i32 = arith.constant 0 : i32
    %c0_i32_0 = arith.constant 0 : i32
    return %arg0, %c0_i32 : i32, i32
  }
  func.func @transform_2(%arg0: i32) -> (i32, i32) {
    %c0_i32 = arith.constant 0 : i32
    %c0_i32_0 = arith.constant 0 : i32
    return %arg0, %c0_i32 : i32, i32
  }
  func.func @transform_3(%arg0: i32) -> (i32, i32, i32) {
    %c0_i32 = arith.constant 0 : i32
    %c0_i32_0 = arith.constant 0 : i32
    %c0_i32_1 = arith.constant 0 : i32
    return %arg0, %c0_i32, %c0_i32_0 : i32, i32, i32
  }
  func.func @transform_4(%arg0: i32) -> (i32, i32) {
    %c0_i32 = arith.constant 0 : i32
    %c0_i32_0 = arith.constant 0 : i32
    %c0_i32_1 = arith.constant 0 : i32
    return %c0_i32, %c0_i32_0 : i32, i32
  }
  func.func @transform_5(%arg0: i32) -> (i32, i32) {
    %c0_i32 = arith.constant 0 : i32
    %c0_i32_0 = arith.constant 0 : i32
    return %arg0, %c0_i32 : i32, i32
  }
}

</mosaic_0001>

<sc_bundles>
// kernel: rgcn_acc_pass.4.cloned.1.call-start
scs
__scs_entry_jumppad:
0x0: {  	(pc) =	sbr.rel $0x88, $3  }
0x1: {  	(tag) =	ssettag $0x0;
	lr =	simm.s32 $0x1  }
0x2: {  	[smem:$0x3F8D] =	sst lr;
	_ =	strace $0xD0000000  }
0x3: {  	_ = 	snop  }
0x4: {  	_ = 	snop  }
0x5: {  	_ = 	snop  }
0x6: {  	_ = 	snop  }
0x7: {  	_ = 	snop  }
__scs_overlays_trampoline_lowered:
0x8: {  	[smem:$0x3F9C] =	sst s0  }
0x9: {  	[smem:$0x3F9D] =	sst s1  }
0xa: {  	[smem:$0x3F9E] =	sst s2  }
0xb: {  	[smem:$0x3F9F] =	sst s3  }
0xc: {  	[smem:$0x3FA0] =	sst s4  }
0xd: {  	[smem:$0x3FA1] =	sst s5  }
0xe: {  	[smem:$0x3FA2] =	sst s6  }
0xf: {  	[smem:$0x3FA3] =	sst s7  }
0x10: {  	[smem:$0x3FA4] =	sst s8  }
0x11: {  	[smem:$0x3FA5] =	sst s9;
	s0 =	simm.s32 @!p0 $0x0  }
0x12: {  	s1 =	sld [smem:$0x3F8B];
	s0 =	simm.s32 @p0 $0x1  }
0x13: {  	[smem:$0x3FA6] =	sst s0;
	s0 =	simm.s32 @!p1 $0x0  }
0x14: {  	s2 =	sld [smem:$0x3F8A];
	s0 =	simm.s32 @p1 $0x1  }
0x15: {  	[smem:$0x3FA7] =	sst s0;
	s0 =	simm.s32 @!p2 $0x0  }
0x16: {  	s3 =	sld [smem:$0x3FDB];
	s0 =	simm.s32 @p2 $0x1  }
0x17: {  	s4 =	simm.s32 $0x1BF5;
	[smem:$0x3FA9] =	sst s0  }
0x18: {  	s0 =	sld [smem:$0x3F8C];
	_ =	swait.ge [sflag:s4], $0x0  }
0x19: {  	s7 =	sld [smem:$0x3F8D]  }
0x1a: {  	s8 =	sadd.s32 $0xFFFFE003, lr  }
0x1b: {  	s9 =	sadd.s32 $0xFFFFFEF7, lr;
	s5 =	simm.s32 $0xFFFFFFFF;
	p2 =	slt.u32 s8, $0xFFFFF086  }
0x1c: {  	p1 =	slt.u32 s9, $0xF7A;
	s5 =	simm.s32 @!p2 $0x0  }
0x1d: {  	s5 =	simm.s32 @p1 $0x1;
	p0 =	seq.s32 s7, s2  }
0x1e: {  	s7 =	smul.u32 @!p0 $0xF7A, s2;
	p2 =	seq.s32 @!p0 s5, $0x0  }
0x1f: {  	s9 =	smul.u32 $0xF7A, s1;
	s8 =	simm.s32 @!p0 $0x1BF5;
	p2 =	por !p2, p0  }
0x20: {  	[sflag:s8] =	ssyncset.s32 @!p0 $0xFFFFF086;
	s6 =	sadd.s32 @!p0 s3, s7;
	s7 =	simm.s32 @!p0 $0x108  }
0x21: {  	s3 =	sadd.s32 s3, s9;
	s6 =	sadd.s32 @!p0 $0x88, s6;
	s7 =	simm.s32 @p2 $0x1082  }
0x22: {  	[simem:s7], [sflag:s8] =	dma.local @!p0 [hbm:s6], $0xF7A  }
0x23: {  	s9 =	sor.u32 $0xD0000000, s2;
	s6 =	simm.s32 $0x108;
	_ =	swait.ge @!p0 [sflag:s8], $0x0  }
0x24: {  	s3 =	sadd.s32 $0x88, s3;
	s6 =	simm.s32 @!p1 $0x1082;
	[sflag:s4] =	ssyncset.s32 $0xFFFFF086  }
0x25: {  	[simem:s6], [sflag:s4] =	dma.local [hbm:s3], $0xF7A  }
0x26: {  	[smem:$0x3F8D] =	sst s1;
	(tag) =	ssettag s2;
	_ =	strace s9  }
0x27: {  	s1 =	sld [smem:$0x3F9D]  }
0x28: {  	s2 =	sld [smem:$0x3F9E]  }
0x29: {  	s4 =	sld [smem:$0x3FA0]  }
0x2a: {  	p0 =	seq.s32 s5, $0x0;
	s5 =	sld [smem:$0x3FA1]  }
0x2b: {  	s6 =	sld [smem:$0x3FA2]  }
0x2c: {  	s7 =	sld [smem:$0x3FA3]  }
0x2d: {  	s3 =	simm.s32 $0x108;
	s8 =	sld [smem:$0x3FA4]  }
0x2e: {  	s3 =	simm.s32 @!p0 $0x1082;
	s9 =	sld [smem:$0x3FA5]  }
0x2f: {  	lr =	sadd.s32 s0, s3;
	s0 =	sld [smem:$0x3F9C]  }
0x30: {  	s3 =	sld [smem:$0x3F9F]  }
0x31: {  	[smem:$0x3FA8] =	sst s10  }
0x32: {  	s10 =	sld [smem:$0x3FA6];
	_ =	sdelay $0x3  }
0x33: {  	p0 =	seq.s32 s10, $0x1;
	s10 =	sld [smem:$0x3FA8];
	_ =	sdelay $0x3  }
0x34: {  	[smem:$0x3FA8] =	sst s10  }
0x35: {  	s10 =	sld [smem:$0x3FA7];
	_ =	sdelay $0x3  }
0x36: {  	p1 =	seq.s32 s10, $0x1;
	s10 =	sld [smem:$0x3FA8];
	_ =	sdelay $0x3  }
0x37: {  	[smem:$0x3FA8] =	sst s10  }
0x38: {  	s10 =	sld [smem:$0x3FA9]  }
0x39: {  	_ = 	snop;
	(pc) =	sbr.ind lr, $3  }
0x3a: {  	_ = 	snop  }
0x3b: {  	_ = 	snop  }
0x3c: {  	p2 =	seq.s32 s10, $0x1;
	s10 =	sld [smem:$0x3FA8]  }
0x3d: {  	_ =	shalt  }
0x3e: {  	_ =	shalt  }
0x3f: {  	_ =	shalt  }
0x40: {  	_ =	shalt  }
0x41: {  	_ =	shalt  }
0x42: {  	_ =	shalt  }
0x43: {  	_ =	shalt  }
0x44: {  	_ =	shalt  }
0x45: {  	_ =	shalt  }
0x46: {  	_ =	shalt  }
0x47: {  	_ =	shalt  }
0x48: {  	_ =	shalt  }
0x49: {  	_ =	shalt  }
0x4a: {  	_ =	shalt  }
0x4b: {  	_ =	shalt  }
0x4c: {  	_ =	shalt  }
0x4d: {  	_ =	shalt  }
0x4e: {  	_ =	shalt  }
0x4f: {  	_ =	shalt  }
0x50: {  	_ =	shalt  }
0x51: {  	_ =	shalt  }
0x52: {  	_ =	shalt  }
0x53: {  	_ =	shalt  }
0x54: {  	_ =	shalt  }
0x55: {  	_ =	shalt  }
0x56: {  	_ =	shalt  }
0x57: {  	_ =	shalt  }
0x58: {  	_ =	shalt  }
0x59: {  	_ =	shalt  }
0x5a: {  	_ =	shalt  }
0x5b: {  	_ =	shalt  }
0x5c: {  	_ =	shalt  }
0x5d: {  	_ =	shalt  }
0x5e: {  	_ =	shalt  }
0x5f: {  	_ =	shalt  }
0x60: {  	_ =	shalt  }
0x61: {  	_ =	shalt  }
0x62: {  	_ =	shalt  }
0x63: {  	_ =	shalt  }
0x64: {  	_ =	shalt  }
0x65: {  	_ =	shalt  }
0x66: {  	_ =	shalt  }
0x67: {  	_ =	shalt  }
0x68: {  	_ =	shalt  }
0x69: {  	_ =	shalt  }
0x6a: {  	_ =	shalt  }
0x6b: {  	_ =	shalt  }
0x6c: {  	_ =	shalt  }
0x6d: {  	_ =	shalt  }
0x6e: {  	_ =	shalt  }
0x6f: {  	_ =	shalt  }
0x70: {  	_ =	shalt  }
0x71: {  	_ =	shalt  }
0x72: {  	_ =	shalt  }
0x73: {  	_ =	shalt  }
0x74: {  	_ =	shalt  }
0x75: {  	_ =	shalt  }
0x76: {  	_ =	shalt  }
0x77: {  	_ =	shalt  }
0x78: {  	_ =	shalt  }
0x79: {  	_ =	shalt  }
0x7a: {  	_ =	shalt  }
0x7b: {  	_ =	shalt  }
0x7c: {  	_ =	shalt  }
0x7d: {  	_ =	shalt  }
0x7e: {  	_ =	shalt  }
0x7f: {  	_ =	shalt  }
0x80: {  	_ =	shalt  }
0x81: {  	_ =	shalt  }
0x82: {  	_ =	shalt  }
0x83: {  	_ =	shalt  }
0x84: {  	_ =	shalt  }
0x85: {  	_ =	shalt  }
0x86: {  	_ =	shalt  }
0x87: {  	_ =	shalt  }
.Lfunc_end0:
.L_simem_size_0:
called_computation.1_lowered:
.L_overlay_start_0:
0x88: {  	s2 =	sld [smem:$0x3FD9]  }
0x89: {  	s3 =	sld [smem:$0x3FFE];
	_ =	sdelay $0x1  }
0x8a: {  	s1 =	srdreg.scid  }
0x8b: {  	s0 =	sand.u32 $0x1, s1  }
0x8c: {  	s16 =	sshll.u32 s0, $0xA;
	s2 =	sadd.s32 s3, s2  }
0x8d: {  	s2 =	sadd.s32 s2, s16  }
0x8e: {  	[smem:$0x3FB4] =	sst s2  }
0x8f: {  	_ = 	snop  }
0x90: {  	(tm) =	ssettm $0x1  }
0x91: {  	s17 =	sld [smem:$0x3FFB];
	_ =	sdelay $0x3  }
0x92: {  	_ =	strace s17  }
0x93: {  	s2 =	sld [smem:$0x3FFC];
	_ =	sdelay $0x3  }
0x94: {  	_ =	strace s2  }
0x95: {  	s2 =	sld [smem:$0x3FFD];
	_ =	sdelay $0x3  }
0x96: {  	_ =	strace s2  }
0x97: {  	_ =	strace $0x8FFFFFFF  }
0x98: {  	s18 =	sld [smem:$0x3FDB];
	_ =	sdelay $0x1  }
0x99: {  	s19 =	simm.s32 $_scs_section_size  }
0x9a: {  	s4 =	simm.s32 $_size__tile_overlayer_lowered;
	s5 =	simm.s32 $_tile_overlayer_lowered  }
0x9b: {  	s22 =	simm.s32 $0x1BFF;
	s21 =	sshll.u32 s5, $0x1;
	s2 =	sadd.s32 s19, s18  }
0x9c: {  	s6 =	simm.s32 $0x0;
	s20 =	sshll.u32 s4, $0x1;
	s4 =	sadd.s32 s21, s2  }
0x9d: {  	[timem:s6], [sflag:s22] =	dma.local [hbm:s4], s20  }
0x9e: {  	_ =	swait.ge [sflag:s22], s20  }
0x9f: {  	s3 =	ssub.s32 $0x0, s20;
	[sflag:s22] =	ssyncset.done $0x0  }
0xa0: {  	[sflag:s22] =	ssyncadd.s32 s3;
	_ =	sdelay $0x1  }
0xa1: {  	s23 =	simm.s32 $0x1B8B  }
0xa2: {  	_ =	swait.ge [sflag:s23], $0x1  }
0xa3: {  	[sflag:s23] =	ssyncset.done $0x0  }
0xa4: {  	s25 =	simm.s32 $0x1B8E;
	s24 =	sld [smem:$0x3FFE];
	[sflag:s23] =	ssyncadd.s32 $0xFFFFFFFF  }
0xa5: {  	s26 =	simm.s32 $execute0_lowered;
	[smem:$0x3FD2] =	sst s25  }
0xa6: {  	s4 =	sshll.u32 s26, $0x1;
	_ =	strace $0x80000049;
	[dreg:$0x1] =	wrdreg $0xFFFFFFFF  }
0xa7: {  	s28 =	simm.s32 $_size_execute0_lowered;
	s2 =	sadd.s32 s2, s4;
	[dreg:$0x0] =	wrdreg $0x0  }
0xa8: {  	s4 =	sshll.u32 s28, $0x1;
	[dreg:$0x2] =	wrdreg s2  }
0xa9: {  	[dreg:$0x3] =	wrdreg s4  }
0xaa: {  	[dreg:$0x4] =	wrdreg $0xC0  }
0xab: {  	_ =	task [dreg:s6], $0x5FFFF  }
0xac: {  	[dreg:$0x1] =	wrdreg $0xFFFFFFFF  }
0xad: {  	[dreg:$0x0] =	wrdreg $0x60  }
0xae: {  	[dreg:$0x2] =	wrdreg s24  }
0xaf: {  	[dreg:$0x3] =	wrdreg $0xA8000  }
0xb0: {  	[dreg:$0x4] =	wrdreg $0x9  }
0xb1: {  	_ =	task.clear_ibuf [dreg:s6], $0x5FFFF;
	_ =	strace $0x90000049  }
0xb2: {  	s29 =	simm.s32 $0x9;
	_ =	strace $0x8000004B  }
0xb3: {  	_ =	swait.ge [sflag:s29], $0x1  }
0xb4: {  	[sflag:s29] =	ssyncadd.s32 $0xFFFFFFFF  }
0xb5: {  	_ =	strace $0x9000004B  }
0xb6: {  	_ =	sfence  }
0xb7: {  	s30 =	sld [smem:$0x0];
	_ =	sdelay $0x2  }
0xb8: {  	s31 =	sshll.u32 s1, $0xD;
	s1 =	sshrl.u32 s1, $0x2  }
0xb9: {  	s3 =	sand.u32 $0x4000, s31;
	s1 =	sadd.s32 s1, s30  }
0xba: {  	s0 =	sor.u32 s3, s0;
	s1 =	sshll.u32 s1, $0x11  }
0xbb: {  	s0 =	sor.u32 s1, s0  }
0xbc: {  	s0 =	sadd.s32 $0x8F2B, s0  }
0xbd: {  	[sflag:s0] =	ssyncadd.remote.s32 $0x1  }
0xbe: {  	_ =	sfence.sel $0xFFFF  }
0xbf: {  	[dreg:$0x0] =	wrdreg $0xFFFFFFFF;
	(pc) =	sbr.abs _section_cstart, $3  }
0xc0: {  	[dreg:$0x1] =	wrdreg $0xFFFFFFFF  }
0xc1: {  	_ =	task.clear_ibuf [dreg:s6], $0x2FFFF;
	_ =	strace $0x9FFFFFFF  }
0xc2: {  	(tm) =	ssettm $0x7FFFFFFF  }
0xc3: {  	_ =	shalt  }
tec
execute0_lowered:
.L_overlay_start_1:
0x0: {  	(tag) =	ssettag $0x1  }
0x1: {  	s6 =	rddreg [dreg:$0x0]  }
0x2: {  	s0 =	srdreg.scid;
	s2 =	rddreg [dreg:$0x1]  }
0x3: {  	s3 =	simm.s32 $0x0;
	s13 =	simm.s32 $0x2800;
	s14 =	simm.s32 $0x5  }
0x4: {  	s15 =	simm.s32 $0x40;
	s16 =	simm.s32 $0x4800;
	s17 =	simm.s32 $0x6800  }
0x5: {  	s18 =	simm.s32 $0x8800;
	s19 =	simm.s32 $0x1;
	s20 =	simm.s32 $0x2  }
0x6: {  	s21 =	simm.s32 $0x80;
	s22 =	simm.s32 $0x3;
	s23 =	simm.s32 $0x4  }
0x7: {  	s25 =	simm.s32 $0x13C0;
	s26 =	simm.s32 $0x2700;
	s5 =	sand.u32 $0x1, s0  }
0x8: {  	s28 =	simm.s32 $0x2780;
	s0 =	stileid.u32;
	s7 =	smul.u32 $0x13C000, s5  }
0x9: {  	[smem:$0x7FF] =	sst s3;
	s1 =	sshll.u32 s5, $0x4;
	s8 =	smul.u32 $0x13C00, s0  }
0xa: {  	s9 =	smul.u32 $0x4F000, s0;
	s29 =	ssub.s32 $0x2, s5;
	s1 =	sor.u32 s0, s1  }
0xb: {  	_ =	strace $0x8000004A;
	s31 =	sshrl.u32 s29, $0x1;
	s4 =	smul.u32 $0x280, s1  }
0xc: {  	s7 =	sadd.s32 s8, s7;
	s30 =	sshrl.u32 s9, $0x2;
	s12 =	ssub.s32 s29, s31  }
0xd: {  	s7 =	sshrl.u32 s7, $0x3;
	s5 =	sadd.s32 s30, s2;
	s12 =	smax.u32 s12, $0x1  }
0xe: {  	s10 =	sadd.s32 s4, s6;
	s4 =	sadd.s32 $0x5D000, s6;
	s11 =	sadd.s32 s7, s6  }
0xf: {  	s6 =	sadd.s32 $0x4000, s5;
	s7 =	sadd.s32 $0x8000, s5;
	s8 =	sadd.s32 $0xC000, s5  }
0x10: {  	v0 =	vimm.f32 $0.0e+00;
	s9 =	sadd.s32 $0x10000, s5;
	s10 =	sadd.s32 $0x9000, s10;
	s11 =	sadd.s32 $0x195800, s11  }
.LBB2_1:
0x11: {  	s29 =	simm.s32 $0x0;
	s30 =	simm.s32 $0x200  }
.LBB2_2:
0x12: {  	p0 =	sne.s32 s30, $0xFE00;
	[tilespmem:s29+$0x6870] =	vst v0  }
0x13: {  	[tilespmem:s29+$0x2800] =	vst v0  }
0x14: {  	[tilespmem:s29+$0x2810] =	vst v0  }
0x15: {  	[tilespmem:s29+$0x2820] =	vst v0  }
0x16: {  	[tilespmem:s29+$0x2830] =	vst v0  }
0x17: {  	[tilespmem:s29+$0x2840] =	vst v0  }
0x18: {  	[tilespmem:s29+$0x2850] =	vst v0  }
0x19: {  	[tilespmem:s29+$0x2860] =	vst v0  }
0x1a: {  	[tilespmem:s29+$0x2870] =	vst v0  }
0x1b: {  	[tilespmem:s29+$0x6800] =	vst v0  }
0x1c: {  	[tilespmem:s29+$0x6810] =	vst v0  }
.Ltmp0:
0x1d: {  	[tilespmem:s29+$0x6820] =	vst v0;
	(pc) =	sbr.rel @p0 .LBB2_2-.Ltmp0, $4  }
0x1e: {  	[tilespmem:s29+$0x6830] =	vst v0  }
0x1f: {  	[tilespmem:s29+$0x6840] =	vst v0  }
0x20: {  	[tilespmem:s29+$0x6850] =	vst v0  }
0x21: {  	[tilespmem:s29+$0x6860] =	vst v0;
	s29 =	sshra.s32 s30, $0x2;
	s30 =	sadd.s32 $0x200, s30  }
0x22: {  	[tilespmem:s29+$0x6870] =	vst v0  }
0x23: {  	[tilespmem:s29+$0x2800] =	vst v0  }
0x24: {  	[tilespmem:s29+$0x2810] =	vst v0  }
0x25: {  	[tilespmem:s29+$0x2820] =	vst v0  }
0x26: {  	[tilespmem:s29+$0x2830] =	vst v0  }
0x27: {  	[tilespmem:s29+$0x2840] =	vst v0  }
0x28: {  	[tilespmem:s29+$0x2850] =	vst v0  }
0x29: {  	[tilespmem:s29+$0x2860] =	vst v0  }
0x2a: {  	[tilespmem:s29+$0x2870] =	vst v0  }
0x2b: {  	[tilespmem:s29+$0x6800] =	vst v0  }
0x2c: {  	[tilespmem:s29+$0x6810] =	vst v0  }
0x2d: {  	[tilespmem:s29+$0x6820] =	vst v0  }
0x2e: {  	[tilespmem:s29+$0x6830] =	vst v0  }
0x2f: {  	[tilespmem:s29+$0x6840] =	vst v0  }
0x30: {  	[tilespmem:s29+$0x6850] =	vst v0  }
0x31: {  	[tilespmem:s29+$0x6860] =	vst v0  }
0x32: {  	[spmem:s5] =	stream.linear.scatter [tilespmem:s13], [sflag:$0x5], $0x4000, $0x38;
	[tilespmem:$0x1E400] =	vst v63  }
0x33: {  	_ =	swait.ge [sflag:s14], $0x4000  }
0x34: {  	[sflag:s14] =	ssyncset.done $0x0  }
0x35: {  	[sflag:s14] =	ssyncadd.s32 $0xFFFFC000  }
0x36: {  	[spmem:s6] =	stream.linear.scatter [tilespmem:s13], [sflag:$0x5], $0x4000, $0x38;
	[tilespmem:$0x1E400] =	vst v63  }
0x37: {  	_ =	swait.ge [sflag:s14], $0x4000  }
0x38: {  	[sflag:s14] =	ssyncset.done $0x0  }
0x39: {  	[sflag:s14] =	ssyncadd.s32 $0xFFFFC000  }
0x3a: {  	[spmem:s7] =	stream.linear.scatter [tilespmem:s13], [sflag:$0x5], $0x4000, $0x38;
	[tilespmem:$0x1E400] =	vst v63  }
0x3b: {  	_ =	swait.ge [sflag:s14], $0x4000  }
0x3c: {  	[sflag:s14] =	ssyncset.done $0x0  }
0x3d: {  	[sflag:s14] =	ssyncadd.s32 $0xFFFFC000  }
0x3e: {  	[spmem:s8] =	stream.linear.scatter [tilespmem:s13], [sflag:$0x5], $0x4000, $0x38;
	[tilespmem:$0x1E400] =	vst v63  }
0x3f: {  	_ =	swait.ge [sflag:s14], $0x4000  }
0x40: {  	[sflag:s14] =	ssyncset.done $0x0  }
0x41: {  	[sflag:s14] =	ssyncadd.s32 $0xFFFFC000  }
0x42: {  	[spmem:s9] =	stream.linear.scatter [tilespmem:s13], [sflag:$0x5], $0x3C00, $0x38;
	[tilespmem:$0x1E400] =	vst v63  }
0x43: {  	_ =	swait.ge [sflag:s14], $0x3C00  }
0x44: {  	[sflag:s14] =	ssyncset.done $0x0  }
0x45: {  	[sflag:s14] =	ssyncadd.s32 $0xFFFFC400  }
0x46: {  	s29 =	simm.s32 $0x0;
	[bflag:$0x0] =	sbarrier.arrive $0xFFFF  }
0x47: {  	[tilespmem:s29], [sflag:$0x5] =	stream.linear.gather [hbm4b:s10+s29], $0x1400, $0x38;
	[tilespmem:$0x1E400] =	vst v63  }
0x48: {  	_ =	swait.ge [sflag:s14], $0x1400  }
0x49: {  	[sflag:s14] =	ssyncset.done $0x0  }
0x4a: {  	s29 =	simm.s32 $0x0;
	[sflag:s14] =	ssyncadd.s32 $0xFFFFEC00  }
0x4b: {  	v1 =	vld [tilespmem:s29+$0x0]  }
0x4c: {  	v7 =	vld [tilespmem:s29+$0x10]  }
0x4d: {  	v6 =	vld [tilespmem:s29+$0x20]  }
0x4e: {  	v5 =	vld [tilespmem:s29+$0x30]  }
0x4f: {  	v3 =	vld [tilespmem:s29+$0x40]  }
0x50: {  	v4 =	vld [tilespmem:s29+$0x50];
	v2 =	vand.u32 $0x1FFFF, v1  }
0x51: {  	s30 =	simm.s32 $0x200;
	v1 =	vshrl.u32 v1, $0x11;
	v8 =	vand.u32 $0x1FFFF, v7;
	[tilespmem:s29+$0x0] =	vst v2;
	v2 =	vshrl.u32 v7, $0x11;
	v7 =	vld [tilespmem:s29+$0x60]  }
.LBB2_4:
0x52: {  	p0 =	sne.s32 s30, $0x4E00;
	[tilespmem:s29+$0x10] =	vst v8;
	v8 =	vshrl.u32 v6, $0x11;
	v6 =	vand.u32 $0x1FFFF, v6;
	v9 =	vld [tilespmem:s29+$0x70]  }
0x53: {  	[tilespmem:s29+$0x20] =	vst v6;
	v6 =	vshrl.u32 v5, $0x11;
	v5 =	vand.u32 $0x1FFFF, v5  }
0x54: {  	[tilespmem:s29+$0x30] =	vst v5;
	v5 =	vshrl.u32 v3, $0x11;
	v3 =	vand.u32 $0x1FFFF, v3  }
0x55: {  	[tilespmem:s29+$0x40] =	vst v3;
	v3 =	vshrl.u32 v4, $0x11;
	v4 =	vand.u32 $0x1FFFF, v4  }
0x56: {  	[tilespmem:s29+$0x50] =	vst v4;
	v4 =	vshrl.u32 v7, $0x11;
	v7 =	vand.u32 $0x1FFFF, v7  }
0x57: {  	[tilespmem:s29+$0x60] =	vst v7;
	v7 =	vshrl.u32 v9, $0x11;
	v9 =	vand.u32 $0x1FFFF, v9  }
0x58: {  	[tilespmem:s29+$0x70] =	vst v9  }
0x59: {  	[tilespmem:s29+$0x1400] =	vst v1  }
0x5a: {  	s31 =	sshra.s32 s30, $0x2;
	[tilespmem:s29+$0x1410] =	vst v2  }
0x5b: {  	v2 =	vld [tilespmem:s31+$0x0];
	[tilespmem:s29+$0x1420] =	vst v8  }
0x5c: {  	v8 =	vld [tilespmem:s31+$0x10];
	[tilespmem:s29+$0x1430] =	vst v6  }
.Ltmp1:
0x5d: {  	v6 =	vld [tilespmem:s31+$0x20];
	[tilespmem:s29+$0x1440] =	vst v5;
	(pc) =	sbr.rel @p0 .LBB2_4-.Ltmp1, $4  }
0x5e: {  	v5 =	vld [tilespmem:s31+$0x30];
	[tilespmem:s29+$0x1450] =	vst v3  }
0x5f: {  	v3 =	vld [tilespmem:s31+$0x40];
	[tilespmem:s29+$0x1460] =	vst v4  }
0x60: {  	v1 =	vshrl.u32 v2, $0x11;
	v2 =	vand.u32 $0x1FFFF, v2;
	v4 =	vld [tilespmem:s31+$0x50];
	[tilespmem:s29+$0x1470] =	vst v7;
	s29 =	smov.u32 s31  }
0x61: {  	s30 =	sadd.s32 $0x200, s30;
	[tilespmem:s29+$0x0] =	vst v2;
	v2 =	vshrl.u32 v8, $0x11;
	v8 =	vand.u32 $0x1FFFF, v8;
	v7 =	vld [tilespmem:s29+$0x60]  }
0x62: {  	[tilespmem:s29+$0x10] =	vst v8  }
0x63: {  	[tilespmem:s29+$0x1400] =	vst v1  }
0x64: {  	v58 =	vand.u32 $0x1FFFF, v6;
	[tilespmem:s29+$0x1410] =	vst v2  }
0x65: {  	v1 =	vshrl.u32 v6, $0x11;
	[tilespmem:s29+$0x20] =	vst v58  }
0x66: {  	v59 =	vand.u32 $0x1FFFF, v5;
	[tilespmem:s29+$0x1420] =	vst v1  }
0x67: {  	v2 =	vshrl.u32 v5, $0x11;
	[tilespmem:s29+$0x30] =	vst v59  }
0x68: {  	v60 =	vand.u32 $0x1FFFF, v3;
	[tilespmem:s29+$0x1430] =	vst v2  }
0x69: {  	v9 =	vld [tilespmem:s29+$0x70];
	v1 =	vshrl.u32 v3, $0x11;
	[tilespmem:s29+$0x40] =	vst v60  }
0x6a: {  	v61 =	vand.u32 $0x1FFFF, v4;
	[tilespmem:s29+$0x1440] =	vst v1  }
0x6b: {  	v2 =	vshrl.u32 v4, $0x11;
	[tilespmem:s29+$0x50] =	vst v61  }
0x6c: {  	v62 =	vand.u32 $0x1FFFF, v7;
	[tilespmem:s29+$0x1450] =	vst v2  }
0x6d: {  	v1 =	vshrl.u32 v7, $0x11;
	[tilespmem:s29+$0x60] =	vst v62  }
0x6e: {  	v63 =	vand.u32 $0x1FFFF, v9;
	[tilespmem:s29+$0x1460] =	vst v1  }
0x6f: {  	v2 =	vshrl.u32 v9, $0x11;
	[tilespmem:s29+$0x70] =	vst v63  }
0x70: {  	[tilespmem:s29+$0x1470] =	vst v2;
	s29 =	simm.s32 $0x0  }
0x71: {  	[tilespmem:s13], [sflag:$0x1] =	stream.indirect.gather [hbm4b:s4+s15], $0x80, s29, s15, $0xb8;
	[tilespmem:$0x1E400] =	vst v63  }
0x72: {  	_ = 	snop  }
0x73: {  	[tilespmem:s16], [sflag:$0x2] =	stream.indirect.gather [hbm4b:s4+s15], $0x80, s15, s15, $0xb8;
	[tilespmem:$0x1E400] =	vst v63  }
0x74: {  	s29 =	simm.s32 $0x80  }
0x75: {  	[tilespmem:s17], [sflag:$0x3] =	stream.indirect.gather [hbm4b:s4+s15], $0x80, s29, s15, $0xb8;
	[tilespmem:$0x1E400] =	vst v63  }
0x76: {  	s29 =	simm.s32 $0xC0  }
0x77: {  	[tilespmem:s18], [sflag:$0x4] =	stream.indirect.gather [hbm4b:s4+s15], $0x80, s29, s15, $0xb8;
	[tilespmem:$0x1E400] =	vst v63  }
0x78: {  	_ =	swait.ge [sflag:s19], $0x2000  }
0x79: {  	[sflag:s19] =	ssyncset.done $0x0  }
0x7a: {  	[sflag:s19] =	ssyncadd.s32 $0xFFFFE000  }
0x7b: {  	_ =	swait.ge [sflag:s20], $0x2000  }
0x7c: {  	[sflag:s20] =	ssyncset.done $0x0  }
0x7d: {  	s29 =	simm.s32 $0x1400;
	[sflag:s20] =	ssyncadd.s32 $0xFFFFE000  }
0x7e: {  	[spmem:s2] =	stream.indirect.scatter.add.f32 [tilespmem:s13], [sflag:$0x5], $0x80, s29, s21, $0xb8;
	[tilespmem:$0x1E400] =	vst v63  }
0x7f: {  	_ =	swait.ge [sflag:s14], $0x4000  }
0x80: {  	[sflag:s14] =	ssyncset.done $0x0  }
0x81: {  	s29 =	simm.s32 $0x100;
	[sflag:s14] =	ssyncadd.s32 $0xFFFFC000  }
0x82: {  	[tilespmem:s13], [sflag:$0x1] =	stream.indirect.gather [hbm4b:s4+s15], $0x80, s29, s15, $0xb8;
	[tilespmem:$0x1E400] =	vst v63  }
0x83: {  	s29 =	simm.s32 $0x140  }
0x84: {  	[tilespmem:s16], [sflag:$0x2] =	stream.indirect.gather [hbm4b:s4+s15], $0x80, s29, s15, $0xb8;
	[tilespmem:$0x1E400] =	vst v63  }
0x85: {  	_ =	swait.ge [sflag:s22], $0x2000  }
0x86: {  	[sflag:s22] =	ssyncset.done $0x0  }
0x87: {  	[sflag:s22] =	ssyncadd.s32 $0xFFFFE000  }
0x88: {  	_ =	swait.ge [sflag:s23], $0x2000  }
0x89: {  	[sflag:s23] =	ssyncset.done $0x0  }
0x8a: {  	s29 =	simm.s32 $0x1480;
	[sflag:s23] =	ssyncadd.s32 $0xFFFFE000  }
0x8b: {  	[spmem:s2] =	stream.indirect.scatter.add.f32 [tilespmem:s17], [sflag:$0x5], $0x80, s29, s21, $0xb8;
	[tilespmem:$0x1E400] =	vst v63  }
0x8c: {  	_ =	swait.ge [sflag:s14], $0x4000  }
0x8d: {  	s30 =	simm.s32 $0x800;
	s29 =	simm.s32 $0x100;
	[sflag:s14] =	ssyncset.done $0x0  }
.LBB2_6:
0x8e: {  	s31 =	sadd.s32 $0x80, s29  }
0x8f: {  	[sflag:s14] =	ssyncadd.s32 $0xFFFFC000;
	s1 =	smov.u32 s30;
	s24 =	sadd.s32 $0x400, s30  }
0x90: {  	[tilespmem:s17], [sflag:$0x3] =	stream.indirect.gather [hbm4b:s4+s15], $0x80, s31, s15, $0xb8;
	[tilespmem:$0x1E400] =	vst v63  }
0x91: {  	p0 =	sne.s32 s30, $0x4800;
	s30 =	sadd.s32 $0xC0, s29  }
0x92: {  	[tilespmem:s18], [sflag:$0x4] =	stream.indirect.gather [hbm4b:s4+s15], $0x80, s30, s15, $0xb8;
	[tilespmem:$0x1E400] =	vst v63  }
0x93: {  	_ =	swait.ge [sflag:s19], $0x2000  }
0x94: {  	[sflag:s19] =	ssyncset.done $0x0  }
0x95: {  	[sflag:s19] =	ssyncadd.s32 $0xFFFFE000  }
0x96: {  	_ =	swait.ge [sflag:s20], $0x2000  }
0x97: {  	[sflag:s20] =	ssyncset.done $0x0  }
0x98: {  	s30 =	sadd.s32 $0x1400, s29;
	[sflag:s20] =	ssyncadd.s32 $0xFFFFE000  }
0x99: {  	[spmem:s2] =	stream.indirect.scatter.add.f32 [tilespmem:s13], [sflag:$0x5], $0x80, s30, s21, $0xb8;
	[tilespmem:$0x1E400] =	vst v63  }
0x9a: {  	_ =	swait.ge [sflag:s14], $0x4000  }
0x9b: {  	[sflag:s14] =	ssyncset.done $0x0  }
0x9c: {  	s30 =	sadd.s32 $0x100, s29;
	[sflag:s14] =	ssyncadd.s32 $0xFFFFC000  }
0x9d: {  	[tilespmem:s13], [sflag:$0x1] =	stream.indirect.gather [hbm4b:s4+s15], $0x80, s30, s15, $0xb8;
	[tilespmem:$0x1E400] =	vst v63  }
0x9e: {  	s30 =	sadd.s32 $0x140, s29  }
0x9f: {  	[tilespmem:s16], [sflag:$0x2] =	stream.indirect.gather [hbm4b:s4+s15], $0x80, s30, s15, $0xb8;
	[tilespmem:$0x1E400] =	vst v63  }
0xa0: {  	_ =	swait.ge [sflag:s22], $0x2000  }
0xa1: {  	[sflag:s22] =	ssyncset.done $0x0  }
0xa2: {  	[sflag:s22] =	ssyncadd.s32 $0xFFFFE000  }
0xa3: {  	_ =	swait.ge [sflag:s23], $0x2000  }
.Ltmp2:
0xa4: {  	[sflag:s23] =	ssyncset.done $0x0;
	(pc) =	sbr.rel @p0 .LBB2_6-.Ltmp2, $4  }
0xa5: {  	s29 =	sadd.s32 $0x1480, s29;
	[sflag:s23] =	ssyncadd.s32 $0xFFFFE000  }
0xa6: {  	[spmem:s2] =	stream.indirect.scatter.add.f32 [tilespmem:s17], [sflag:$0x5], $0x80, s29, s21, $0xb8;
	[tilespmem:$0x1E400] =	vst v63  }
0xa7: {  	_ =	swait.ge [sflag:s14], $0x4000  }
0xa8: {  	s30 =	smov.u32 s24;
	s29 =	sshra.s32 s1, $0x2;
	[sflag:s14] =	ssyncset.done $0x0  }
0xa9: {  	s1 =	sadd.s32 $0x80, s29;
	[sflag:s14] =	ssyncadd.s32 $0xFFFFC000  }
0xaa: {  	[tilespmem:s17], [sflag:$0x3] =	stream.indirect.gather [hbm4b:s4+s15], $0x80, s1, s15, $0xb8;
	[tilespmem:$0x1E400] =	vst v63  }
0xab: {  	s24 =	sadd.s32 $0xC0, s29  }
0xac: {  	[tilespmem:s18], [sflag:$0x4] =	stream.indirect.gather [hbm4b:s4+s15], $0x80, s24, s15, $0xb8;
	[tilespmem:$0x1E400] =	vst v63  }
0xad: {  	_ =	swait.ge [sflag:s19], $0x2000  }
0xae: {  	[sflag:s19] =	ssyncset.done $0x0  }
0xaf: {  	[sflag:s19] =	ssyncadd.s32 $0xFFFFE000  }
0xb0: {  	_ =	swait.ge [sflag:s20], $0x2000  }
0xb1: {  	[sflag:s20] =	ssyncset.done $0x0  }
0xb2: {  	s30 =	sadd.s32 $0x1400, s29;
	[sflag:s20] =	ssyncadd.s32 $0xFFFFE000  }
0xb3: {  	[spmem:s2] =	stream.indirect.scatter.add.f32 [tilespmem:s13], [sflag:$0x5], $0x80, s30, s21, $0xb8;
	[tilespmem:$0x1E400] =	vst v63  }
0xb4: {  	_ =	swait.ge [sflag:s14], $0x4000  }
0xb5: {  	[sflag:s14] =	ssyncset.done $0x0  }
0xb6: {  	s31 =	sadd.s32 $0x100, s29;
	[sflag:s14] =	ssyncadd.s32 $0xFFFFC000  }
0xb7: {  	[tilespmem:s13], [sflag:$0x1] =	stream.indirect.gather [hbm4b:s4+s15], $0x80, s31, s15, $0xb8;
	[tilespmem:$0x1E400] =	vst v63  }
0xb8: {  	s24 =	sadd.s32 $0x140, s29  }
0xb9: {  	[tilespmem:s16], [sflag:$0x2] =	stream.indirect.gather [hbm4b:s4+s15], $0x80, s24, s15, $0xb8;
	[tilespmem:$0x1E400] =	vst v63  }
0xba: {  	_ =	swait.ge [sflag:s22], $0x2000  }
0xbb: {  	[sflag:s22] =	ssyncset.done $0x0  }
0xbc: {  	[sflag:s22] =	ssyncadd.s32 $0xFFFFE000  }
0xbd: {  	_ =	swait.ge [sflag:s23], $0x2000  }
0xbe: {  	[sflag:s23] =	ssyncset.done $0x0  }
0xbf: {  	s29 =	sadd.s32 $0x1480, s29;
	[sflag:s23] =	ssyncadd.s32 $0xFFFFE000  }
0xc0: {  	[spmem:s2] =	stream.indirect.scatter.add.f32 [tilespmem:s17], [sflag:$0x5], $0x80, s29, s21, $0xb8;
	[tilespmem:$0x1E400] =	vst v63  }
0xc1: {  	_ =	swait.ge [sflag:s14], $0x4000  }
0xc2: {  	[sflag:s14] =	ssyncset.done $0x0  }
0xc3: {  	s30 =	simm.s32 $0x1380;
	[sflag:s14] =	ssyncadd.s32 $0xFFFFC000  }
0xc4: {  	[tilespmem:s17], [sflag:$0x3] =	stream.indirect.gather [hbm4b:s4+s15], $0x80, s30, s15, $0xb8;
	[tilespmem:$0x1E400] =	vst v63  }
0xc5: {  	_ = 	snop  }
0xc6: {  	[tilespmem:s18], [sflag:$0x4] =	stream.indirect.gather [hbm4b:s4+s15], $0x80, s25, s15, $0xb8;
	[tilespmem:$0x1E400] =	vst v63  }
0xc7: {  	_ =	swait.ge [sflag:s19], $0x2000  }
0xc8: {  	[sflag:s19] =	ssyncset.done $0x0  }
0xc9: {  	[sflag:s19] =	ssyncadd.s32 $0xFFFFE000  }
0xca: {  	_ =	swait.ge [sflag:s20], $0x2000  }
0xcb: {  	[sflag:s20] =	ssyncset.done $0x0  }
0xcc: {  	[sflag:s20] =	ssyncadd.s32 $0xFFFFE000  }
0xcd: {  	[spmem:s2] =	stream.indirect.scatter.add.f32 [tilespmem:s13], [sflag:$0x5], $0x80, s26, s21, $0xb8;
	[tilespmem:$0x1E400] =	vst v63  }
0xce: {  	_ =	swait.ge [sflag:s14], $0x4000  }
0xcf: {  	[sflag:s14] =	ssyncset.done $0x0  }
0xd0: {  	[sflag:s14] =	ssyncadd.s32 $0xFFFFC000  }
0xd1: {  	_ =	swait.ge [sflag:s22], $0x2000  }
0xd2: {  	[sflag:s22] =	ssyncset.done $0x0  }
0xd3: {  	[sflag:s22] =	ssyncadd.s32 $0xFFFFE000  }
0xd4: {  	_ =	swait.ge [sflag:s23], $0x2000  }
0xd5: {  	[sflag:s23] =	ssyncset.done $0x0  }
0xd6: {  	[sflag:s23] =	ssyncadd.s32 $0xFFFFE000  }
0xd7: {  	[spmem:s2] =	stream.indirect.scatter.add.f32 [tilespmem:s17], [sflag:$0x5], $0x80, s28, s21, $0xb8;
	[tilespmem:$0x1E400] =	vst v63  }
0xd8: {  	_ =	swait.ge [sflag:s14], $0x4000  }
0xd9: {  	s3 =	sadd.s32 $0x1, s3;
	s31 =	sshll.u32 s0, $0x6;
	[sflag:s14] =	ssyncset.done $0x0  }
0xda: {  	p0 =	sne.s32 s3, s12;
	s1 =	sor.u32 $0x1C05, s31;
	[sflag:s14] =	ssyncadd.s32 $0xFFFFC000  }
.Ltmp3:
0xdb: {  	s24 =	sshrl.u32 s5, $0x3;
	[bflag:$0x0] =	sbarrier.arrive $0xFFFF;
	(pc) =	sbr.rel @p0 .LBB2_1-.Ltmp3, $4  }
0xdc: {  	[hbm:s11], [sflag:s1] =	dma.local [spmem:s24], $0x2780  }
0xdd: {  	_ =	swait.ge [sflag:s14], $0x2780  }
0xde: {  	[sflag:s14] =	ssyncset.done $0x0  }
0xdf: {  	[sflag:s14] =	ssyncadd.s32 $0xFFFFD880  }
0xe0: {  	_ =	sfence.sel $0x180000  }
0xe1: {  	[bflag:$0x0] =	sbarrier.arrive $0xFFFF  }
0xe2: {  	_ =	strace $0x9000004A  }
0xe3: {  	[bflag:$0x2] =	sbarrier.arrive $0xFFFF  }
0xe4: {  	p0 =	sne.s32 s0, $0x0;
	s0 =	rddreg [dreg:$0x2]  }
0xe5: {  	s0 =	sadd.s32 @!p0 $0x100000, s0  }
0xe6: {  	[sflag:s0] =	ssyncadd.tile.s32 @!p0 $0x1;
	_ =	shalt  }
.Lfunc_end2:
_tile_overlayer_lowered:
.L_overlay_start_2:
0xe7: {  	(tag) =	ssettag $0x2  }
0xe8: {  	s0 =	rddreg [dreg:$0x0];
	s2 =	stileid.u32  }
0xe9: {  	s1 =	rddreg [dreg:$0x1];
	p0 =	sne.s32 s2, $0x0  }
0xea: {  	s3 =	rddreg [dreg:$0x2];
	[bflag:$0x3] =	sbarrier.arrive $0xFFFF;
	s2 =	simm.s32 @!p0 $0x1C05  }
0xeb: {  	[timem:s3], [sflag:s2] =	dma.local @!p0 [hbm:s0], s1  }
0xec: {  	s0 =	simm.s32 @!p0 $0x5  }
0xed: {  	_ =	swait.ge @!p0 [sflag:s0], s1  }
0xee: {  	s1 =	ssub.s32 @!p0 $0x0, s1;
	[sflag:s0] =	ssyncset.done @!p0 $0x0  }
0xef: {  	[sflag:s0] =	ssyncadd.s32 @!p0 s1  }
0xf0: {  	[bflag:$0x3] =	sbarrier.arrive $0xFFFF  }
0xf1: {  	_ =	shalt  }

// kernel: rgcn_acc_pass.7.cloned.1.call-start
scs
__scs_entry_jumppad:
0x0: {  	(pc) =	sbr.rel $0x88, $3  }
0x1: {  	(tag) =	ssettag $0x0;
	lr =	simm.s32 $0x1  }
0x2: {  	[smem:$0x3F8D] =	sst lr;
	_ =	strace $0xD0000000  }
0x3: {  	_ = 	snop  }
0x4: {  	_ = 	snop  }
0x5: {  	_ = 	snop  }
0x6: {  	_ = 	snop  }
0x7: {  	_ = 	snop  }
__scs_overlays_trampoline_lowered:
0x8: {  	[smem:$0x3F9C] =	sst s0  }
0x9: {  	[smem:$0x3F9D] =	sst s1  }
0xa: {  	[smem:$0x3F9E] =	sst s2  }
0xb: {  	[smem:$0x3F9F] =	sst s3  }
0xc: {  	[smem:$0x3FA0] =	sst s4  }
0xd: {  	[smem:$0x3FA1] =	sst s5  }
0xe: {  	[smem:$0x3FA2] =	sst s6  }
0xf: {  	[smem:$0x3FA3] =	sst s7  }
0x10: {  	[smem:$0x3FA4] =	sst s8  }
0x11: {  	[smem:$0x3FA5] =	sst s9;
	s0 =	simm.s32 @!p0 $0x0  }
0x12: {  	s1 =	sld [smem:$0x3F8B];
	s0 =	simm.s32 @p0 $0x1  }
0x13: {  	[smem:$0x3FA6] =	sst s0;
	s0 =	simm.s32 @!p1 $0x0  }
0x14: {  	s2 =	sld [smem:$0x3F8A];
	s0 =	simm.s32 @p1 $0x1  }
0x15: {  	[smem:$0x3FA7] =	sst s0;
	s0 =	simm.s32 @!p2 $0x0  }
0x16: {  	s3 =	sld [smem:$0x3FDB];
	s0 =	simm.s32 @p2 $0x1  }
0x17: {  	s4 =	simm.s32 $0x1BF5;
	[smem:$0x3FA9] =	sst s0  }
0x18: {  	s0 =	sld [smem:$0x3F8C];
	_ =	swait.ge [sflag:s4], $0x0  }
0x19: {  	s7 =	sld [smem:$0x3F8D]  }
0x1a: {  	s8 =	sadd.s32 $0xFFFFE003, lr  }
0x1b: {  	s9 =	sadd.s32 $0xFFFFFEF7, lr;
	s5 =	simm.s32 $0xFFFFFFFF;
	p2 =	slt.u32 s8, $0xFFFFF086  }
0x1c: {  	p1 =	slt.u32 s9, $0xF7A;
	s5 =	simm.s32 @!p2 $0x0  }
0x1d: {  	s5 =	simm.s32 @p1 $0x1;
	p0 =	seq.s32 s7, s2  }
0x1e: {  	s7 =	smul.u32 @!p0 $0xF7A, s2;
	p2 =	seq.s32 @!p0 s5, $0x0  }
0x1f: {  	s9 =	smul.u32 $0xF7A, s1;
	s8 =	simm.s32 @!p0 $0x1BF5;
	p2 =	por !p2, p0  }
0x20: {  	[sflag:s8] =	ssyncset.s32 @!p0 $0xFFFFF086;
	s6 =	sadd.s32 @!p0 s3, s7;
	s7 =	simm.s32 @!p0 $0x108  }
0x21: {  	s3 =	sadd.s32 s3, s9;
	s6 =	sadd.s32 @!p0 $0x88, s6;
	s7 =	simm.s32 @p2 $0x1082  }
0x22: {  	[simem:s7], [sflag:s8] =	dma.local @!p0 [hbm:s6], $0xF7A  }
0x23: {  	s9 =	sor.u32 $0xD0000000, s2;
	s6 =	simm.s32 $0x108;
	_ =	swait.ge @!p0 [sflag:s8], $0x0  }
0x24: {  	s3 =	sadd.s32 $0x88, s3;
	s6 =	simm.s32 @!p1 $0x1082;
	[sflag:s4] =	ssyncset.s32 $0xFFFFF086  }
0x25: {  	[simem:s6], [sflag:s4] =	dma.local [hbm:s3], $0xF7A  }
0x26: {  	[smem:$0x3F8D] =	sst s1;
	(tag) =	ssettag s2;
	_ =	strace s9  }
0x27: {  	s1 =	sld [smem:$0x3F9D]  }
0x28: {  	s2 =	sld [smem:$0x3F9E]  }
0x29: {  	s4 =	sld [smem:$0x3FA0]  }
0x2a: {  	p0 =	seq.s32 s5, $0x0;
	s5 =	sld [smem:$0x3FA1]  }
0x2b: {  	s6 =	sld [smem:$0x3FA2]  }
0x2c: {  	s7 =	sld [smem:$0x3FA3]  }
0x2d: {  	s3 =	simm.s32 $0x108;
	s8 =	sld [smem:$0x3FA4]  }
0x2e: {  	s3 =	simm.s32 @!p0 $0x1082;
	s9 =	sld [smem:$0x3FA5]  }
0x2f: {  	lr =	sadd.s32 s0, s3;
	s0 =	sld [smem:$0x3F9C]  }
0x30: {  	s3 =	sld [smem:$0x3F9F]  }
0x31: {  	[smem:$0x3FA8] =	sst s10  }
0x32: {  	s10 =	sld [smem:$0x3FA6];
	_ =	sdelay $0x3  }
0x33: {  	p0 =	seq.s32 s10, $0x1;
	s10 =	sld [smem:$0x3FA8];
	_ =	sdelay $0x3  }
0x34: {  	[smem:$0x3FA8] =	sst s10  }
0x35: {  	s10 =	sld [smem:$0x3FA7];
	_ =	sdelay $0x3  }
0x36: {  	p1 =	seq.s32 s10, $0x1;
	s10 =	sld [smem:$0x3FA8];
	_ =	sdelay $0x3  }
0x37: {  	[smem:$0x3FA8] =	sst s10  }
0x38: {  	s10 =	sld [smem:$0x3FA9]  }
0x39: {  	_ = 	snop;
	(pc) =	sbr.ind lr, $3  }
0x3a: {  	_ = 	snop  }
0x3b: {  	_ = 	snop  }
0x3c: {  	p2 =	seq.s32 s10, $0x1;
	s10 =	sld [smem:$0x3FA8]  }
0x3d: {  	_ =	shalt  }
0x3e: {  	_ =	shalt  }
0x3f: {  	_ =	shalt  }
0x40: {  	_ =	shalt  }
0x41: {  	_ =	shalt  }
0x42: {  	_ =	shalt  }
0x43: {  	_ =	shalt  }
0x44: {  	_ =	shalt  }
0x45: {  	_ =	shalt  }
0x46: {  	_ =	shalt  }
0x47: {  	_ =	shalt  }
0x48: {  	_ =	shalt  }
0x49: {  	_ =	shalt  }
0x4a: {  	_ =	shalt  }
0x4b: {  	_ =	shalt  }
0x4c: {  	_ =	shalt  }
0x4d: {  	_ =	shalt  }
0x4e: {  	_ =	shalt  }
0x4f: {  	_ =	shalt  }
0x50: {  	_ =	shalt  }
0x51: {  	_ =	shalt  }
0x52: {  	_ =	shalt  }
0x53: {  	_ =	shalt  }
0x54: {  	_ =	shalt  }
0x55: {  	_ =	shalt  }
0x56: {  	_ =	shalt  }
0x57: {  	_ =	shalt  }
0x58: {  	_ =	shalt  }
0x59: {  	_ =	shalt  }
0x5a: {  	_ =	shalt  }
0x5b: {  	_ =	shalt  }
0x5c: {  	_ =	shalt  }
0x5d: {  	_ =	shalt  }
0x5e: {  	_ =	shalt  }
0x5f: {  	_ =	shalt  }
0x60: {  	_ =	shalt  }
0x61: {  	_ =	shalt  }
0x62: {  	_ =	shalt  }
0x63: {  	_ =	shalt  }
0x64: {  	_ =	shalt  }
0x65: {  	_ =	shalt  }
0x66: {  	_ =	shalt  }
0x67: {  	_ =	shalt  }
0x68: {  	_ =	shalt  }
0x69: {  	_ =	shalt  }
0x6a: {  	_ =	shalt  }
0x6b: {  	_ =	shalt  }
0x6c: {  	_ =	shalt  }
0x6d: {  	_ =	shalt  }
0x6e: {  	_ =	shalt  }
0x6f: {  	_ =	shalt  }
0x70: {  	_ =	shalt  }
0x71: {  	_ =	shalt  }
0x72: {  	_ =	shalt  }
0x73: {  	_ =	shalt  }
0x74: {  	_ =	shalt  }
0x75: {  	_ =	shalt  }
0x76: {  	_ =	shalt  }
0x77: {  	_ =	shalt  }
0x78: {  	_ =	shalt  }
0x79: {  	_ =	shalt  }
0x7a: {  	_ =	shalt  }
0x7b: {  	_ =	shalt  }
0x7c: {  	_ =	shalt  }
0x7d: {  	_ =	shalt  }
0x7e: {  	_ =	shalt  }
0x7f: {  	_ =	shalt  }
0x80: {  	_ =	shalt  }
0x81: {  	_ =	shalt  }
0x82: {  	_ =	shalt  }
0x83: {  	_ =	shalt  }
0x84: {  	_ =	shalt  }
0x85: {  	_ =	shalt  }
0x86: {  	_ =	shalt  }
0x87: {  	_ =	shalt  }
.Lfunc_end0:
.L_simem_size_0:
called_computation.2_lowered:
.L_overlay_start_0:
0x88: {  	s2 =	sld [smem:$0x3FD9]  }
0x89: {  	s3 =	sld [smem:$0x3FFE];
	_ =	sdelay $0x1  }
0x8a: {  	s1 =	srdreg.scid  }
0x8b: {  	s0 =	sand.u32 $0x1, s1  }
0x8c: {  	s16 =	sshll.u32 s0, $0xA;
	s2 =	sadd.s32 s3, s2  }
0x8d: {  	s2 =	sadd.s32 s2, s16  }
0x8e: {  	[smem:$0x3FB4] =	sst s2  }
0x8f: {  	_ = 	snop  }
0x90: {  	(tm) =	ssettm $0x1  }
0x91: {  	s17 =	sld [smem:$0x3FFB];
	_ =	sdelay $0x3  }
0x92: {  	_ =	strace s17  }
0x93: {  	s2 =	sld [smem:$0x3FFC];
	_ =	sdelay $0x3  }
0x94: {  	_ =	strace s2  }
0x95: {  	s2 =	sld [smem:$0x3FFD];
	_ =	sdelay $0x3  }
0x96: {  	_ =	strace s2  }
0x97: {  	_ =	strace $0x8FFFFFFF  }
0x98: {  	s18 =	sld [smem:$0x3FDB];
	_ =	sdelay $0x1  }
0x99: {  	s19 =	simm.s32 $_scs_section_size  }
0x9a: {  	s4 =	simm.s32 $_size__tile_overlayer_lowered;
	s5 =	simm.s32 $_tile_overlayer_lowered  }
0x9b: {  	s22 =	simm.s32 $0x1BFF;
	s21 =	sshll.u32 s5, $0x1;
	s2 =	sadd.s32 s19, s18  }
0x9c: {  	s6 =	simm.s32 $0x0;
	s20 =	sshll.u32 s4, $0x1;
	s4 =	sadd.s32 s21, s2  }
0x9d: {  	[timem:s6], [sflag:s22] =	dma.local [hbm:s4], s20  }
0x9e: {  	_ =	swait.ge [sflag:s22], s20  }
0x9f: {  	s3 =	ssub.s32 $0x0, s20;
	[sflag:s22] =	ssyncset.done $0x0  }
0xa0: {  	[sflag:s22] =	ssyncadd.s32 s3;
	_ =	sdelay $0x1  }
0xa1: {  	s23 =	simm.s32 $0x1B8B  }
0xa2: {  	_ =	swait.ge [sflag:s23], $0x1  }
0xa3: {  	[sflag:s23] =	ssyncset.done $0x0  }
0xa4: {  	s25 =	simm.s32 $0x1B8E;
	s24 =	sld [smem:$0x3FFE];
	[sflag:s23] =	ssyncadd.s32 $0xFFFFFFFF  }
0xa5: {  	s26 =	simm.s32 $execute0_lowered;
	[smem:$0x3FD2] =	sst s25  }
0xa6: {  	s4 =	sshll.u32 s26, $0x1;
	_ =	strace $0x8000004C;
	[dreg:$0x1] =	wrdreg $0xFFFFFFFF  }
0xa7: {  	s28 =	simm.s32 $_size_execute0_lowered;
	s2 =	sadd.s32 s2, s4;
	[dreg:$0x0] =	wrdreg $0x0  }
0xa8: {  	s4 =	sshll.u32 s28, $0x1;
	[dreg:$0x2] =	wrdreg s2  }
0xa9: {  	[dreg:$0x3] =	wrdreg s4  }
0xaa: {  	[dreg:$0x4] =	wrdreg $0xC0  }
0xab: {  	_ =	task [dreg:s6], $0x5FFFF  }
0xac: {  	[dreg:$0x1] =	wrdreg $0xFFFFFFFF  }
0xad: {  	[dreg:$0x0] =	wrdreg $0x60  }
0xae: {  	[dreg:$0x2] =	wrdreg s24  }
0xaf: {  	[dreg:$0x3] =	wrdreg $0xA8000  }
0xb0: {  	[dreg:$0x4] =	wrdreg $0x9  }
0xb1: {  	_ =	task.clear_ibuf [dreg:s6], $0x5FFFF;
	_ =	strace $0x9000004C  }
0xb2: {  	s29 =	simm.s32 $0x9;
	_ =	strace $0x8000004E  }
0xb3: {  	_ =	swait.ge [sflag:s29], $0x1  }
0xb4: {  	[sflag:s29] =	ssyncadd.s32 $0xFFFFFFFF  }
0xb5: {  	_ =	strace $0x9000004E  }
0xb6: {  	_ =	sfence  }
0xb7: {  	s30 =	sld [smem:$0x0];
	_ =	sdelay $0x2  }
0xb8: {  	s31 =	sshll.u32 s1, $0xD;
	s1 =	sshrl.u32 s1, $0x2  }
0xb9: {  	s3 =	sand.u32 $0x4000, s31;
	s1 =	sadd.s32 s1, s30  }
0xba: {  	s0 =	sor.u32 s3, s0;
	s1 =	sshll.u32 s1, $0x11  }
0xbb: {  	s0 =	sor.u32 s1, s0  }
0xbc: {  	s0 =	sadd.s32 $0x8F2B, s0  }
0xbd: {  	[sflag:s0] =	ssyncadd.remote.s32 $0x1  }
0xbe: {  	_ =	sfence.sel $0xFFFF  }
0xbf: {  	[dreg:$0x0] =	wrdreg $0xFFFFFFFF;
	(pc) =	sbr.abs _section_cstart, $3  }
0xc0: {  	[dreg:$0x1] =	wrdreg $0xFFFFFFFF  }
0xc1: {  	_ =	task.clear_ibuf [dreg:s6], $0x2FFFF;
	_ =	strace $0x9FFFFFFF  }
0xc2: {  	(tm) =	ssettm $0x7FFFFFFF  }
0xc3: {  	_ =	shalt  }
tec
execute0_lowered:
.L_overlay_start_1:
0x0: {  	(tag) =	ssettag $0x1  }
0x1: {  	s6 =	rddreg [dreg:$0x0]  }
0x2: {  	s0 =	srdreg.scid;
	s2 =	rddreg [dreg:$0x1]  }
0x3: {  	s3 =	simm.s32 $0x0;
	s13 =	simm.s32 $0x2800;
	s14 =	simm.s32 $0x5  }
0x4: {  	s15 =	simm.s32 $0x40;
	s16 =	simm.s32 $0x4800;
	s17 =	simm.s32 $0x6800  }
0x5: {  	s18 =	simm.s32 $0x8800;
	s19 =	simm.s32 $0x1;
	s20 =	simm.s32 $0x2  }
0x6: {  	s21 =	simm.s32 $0x80;
	s22 =	simm.s32 $0x3;
	s23 =	simm.s32 $0x4  }
0x7: {  	s25 =	simm.s32 $0x13C0;
	s26 =	simm.s32 $0x2700;
	s5 =	sand.u32 $0x1, s0  }
0x8: {  	s28 =	simm.s32 $0x2780;
	s0 =	stileid.u32;
	s7 =	smul.u32 $0x13C000, s5  }
0x9: {  	[smem:$0x7FF] =	sst s3;
	s1 =	sshll.u32 s5, $0x4;
	s8 =	smul.u32 $0x13C00, s0  }
0xa: {  	s9 =	smul.u32 $0x4F000, s0;
	s29 =	ssub.s32 $0x2, s5;
	s1 =	sor.u32 s0, s1  }
0xb: {  	_ =	strace $0x8000004D;
	s31 =	sshrl.u32 s29, $0x1;
	s4 =	smul.u32 $0x280, s1  }
0xc: {  	s7 =	sadd.s32 s8, s7;
	s30 =	sshrl.u32 s9, $0x2;
	s12 =	ssub.s32 s29, s31  }
0xd: {  	s7 =	sshrl.u32 s7, $0x3;
	s5 =	sadd.s32 s30, s2;
	s12 =	smax.u32 s12, $0x1  }
0xe: {  	s10 =	sadd.s32 s4, s6;
	s4 =	sadd.s32 $0x5C200, s6;
	s11 =	sadd.s32 s7, s6  }
0xf: {  	s6 =	sadd.s32 $0x4000, s5;
	s7 =	sadd.s32 $0x8000, s5;
	s8 =	sadd.s32 $0xC000, s5  }
0x10: {  	v0 =	vimm.f32 $0.0e+00;
	s9 =	sadd.s32 $0x10000, s5;
	s10 =	sadd.s32 $0x9000, s10;
	s11 =	sadd.s32 $0x194A00, s11  }
.LBB2_1:
0x11: {  	s29 =	simm.s32 $0x0;
	s30 =	simm.s32 $0x200  }
.LBB2_2:
0x12: {  	p0 =	sne.s32 s30, $0xFE00;
	[tilespmem:s29+$0x6870] =	vst v0  }
0x13: {  	[tilespmem:s29+$0x2800] =	vst v0  }
0x14: {  	[tilespmem:s29+$0x2810] =	vst v0  }
0x15: {  	[tilespmem:s29+$0x2820] =	vst v0  }
0x16: {  	[tilespmem:s29+$0x2830] =	vst v0  }
0x17: {  	[tilespmem:s29+$0x2840] =	vst v0  }
0x18: {  	[tilespmem:s29+$0x2850] =	vst v0  }
0x19: {  	[tilespmem:s29+$0x2860] =	vst v0  }
0x1a: {  	[tilespmem:s29+$0x2870] =	vst v0  }
0x1b: {  	[tilespmem:s29+$0x6800] =	vst v0  }
0x1c: {  	[tilespmem:s29+$0x6810] =	vst v0  }
.Ltmp0:
0x1d: {  	[tilespmem:s29+$0x6820] =	vst v0;
	(pc) =	sbr.rel @p0 .LBB2_2-.Ltmp0, $4  }
0x1e: {  	[tilespmem:s29+$0x6830] =	vst v0  }
0x1f: {  	[tilespmem:s29+$0x6840] =	vst v0  }
0x20: {  	[tilespmem:s29+$0x6850] =	vst v0  }
0x21: {  	[tilespmem:s29+$0x6860] =	vst v0;
	s29 =	sshra.s32 s30, $0x2;
	s30 =	sadd.s32 $0x200, s30  }
0x22: {  	[tilespmem:s29+$0x6870] =	vst v0  }
0x23: {  	[tilespmem:s29+$0x2800] =	vst v0  }
0x24: {  	[tilespmem:s29+$0x2810] =	vst v0  }
0x25: {  	[tilespmem:s29+$0x2820] =	vst v0  }
0x26: {  	[tilespmem:s29+$0x2830] =	vst v0  }
0x27: {  	[tilespmem:s29+$0x2840] =	vst v0  }
0x28: {  	[tilespmem:s29+$0x2850] =	vst v0  }
0x29: {  	[tilespmem:s29+$0x2860] =	vst v0  }
0x2a: {  	[tilespmem:s29+$0x2870] =	vst v0  }
0x2b: {  	[tilespmem:s29+$0x6800] =	vst v0  }
0x2c: {  	[tilespmem:s29+$0x6810] =	vst v0  }
0x2d: {  	[tilespmem:s29+$0x6820] =	vst v0  }
0x2e: {  	[tilespmem:s29+$0x6830] =	vst v0  }
0x2f: {  	[tilespmem:s29+$0x6840] =	vst v0  }
0x30: {  	[tilespmem:s29+$0x6850] =	vst v0  }
0x31: {  	[tilespmem:s29+$0x6860] =	vst v0  }
0x32: {  	[spmem:s5] =	stream.linear.scatter [tilespmem:s13], [sflag:$0x5], $0x4000, $0x38;
	[tilespmem:$0x1E400] =	vst v63  }
0x33: {  	_ =	swait.ge [sflag:s14], $0x4000  }
0x34: {  	[sflag:s14] =	ssyncset.done $0x0  }
0x35: {  	[sflag:s14] =	ssyncadd.s32 $0xFFFFC000  }
0x36: {  	[spmem:s6] =	stream.linear.scatter [tilespmem:s13], [sflag:$0x5], $0x4000, $0x38;
	[tilespmem:$0x1E400] =	vst v63  }
0x37: {  	_ =	swait.ge [sflag:s14], $0x4000  }
0x38: {  	[sflag:s14] =	ssyncset.done $0x0  }
0x39: {  	[sflag:s14] =	ssyncadd.s32 $0xFFFFC000  }
0x3a: {  	[spmem:s7] =	stream.linear.scatter [tilespmem:s13], [sflag:$0x5], $0x4000, $0x38;
	[tilespmem:$0x1E400] =	vst v63  }
0x3b: {  	_ =	swait.ge [sflag:s14], $0x4000  }
0x3c: {  	[sflag:s14] =	ssyncset.done $0x0  }
0x3d: {  	[sflag:s14] =	ssyncadd.s32 $0xFFFFC000  }
0x3e: {  	[spmem:s8] =	stream.linear.scatter [tilespmem:s13], [sflag:$0x5], $0x4000, $0x38;
	[tilespmem:$0x1E400] =	vst v63  }
0x3f: {  	_ =	swait.ge [sflag:s14], $0x4000  }
0x40: {  	[sflag:s14] =	ssyncset.done $0x0  }
0x41: {  	[sflag:s14] =	ssyncadd.s32 $0xFFFFC000  }
0x42: {  	[spmem:s9] =	stream.linear.scatter [tilespmem:s13], [sflag:$0x5], $0x3C00, $0x38;
	[tilespmem:$0x1E400] =	vst v63  }
0x43: {  	_ =	swait.ge [sflag:s14], $0x3C00  }
0x44: {  	[sflag:s14] =	ssyncset.done $0x0  }
0x45: {  	[sflag:s14] =	ssyncadd.s32 $0xFFFFC400  }
0x46: {  	s29 =	simm.s32 $0x0;
	[bflag:$0x0] =	sbarrier.arrive $0xFFFF  }
0x47: {  	[tilespmem:s29], [sflag:$0x5] =	stream.linear.gather [hbm4b:s10+s29], $0x1400, $0x38;
	[tilespmem:$0x1E400] =	vst v63  }
0x48: {  	_ =	swait.ge [sflag:s14], $0x1400  }
0x49: {  	[sflag:s14] =	ssyncset.done $0x0  }
0x4a: {  	s29 =	simm.s32 $0x0;
	[sflag:s14] =	ssyncadd.s32 $0xFFFFEC00  }
0x4b: {  	v1 =	vld [tilespmem:s29+$0x0]  }
0x4c: {  	v7 =	vld [tilespmem:s29+$0x10]  }
0x4d: {  	v6 =	vld [tilespmem:s29+$0x20]  }
0x4e: {  	v5 =	vld [tilespmem:s29+$0x30]  }
0x4f: {  	v3 =	vld [tilespmem:s29+$0x40]  }
0x50: {  	v4 =	vld [tilespmem:s29+$0x50];
	v2 =	vand.u32 $0x1FFFF, v1  }
0x51: {  	s30 =	simm.s32 $0x200;
	v1 =	vshrl.u32 v1, $0x11;
	v8 =	vand.u32 $0x1FFFF, v7;
	[tilespmem:s29+$0x0] =	vst v2;
	v2 =	vshrl.u32 v7, $0x11;
	v7 =	vld [tilespmem:s29+$0x60]  }
.LBB2_4:
0x52: {  	p0 =	sne.s32 s30, $0x4E00;
	[tilespmem:s29+$0x10] =	vst v8;
	v8 =	vshrl.u32 v6, $0x11;
	v6 =	vand.u32 $0x1FFFF, v6;
	v9 =	vld [tilespmem:s29+$0x70]  }
0x53: {  	[tilespmem:s29+$0x20] =	vst v6;
	v6 =	vshrl.u32 v5, $0x11;
	v5 =	vand.u32 $0x1FFFF, v5  }
0x54: {  	[tilespmem:s29+$0x30] =	vst v5;
	v5 =	vshrl.u32 v3, $0x11;
	v3 =	vand.u32 $0x1FFFF, v3  }
0x55: {  	[tilespmem:s29+$0x40] =	vst v3;
	v3 =	vshrl.u32 v4, $0x11;
	v4 =	vand.u32 $0x1FFFF, v4  }
0x56: {  	[tilespmem:s29+$0x50] =	vst v4;
	v4 =	vshrl.u32 v7, $0x11;
	v7 =	vand.u32 $0x1FFFF, v7  }
0x57: {  	[tilespmem:s29+$0x60] =	vst v7;
	v7 =	vshrl.u32 v9, $0x11;
	v9 =	vand.u32 $0x1FFFF, v9  }
0x58: {  	[tilespmem:s29+$0x70] =	vst v9  }
0x59: {  	[tilespmem:s29+$0x1400] =	vst v1  }
0x5a: {  	s31 =	sshra.s32 s30, $0x2;
	[tilespmem:s29+$0x1410] =	vst v2  }
0x5b: {  	v2 =	vld [tilespmem:s31+$0x0];
	[tilespmem:s29+$0x1420] =	vst v8  }
0x5c: {  	v8 =	vld [tilespmem:s31+$0x10];
	[tilespmem:s29+$0x1430] =	vst v6  }
.Ltmp1:
0x5d: {  	v6 =	vld [tilespmem:s31+$0x20];
	[tilespmem:s29+$0x1440] =	vst v5;
	(pc) =	sbr.rel @p0 .LBB2_4-.Ltmp1, $4  }
0x5e: {  	v5 =	vld [tilespmem:s31+$0x30];
	[tilespmem:s29+$0x1450] =	vst v3  }
0x5f: {  	v3 =	vld [tilespmem:s31+$0x40];
	[tilespmem:s29+$0x1460] =	vst v4  }
0x60: {  	v1 =	vshrl.u32 v2, $0x11;
	v2 =	vand.u32 $0x1FFFF, v2;
	v4 =	vld [tilespmem:s31+$0x50];
	[tilespmem:s29+$0x1470] =	vst v7;
	s29 =	smov.u32 s31  }
0x61: {  	s30 =	sadd.s32 $0x200, s30;
	[tilespmem:s29+$0x0] =	vst v2;
	v2 =	vshrl.u32 v8, $0x11;
	v8 =	vand.u32 $0x1FFFF, v8;
	v7 =	vld [tilespmem:s29+$0x60]  }
0x62: {  	[tilespmem:s29+$0x10] =	vst v8  }
0x63: {  	[tilespmem:s29+$0x1400] =	vst v1  }
0x64: {  	v58 =	vand.u32 $0x1FFFF, v6;
	[tilespmem:s29+$0x1410] =	vst v2  }
0x65: {  	v1 =	vshrl.u32 v6, $0x11;
	[tilespmem:s29+$0x20] =	vst v58  }
0x66: {  	v59 =	vand.u32 $0x1FFFF, v5;
	[tilespmem:s29+$0x1420] =	vst v1  }
0x67: {  	v2 =	vshrl.u32 v5, $0x11;
	[tilespmem:s29+$0x30] =	vst v59  }
0x68: {  	v60 =	vand.u32 $0x1FFFF, v3;
	[tilespmem:s29+$0x1430] =	vst v2  }
0x69: {  	v9 =	vld [tilespmem:s29+$0x70];
	v1 =	vshrl.u32 v3, $0x11;
	[tilespmem:s29+$0x40] =	vst v60  }
0x6a: {  	v61 =	vand.u32 $0x1FFFF, v4;
	[tilespmem:s29+$0x1440] =	vst v1  }
0x6b: {  	v2 =	vshrl.u32 v4, $0x11;
	[tilespmem:s29+$0x50] =	vst v61  }
0x6c: {  	v62 =	vand.u32 $0x1FFFF, v7;
	[tilespmem:s29+$0x1450] =	vst v2  }
0x6d: {  	v1 =	vshrl.u32 v7, $0x11;
	[tilespmem:s29+$0x60] =	vst v62  }
0x6e: {  	v63 =	vand.u32 $0x1FFFF, v9;
	[tilespmem:s29+$0x1460] =	vst v1  }
0x6f: {  	v2 =	vshrl.u32 v9, $0x11;
	[tilespmem:s29+$0x70] =	vst v63  }
0x70: {  	[tilespmem:s29+$0x1470] =	vst v2;
	s29 =	simm.s32 $0x0  }
0x71: {  	[tilespmem:s13], [sflag:$0x1] =	stream.indirect.gather [hbm4b:s4+s15], $0x80, s29, s15, $0xb8;
	[tilespmem:$0x1E400] =	vst v63  }
0x72: {  	_ = 	snop  }
0x73: {  	[tilespmem:s16], [sflag:$0x2] =	stream.indirect.gather [hbm4b:s4+s15], $0x80, s15, s15, $0xb8;
	[tilespmem:$0x1E400] =	vst v63  }
0x74: {  	s29 =	simm.s32 $0x80  }
0x75: {  	[tilespmem:s17], [sflag:$0x3] =	stream.indirect.gather [hbm4b:s4+s15], $0x80, s29, s15, $0xb8;
	[tilespmem:$0x1E400] =	vst v63  }
0x76: {  	s29 =	simm.s32 $0xC0  }
0x77: {  	[tilespmem:s18], [sflag:$0x4] =	stream.indirect.gather [hbm4b:s4+s15], $0x80, s29, s15, $0xb8;
	[tilespmem:$0x1E400] =	vst v63  }
0x78: {  	_ =	swait.ge [sflag:s19], $0x2000  }
0x79: {  	[sflag:s19] =	ssyncset.done $0x0  }
0x7a: {  	[sflag:s19] =	ssyncadd.s32 $0xFFFFE000  }
0x7b: {  	_ =	swait.ge [sflag:s20], $0x2000  }
0x7c: {  	[sflag:s20] =	ssyncset.done $0x0  }
0x7d: {  	s29 =	simm.s32 $0x1400;
	[sflag:s20] =	ssyncadd.s32 $0xFFFFE000  }
0x7e: {  	[spmem:s2] =	stream.indirect.scatter.add.f32 [tilespmem:s13], [sflag:$0x5], $0x80, s29, s21, $0xb8;
	[tilespmem:$0x1E400] =	vst v63  }
0x7f: {  	_ =	swait.ge [sflag:s14], $0x4000  }
0x80: {  	[sflag:s14] =	ssyncset.done $0x0  }
0x81: {  	s29 =	simm.s32 $0x100;
	[sflag:s14] =	ssyncadd.s32 $0xFFFFC000  }
0x82: {  	[tilespmem:s13], [sflag:$0x1] =	stream.indirect.gather [hbm4b:s4+s15], $0x80, s29, s15, $0xb8;
	[tilespmem:$0x1E400] =	vst v63  }
0x83: {  	s29 =	simm.s32 $0x140  }
0x84: {  	[tilespmem:s16], [sflag:$0x2] =	stream.indirect.gather [hbm4b:s4+s15], $0x80, s29, s15, $0xb8;
	[tilespmem:$0x1E400] =	vst v63  }
0x85: {  	_ =	swait.ge [sflag:s22], $0x2000  }
0x86: {  	[sflag:s22] =	ssyncset.done $0x0  }
0x87: {  	[sflag:s22] =	ssyncadd.s32 $0xFFFFE000  }
0x88: {  	_ =	swait.ge [sflag:s23], $0x2000  }
0x89: {  	[sflag:s23] =	ssyncset.done $0x0  }
0x8a: {  	s29 =	simm.s32 $0x1480;
	[sflag:s23] =	ssyncadd.s32 $0xFFFFE000  }
0x8b: {  	[spmem:s2] =	stream.indirect.scatter.add.f32 [tilespmem:s17], [sflag:$0x5], $0x80, s29, s21, $0xb8;
	[tilespmem:$0x1E400] =	vst v63  }
0x8c: {  	_ =	swait.ge [sflag:s14], $0x4000  }
0x8d: {  	s30 =	simm.s32 $0x800;
	s29 =	simm.s32 $0x100;
	[sflag:s14] =	ssyncset.done $0x0  }
.LBB2_6:
0x8e: {  	s31 =	sadd.s32 $0x80, s29  }
0x8f: {  	[sflag:s14] =	ssyncadd.s32 $0xFFFFC000;
	s1 =	smov.u32 s30;
	s24 =	sadd.s32 $0x400, s30  }
0x90: {  	[tilespmem:s17], [sflag:$0x3] =	stream.indirect.gather [hbm4b:s4+s15], $0x80, s31, s15, $0xb8;
	[tilespmem:$0x1E400] =	vst v63  }
0x91: {  	p0 =	sne.s32 s30, $0x4800;
	s30 =	sadd.s32 $0xC0, s29  }
0x92: {  	[tilespmem:s18], [sflag:$0x4] =	stream.indirect.gather [hbm4b:s4+s15], $0x80, s30, s15, $0xb8;
	[tilespmem:$0x1E400] =	vst v63  }
0x93: {  	_ =	swait.ge [sflag:s19], $0x2000  }
0x94: {  	[sflag:s19] =	ssyncset.done $0x0  }
0x95: {  	[sflag:s19] =	ssyncadd.s32 $0xFFFFE000  }
0x96: {  	_ =	swait.ge [sflag:s20], $0x2000  }
0x97: {  	[sflag:s20] =	ssyncset.done $0x0  }
0x98: {  	s30 =	sadd.s32 $0x1400, s29;
	[sflag:s20] =	ssyncadd.s32 $0xFFFFE000  }
0x99: {  	[spmem:s2] =	stream.indirect.scatter.add.f32 [tilespmem:s13], [sflag:$0x5], $0x80, s30, s21, $0xb8;
	[tilespmem:$0x1E400] =	vst v63  }
0x9a: {  	_ =	swait.ge [sflag:s14], $0x4000  }
0x9b: {  	[sflag:s14] =	ssyncset.done $0x0  }
0x9c: {  	s30 =	sadd.s32 $0x100, s29;
	[sflag:s14] =	ssyncadd.s32 $0xFFFFC000  }
0x9d: {  	[tilespmem:s13], [sflag:$0x1] =	stream.indirect.gather [hbm4b:s4+s15], $0x80, s30, s15, $0xb8;
	[tilespmem:$0x1E400] =	vst v63  }
0x9e: {  	s30 =	sadd.s32 $0x140, s29  }
0x9f: {  	[tilespmem:s16], [sflag:$0x2] =	stream.indirect.gather [hbm4b:s4+s15], $0x80, s30, s15, $0xb8;
	[tilespmem:$0x1E400] =	vst v63  }
0xa0: {  	_ =	swait.ge [sflag:s22], $0x2000  }
0xa1: {  	[sflag:s22] =	ssyncset.done $0x0  }
0xa2: {  	[sflag:s22] =	ssyncadd.s32 $0xFFFFE000  }
0xa3: {  	_ =	swait.ge [sflag:s23], $0x2000  }
.Ltmp2:
0xa4: {  	[sflag:s23] =	ssyncset.done $0x0;
	(pc) =	sbr.rel @p0 .LBB2_6-.Ltmp2, $4  }
0xa5: {  	s29 =	sadd.s32 $0x1480, s29;
	[sflag:s23] =	ssyncadd.s32 $0xFFFFE000  }
0xa6: {  	[spmem:s2] =	stream.indirect.scatter.add.f32 [tilespmem:s17], [sflag:$0x5], $0x80, s29, s21, $0xb8;
	[tilespmem:$0x1E400] =	vst v63  }
0xa7: {  	_ =	swait.ge [sflag:s14], $0x4000  }
0xa8: {  	s30 =	smov.u32 s24;
	s29 =	sshra.s32 s1, $0x2;
	[sflag:s14] =	ssyncset.done $0x0  }
0xa9: {  	s1 =	sadd.s32 $0x80, s29;
	[sflag:s14] =	ssyncadd.s32 $0xFFFFC000  }
0xaa: {  	[tilespmem:s17], [sflag:$0x3] =	stream.indirect.gather [hbm4b:s4+s15], $0x80, s1, s15, $0xb8;
	[tilespmem:$0x1E400] =	vst v63  }
0xab: {  	s24 =	sadd.s32 $0xC0, s29  }
0xac: {  	[tilespmem:s18], [sflag:$0x4] =	stream.indirect.gather [hbm4b:s4+s15], $0x80, s24, s15, $0xb8;
	[tilespmem:$0x1E400] =	vst v63  }
0xad: {  	_ =	swait.ge [sflag:s19], $0x2000  }
0xae: {  	[sflag:s19] =	ssyncset.done $0x0  }
0xaf: {  	[sflag:s19] =	ssyncadd.s32 $0xFFFFE000  }
0xb0: {  	_ =	swait.ge [sflag:s20], $0x2000  }
0xb1: {  	[sflag:s20] =	ssyncset.done $0x0  }
0xb2: {  	s30 =	sadd.s32 $0x1400, s29;
	[sflag:s20] =	ssyncadd.s32 $0xFFFFE000  }
0xb3: {  	[spmem:s2] =	stream.indirect.scatter.add.f32 [tilespmem:s13], [sflag:$0x5], $0x80, s30, s21, $0xb8;
	[tilespmem:$0x1E400] =	vst v63  }
0xb4: {  	_ =	swait.ge [sflag:s14], $0x4000  }
0xb5: {  	[sflag:s14] =	ssyncset.done $0x0  }
0xb6: {  	s31 =	sadd.s32 $0x100, s29;
	[sflag:s14] =	ssyncadd.s32 $0xFFFFC000  }
0xb7: {  	[tilespmem:s13], [sflag:$0x1] =	stream.indirect.gather [hbm4b:s4+s15], $0x80, s31, s15, $0xb8;
	[tilespmem:$0x1E400] =	vst v63  }
0xb8: {  	s24 =	sadd.s32 $0x140, s29  }
0xb9: {  	[tilespmem:s16], [sflag:$0x2] =	stream.indirect.gather [hbm4b:s4+s15], $0x80, s24, s15, $0xb8;
	[tilespmem:$0x1E400] =	vst v63  }
0xba: {  	_ =	swait.ge [sflag:s22], $0x2000  }
0xbb: {  	[sflag:s22] =	ssyncset.done $0x0  }
0xbc: {  	[sflag:s22] =	ssyncadd.s32 $0xFFFFE000  }
0xbd: {  	_ =	swait.ge [sflag:s23], $0x2000  }
0xbe: {  	[sflag:s23] =	ssyncset.done $0x0  }
0xbf: {  	s29 =	sadd.s32 $0x1480, s29;
	[sflag:s23] =	ssyncadd.s32 $0xFFFFE000  }
0xc0: {  	[spmem:s2] =	stream.indirect.scatter.add.f32 [tilespmem:s17], [sflag:$0x5], $0x80, s29, s21, $0xb8;
	[tilespmem:$0x1E400] =	vst v63  }
0xc1: {  	_ =	swait.ge [sflag:s14], $0x4000  }
0xc2: {  	[sflag:s14] =	ssyncset.done $0x0  }
0xc3: {  	s30 =	simm.s32 $0x1380;
	[sflag:s14] =	ssyncadd.s32 $0xFFFFC000  }
0xc4: {  	[tilespmem:s17], [sflag:$0x3] =	stream.indirect.gather [hbm4b:s4+s15], $0x80, s30, s15, $0xb8;
	[tilespmem:$0x1E400] =	vst v63  }
0xc5: {  	_ = 	snop  }
0xc6: {  	[tilespmem:s18], [sflag:$0x4] =	stream.indirect.gather [hbm4b:s4+s15], $0x80, s25, s15, $0xb8;
	[tilespmem:$0x1E400] =	vst v63  }
0xc7: {  	_ =	swait.ge [sflag:s19], $0x2000  }
0xc8: {  	[sflag:s19] =	ssyncset.done $0x0  }
0xc9: {  	[sflag:s19] =	ssyncadd.s32 $0xFFFFE000  }
0xca: {  	_ =	swait.ge [sflag:s20], $0x2000  }
0xcb: {  	[sflag:s20] =	ssyncset.done $0x0  }
0xcc: {  	[sflag:s20] =	ssyncadd.s32 $0xFFFFE000  }
0xcd: {  	[spmem:s2] =	stream.indirect.scatter.add.f32 [tilespmem:s13], [sflag:$0x5], $0x80, s26, s21, $0xb8;
	[tilespmem:$0x1E400] =	vst v63  }
0xce: {  	_ =	swait.ge [sflag:s14], $0x4000  }
0xcf: {  	[sflag:s14] =	ssyncset.done $0x0  }
0xd0: {  	[sflag:s14] =	ssyncadd.s32 $0xFFFFC000  }
0xd1: {  	_ =	swait.ge [sflag:s22], $0x2000  }
0xd2: {  	[sflag:s22] =	ssyncset.done $0x0  }
0xd3: {  	[sflag:s22] =	ssyncadd.s32 $0xFFFFE000  }
0xd4: {  	_ =	swait.ge [sflag:s23], $0x2000  }
0xd5: {  	[sflag:s23] =	ssyncset.done $0x0  }
0xd6: {  	[sflag:s23] =	ssyncadd.s32 $0xFFFFE000  }
0xd7: {  	[spmem:s2] =	stream.indirect.scatter.add.f32 [tilespmem:s17], [sflag:$0x5], $0x80, s28, s21, $0xb8;
	[tilespmem:$0x1E400] =	vst v63  }
0xd8: {  	_ =	swait.ge [sflag:s14], $0x4000  }
0xd9: {  	s3 =	sadd.s32 $0x1, s3;
	s31 =	sshll.u32 s0, $0x6;
	[sflag:s14] =	ssyncset.done $0x0  }
0xda: {  	p0 =	sne.s32 s3, s12;
	s1 =	sor.u32 $0x1C05, s31;
	[sflag:s14] =	ssyncadd.s32 $0xFFFFC000  }
.Ltmp3:
0xdb: {  	s24 =	sshrl.u32 s5, $0x3;
	[bflag:$0x0] =	sbarrier.arrive $0xFFFF;
	(pc) =	sbr.rel @p0 .LBB2_1-.Ltmp3, $4  }
0xdc: {  	[hbm:s11], [sflag:s1] =	dma.local [spmem:s24], $0x2780  }
0xdd: {  	_ =	swait.ge [sflag:s14], $0x2780  }
0xde: {  	[sflag:s14] =	ssyncset.done $0x0  }
0xdf: {  	[sflag:s14] =	ssyncadd.s32 $0xFFFFD880  }
0xe0: {  	_ =	sfence.sel $0x180000  }
0xe1: {  	[bflag:$0x0] =	sbarrier.arrive $0xFFFF  }
0xe2: {  	_ =	strace $0x9000004D  }
0xe3: {  	[bflag:$0x2] =	sbarrier.arrive $0xFFFF  }
0xe4: {  	p0 =	sne.s32 s0, $0x0;
	s0 =	rddreg [dreg:$0x2]  }
0xe5: {  	s0 =	sadd.s32 @!p0 $0x100000, s0  }
0xe6: {  	[sflag:s0] =	ssyncadd.tile.s32 @!p0 $0x1;
	_ =	shalt  }
.Lfunc_end2:
_tile_overlayer_lowered:
.L_overlay_start_2:
0xe7: {  	(tag) =	ssettag $0x2  }
0xe8: {  	s0 =	rddreg [dreg:$0x0];
	s2 =	stileid.u32  }
0xe9: {  	s1 =	rddreg [dreg:$0x1];
	p0 =	sne.s32 s2, $0x0  }
0xea: {  	s3 =	rddreg [dreg:$0x2];
	[bflag:$0x3] =	sbarrier.arrive $0xFFFF;
	s2 =	simm.s32 @!p0 $0x1C05  }
0xeb: {  	[timem:s3], [sflag:s2] =	dma.local @!p0 [hbm:s0], s1  }
0xec: {  	s0 =	simm.s32 @!p0 $0x5  }
0xed: {  	_ =	swait.ge @!p0 [sflag:s0], s1  }
0xee: {  	s1 =	ssub.s32 @!p0 $0x0, s1;
	[sflag:s0] =	ssyncset.done @!p0 $0x0  }
0xef: {  	[sflag:s0] =	ssyncadd.s32 @!p0 s1  }
0xf0: {  	[bflag:$0x3] =	sbarrier.arrive $0xFFFF  }
0xf1: {  	_ =	shalt  }

// kernel: rgcn_deg_pass.3.cloned.1.call-start
scs
__scs_entry_jumppad:
0x0: {  	(pc) =	sbr.rel $0x88, $3  }
0x1: {  	(tag) =	ssettag $0x0;
	lr =	simm.s32 $0x1  }
0x2: {  	[smem:$0x3F8D] =	sst lr;
	_ =	strace $0xD0000000  }
0x3: {  	_ = 	snop  }
0x4: {  	_ = 	snop  }
0x5: {  	_ = 	snop  }
0x6: {  	_ = 	snop  }
0x7: {  	_ = 	snop  }
__scs_overlays_trampoline_lowered:
0x8: {  	[smem:$0x3F9C] =	sst s0  }
0x9: {  	[smem:$0x3F9D] =	sst s1  }
0xa: {  	[smem:$0x3F9E] =	sst s2  }
0xb: {  	[smem:$0x3F9F] =	sst s3  }
0xc: {  	[smem:$0x3FA0] =	sst s4  }
0xd: {  	[smem:$0x3FA1] =	sst s5  }
0xe: {  	[smem:$0x3FA2] =	sst s6  }
0xf: {  	[smem:$0x3FA3] =	sst s7  }
0x10: {  	[smem:$0x3FA4] =	sst s8  }
0x11: {  	[smem:$0x3FA5] =	sst s9;
	s0 =	simm.s32 @!p0 $0x0  }
0x12: {  	s1 =	sld [smem:$0x3F8B];
	s0 =	simm.s32 @p0 $0x1  }
0x13: {  	[smem:$0x3FA6] =	sst s0;
	s0 =	simm.s32 @!p1 $0x0  }
0x14: {  	s2 =	sld [smem:$0x3F8A];
	s0 =	simm.s32 @p1 $0x1  }
0x15: {  	[smem:$0x3FA7] =	sst s0;
	s0 =	simm.s32 @!p2 $0x0  }
0x16: {  	s3 =	sld [smem:$0x3FDB];
	s0 =	simm.s32 @p2 $0x1  }
0x17: {  	s4 =	simm.s32 $0x1BF5;
	[smem:$0x3FA9] =	sst s0  }
0x18: {  	s0 =	sld [smem:$0x3F8C];
	_ =	swait.ge [sflag:s4], $0x0  }
0x19: {  	s7 =	sld [smem:$0x3F8D]  }
0x1a: {  	s8 =	sadd.s32 $0xFFFFE003, lr  }
0x1b: {  	s9 =	sadd.s32 $0xFFFFFEF7, lr;
	s5 =	simm.s32 $0xFFFFFFFF;
	p2 =	slt.u32 s8, $0xFFFFF086  }
0x1c: {  	p1 =	slt.u32 s9, $0xF7A;
	s5 =	simm.s32 @!p2 $0x0  }
0x1d: {  	s5 =	simm.s32 @p1 $0x1;
	p0 =	seq.s32 s7, s2  }
0x1e: {  	s7 =	smul.u32 @!p0 $0xF7A, s2;
	p2 =	seq.s32 @!p0 s5, $0x0  }
0x1f: {  	s9 =	smul.u32 $0xF7A, s1;
	s8 =	simm.s32 @!p0 $0x1BF5;
	p2 =	por !p2, p0  }
0x20: {  	[sflag:s8] =	ssyncset.s32 @!p0 $0xFFFFF086;
	s6 =	sadd.s32 @!p0 s3, s7;
	s7 =	simm.s32 @!p0 $0x108  }
0x21: {  	s3 =	sadd.s32 s3, s9;
	s6 =	sadd.s32 @!p0 $0x88, s6;
	s7 =	simm.s32 @p2 $0x1082  }
0x22: {  	[simem:s7], [sflag:s8] =	dma.local @!p0 [hbm:s6], $0xF7A  }
0x23: {  	s9 =	sor.u32 $0xD0000000, s2;
	s6 =	simm.s32 $0x108;
	_ =	swait.ge @!p0 [sflag:s8], $0x0  }
0x24: {  	s3 =	sadd.s32 $0x88, s3;
	s6 =	simm.s32 @!p1 $0x1082;
	[sflag:s4] =	ssyncset.s32 $0xFFFFF086  }
0x25: {  	[simem:s6], [sflag:s4] =	dma.local [hbm:s3], $0xF7A  }
0x26: {  	[smem:$0x3F8D] =	sst s1;
	(tag) =	ssettag s2;
	_ =	strace s9  }
0x27: {  	s1 =	sld [smem:$0x3F9D]  }
0x28: {  	s2 =	sld [smem:$0x3F9E]  }
0x29: {  	s4 =	sld [smem:$0x3FA0]  }
0x2a: {  	p0 =	seq.s32 s5, $0x0;
	s5 =	sld [smem:$0x3FA1]  }
0x2b: {  	s6 =	sld [smem:$0x3FA2]  }
0x2c: {  	s7 =	sld [smem:$0x3FA3]  }
0x2d: {  	s3 =	simm.s32 $0x108;
	s8 =	sld [smem:$0x3FA4]  }
0x2e: {  	s3 =	simm.s32 @!p0 $0x1082;
	s9 =	sld [smem:$0x3FA5]  }
0x2f: {  	lr =	sadd.s32 s0, s3;
	s0 =	sld [smem:$0x3F9C]  }
0x30: {  	s3 =	sld [smem:$0x3F9F]  }
0x31: {  	[smem:$0x3FA8] =	sst s10  }
0x32: {  	s10 =	sld [smem:$0x3FA6];
	_ =	sdelay $0x3  }
0x33: {  	p0 =	seq.s32 s10, $0x1;
	s10 =	sld [smem:$0x3FA8];
	_ =	sdelay $0x3  }
0x34: {  	[smem:$0x3FA8] =	sst s10  }
0x35: {  	s10 =	sld [smem:$0x3FA7];
	_ =	sdelay $0x3  }
0x36: {  	p1 =	seq.s32 s10, $0x1;
	s10 =	sld [smem:$0x3FA8];
	_ =	sdelay $0x3  }
0x37: {  	[smem:$0x3FA8] =	sst s10  }
0x38: {  	s10 =	sld [smem:$0x3FA9]  }
0x39: {  	_ = 	snop;
	(pc) =	sbr.ind lr, $3  }
0x3a: {  	_ = 	snop  }
0x3b: {  	_ = 	snop  }
0x3c: {  	p2 =	seq.s32 s10, $0x1;
	s10 =	sld [smem:$0x3FA8]  }
0x3d: {  	_ =	shalt  }
0x3e: {  	_ =	shalt  }
0x3f: {  	_ =	shalt  }
0x40: {  	_ =	shalt  }
0x41: {  	_ =	shalt  }
0x42: {  	_ =	shalt  }
0x43: {  	_ =	shalt  }
0x44: {  	_ =	shalt  }
0x45: {  	_ =	shalt  }
0x46: {  	_ =	shalt  }
0x47: {  	_ =	shalt  }
0x48: {  	_ =	shalt  }
0x49: {  	_ =	shalt  }
0x4a: {  	_ =	shalt  }
0x4b: {  	_ =	shalt  }
0x4c: {  	_ =	shalt  }
0x4d: {  	_ =	shalt  }
0x4e: {  	_ =	shalt  }
0x4f: {  	_ =	shalt  }
0x50: {  	_ =	shalt  }
0x51: {  	_ =	shalt  }
0x52: {  	_ =	shalt  }
0x53: {  	_ =	shalt  }
0x54: {  	_ =	shalt  }
0x55: {  	_ =	shalt  }
0x56: {  	_ =	shalt  }
0x57: {  	_ =	shalt  }
0x58: {  	_ =	shalt  }
0x59: {  	_ =	shalt  }
0x5a: {  	_ =	shalt  }
0x5b: {  	_ =	shalt  }
0x5c: {  	_ =	shalt  }
0x5d: {  	_ =	shalt  }
0x5e: {  	_ =	shalt  }
0x5f: {  	_ =	shalt  }
0x60: {  	_ =	shalt  }
0x61: {  	_ =	shalt  }
0x62: {  	_ =	shalt  }
0x63: {  	_ =	shalt  }
0x64: {  	_ =	shalt  }
0x65: {  	_ =	shalt  }
0x66: {  	_ =	shalt  }
0x67: {  	_ =	shalt  }
0x68: {  	_ =	shalt  }
0x69: {  	_ =	shalt  }
0x6a: {  	_ =	shalt  }
0x6b: {  	_ =	shalt  }
0x6c: {  	_ =	shalt  }
0x6d: {  	_ =	shalt  }
0x6e: {  	_ =	shalt  }
0x6f: {  	_ =	shalt  }
0x70: {  	_ =	shalt  }
0x71: {  	_ =	shalt  }
0x72: {  	_ =	shalt  }
0x73: {  	_ =	shalt  }
0x74: {  	_ =	shalt  }
0x75: {  	_ =	shalt  }
0x76: {  	_ =	shalt  }
0x77: {  	_ =	shalt  }
0x78: {  	_ =	shalt  }
0x79: {  	_ =	shalt  }
0x7a: {  	_ =	shalt  }
0x7b: {  	_ =	shalt  }
0x7c: {  	_ =	shalt  }
0x7d: {  	_ =	shalt  }
0x7e: {  	_ =	shalt  }
0x7f: {  	_ =	shalt  }
0x80: {  	_ =	shalt  }
0x81: {  	_ =	shalt  }
0x82: {  	_ =	shalt  }
0x83: {  	_ =	shalt  }
0x84: {  	_ =	shalt  }
0x85: {  	_ =	shalt  }
0x86: {  	_ =	shalt  }
0x87: {  	_ =	shalt  }
.Lfunc_end0:
.L_simem_size_0:
called_computation_lowered:
.L_overlay_start_0:
0x88: {  	s2 =	sld [smem:$0x3FD9]  }
0x89: {  	s3 =	sld [smem:$0x3FFE];
	_ =	sdelay $0x1  }
0x8a: {  	s1 =	srdreg.scid  }
0x8b: {  	s0 =	sand.u32 $0x1, s1  }
0x8c: {  	s16 =	sshll.u32 s0, $0xA;
	s2 =	sadd.s32 s3, s2  }
0x8d: {  	s2 =	sadd.s32 s2, s16  }
0x8e: {  	[smem:$0x3FB4] =	sst s2  }
0x8f: {  	_ = 	snop  }
0x90: {  	(tm) =	ssettm $0x1  }
0x91: {  	s17 =	sld [smem:$0x3FFB];
	_ =	sdelay $0x3  }
0x92: {  	_ =	strace s17  }
0x93: {  	s2 =	sld [smem:$0x3FFC];
	_ =	sdelay $0x3  }
0x94: {  	_ =	strace s2  }
0x95: {  	s2 =	sld [smem:$0x3FFD];
	_ =	sdelay $0x3  }
0x96: {  	_ =	strace s2  }
0x97: {  	_ =	strace $0x8FFFFFFF  }
0x98: {  	s18 =	sld [smem:$0x3FDB];
	_ =	sdelay $0x1  }
0x99: {  	s19 =	simm.s32 $_scs_section_size  }
0x9a: {  	s4 =	simm.s32 $_size__tile_overlayer_lowered;
	s5 =	simm.s32 $_tile_overlayer_lowered  }
0x9b: {  	s22 =	simm.s32 $0x1BFF;
	s21 =	sshll.u32 s5, $0x1;
	s2 =	sadd.s32 s19, s18  }
0x9c: {  	s6 =	simm.s32 $0x0;
	s20 =	sshll.u32 s4, $0x1;
	s4 =	sadd.s32 s21, s2  }
0x9d: {  	[timem:s6], [sflag:s22] =	dma.local [hbm:s4], s20  }
0x9e: {  	_ =	swait.ge [sflag:s22], s20  }
0x9f: {  	s3 =	ssub.s32 $0x0, s20;
	[sflag:s22] =	ssyncset.done $0x0  }
0xa0: {  	[sflag:s22] =	ssyncadd.s32 s3;
	_ =	sdelay $0x1  }
0xa1: {  	s23 =	simm.s32 $0x1B8B  }
0xa2: {  	_ =	swait.ge [sflag:s23], $0x1  }
0xa3: {  	[sflag:s23] =	ssyncset.done $0x0  }
0xa4: {  	s25 =	simm.s32 $0x1B8E;
	s24 =	sld [smem:$0x3FFE];
	[sflag:s23] =	ssyncadd.s32 $0xFFFFFFFF  }
0xa5: {  	s26 =	simm.s32 $execute0_lowered;
	[smem:$0x3FD2] =	sst s25  }
0xa6: {  	s4 =	sshll.u32 s26, $0x1;
	_ =	strace $0x80000046;
	[dreg:$0x1] =	wrdreg $0xFFFFFFFF  }
0xa7: {  	s28 =	simm.s32 $_size_execute0_lowered;
	s2 =	sadd.s32 s2, s4;
	[dreg:$0x0] =	wrdreg $0x0  }
0xa8: {  	s4 =	sshll.u32 s28, $0x1;
	[dreg:$0x2] =	wrdreg s2  }
0xa9: {  	[dreg:$0x3] =	wrdreg s4  }
0xaa: {  	[dreg:$0x4] =	wrdreg $0xC0  }
0xab: {  	_ =	task [dreg:s6], $0x5FFFF  }
0xac: {  	[dreg:$0x1] =	wrdreg $0xFFFFFFFF  }
0xad: {  	[dreg:$0x0] =	wrdreg $0x60  }
0xae: {  	[dreg:$0x2] =	wrdreg s24  }
0xaf: {  	[dreg:$0x3] =	wrdreg $0x54000  }
0xb0: {  	[dreg:$0x4] =	wrdreg $0x9  }
0xb1: {  	_ =	task.clear_ibuf [dreg:s6], $0x5FFFF;
	_ =	strace $0x90000046  }
0xb2: {  	s29 =	simm.s32 $0x9;
	_ =	strace $0x80000048  }
0xb3: {  	_ =	swait.ge [sflag:s29], $0x1  }
0xb4: {  	[sflag:s29] =	ssyncadd.s32 $0xFFFFFFFF  }
0xb5: {  	_ =	strace $0x90000048  }
0xb6: {  	_ =	sfence  }
0xb7: {  	s30 =	sld [smem:$0x0];
	_ =	sdelay $0x2  }
0xb8: {  	s31 =	sshll.u32 s1, $0xD;
	s1 =	sshrl.u32 s1, $0x2  }
0xb9: {  	s3 =	sand.u32 $0x4000, s31;
	s1 =	sadd.s32 s1, s30  }
0xba: {  	s0 =	sor.u32 s3, s0;
	s1 =	sshll.u32 s1, $0x11  }
0xbb: {  	s0 =	sor.u32 s1, s0  }
0xbc: {  	s0 =	sadd.s32 $0x8F2B, s0  }
0xbd: {  	[sflag:s0] =	ssyncadd.remote.s32 $0x1  }
0xbe: {  	_ =	sfence.sel $0xFFFF  }
0xbf: {  	[dreg:$0x0] =	wrdreg $0xFFFFFFFF;
	(pc) =	sbr.abs _section_cstart, $3  }
0xc0: {  	[dreg:$0x1] =	wrdreg $0xFFFFFFFF  }
0xc1: {  	_ =	task.clear_ibuf [dreg:s6], $0x2FFFF;
	_ =	strace $0x9FFFFFFF  }
0xc2: {  	(tm) =	ssettm $0x7FFFFFFF  }
0xc3: {  	_ =	shalt  }
tec
execute0_lowered:
.L_overlay_start_1:
0x0: {  	(tag) =	ssettag $0x1  }
0x1: {  	s0 =	srdreg.scid;
	s5 =	rddreg [dreg:$0x0]  }
0x2: {  	s2 =	rddreg [dreg:$0x1];
	s4 =	sand.u32 $0x1, s0  }
0x3: {  	s3 =	simm.s32 $0x0;
	s0 =	stileid.u32;
	s7 =	smul.u32 $0x13C000, s4  }
0x4: {  	s13 =	simm.s32 $0x1;
	s14 =	simm.s32 $0x80;
	s8 =	smul.u32 $0x13C00, s0  }
0x5: {  	[smem:$0x7FF] =	sst s3;
	s1 =	sshll.u32 s4, $0x4;
	s9 =	smul.u32 $0x4F000, s0  }
0x6: {  	s29 =	ssub.s32 $0x2, s4;
	s15 =	sshll.u32 s0, $0x6;
	s1 =	sor.u32 s0, s1  }
0x7: {  	s31 =	sshrl.u32 s29, $0x1;
	s15 =	sor.u32 $0x1C01, s15;
	s6 =	smul.u32 $0x280, s1  }
0x8: {  	s1 =	rddreg [dreg:$0x2];
	_ =	strace $0x80000047;
	s30 =	sshrl.u32 s9, $0x2  }
0x9: {  	s28 =	sadd.s32 s8, s7;
	s12 =	ssub.s32 s29, s31;
	s4 =	sadd.s32 s30, s2  }
0xa: {  	s10 =	sadd.s32 s6, s5;
	s6 =	sshrl.u32 s28, $0x3;
	s7 =	sadd.s32 $0xC000, s4  }
0xb: {  	s8 =	sadd.s32 $0x10000, s4;
	s16 =	sshrl.u32 s4, $0x3;
	s11 =	sadd.s32 s6, s5  }
0xc: {  	s5 =	sadd.s32 $0x4000, s4;
	s6 =	sadd.s32 $0x8000, s4;
	s9 =	sadd.s32 $0x4000, s10  }
0xd: {  	v0 =	vimm.f32 $0.0e+00;
	v1 =	vimm.f32 $1.000000000e+00;
	s10 =	sadd.s32 $0xE000, s11;
	s11 =	smax.u32 s12, $0x1;
	s12 =	simm.s32 $0x1400  }
.LBB2_1:
0xe: {  	s17 =	simm.s32 $0x0;
	s18 =	simm.s32 $0x200  }
.LBB2_2:
0xf: {  	p0 =	sne.s32 s18, $0xFE00;
	[tilespmem:s17+$0x1470] =	vst v0  }
0x10: {  	[tilespmem:s17+$0x1400] =	vst v0  }
0x11: {  	[tilespmem:s17+$0x1410] =	vst v0  }
.Ltmp0:
0x12: {  	[tilespmem:s17+$0x1420] =	vst v0;
	(pc) =	sbr.rel @p0 .LBB2_2-.Ltmp0, $4  }
0x13: {  	[tilespmem:s17+$0x1430] =	vst v0  }
0x14: {  	[tilespmem:s17+$0x1440] =	vst v0  }
0x15: {  	[tilespmem:s17+$0x1450] =	vst v0  }
0x16: {  	[tilespmem:s17+$0x1460] =	vst v0;
	s17 =	sshra.s32 s18, $0x2;
	s18 =	sadd.s32 $0x200, s18  }
0x17: {  	[tilespmem:s17+$0x1470] =	vst v0  }
0x18: {  	[tilespmem:s17+$0x1400] =	vst v0  }
0x19: {  	[tilespmem:s17+$0x1410] =	vst v0  }
0x1a: {  	[tilespmem:s17+$0x1420] =	vst v0  }
0x1b: {  	[tilespmem:s17+$0x1430] =	vst v0  }
0x1c: {  	[tilespmem:s17+$0x1440] =	vst v0  }
0x1d: {  	[tilespmem:s17+$0x1450] =	vst v0  }
0x1e: {  	[tilespmem:s17+$0x1460] =	vst v0  }
0x1f: {  	[spmem:s4] =	stream.linear.scatter [tilespmem:s12], [sflag:$0x1], $0x4000, $0x38;
	[tilespmem:$0x19000] =	vst v63  }
0x20: {  	_ =	swait.ge [sflag:s13], $0x4000  }
0x21: {  	[sflag:s13] =	ssyncset.done $0x0  }
0x22: {  	[sflag:s13] =	ssyncadd.s32 $0xFFFFC000  }
0x23: {  	[spmem:s5] =	stream.linear.scatter [tilespmem:s12], [sflag:$0x1], $0x4000, $0x38;
	[tilespmem:$0x19000] =	vst v63  }
0x24: {  	_ =	swait.ge [sflag:s13], $0x4000  }
0x25: {  	[sflag:s13] =	ssyncset.done $0x0  }
0x26: {  	[sflag:s13] =	ssyncadd.s32 $0xFFFFC000  }
0x27: {  	[spmem:s6] =	stream.linear.scatter [tilespmem:s12], [sflag:$0x1], $0x4000, $0x38;
	[tilespmem:$0x19000] =	vst v63  }
0x28: {  	_ =	swait.ge [sflag:s13], $0x4000  }
0x29: {  	[sflag:s13] =	ssyncset.done $0x0  }
0x2a: {  	[sflag:s13] =	ssyncadd.s32 $0xFFFFC000  }
0x2b: {  	[spmem:s7] =	stream.linear.scatter [tilespmem:s12], [sflag:$0x1], $0x4000, $0x38;
	[tilespmem:$0x19000] =	vst v63  }
0x2c: {  	_ =	swait.ge [sflag:s13], $0x4000  }
0x2d: {  	[sflag:s13] =	ssyncset.done $0x0  }
0x2e: {  	[sflag:s13] =	ssyncadd.s32 $0xFFFFC000  }
0x2f: {  	[spmem:s8] =	stream.linear.scatter [tilespmem:s12], [sflag:$0x1], $0x3C00, $0x38;
	[tilespmem:$0x19000] =	vst v63  }
0x30: {  	_ =	swait.ge [sflag:s13], $0x3C00  }
0x31: {  	[sflag:s13] =	ssyncset.done $0x0  }
0x32: {  	[sflag:s13] =	ssyncadd.s32 $0xFFFFC400  }
0x33: {  	s17 =	simm.s32 $0x0;
	s18 =	simm.s32 $0x200;
	[bflag:$0x0] =	sbarrier.arrive $0xFFFF  }
.LBB2_4:
0x34: {  	p0 =	sne.s32 s18, $0xFE00;
	[tilespmem:s17+$0x1470] =	vst v1  }
0x35: {  	[tilespmem:s17+$0x1400] =	vst v1  }
0x36: {  	[tilespmem:s17+$0x1410] =	vst v1  }
.Ltmp1:
0x37: {  	[tilespmem:s17+$0x1420] =	vst v1;
	(pc) =	sbr.rel @p0 .LBB2_4-.Ltmp1, $4  }
0x38: {  	[tilespmem:s17+$0x1430] =	vst v1  }
0x39: {  	[tilespmem:s17+$0x1440] =	vst v1  }
0x3a: {  	[tilespmem:s17+$0x1450] =	vst v1  }
0x3b: {  	[tilespmem:s17+$0x1460] =	vst v1;
	s17 =	sshra.s32 s18, $0x2;
	s18 =	sadd.s32 $0x200, s18  }
0x3c: {  	[tilespmem:s17+$0x1470] =	vst v1  }
0x3d: {  	[tilespmem:s17+$0x1400] =	vst v1  }
0x3e: {  	[tilespmem:s17+$0x1410] =	vst v1  }
0x3f: {  	[tilespmem:s17+$0x1420] =	vst v1  }
0x40: {  	[tilespmem:s17+$0x1430] =	vst v1  }
0x41: {  	[tilespmem:s17+$0x1440] =	vst v1  }
0x42: {  	[tilespmem:s17+$0x1450] =	vst v1  }
0x43: {  	[tilespmem:s17+$0x1460] =	vst v1;
	s30 =	simm.s32 $0x0  }
0x44: {  	[tilespmem:s30], [sflag:$0x1] =	stream.linear.gather [hbm4b:s9+s30], $0x1400, $0x38;
	[tilespmem:$0x19000] =	vst v63  }
0x45: {  	_ =	swait.ge [sflag:s13], $0x1400  }
0x46: {  	[sflag:s13] =	ssyncset.done $0x0  }
0x47: {  	s31 =	simm.s32 $0x0;
	[sflag:s13] =	ssyncadd.s32 $0xFFFFEC00  }
0x48: {  	[spmem:s2] =	stream.indirect.scatter.add.f32 [tilespmem:s12], [sflag:$0x1], $0x80, s31, s14, $0xb8;
	[tilespmem:$0x19000] =	vst v63  }
0x49: {  	_ =	swait.ge [sflag:s13], $0x4000  }
0x4a: {  	s17 =	simm.s32 $0x200;
	[sflag:s13] =	ssyncset.done $0x0  }
.LBB2_6:
0x4b: {  	s18 =	sshra.s32 s17, $0x2;
	[sflag:s13] =	ssyncadd.s32 $0xFFFFC000;
	p0 =	sne.s32 s17, $0x4E00  }
0x4c: {  	[spmem:s2] =	stream.indirect.scatter.add.f32 [tilespmem:s12], [sflag:$0x1], $0x80, s18, s14, $0xb8;
	[tilespmem:$0x19000] =	vst v63  }
.Ltmp2:
0x4d: {  	_ = 	snop;
	(pc) =	sbr.rel @p0 .LBB2_6-.Ltmp2, $4  }
0x4e: {  	_ = 	snop  }
0x4f: {  	s17 =	sadd.s32 $0x200, s17  }
0x50: {  	_ =	swait.ge [sflag:s13], $0x4000  }
0x51: {  	[sflag:s13] =	ssyncset.done $0x0  }
0x52: {  	s3 =	sadd.s32 $0x1, s3  }
0x53: {  	[sflag:s13] =	ssyncadd.s32 $0xFFFFC000;
	p0 =	sne.s32 s3, s11  }
.Ltmp3:
0x54: {  	[bflag:$0x0] =	sbarrier.arrive $0xFFFF;
	(pc) =	sbr.rel @p0 .LBB2_1-.Ltmp3, $4  }
0x55: {  	[hbm:s10], [sflag:s15] =	dma.local [spmem:s16], $0x2780  }
0x56: {  	_ =	swait.ge [sflag:s13], $0x2780  }
0x57: {  	[sflag:s13] =	ssyncset.done $0x0  }
0x58: {  	[sflag:s13] =	ssyncadd.s32 $0xFFFFD880  }
0x59: {  	_ =	sfence.sel $0x180000  }
0x5a: {  	[bflag:$0x0] =	sbarrier.arrive $0xFFFF  }
0x5b: {  	p0 =	sne.s32 s0, $0x0;
	_ =	strace $0x90000047  }
0x5c: {  	s0 =	sadd.s32 @!p0 $0x100000, s1;
	[bflag:$0x2] =	sbarrier.arrive $0xFFFF  }
0x5d: {  	[sflag:s0] =	ssyncadd.tile.s32 @!p0 $0x1;
	_ =	shalt  }
.Lfunc_end2:
_tile_overlayer_lowered:
.L_overlay_start_2:
0x5e: {  	(tag) =	ssettag $0x2  }
0x5f: {  	s0 =	rddreg [dreg:$0x0];
	s2 =	stileid.u32  }
0x60: {  	s1 =	rddreg [dreg:$0x1];
	p0 =	sne.s32 s2, $0x0  }
0x61: {  	s3 =	rddreg [dreg:$0x2];
	[bflag:$0x3] =	sbarrier.arrive $0xFFFF;
	s2 =	simm.s32 @!p0 $0x1C01  }
0x62: {  	[timem:s3], [sflag:s2] =	dma.local @!p0 [hbm:s0], s1  }
0x63: {  	s0 =	simm.s32 @!p0 $0x1  }
0x64: {  	_ =	swait.ge @!p0 [sflag:s0], s1  }
0x65: {  	s1 =	ssub.s32 @!p0 $0x0, s1;
	[sflag:s0] =	ssyncset.done @!p0 $0x0  }
0x66: {  	[sflag:s0] =	ssyncadd.s32 @!p0 s1  }
0x67: {  	[bflag:$0x3] =	sbarrier.arrive $0xFFFF  }
0x68: {  	_ =	shalt  }

// kernel: rgcn_score_gather.3.cloned.1.call-start
scs
__scs_entry_jumppad:
0x0: {  	(pc) =	sbr.rel $0x88, $3  }
0x1: {  	(tag) =	ssettag $0x0;
	lr =	simm.s32 $0x1  }
0x2: {  	[smem:$0x3F8D] =	sst lr;
	_ =	strace $0xD0000000  }
0x3: {  	_ = 	snop  }
0x4: {  	_ = 	snop  }
0x5: {  	_ = 	snop  }
0x6: {  	_ = 	snop  }
0x7: {  	_ = 	snop  }
__scs_overlays_trampoline_lowered:
0x8: {  	[smem:$0x3F9C] =	sst s0  }
0x9: {  	[smem:$0x3F9D] =	sst s1  }
0xa: {  	[smem:$0x3F9E] =	sst s2  }
0xb: {  	[smem:$0x3F9F] =	sst s3  }
0xc: {  	[smem:$0x3FA0] =	sst s4  }
0xd: {  	[smem:$0x3FA1] =	sst s5  }
0xe: {  	[smem:$0x3FA2] =	sst s6  }
0xf: {  	[smem:$0x3FA3] =	sst s7  }
0x10: {  	[smem:$0x3FA4] =	sst s8  }
0x11: {  	[smem:$0x3FA5] =	sst s9;
	s0 =	simm.s32 @!p0 $0x0  }
0x12: {  	s1 =	sld [smem:$0x3F8B];
	s0 =	simm.s32 @p0 $0x1  }
0x13: {  	[smem:$0x3FA6] =	sst s0;
	s0 =	simm.s32 @!p1 $0x0  }
0x14: {  	s2 =	sld [smem:$0x3F8A];
	s0 =	simm.s32 @p1 $0x1  }
0x15: {  	[smem:$0x3FA7] =	sst s0;
	s0 =	simm.s32 @!p2 $0x0  }
0x16: {  	s3 =	sld [smem:$0x3FDB];
	s0 =	simm.s32 @p2 $0x1  }
0x17: {  	s4 =	simm.s32 $0x1BF5;
	[smem:$0x3FA9] =	sst s0  }
0x18: {  	s0 =	sld [smem:$0x3F8C];
	_ =	swait.ge [sflag:s4], $0x0  }
0x19: {  	s7 =	sld [smem:$0x3F8D]  }
0x1a: {  	s8 =	sadd.s32 $0xFFFFE003, lr  }
0x1b: {  	s9 =	sadd.s32 $0xFFFFFEF7, lr;
	s5 =	simm.s32 $0xFFFFFFFF;
	p2 =	slt.u32 s8, $0xFFFFF086  }
0x1c: {  	p1 =	slt.u32 s9, $0xF7A;
	s5 =	simm.s32 @!p2 $0x0  }
0x1d: {  	s5 =	simm.s32 @p1 $0x1;
	p0 =	seq.s32 s7, s2  }
0x1e: {  	s7 =	smul.u32 @!p0 $0xF7A, s2;
	p2 =	seq.s32 @!p0 s5, $0x0  }
0x1f: {  	s9 =	smul.u32 $0xF7A, s1;
	s8 =	simm.s32 @!p0 $0x1BF5;
	p2 =	por !p2, p0  }
0x20: {  	[sflag:s8] =	ssyncset.s32 @!p0 $0xFFFFF086;
	s6 =	sadd.s32 @!p0 s3, s7;
	s7 =	simm.s32 @!p0 $0x108  }
0x21: {  	s3 =	sadd.s32 s3, s9;
	s6 =	sadd.s32 @!p0 $0x88, s6;
	s7 =	simm.s32 @p2 $0x1082  }
0x22: {  	[simem:s7], [sflag:s8] =	dma.local @!p0 [hbm:s6], $0xF7A  }
0x23: {  	s9 =	sor.u32 $0xD0000000, s2;
	s6 =	simm.s32 $0x108;
	_ =	swait.ge @!p0 [sflag:s8], $0x0  }
0x24: {  	s3 =	sadd.s32 $0x88, s3;
	s6 =	simm.s32 @!p1 $0x1082;
	[sflag:s4] =	ssyncset.s32 $0xFFFFF086  }
0x25: {  	[simem:s6], [sflag:s4] =	dma.local [hbm:s3], $0xF7A  }
0x26: {  	[smem:$0x3F8D] =	sst s1;
	(tag) =	ssettag s2;
	_ =	strace s9  }
0x27: {  	s1 =	sld [smem:$0x3F9D]  }
0x28: {  	s2 =	sld [smem:$0x3F9E]  }
0x29: {  	s4 =	sld [smem:$0x3FA0]  }
0x2a: {  	p0 =	seq.s32 s5, $0x0;
	s5 =	sld [smem:$0x3FA1]  }
0x2b: {  	s6 =	sld [smem:$0x3FA2]  }
0x2c: {  	s7 =	sld [smem:$0x3FA3]  }
0x2d: {  	s3 =	simm.s32 $0x108;
	s8 =	sld [smem:$0x3FA4]  }
0x2e: {  	s3 =	simm.s32 @!p0 $0x1082;
	s9 =	sld [smem:$0x3FA5]  }
0x2f: {  	lr =	sadd.s32 s0, s3;
	s0 =	sld [smem:$0x3F9C]  }
0x30: {  	s3 =	sld [smem:$0x3F9F]  }
0x31: {  	[smem:$0x3FA8] =	sst s10  }
0x32: {  	s10 =	sld [smem:$0x3FA6];
	_ =	sdelay $0x3  }
0x33: {  	p0 =	seq.s32 s10, $0x1;
	s10 =	sld [smem:$0x3FA8];
	_ =	sdelay $0x3  }
0x34: {  	[smem:$0x3FA8] =	sst s10  }
0x35: {  	s10 =	sld [smem:$0x3FA7];
	_ =	sdelay $0x3  }
0x36: {  	p1 =	seq.s32 s10, $0x1;
	s10 =	sld [smem:$0x3FA8];
	_ =	sdelay $0x3  }
0x37: {  	[smem:$0x3FA8] =	sst s10  }
0x38: {  	s10 =	sld [smem:$0x3FA9]  }
0x39: {  	_ = 	snop;
	(pc) =	sbr.ind lr, $3  }
0x3a: {  	_ = 	snop  }
0x3b: {  	_ = 	snop  }
0x3c: {  	p2 =	seq.s32 s10, $0x1;
	s10 =	sld [smem:$0x3FA8]  }
0x3d: {  	_ =	shalt  }
0x3e: {  	_ =	shalt  }
0x3f: {  	_ =	shalt  }
0x40: {  	_ =	shalt  }
0x41: {  	_ =	shalt  }
0x42: {  	_ =	shalt  }
0x43: {  	_ =	shalt  }
0x44: {  	_ =	shalt  }
0x45: {  	_ =	shalt  }
0x46: {  	_ =	shalt  }
0x47: {  	_ =	shalt  }
0x48: {  	_ =	shalt  }
0x49: {  	_ =	shalt  }
0x4a: {  	_ =	shalt  }
0x4b: {  	_ =	shalt  }
0x4c: {  	_ =	shalt  }
0x4d: {  	_ =	shalt  }
0x4e: {  	_ =	shalt  }
0x4f: {  	_ =	shalt  }
0x50: {  	_ =	shalt  }
0x51: {  	_ =	shalt  }
0x52: {  	_ =	shalt  }
0x53: {  	_ =	shalt  }
0x54: {  	_ =	shalt  }
0x55: {  	_ =	shalt  }
0x56: {  	_ =	shalt  }
0x57: {  	_ =	shalt  }
0x58: {  	_ =	shalt  }
0x59: {  	_ =	shalt  }
0x5a: {  	_ =	shalt  }
0x5b: {  	_ =	shalt  }
0x5c: {  	_ =	shalt  }
0x5d: {  	_ =	shalt  }
0x5e: {  	_ =	shalt  }
0x5f: {  	_ =	shalt  }
0x60: {  	_ =	shalt  }
0x61: {  	_ =	shalt  }
0x62: {  	_ =	shalt  }
0x63: {  	_ =	shalt  }
0x64: {  	_ =	shalt  }
0x65: {  	_ =	shalt  }
0x66: {  	_ =	shalt  }
0x67: {  	_ =	shalt  }
0x68: {  	_ =	shalt  }
0x69: {  	_ =	shalt  }
0x6a: {  	_ =	shalt  }
0x6b: {  	_ =	shalt  }
0x6c: {  	_ =	shalt  }
0x6d: {  	_ =	shalt  }
0x6e: {  	_ =	shalt  }
0x6f: {  	_ =	shalt  }
0x70: {  	_ =	shalt  }
0x71: {  	_ =	shalt  }
0x72: {  	_ =	shalt  }
0x73: {  	_ =	shalt  }
0x74: {  	_ =	shalt  }
0x75: {  	_ =	shalt  }
0x76: {  	_ =	shalt  }
0x77: {  	_ =	shalt  }
0x78: {  	_ =	shalt  }
0x79: {  	_ =	shalt  }
0x7a: {  	_ =	shalt  }
0x7b: {  	_ =	shalt  }
0x7c: {  	_ =	shalt  }
0x7d: {  	_ =	shalt  }
0x7e: {  	_ =	shalt  }
0x7f: {  	_ =	shalt  }
0x80: {  	_ =	shalt  }
0x81: {  	_ =	shalt  }
0x82: {  	_ =	shalt  }
0x83: {  	_ =	shalt  }
0x84: {  	_ =	shalt  }
0x85: {  	_ =	shalt  }
0x86: {  	_ =	shalt  }
0x87: {  	_ =	shalt  }
.Lfunc_end0:
.L_simem_size_0:
called_computation.3_lowered:
.L_overlay_start_0:
0x88: {  	s2 =	sld [smem:$0x3FD9]  }
0x89: {  	s3 =	sld [smem:$0x3FFE];
	_ =	sdelay $0x1  }
0x8a: {  	s1 =	srdreg.scid  }
0x8b: {  	s0 =	sand.u32 $0x1, s1  }
0x8c: {  	s14 =	sshll.u32 s0, $0xA;
	s2 =	sadd.s32 s3, s2  }
0x8d: {  	s2 =	sadd.s32 s2, s14  }
0x8e: {  	[smem:$0x3FB4] =	sst s2  }
0x8f: {  	_ = 	snop  }
0x90: {  	s2 =	sld [smem:$0x3FC9]  }
0x91: {  	s15 =	sld [smem:$0x3FD0]  }
0x92: {  	s4 =	sld [smem:$0x3FC8]  }
0x93: {  	s5 =	sld [smem:$0x3FC7]  }
0x94: {  	s7 =	simm.s32 $0xA;
	s8 =	simm.s32 $0x10;
	s6 =	sld [smem:$0x3FC2]  }
0x95: {  	[smem:s8], [sflag:s7] =	dma.local [hbm:s15], $0x1  }
0x96: {  	_ =	swait.eq [sflag:s7], $0x1  }
0x97: {  	[sflag:s7] =	ssyncset.done $0x0  }
0x98: {  	[sflag:s7] =	ssyncadd.s32 $0xFFFFFFFF  }
0x99: {  	s16 =	sld [smem:$0x11];
	(tm) =	ssettm $0x1  }
0x9a: {  	s17 =	sld [smem:$0x3FFB];
	_ =	sdelay $0x3  }
0x9b: {  	_ =	strace s17  }
0x9c: {  	s7 =	sld [smem:$0x3FFC];
	_ =	sdelay $0x3  }
0x9d: {  	_ =	strace s7  }
0x9e: {  	s7 =	sld [smem:$0x3FFD];
	_ =	sdelay $0x3  }
0x9f: {  	_ =	strace s7  }
0xa0: {  	_ =	strace $0x8FFFFFFF  }
0xa1: {  	s18 =	sld [smem:$0x3FDB];
	_ =	sdelay $0x1  }
0xa2: {  	s19 =	simm.s32 $_scs_section_size  }
0xa3: {  	s9 =	simm.s32 $_size__tile_overlayer_lowered;
	s10 =	simm.s32 $_tile_overlayer_lowered  }
0xa4: {  	s22 =	simm.s32 $0x1BFF;
	s21 =	sshll.u32 s10, $0x1;
	s7 =	sadd.s32 s19, s18  }
0xa5: {  	s11 =	simm.s32 $0x0;
	s20 =	sshll.u32 s9, $0x1;
	s9 =	sadd.s32 s21, s7  }
0xa6: {  	[timem:s11], [sflag:s22] =	dma.local [hbm:s9], s20  }
0xa7: {  	_ =	swait.ge [sflag:s22], s20  }
0xa8: {  	s8 =	ssub.s32 $0x0, s20;
	[sflag:s22] =	ssyncset.done $0x0  }
0xa9: {  	[sflag:s22] =	ssyncadd.s32 s8;
	_ =	sdelay $0x1  }
0xaa: {  	s23 =	simm.s32 $0x1B8B  }
0xab: {  	_ =	swait.ge [sflag:s23], $0x1  }
0xac: {  	[sflag:s23] =	ssyncset.done $0x0  }
0xad: {  	s25 =	simm.s32 $0x1B8E;
	s24 =	sld [smem:$0x3FFE];
	[sflag:s23] =	ssyncadd.s32 $0xFFFFFFFF  }
0xae: {  	s26 =	simm.s32 $execute0_lowered;
	[smem:$0x3FD2] =	sst s25  }
0xaf: {  	s9 =	sshll.u32 s26, $0x1;
	_ =	strace $0x8000004F;
	[dreg:$0x1] =	wrdreg $0xFFFFFFFF  }
0xb0: {  	s28 =	simm.s32 $_size_execute0_lowered;
	s7 =	sadd.s32 s7, s9;
	[dreg:$0x0] =	wrdreg $0x0  }
0xb1: {  	s9 =	sshll.u32 s28, $0x1;
	[dreg:$0x2] =	wrdreg s7  }
0xb2: {  	[dreg:$0x3] =	wrdreg s9  }
0xb3: {  	[dreg:$0x4] =	wrdreg $0xC0  }
0xb4: {  	_ =	task [dreg:s11], $0x5FFFF  }
0xb5: {  	[dreg:$0x1] =	wrdreg $0xFFFFFFFF  }
0xb6: {  	[dreg:$0x0] =	wrdreg $0x60  }
0xb7: {  	[dreg:$0x2] =	wrdreg s24  }
0xb8: {  	[dreg:$0x3] =	wrdreg s6  }
0xb9: {  	[dreg:$0x4] =	wrdreg s2  }
0xba: {  	[dreg:$0x5] =	wrdreg s5  }
0xbb: {  	[dreg:$0x6] =	wrdreg s4  }
0xbc: {  	[dreg:$0x7] =	wrdreg s16  }
0xbd: {  	[dreg:$0x8] =	wrdreg $0x9  }
0xbe: {  	_ =	task.clear_ibuf [dreg:s11], $0x9FFFF;
	_ =	strace $0x9000004F  }
0xbf: {  	s29 =	simm.s32 $0x9;
	_ =	strace $0x80000051  }
0xc0: {  	_ =	swait.ge [sflag:s29], $0x1  }
0xc1: {  	[sflag:s29] =	ssyncadd.s32 $0xFFFFFFFF  }
0xc2: {  	_ =	strace $0x90000051  }
0xc3: {  	_ =	sfence  }
0xc4: {  	s30 =	sld [smem:$0x0];
	_ =	sdelay $0x2  }
0xc5: {  	s31 =	sshll.u32 s1, $0xD;
	s1 =	sshrl.u32 s1, $0x2  }
0xc6: {  	s3 =	sand.u32 $0x4000, s31;
	s1 =	sadd.s32 s1, s30  }
0xc7: {  	s0 =	sor.u32 s3, s0;
	s1 =	sshll.u32 s1, $0x11  }
0xc8: {  	s0 =	sor.u32 s1, s0  }
0xc9: {  	s0 =	sadd.s32 $0x8F2B, s0  }
0xca: {  	[sflag:s0] =	ssyncadd.remote.s32 $0x1  }
0xcb: {  	_ =	sfence.sel $0xFFFF  }
0xcc: {  	[dreg:$0x0] =	wrdreg $0xFFFFFFFF;
	(pc) =	sbr.abs _section_cstart, $3  }
0xcd: {  	[dreg:$0x1] =	wrdreg $0xFFFFFFFF  }
0xce: {  	_ =	task.clear_ibuf [dreg:s11], $0x2FFFF;
	_ =	strace $0x9FFFFFFF  }
0xcf: {  	(tm) =	ssettm $0x7FFFFFFF  }
tec
execute0_lowered:
.L_overlay_start_1:
0x0: {  	(tag) =	ssettag $0x1  }
0x1: {  	s5 =	rddreg [dreg:$0x0]  }
0x2: {  	s1 =	rddreg [dreg:$0x1]  }
0x3: {  	s6 =	rddreg [dreg:$0x2]  }
0x4: {  	s7 =	rddreg [dreg:$0x3]  }
0x5: {  	s9 =	rddreg [dreg:$0x4]  }
0x6: {  	s11 =	rddreg [dreg:$0x5];
	s2 =	srdreg.scid  }
0x7: {  	s0 =	rddreg [dreg:$0x6];
	s3 =	simm.s32 $0x0;
	s17 =	simm.s32 $0x1  }
0x8: {  	s18 =	simm.s32 $0x1080;
	s19 =	simm.s32 $0x1880;
	s20 =	simm.s32 $0x0  }
0x9: {  	s8 =	sand.u32 $0x1, s2;
	s2 =	stileid.u32;
	[smem:$0x7FF] =	sst s3  }
0xa: {  	s4 =	sshll.u32 s8, $0x4;
	_ =	strace $0x80000050;
	s13 =	ssub.s32 $0x2, s8  }
0xb: {  	s8 =	sshll.u32 s8, $0x13;
	s30 =	sshll.u32 s2, $0xF;
	s10 =	sor.u32 s2, s4  }
0xc: {  	s4 =	sadd.s32 $0x4000, s5;
	s14 =	sshrl.u32 s13, $0x1;
	s16 =	sadd.s32 s8, s5  }
0xd: {  	s12 =	sshll.u32 s10, $0x9;
	s15 =	sshll.u32 s10, $0x2;
	s13 =	ssub.s32 s13, s14  }
0xe: {  	s29 =	sshll.u32 s10, $0x8;
	s31 =	sadd.s32 s30, s16;
	s14 =	simm.s32 $0x2  }
0xf: {  	s16 =	simm.s32 $0x80;
	s12 =	sadd.s32 s12, s5;
	s5 =	sadd.s32 s6, s15  }
0x10: {  	s7 =	sadd.s32 s7, s15;
	s9 =	sadd.s32 s9, s15;
	s11 =	sadd.s32 s11, s29  }
0x11: {  	s15 =	simm.s32 $0x20;
	s6 =	sadd.s32 $0x2B200, s12;
	s8 =	sadd.s32 $0x2F200, s12  }
0x12: {  	s10 =	sadd.s32 $0x33200, s12;
	s12 =	smax.u32 s13, $0x1;
	s13 =	sadd.s32 $0x37200, s31  }
.LBB2_1:
0x13: {  	[tilespmem:s3], [sflag:$0x2] =	stream.linear.gather [hbm4b:s5+s3], $0x20, $0x38;
	[tilespmem:$0x5880] =	vst v63  }
0x14: {  	_ =	swait.ge [sflag:s14], $0x20  }
0x15: {  	[sflag:s14] =	ssyncset.done $0x0  }
0x16: {  	[sflag:s14] =	ssyncadd.s32 $0xFFFFFFE0  }
0x17: {  	[tilespmem:s16], [sflag:$0x1] =	stream.indirect.gather [hbm4b:s4+s15], $0x80, s3, s15, $0xb8;
	[tilespmem:$0x5880] =	vst v63  }
0x18: {  	_ =	swait.ge [sflag:s17], $0x1000  }
0x19: {  	[sflag:s17] =	ssyncset.done $0x0  }
0x1a: {  	[sflag:s17] =	ssyncadd.s32 $0xFFFFF000  }
0x1b: {  	[hbm4b:s6+s3] =	stream.linear.scatter [tilespmem:s16], [sflag:$0x2], $0x1000, $0x38;
	[tilespmem:$0x5880] =	vst v63  }
0x1c: {  	_ =	swait.ge [sflag:s14], $0x1000  }
0x1d: {  	[sflag:s14] =	ssyncset.done $0x0  }
0x1e: {  	[sflag:s14] =	ssyncadd.s32 $0xFFFFF000  }
0x1f: {  	[tilespmem:s3], [sflag:$0x2] =	stream.linear.gather [hbm4b:s7+s3], $0x20, $0x38;
	[tilespmem:$0x5880] =	vst v63  }
0x20: {  	_ =	swait.ge [sflag:s14], $0x20  }
0x21: {  	[sflag:s14] =	ssyncset.done $0x0  }
0x22: {  	[sflag:s14] =	ssyncadd.s32 $0xFFFFFFE0  }
0x23: {  	[tilespmem:s16], [sflag:$0x1] =	stream.indirect.gather [hbm4b:s4+s15], $0x80, s3, s15, $0xb8;
	[tilespmem:$0x5880] =	vst v63  }
0x24: {  	_ =	swait.ge [sflag:s17], $0x1000  }
0x25: {  	[sflag:s17] =	ssyncset.done $0x0  }
0x26: {  	[sflag:s17] =	ssyncadd.s32 $0xFFFFF000  }
0x27: {  	[hbm4b:s8+s3] =	stream.linear.scatter [tilespmem:s16], [sflag:$0x2], $0x1000, $0x38;
	[tilespmem:$0x5880] =	vst v63  }
0x28: {  	_ =	swait.ge [sflag:s14], $0x1000  }
0x29: {  	[sflag:s14] =	ssyncset.done $0x0  }
0x2a: {  	[sflag:s14] =	ssyncadd.s32 $0xFFFFF000  }
0x2b: {  	[tilespmem:s3], [sflag:$0x2] =	stream.linear.gather [hbm4b:s9+s3], $0x20, $0x38;
	[tilespmem:$0x5880] =	vst v63  }
0x2c: {  	_ =	swait.ge [sflag:s14], $0x20  }
0x2d: {  	[sflag:s14] =	ssyncset.done $0x0  }
0x2e: {  	[sflag:s14] =	ssyncadd.s32 $0xFFFFFFE0  }
0x2f: {  	[tilespmem:s16], [sflag:$0x1] =	stream.indirect.gather [hbm4b:s1+s15], $0x80, s3, s15, $0xb8;
	[tilespmem:$0x5880] =	vst v63  }
0x30: {  	_ =	swait.ge [sflag:s17], $0x1000  }
0x31: {  	[sflag:s17] =	ssyncset.done $0x0  }
0x32: {  	[sflag:s17] =	ssyncadd.s32 $0xFFFFF000  }
0x33: {  	[hbm4b:s10+s3] =	stream.linear.scatter [tilespmem:s16], [sflag:$0x2], $0x1000, $0x38;
	[tilespmem:$0x5880] =	vst v63  }
0x34: {  	_ =	swait.ge [sflag:s14], $0x1000  }
0x35: {  	[sflag:s14] =	ssyncset.done $0x0  }
0x36: {  	[sflag:s14] =	ssyncadd.s32 $0xFFFFF000  }
0x37: {  	[tilespmem:s18], [sflag:$0x2] =	stream.linear.gather [hbm4b:s11+s3], $0x800, $0x38;
	[tilespmem:$0x5880] =	vst v63  }
0x38: {  	_ =	swait.ge [sflag:s14], $0x800  }
0x39: {  	[sflag:s14] =	ssyncset.done $0x0  }
0x3a: {  	s21 =	simm.s32 $0x1080;
	[sflag:s14] =	ssyncadd.s32 $0xFFFFF800  }
0x3b: {  	[tilespmem:s19], [sflag:$0x1] =	stream.indirect.gather [hbm4b:s4+s16], $0x80, s21, s16, $0xb8;
	[tilespmem:$0x5880] =	vst v63  }
0x3c: {  	_ =	swait.ge [sflag:s17], $0x4000  }
0x3d: {  	[sflag:s17] =	ssyncset.done $0x0  }
0x3e: {  	[sflag:s17] =	ssyncadd.s32 $0xFFFFC000  }
0x3f: {  	[hbm4b:s13+s3] =	stream.linear.scatter [tilespmem:s19], [sflag:$0x2], $0x4000, $0x38;
	[tilespmem:$0x5880] =	vst v63  }
0x40: {  	s22 =	simm.s32 $0x400;
	_ =	swait.ge [sflag:s14], $0x4000  }
0x41: {  	s23 =	simm.s32 $0x80;
	s21 =	sadd.s32 $0x800, s13;
	[sflag:s14] =	ssyncset.done $0x0  }
.LBB2_2:
0x42: {  	s23 =	sadd.s32 $0x1080, s23  }
0x43: {  	[sflag:s14] =	ssyncadd.s32 $0xFFFFC000;
	s24 =	smov.u32 s22;
	s25 =	sadd.s32 $0x200, s22  }
0x44: {  	[tilespmem:s19], [sflag:$0x1] =	stream.indirect.gather [hbm4b:s4+s16], $0x80, s23, s16, $0xb8;
	[tilespmem:$0x5880] =	vst v63  }
0x45: {  	p0 =	sne.s32 s22, $0x1E00;
	_ =	swait.ge [sflag:s17], $0x4000  }
.Ltmp0:
0x46: {  	[sflag:s17] =	ssyncset.done $0x0;
	(pc) =	sbr.rel @p0 .LBB2_2-.Ltmp0, $4  }
0x47: {  	[sflag:s17] =	ssyncadd.s32 $0xFFFFC000  }
0x48: {  	[hbm4b:s21+s3] =	stream.linear.scatter [tilespmem:s19], [sflag:$0x2], $0x4000, $0x38;
	[tilespmem:$0x5880] =	vst v63  }
0x49: {  	s23 =	sshra.s32 s24, $0x2;
	_ =	swait.ge [sflag:s14], $0x4000  }
0x4a: {  	s22 =	smov.u32 s25;
	s21 =	sadd.s32 $0x800, s21;
	[sflag:s14] =	ssyncset.done $0x0  }
0x4b: {  	s22 =	sadd.s32 $0x1080, s23;
	[sflag:s14] =	ssyncadd.s32 $0xFFFFC000  }
0x4c: {  	[tilespmem:s19], [sflag:$0x1] =	stream.indirect.gather [hbm4b:s4+s16], $0x80, s22, s16, $0xb8;
	[tilespmem:$0x5880] =	vst v63  }
0x4d: {  	s20 =	sadd.s32 $0x1, s20;
	_ =	swait.ge [sflag:s17], $0x4000  }
0x4e: {  	p0 =	sne.s32 s20, s12;
	[sflag:s17] =	ssyncset.done $0x0  }
.Ltmp1:
0x4f: {  	[sflag:s17] =	ssyncadd.s32 $0xFFFFC000;
	(pc) =	sbr.rel @p0 .LBB2_1-.Ltmp1, $4  }
0x50: {  	[hbm4b:s21+s3] =	stream.linear.scatter [tilespmem:s19], [sflag:$0x2], $0x4000, $0x38;
	[tilespmem:$0x5880] =	vst v63  }
0x51: {  	_ =	swait.ge [sflag:s14], $0x4000  }
0x52: {  	[sflag:s14] =	ssyncset.done $0x0  }
0x53: {  	[sflag:s14] =	ssyncadd.s32 $0xFFFFC000  }
0x54: {  	_ =	sfence.sel $0x180000  }
0x55: {  	[bflag:$0x0] =	sbarrier.arrive $0xFFFF  }
0x56: {  	p0 =	sne.s32 s2, $0x0;
	_ =	strace $0x90000050  }
0x57: {  	s0 =	sadd.s32 @!p0 $0x100000, s0;
	[bflag:$0x2] =	sbarrier.arrive $0xFFFF  }
0x58: {  	[sflag:s0] =	ssyncadd.tile.s32 @!p0 $0x1;
	_ =	shalt  }
.Lfunc_end2:
_tile_overlayer_lowered:
.L_overlay_start_2:
0x59: {  	(tag) =	ssettag $0x2  }
0x5a: {  	s0 =	rddreg [dreg:$0x0];
	s2 =	stileid.u32  }
0x5b: {  	s1 =	rddreg [dreg:$0x1];
	p0 =	sne.s32 s2, $0x0  }
0x5c: {  	s3 =	rddreg [dreg:$0x2];
	[bflag:$0x3] =	sbarrier.arrive $0xFFFF;
	s2 =	simm.s32 @!p0 $0x1C02  }
0x5d: {  	[timem:s3], [sflag:s2] =	dma.local @!p0 [hbm:s0], s1  }
0x5e: {  	s0 =	simm.s32 @!p0 $0x2  }
0x5f: {  	_ =	swait.ge @!p0 [sflag:s0], s1  }
0x60: {  	s1 =	ssub.s32 @!p0 $0x0, s1;
	[sflag:s0] =	ssyncset.done @!p0 $0x0  }
0x61: {  	[sflag:s0] =	ssyncadd.s32 @!p0 s1  }
0x62: {  	[bflag:$0x3] =	sbarrier.arrive $0xFFFF  }
0x63: {  	_ =	shalt  }

</sc_bundles>
